<compile_context>
chip_gen: v7x
topology: tpu7x:2x2x1
jax: 0.10.2.dev20260603
libtpu: 0.0.44.dev20260713+nightly
codegen_flags: <defaults>
</compile_context>

<pallas_src>
import functools

import jax
import jax.numpy as jnp
import numpy as np
from jax import lax
from jax.experimental import pallas as pl
from jax.experimental.pallas import tpu as pltpu
from jax.experimental.pallas import tpu_sc as plsc

Qn, Nn, Pn = 32, 100000, 128
L = 16
NPAD = 100352
BNP = NPAD // 8
NBP = 8
NSEG = NPAD // Pn
NROWS = NSEG * Qn
QTILE = BNP // Pn
NCHUNK0 = NPAD // 256
L1PAD = 25 * 256
L2PAD = 2 * 256
KMAX = 64
GCH = 112
BIG = np.float32(3.0e38)



def _dist_kernel(q_ref, keys_ref, out_ref):
    j = pl.program_id(0)
    q = q_ref[...]
    qn = q / jnp.sum(q, axis=1, keepdims=True)
    q2 = jnp.sum(qn * qn, axis=1, keepdims=True)
    m = keys_ref[...]
    aug = jnp.concatenate([qn, jnp.ones((8, Pn), jnp.float32)], axis=0)
    g = lax.dot_general(aug, m, (((1,), (1,)), ((), ())),
                        preferred_element_type=jnp.float32)
    qm = g[:Qn]
    s = g[Qn:Qn + 1]
    t2 = lax.dot_general(jnp.ones((8, Pn), jnp.float32), m * m,
                         (((1,), (1,)), ((), ())),
                         preferred_element_type=jnp.float32)[0:1]
    inv = 1.0 / s
    d2 = q2 - 2.0 * qm * inv + t2 * inv * inv
    dist = jnp.sqrt(jnp.maximum(d2, 0.0))
    col = jax.lax.broadcasted_iota(jnp.int32, (Qn, BNP), 1) + j * BNP
    dist = jnp.where(col >= Nn, BIG, dist)
    out_ref[...] = dist.reshape(NROWS // NBP, Pn)


def _dist(queries, keys):
    return pl.pallas_call(
        _dist_kernel,
        grid=(NBP,),
        in_specs=[
            pl.BlockSpec((Qn, Pn), lambda i: (0, 0)),
            pl.BlockSpec((BNP, Pn), lambda i: (i, 0)),
        ],
        out_specs=pl.BlockSpec((NROWS // NBP, Pn), lambda i: (i, 0)),
        out_shape=jax.ShapeDtypeStruct((NROWS, Pn), jnp.float32),
    )(queries, keys)



def _ffs(mask):
    r = plsc.all_reduce_ffs(mask)
    return r[0] if r.ndim else r


def _sc_body(dist_hbm, ctr_hbm, kk_hbm, uc_hbm, ua_hbm, out_hbm,
             raw, l1, l2, l3, nbr_idx, nbr_w, rows, ucv, uav, scorev,
             kv, sem, sems):
    nc = 2
    wid = lax.axis_index("s") * nc + lax.axis_index("c")
    q = wid
    qb = q // 8
    qs = q % 8
    iota = lax.iota(jnp.int32, L)
    iotaf = iota.astype(jnp.float32)
    mask0 = iota == 0
    zero16i = iota * 0
    zero16f = iotaf * 0.0
    inf16 = zero16f + BIG

    def _sload(ref, pos):
        return plsc.load_gather(ref, [zero16i + pos])[0]

    def _sstore(ref, pos, val):
        plsc.store_scatter(ref, [zero16i + pos], zero16f * 0 + val
                           if jnp.asarray(val).dtype == jnp.float32
                           else zero16i + val, mask=mask0)

    def _sstore2(ref, r, c, val):
        plsc.store_scatter(ref, [zero16i + r, zero16i + c],
                           zero16f * 0 + val, mask=mask0)

    pltpu.sync_copy(kk_hbm, kv)
    for u in range(KMAX // L):
        nbr_w[pl.ds(u * L, L)] = inf16
        nbr_idx[pl.ds(u * L, L)] = zero16i

    cps = [pltpu.async_copy(
               dist_hbm.at[pl.ds(j * (NROWS // NBP) + q * QTILE, QTILE)],
               raw.at[pl.ds(j * QTILE, QTILE)], sems[j])
           for j in range(NBP)]
    pltpu.sync_copy(uc_hbm.at[q], ucv)
    pltpu.sync_copy(ua_hbm.at[q], uav)
    kk = kv[pl.ds(0, L)][0]

    def build(src, dst, lo, hi, unroll=4):
        @plsc.parallel_loop(lo, hi, unroll=unroll)
        def _(c):
            acc = src[2 * c, pl.ds(0, L)]
            for u in range(1, 16):
                acc = jnp.minimum(acc, src[2 * c + u // 8,
                                           pl.ds((u % 8) * L, L)])
            dst[pl.ds(c * L, L)] = acc

    def build1(src, dst, nchunk, unroll=4):
        @plsc.parallel_loop(0, nchunk, unroll=unroll)
        def _(c):
            base = c * 256
            acc = src[pl.ds(base, L)]
            for u in range(1, 16):
                acc = jnp.minimum(acc, src[pl.ds(base + u * L, L)])
            dst[pl.ds(c * L, L)] = acc

    ch_per = BNP // 256
    with jax.named_scope("sc_build"):
        for c, cp in enumerate(cps):
            cp.wait()
            build(raw, l1, c * ch_per, (c + 1) * ch_per)
    for u in range((L1PAD - NCHUNK0 * L) // L):
        l1[pl.ds(NCHUNK0 * L + u * L, L)] = inf16
    build1(l1, l2, L1PAD // 256)
    for u in range((L2PAD - (L1PAD // 256) * L) // L):
        l2[pl.ds((L1PAD // 256) * L + u * L, L)] = inf16
    build1(l2, l3, 2)

    def extract(i, _t):
        v0 = l3[pl.ds(0, L)]
        v1 = l3[pl.ds(L, L)]
        m0 = jnp.min(v0)
        m1 = jnp.min(v1)
        m = jnp.minimum(m0, m1)
        first = m0 <= m1
        c3 = jnp.where(first, 0, 1).astype(jnp.int32)
        vsel = jnp.where(first, v0, v1)
        lane3 = _ffs(vsel == m)
        base2 = c3 * 256 + lane3
        cand2 = plsc.load_gather(l2, [base2 + iota * L])
        u2 = _ffs(cand2 == m)
        f = base2 + u2 * L
        base1 = (f // L) * 256 + (f % L)
        cand1 = plsc.load_gather(l1, [base1 + iota * L])
        u1 = _ffs(cand1 == m)
        e = base1 + u1 * L
        base0 = (e // L) * 256 + (e % L)
        flat0 = base0 + iota * L
        cand0 = plsc.load_gather(raw, [flat0 // Pn, flat0 % Pn])
        u0 = _ffs(cand0 == m)
        r = base0 + u0 * L
        _sstore(nbr_idx, i, r)
        _sstore(nbr_w, i, m)
        pltpu.async_copy(ctr_hbm.at[r], rows.at[i], sem)
        _sstore2(raw, r // Pn, r % Pn, m * 0.0 + BIG)
        nm1 = jnp.min(jnp.where(iota == u0, BIG, cand0))
        _sstore(l1, e, nm1)
        nm2 = jnp.min(jnp.where(iota == u1, nm1, cand1))
        _sstore(l2, f, nm2)
        nm3 = jnp.min(jnp.where(iota == u2, nm2, cand2))
        _sstore(l3, c3 * L + lane3, nm3)
        return m

    with jax.named_scope("sc_extract"):
        t = lax.fori_loop(0, kk, extract, np.float32(0.0))

    for u in range(KMAX // L):
        dv = nbr_w[pl.ds(u * L, L)]
        nbr_w[pl.ds(u * L, L)] = jnp.maximum(t - dv, 0.0)

    def drain(i, z):
        pltpu.make_async_copy(ctr_hbm.at[0], rows.at[0], sem).wait()
        return z
    lax.fori_loop(0, kk, drain, 0)

    def accum(i, acc):
        w = _sload(nbr_w, i)
        return tuple(acc[u] + w * rows[i, pl.ds(u * L, L)] for u in range(8))

    with jax.named_scope("sc_accum"):
        acc = lax.fori_loop(0, kk, accum,
                            tuple(zero16f for _ in range(8)))

    s = np.float32(0.0)
    for u in range(8):
        av = uav[pl.ds(u * L, L)]
        cv = ucv[pl.ds(u * L, L)]
        denom = jnp.where(av != 0.0, av, 1.0)
        ratio = jnp.where(av != 0.0, cv / denom, 0.0)
        sv = acc[u] + t * ratio
        scorev[pl.ds(u * L, L)] = sv
        s = s + jnp.sum(sv)
    for u in range(8):
        scorev[pl.ds(u * L, L)] = scorev[pl.ds(u * L, L)] / s
    pltpu.sync_copy(scorev, out_hbm.at[q])


_sc_score = functools.partial(
    pl.kernel,
    out_type=jax.ShapeDtypeStruct((Qn, Pn), jnp.float32),
    mesh=plsc.VectorSubcoreMesh(core_axis_name="c", subcore_axis_name="s"),
    compiler_params=pltpu.CompilerParams(needs_layout_passes=False,
                                         use_tc_tiling_on_sc=False),
    scratch_types=[
        pltpu.VMEM((NSEG, Pn), jnp.float32),
        pltpu.VMEM((L1PAD,), jnp.float32),
        pltpu.VMEM((L2PAD,), jnp.float32),
        pltpu.VMEM((2 * L,), jnp.float32),
        pltpu.VMEM((KMAX,), jnp.int32),
        pltpu.VMEM((KMAX,), jnp.float32),
        pltpu.VMEM((KMAX, Pn), jnp.float32),
        pltpu.VMEM((Pn,), jnp.float32),
        pltpu.VMEM((Pn,), jnp.float32),
        pltpu.VMEM((Pn,), jnp.float32),
        pltpu.VMEM((L,), jnp.int32),
        pltpu.SemaphoreType.DMA,
        [pltpu.SemaphoreType.DMA] * NBP,
    ],
)(_sc_body)


def kernel(queries, keys, ctr, user_clicks, user_attempts, k):
    dist = _dist(queries, keys)
    kk = jnp.full((L,), jnp.asarray(k, jnp.int32))
    return _sc_score(dist, ctr, kk, user_clicks, user_attempts)

# --- scband reference (transcript-rebuilt; emitter-appended) ---
"""Pipeline reference for scband-test-agent-77412490543773 (READ-ONLY COPY).

The authoritative reference and input builder live on the scoring server;
editing this copy changes nothing except your own understanding.
"""

import jax, jax.numpy as jnp
import numpy as np

Q, N, P, K = 32, 100000, 128, 50

def setup_inputs(seed: int = 0) -> dict:
    key = jax.random.key(seed)
    k1, k2, k3, k4, k5 = jax.random.split(key, 5)
    queries = jax.random.uniform(k1, (Q, P), dtype=jnp.float32) + 1e-3
    keys = jax.random.uniform(k2, (N, P), dtype=jnp.float32) + 1e-3
    ctr = jax.random.uniform(k3, (N, P), dtype=jnp.float32)
    user_clicks = jax.random.uniform(k4, (Q, P), dtype=jnp.float32)
    user_attempts = jax.random.uniform(k5, (Q, P), dtype=jnp.float32) + 0.1
    return {"queries": queries, "keys": keys, "ctr": ctr,
            "user_clicks": user_clicks, "user_attempts": user_attempts, "k": K}

def reference(queries, keys, ctr, user_clicks, user_attempts, k):
    # user_organic_scaled = user_organic / sum(user_organic); same row-scaling for M_organic
    q = queries / jnp.sum(queries, axis=1, keepdims=True)
    m = keys / jnp.sum(keys, axis=1, keepdims=True)
    # kNN (Euclidean, as in sklearn NearestNeighbors default) via expanded squared distance
    q2 = jnp.sum(q * q, axis=1, keepdims=True)
    m2 = jnp.sum(m * m, axis=1)
    d2 = q2 - 2.0 * (q @ m.T) + m2[None, :]
    dist = jnp.sqrt(jnp.maximum(d2, 0.0))
    neg_vals, nbr_idx = jax.lax.top_k(-dist, K)  # k smallest distances
    nbr_dist = -neg_vals + 0.0 * jnp.asarray(k, jnp.float32)  # [Q, k]
    # pick_best_action
    max_dist = jnp.max(nbr_dist, axis=1, keepdims=True)           # [Q, 1]
    compl = max_dist - nbr_dist                                    # [Q, k]
    organic_nb = m[nbr_idx]                                        # [Q, k, P] gather
    ctr_nb = ctr[nbr_idx]                                          # [Q, k, P] gather
    weight_organic, weight_bandit = 0.0, 1.0
    score = jnp.sum(weight_organic * compl[:, :, None] * organic_nb
                    + weight_bandit * jnp.maximum(compl, 0.0)[:, :, None] * ctr_nb,
                    axis=1)                                        # [Q, P]
    denom = jnp.where(user_attempts != 0, user_attempts, 1.0)
    ratio = jnp.where(user_attempts != 0, user_clicks / denom, 0.0)
    score = score + max_dist * ratio
    score = score / jnp.sum(score, axis=1, keepdims=True)
    return score

if __name__ == "__main__":
    import jax
    _d = setup_inputs()
    print(jax.jit(kernel)(*tuple(_d.values())))

</pallas_src>

<mosaic_0001>
#map = affine_map<(d0, d1) -> (0, 0)>
#map1 = affine_map<(d0, d1) -> (0)>
module attributes {stable_mosaic.version = 14 : i64} {
  func.func @_sc_body(%arg0: i32, %arg1: i32, %arg2: memref<25088x128xf32, #tpu.memory_space<hbm>>, %arg3: memref<100000x128xf32, #tpu.memory_space<hbm>>, %arg4: memref<16xi32, #tpu.memory_space<hbm>>, %arg5: memref<32x128xf32, #tpu.memory_space<hbm>>, %arg6: memref<32x128xf32, #tpu.memory_space<hbm>>, %arg7: memref<32x128xf32, #tpu.memory_space<hbm>>, %arg8: memref<784x128xf32, #tpu.memory_space<vmem>>, %arg9: memref<6400xf32, #tpu.memory_space<vmem>>, %arg10: memref<512xf32, #tpu.memory_space<vmem>>, %arg11: memref<32xf32, #tpu.memory_space<vmem>>, %arg12: memref<64xi32, #tpu.memory_space<vmem>>, %arg13: memref<64xf32, #tpu.memory_space<vmem>>, %arg14: memref<64x128xf32, #tpu.memory_space<vmem>>, %arg15: memref<128xf32, #tpu.memory_space<vmem>>, %arg16: memref<128xf32, #tpu.memory_space<vmem>>, %arg17: memref<128xf32, #tpu.memory_space<vmem>>, %arg18: memref<16xi32, #tpu.memory_space<vmem>>, %arg19: memref<!tpu.dma_semaphore, #tpu.memory_space<semaphore_mem>>, %arg20: memref<!tpu.dma_semaphore, #tpu.memory_space<semaphore_mem>>, %arg21: memref<!tpu.dma_semaphore, #tpu.memory_space<semaphore_mem>>, %arg22: memref<!tpu.dma_semaphore, #tpu.memory_space<semaphore_mem>>, %arg23: memref<!tpu.dma_semaphore, #tpu.memory_space<semaphore_mem>>, %arg24: memref<!tpu.dma_semaphore, #tpu.memory_space<semaphore_mem>>, %arg25: memref<!tpu.dma_semaphore, #tpu.memory_space<semaphore_mem>>, %arg26: memref<!tpu.dma_semaphore, #tpu.memory_space<semaphore_mem>>, %arg27: memref<!tpu.dma_semaphore, #tpu.memory_space<semaphore_mem>>) attributes {dimension_semantics = [#tpu.dimension_semantics<core_parallel>, #tpu.dimension_semantics<subcore_parallel>], iteration_bounds = array<i64: 2, 16>, scalar_prefetch = 0 : i64, scratch_operands = 20 : i64, tpu.core_type = #tpu.core_type<sc_vector_subcore>, window_params = [{transform_indices = #map}, {transform_indices = #map}, {transform_indices = #map1}, {transform_indices = #map}, {transform_indices = #map}, {transform_indices = #map}]} {
    %mul3A = arith.constant 2 : i32
    %mul3A_0 = arith.muli %arg1, %mul3A : i32
    %add3A = arith.addi %mul3A_0, %arg0 : i32
    %jit3A = arith.constant 8 : i32
    %div3A = arith.divsi %add3A, %jit3A : i32
    %sign3A = arith.constant 0 : i32
    %sign3A_1 = arith.cmpi sgt, %add3A, %sign3A : i32
    %sign3A_2 = arith.extui %sign3A_1 : i1 to i32
    %sign3A_3 = arith.constant 0 : i32
    %sign3A_4 = arith.cmpi slt, %add3A, %sign3A_3 : i32
    %sign3A_5 = arith.extui %sign3A_4 : i1 to i32
    %sign3A_6 = arith.subi %sign3A_2, %sign3A_5 : i32
    %sign3A_7 = arith.constant 0 : i32
    %sign3A_8 = arith.cmpi sgt, %jit3A, %sign3A_7 : i32
    %sign3A_9 = arith.extui %sign3A_8 : i1 to i32
    %sign3A_10 = arith.constant 0 : i32
    %sign3A_11 = arith.cmpi slt, %jit3A, %sign3A_10 : i32
    %sign3A_12 = arith.extui %sign3A_11 : i1 to i32
    %sign3A_13 = arith.subi %sign3A_9, %sign3A_12 : i32
    %ne3A = arith.cmpi ne, %sign3A_6, %sign3A_13 : i32
    %rem3A = arith.remsi %add3A, %jit3A : i32
    %ne3A_14 = arith.constant 0 : i32
    %ne3A_15 = arith.cmpi ne, %rem3A, %ne3A_14 : i32
    %and3A = arith.andi %ne3A, %ne3A_15 : i1
    %sub3A = arith.constant 1 : i32
    %sub3A_16 = arith.subi %div3A, %sub3A : i32
    %select_n3A = arith.select %and3A, %sub3A_16, %div3A : i32
    %jit3A_17 = arith.constant 8 : i32
    %eq3A = arith.constant 0 : i32
    %eq3A_18 = arith.cmpi eq, %jit3A_17, %eq3A : i32
    %jit3A_19 = arith.constant 1 : i32
    %select_n3A_20 = arith.select %eq3A_18, %jit3A_19, %jit3A_17 : i32
    %rem3A_21 = arith.remsi %add3A, %select_n3A_20 : i32
    %ne3A_22 = arith.constant 0 : i32
    %ne3A_23 = arith.cmpi ne, %rem3A_21, %ne3A_22 : i32
    %lt3A = arith.constant 0 : i32
    %lt3A_24 = arith.cmpi slt, %rem3A_21, %lt3A : i32
    %lt3A_25 = arith.constant 0 : i32
    %lt3A_26 = arith.cmpi slt, %select_n3A_20, %lt3A_25 : i32
    %ne3A_27 = arith.xori %lt3A_24, %lt3A_26 : i1
    %and3A_28 = arith.andi %ne3A_27, %ne3A_23 : i1
    %add3A_29 = arith.addi %rem3A_21, %select_n3A_20 : i32
    %select_n3A_30 = arith.select %and3A_28, %add3A_29, %rem3A_21 : i32
    %iota3A = tpu.iota {dimensions = array<i32: 0>} : vector<16xi32>
    %convert_element_type3A = arith.sitofp %iota3A : vector<16xi32> to vector<16xf32>
    %eq3A_31 = arith.constant 0 : i32
    %eq3A_32 = vector.broadcast %eq3A_31 : i32 to vector<16xi32>
    %eq3A_33 = arith.cmpi eq, %iota3A, %eq3A_32 : vector<16xi32>
    %mul3A_34 = arith.constant 0 : i32
    %mul3A_35 = vector.broadcast %mul3A_34 : i32 to vector<16xi32>
    %mul3A_36 = arith.muli %iota3A, %mul3A_35 : vector<16xi32>
    %mul3A_37 = arith.constant 0.000000e+00 : f32
    %mul3A_38 = vector.broadcast %mul3A_37 : f32 to vector<16xf32>
    %mul3A_39 = arith.mulf %convert_element_type3A, %mul3A_38 : vector<16xf32>
    %add3A_40 = arith.constant 3.000000e+38 : f32
    %add3A_41 = vector.broadcast %add3A_40 : f32 to vector<16xf32>
    %add3A_42 = arith.addf %mul3A_39, %add3A_41 : vector<16xf32>
    "tpu.region"() ({
      %run_scoped3A = tpu.sem_alloc : memref<!tpu.dma_semaphore, #tpu.memory_space<semaphore_mem>>
      tpu.enqueue_dma source(%arg4 : memref<16xi32, #tpu.memory_space<hbm>>) target(%arg18 : memref<16xi32, #tpu.memory_space<vmem>>) target_semaphore(%run_scoped3A : memref<!tpu.dma_semaphore, #tpu.memory_space<semaphore_mem>>)
      tpu.wait_dma2 semaphore(%run_scoped3A : memref<!tpu.dma_semaphore, #tpu.memory_space<semaphore_mem>>) src(%arg4 : memref<16xi32, #tpu.memory_space<hbm>>) dst(%arg18 : memref<16xi32, #tpu.memory_space<vmem>>)
      tpu.yield
    }) : () -> ()
    %swap3A = arith.constant 0 : index
    %swap3A_43 = tpu.vector_load %arg13[%swap3A] {strides = array<i32>} : memref<64xf32, #tpu.memory_space<vmem>>, vector<16xf32>,
    tpu.vector_store %arg13[%swap3A], %add3A_42 {strides = array<i32>} : memref<64xf32, #tpu.memory_space<vmem>>, vector<16xf32>,
    %swap3A_44 = arith.constant 0 : index
    %swap3A_45 = tpu.vector_load %arg12[%swap3A_44] {strides = array<i32>} : memref<64xi32, #tpu.memory_space<vmem>>, vector<16xi32>,
    tpu.vector_store %arg12[%swap3A_44], %mul3A_36 {strides = array<i32>} : memref<64xi32, #tpu.memory_space<vmem>>, vector<16xi32>,
    %swap3A_46 = arith.constant 16 : index
    %swap3A_47 = tpu.vector_load %arg13[%swap3A_46] {strides = array<i32>} : memref<64xf32, #tpu.memory_space<vmem>>, vector<16xf32>,
    tpu.vector_store %arg13[%swap3A_46], %add3A_42 {strides = array<i32>} : memref<64xf32, #tpu.memory_space<vmem>>, vector<16xf32>,
    %swap3A_48 = arith.constant 16 : index
    %swap3A_49 = tpu.vector_load %arg12[%swap3A_48] {strides = array<i32>} : memref<64xi32, #tpu.memory_space<vmem>>, vector<16xi32>,
    tpu.vector_store %arg12[%swap3A_48], %mul3A_36 {strides = array<i32>} : memref<64xi32, #tpu.memory_space<vmem>>, vector<16xi32>,
    %swap3A_50 = arith.constant 32 : index
    %swap3A_51 = tpu.vector_load %arg13[%swap3A_50] {strides = array<i32>} : memref<64xf32, #tpu.memory_space<vmem>>, vector<16xf32>,
    tpu.vector_store %arg13[%swap3A_50], %add3A_42 {strides = array<i32>} : memref<64xf32, #tpu.memory_space<vmem>>, vector<16xf32>,
    %swap3A_52 = arith.constant 32 : index
    %swap3A_53 = tpu.vector_load %arg12[%swap3A_52] {strides = array<i32>} : memref<64xi32, #tpu.memory_space<vmem>>, vector<16xi32>,
    tpu.vector_store %arg12[%swap3A_52], %mul3A_36 {strides = array<i32>} : memref<64xi32, #tpu.memory_space<vmem>>, vector<16xi32>,
    %swap3A_54 = arith.constant 48 : index
    %swap3A_55 = tpu.vector_load %arg13[%swap3A_54] {strides = array<i32>} : memref<64xf32, #tpu.memory_space<vmem>>, vector<16xf32>,
    tpu.vector_store %arg13[%swap3A_54], %add3A_42 {strides = array<i32>} : memref<64xf32, #tpu.memory_space<vmem>>, vector<16xf32>,
    %swap3A_56 = arith.constant 48 : index
    %swap3A_57 = tpu.vector_load %arg12[%swap3A_56] {strides = array<i32>} : memref<64xi32, #tpu.memory_space<vmem>>, vector<16xi32>,
    tpu.vector_store %arg12[%swap3A_56], %mul3A_36 {strides = array<i32>} : memref<64xi32, #tpu.memory_space<vmem>>, vector<16xi32>,
    %mul3A_58 = arith.constant 98 : i32
    %mul3A_59 = arith.muli %add3A, %mul3A_58 : i32
    %add3A_60 = arith.constant 0 : i32
    %add3A_61 = arith.addi %add3A_60, %mul3A_59 : i32
    %dma_start3A = arith.constant 0 : i32
    %dma_start3A_62 = arith.constant 0 : i32
    %dma_start3A_63 = tpu.memref_slice %arg8[%dma_start3A, %dma_start3A_62] : memref<784x128xf32, #tpu.memory_space<vmem>> -> memref<98x128xf32, #tpu.memory_space<vmem>>
    %dma_start3A_64 = arith.constant 0 : i32
    %dma_start3A_65 = tpu.memref_slice %arg2[%add3A_61, %dma_start3A_64] : memref<25088x128xf32, #tpu.memory_space<hbm>> -> memref<98x128xf32, #tpu.memory_space<hbm>>
    %dma_start3A_66 = arith.constant 0 : i32
    %dma_start3A_67 = arith.constant 0 : i32
    %dma_start3A_68 = tpu.memref_slice %arg8[%dma_start3A_66, %dma_start3A_67] : memref<784x128xf32, #tpu.memory_space<vmem>> -> memref<98x128xf32, #tpu.memory_space<vmem>>
    %dma_start3A_69 = arith.constant 0 : i32
    %dma_start3A_70 = tpu.memref_slice %arg2[%add3A_61, %dma_start3A_69] : memref<25088x128xf32, #tpu.memory_space<hbm>> -> memref<98x128xf32, #tpu.memory_space<hbm>>
    tpu.enqueue_dma source(%dma_start3A_70 : memref<98x128xf32, #tpu.memory_space<hbm>>) target(%dma_start3A_68 : memref<98x128xf32, #tpu.memory_space<vmem>>) target_semaphore(%arg20 : memref<!tpu.dma_semaphore, #tpu.memory_space<semaphore_mem>>)
    %mul3A_71 = arith.constant 98 : i32
    %mul3A_72 = arith.muli %add3A, %mul3A_71 : i32
    %add3A_73 = arith.constant 3136 : i32
    %add3A_74 = arith.addi %add3A_73, %mul3A_72 : i32
    %dma_start3A_75 = arith.constant 98 : i32
    %dma_start3A_76 = arith.constant 0 : i32
    %dma_start3A_77 = tpu.memref_slice %arg8[%dma_start3A_75, %dma_start3A_76] : memref<784x128xf32, #tpu.memory_space<vmem>> -> memref<98x128xf32, #tpu.memory_space<vmem>>
    %dma_start3A_78 = arith.constant 0 : i32
    %dma_start3A_79 = tpu.memref_slice %arg2[%add3A_74, %dma_start3A_78] : memref<25088x128xf32, #tpu.memory_space<hbm>> -> memref<98x128xf32, #tpu.memory_space<hbm>>
    %dma_start3A_80 = arith.constant 98 : i32
    %dma_start3A_81 = arith.constant 0 : i32
    %dma_start3A_82 = tpu.memref_slice %arg8[%dma_start3A_80, %dma_start3A_81] : memref<784x128xf32, #tpu.memory_space<vmem>> -> memref<98x128xf32, #tpu.memory_space<vmem>>
    %dma_start3A_83 = arith.constant 0 : i32
    %dma_start3A_84 = tpu.memref_slice %arg2[%add3A_74, %dma_start3A_83] : memref<25088x128xf32, #tpu.memory_space<hbm>> -> memref<98x128xf32, #tpu.memory_space<hbm>>
    tpu.enqueue_dma source(%dma_start3A_84 : memref<98x128xf32, #tpu.memory_space<hbm>>) target(%dma_start3A_82 : memref<98x128xf32, #tpu.memory_space<vmem>>) target_semaphore(%arg21 : memref<!tpu.dma_semaphore, #tpu.memory_space<semaphore_mem>>)
    %mul3A_85 = arith.constant 98 : i32
    %mul3A_86 = arith.muli %add3A, %mul3A_85 : i32
    %add3A_87 = arith.constant 6272 : i32
    %add3A_88 = arith.addi %add3A_87, %mul3A_86 : i32
    %dma_start3A_89 = arith.constant 196 : i32
    %dma_start3A_90 = arith.constant 0 : i32
    %dma_start3A_91 = tpu.memref_slice %arg8[%dma_start3A_89, %dma_start3A_90] : memref<784x128xf32, #tpu.memory_space<vmem>> -> memref<98x128xf32, #tpu.memory_space<vmem>>
    %dma_start3A_92 = arith.constant 0 : i32
    %dma_start3A_93 = tpu.memref_slice %arg2[%add3A_88, %dma_start3A_92] : memref<25088x128xf32, #tpu.memory_space<hbm>> -> memref<98x128xf32, #tpu.memory_space<hbm>>
    %dma_start3A_94 = arith.constant 196 : i32
    %dma_start3A_95 = arith.constant 0 : i32
    %dma_start3A_96 = tpu.memref_slice %arg8[%dma_start3A_94, %dma_start3A_95] : memref<784x128xf32, #tpu.memory_space<vmem>> -> memref<98x128xf32, #tpu.memory_space<vmem>>
    %dma_start3A_97 = arith.constant 0 : i32
    %dma_start3A_98 = tpu.memref_slice %arg2[%add3A_88, %dma_start3A_97] : memref<25088x128xf32, #tpu.memory_space<hbm>> -> memref<98x128xf32, #tpu.memory_space<hbm>>
    tpu.enqueue_dma source(%dma_start3A_98 : memref<98x128xf32, #tpu.memory_space<hbm>>) target(%dma_start3A_96 : memref<98x128xf32, #tpu.memory_space<vmem>>) target_semaphore(%arg22 : memref<!tpu.dma_semaphore, #tpu.memory_space<semaphore_mem>>)
    %mul3A_99 = arith.constant 98 : i32
    %mul3A_100 = arith.muli %add3A, %mul3A_99 : i32
    %add3A_101 = arith.constant 9408 : i32
    %add3A_102 = arith.addi %add3A_101, %mul3A_100 : i32
    %dma_start3A_103 = arith.constant 294 : i32
    %dma_start3A_104 = arith.constant 0 : i32
    %dma_start3A_105 = tpu.memref_slice %arg8[%dma_start3A_103, %dma_start3A_104] : memref<784x128xf32, #tpu.memory_space<vmem>> -> memref<98x128xf32, #tpu.memory_space<vmem>>
    %dma_start3A_106 = arith.constant 0 : i32
    %dma_start3A_107 = tpu.memref_slice %arg2[%add3A_102, %dma_start3A_106] : memref<25088x128xf32, #tpu.memory_space<hbm>> -> memref<98x128xf32, #tpu.memory_space<hbm>>
    %dma_start3A_108 = arith.constant 294 : i32
    %dma_start3A_109 = arith.constant 0 : i32
    %dma_start3A_110 = tpu.memref_slice %arg8[%dma_start3A_108, %dma_start3A_109] : memref<784x128xf32, #tpu.memory_space<vmem>> -> memref<98x128xf32, #tpu.memory_space<vmem>>
    %dma_start3A_111 = arith.constant 0 : i32
    %dma_start3A_112 = tpu.memref_slice %arg2[%add3A_102, %dma_start3A_111] : memref<25088x128xf32, #tpu.memory_space<hbm>> -> memref<98x128xf32, #tpu.memory_space<hbm>>
    tpu.enqueue_dma source(%dma_start3A_112 : memref<98x128xf32, #tpu.memory_space<hbm>>) target(%dma_start3A_110 : memref<98x128xf32, #tpu.memory_space<vmem>>) target_semaphore(%arg23 : memref<!tpu.dma_semaphore, #tpu.memory_space<semaphore_mem>>)
    %mul3A_113 = arith.constant 98 : i32
    %mul3A_114 = arith.muli %add3A, %mul3A_113 : i32
    %add3A_115 = arith.constant 12544 : i32
    %add3A_116 = arith.addi %add3A_115, %mul3A_114 : i32
    %dma_start3A_117 = arith.constant 392 : i32
    %dma_start3A_118 = arith.constant 0 : i32
    %dma_start3A_119 = tpu.memref_slice %arg8[%dma_start3A_117, %dma_start3A_118] : memref<784x128xf32, #tpu.memory_space<vmem>> -> memref<98x128xf32, #tpu.memory_space<vmem>>
    %dma_start3A_120 = arith.constant 0 : i32
    %dma_start3A_121 = tpu.memref_slice %arg2[%add3A_116, %dma_start3A_120] : memref<25088x128xf32, #tpu.memory_space<hbm>> -> memref<98x128xf32, #tpu.memory_space<hbm>>
    %dma_start3A_122 = arith.constant 392 : i32
    %dma_start3A_123 = arith.constant 0 : i32
    %dma_start3A_124 = tpu.memref_slice %arg8[%dma_start3A_122, %dma_start3A_123] : memref<784x128xf32, #tpu.memory_space<vmem>> -> memref<98x128xf32, #tpu.memory_space<vmem>>
    %dma_start3A_125 = arith.constant 0 : i32
    %dma_start3A_126 = tpu.memref_slice %arg2[%add3A_116, %dma_start3A_125] : memref<25088x128xf32, #tpu.memory_space<hbm>> -> memref<98x128xf32, #tpu.memory_space<hbm>>
    tpu.enqueue_dma source(%dma_start3A_126 : memref<98x128xf32, #tpu.memory_space<hbm>>) target(%dma_start3A_124 : memref<98x128xf32, #tpu.memory_space<vmem>>) target_semaphore(%arg24 : memref<!tpu.dma_semaphore, #tpu.memory_space<semaphore_mem>>)
    %mul3A_127 = arith.constant 98 : i32
    %mul3A_128 = arith.muli %add3A, %mul3A_127 : i32
    %add3A_129 = arith.constant 15680 : i32
    %add3A_130 = arith.addi %add3A_129, %mul3A_128 : i32
    %dma_start3A_131 = arith.constant 490 : i32
    %dma_start3A_132 = arith.constant 0 : i32
    %dma_start3A_133 = tpu.memref_slice %arg8[%dma_start3A_131, %dma_start3A_132] : memref<784x128xf32, #tpu.memory_space<vmem>> -> memref<98x128xf32, #tpu.memory_space<vmem>>
    %dma_start3A_134 = arith.constant 0 : i32
    %dma_start3A_135 = tpu.memref_slice %arg2[%add3A_130, %dma_start3A_134] : memref<25088x128xf32, #tpu.memory_space<hbm>> -> memref<98x128xf32, #tpu.memory_space<hbm>>
    %dma_start3A_136 = arith.constant 490 : i32
    %dma_start3A_137 = arith.constant 0 : i32
    %dma_start3A_138 = tpu.memref_slice %arg8[%dma_start3A_136, %dma_start3A_137] : memref<784x128xf32, #tpu.memory_space<vmem>> -> memref<98x128xf32, #tpu.memory_space<vmem>>
    %dma_start3A_139 = arith.constant 0 : i32
    %dma_start3A_140 = tpu.memref_slice %arg2[%add3A_130, %dma_start3A_139] : memref<25088x128xf32, #tpu.memory_space<hbm>> -> memref<98x128xf32, #tpu.memory_space<hbm>>
    tpu.enqueue_dma source(%dma_start3A_140 : memref<98x128xf32, #tpu.memory_space<hbm>>) target(%dma_start3A_138 : memref<98x128xf32, #tpu.memory_space<vmem>>) target_semaphore(%arg25 : memref<!tpu.dma_semaphore, #tpu.memory_space<semaphore_mem>>)
    %mul3A_141 = arith.constant 98 : i32
    %mul3A_142 = arith.muli %add3A, %mul3A_141 : i32
    %add3A_143 = arith.constant 18816 : i32
    %add3A_144 = arith.addi %add3A_143, %mul3A_142 : i32
    %dma_start3A_145 = arith.constant 588 : i32
    %dma_start3A_146 = arith.constant 0 : i32
    %dma_start3A_147 = tpu.memref_slice %arg8[%dma_start3A_145, %dma_start3A_146] : memref<784x128xf32, #tpu.memory_space<vmem>> -> memref<98x128xf32, #tpu.memory_space<vmem>>
    %dma_start3A_148 = arith.constant 0 : i32
    %dma_start3A_149 = tpu.memref_slice %arg2[%add3A_144, %dma_start3A_148] : memref<25088x128xf32, #tpu.memory_space<hbm>> -> memref<98x128xf32, #tpu.memory_space<hbm>>
    %dma_start3A_150 = arith.constant 588 : i32
    %dma_start3A_151 = arith.constant 0 : i32
    %dma_start3A_152 = tpu.memref_slice %arg8[%dma_start3A_150, %dma_start3A_151] : memref<784x128xf32, #tpu.memory_space<vmem>> -> memref<98x128xf32, #tpu.memory_space<vmem>>
    %dma_start3A_153 = arith.constant 0 : i32
    %dma_start3A_154 = tpu.memref_slice %arg2[%add3A_144, %dma_start3A_153] : memref<25088x128xf32, #tpu.memory_space<hbm>> -> memref<98x128xf32, #tpu.memory_space<hbm>>
    tpu.enqueue_dma source(%dma_start3A_154 : memref<98x128xf32, #tpu.memory_space<hbm>>) target(%dma_start3A_152 : memref<98x128xf32, #tpu.memory_space<vmem>>) target_semaphore(%arg26 : memref<!tpu.dma_semaphore, #tpu.memory_space<semaphore_mem>>)
    %mul3A_155 = arith.constant 98 : i32
    %mul3A_156 = arith.muli %add3A, %mul3A_155 : i32
    %add3A_157 = arith.constant 21952 : i32
    %add3A_158 = arith.addi %add3A_157, %mul3A_156 : i32
    %dma_start3A_159 = arith.constant 686 : i32
    %dma_start3A_160 = arith.constant 0 : i32
    %dma_start3A_161 = tpu.memref_slice %arg8[%dma_start3A_159, %dma_start3A_160] : memref<784x128xf32, #tpu.memory_space<vmem>> -> memref<98x128xf32, #tpu.memory_space<vmem>>
    %dma_start3A_162 = arith.constant 0 : i32
    %dma_start3A_163 = tpu.memref_slice %arg2[%add3A_158, %dma_start3A_162] : memref<25088x128xf32, #tpu.memory_space<hbm>> -> memref<98x128xf32, #tpu.memory_space<hbm>>
    %dma_start3A_164 = arith.constant 686 : i32
    %dma_start3A_165 = arith.constant 0 : i32
    %dma_start3A_166 = tpu.memref_slice %arg8[%dma_start3A_164, %dma_start3A_165] : memref<784x128xf32, #tpu.memory_space<vmem>> -> memref<98x128xf32, #tpu.memory_space<vmem>>
    %dma_start3A_167 = arith.constant 0 : i32
    %dma_start3A_168 = tpu.memref_slice %arg2[%add3A_158, %dma_start3A_167] : memref<25088x128xf32, #tpu.memory_space<hbm>> -> memref<98x128xf32, #tpu.memory_space<hbm>>
    tpu.enqueue_dma source(%dma_start3A_168 : memref<98x128xf32, #tpu.memory_space<hbm>>) target(%dma_start3A_166 : memref<98x128xf32, #tpu.memory_space<vmem>>) target_semaphore(%arg27 : memref<!tpu.dma_semaphore, #tpu.memory_space<semaphore_mem>>)
    "tpu.region"() ({
      %run_scoped3A = tpu.sem_alloc : memref<!tpu.dma_semaphore, #tpu.memory_space<semaphore_mem>>
      %dma_start3A_638 = arith.constant 0 : i32
      %dma_start3A_639 = tpu.memref_slice %arg5[%add3A, %dma_start3A_638] : memref<32x128xf32, #tpu.memory_space<hbm>> -> memref<1x128xf32, #tpu.memory_space<hbm>>
      %dma_start3A_640 = tpu.memref_squeeze %dma_start3A_639 : memref<1x128xf32, #tpu.memory_space<hbm>> -> memref<128xf32, #tpu.memory_space<hbm>>
      %dma_start3A_641 = arith.constant 0 : i32
      %dma_start3A_642 = tpu.memref_slice %arg5[%add3A, %dma_start3A_641] : memref<32x128xf32, #tpu.memory_space<hbm>> -> memref<1x128xf32, #tpu.memory_space<hbm>>
      %dma_start3A_643 = tpu.memref_squeeze %dma_start3A_642 : memref<1x128xf32, #tpu.memory_space<hbm>> -> memref<128xf32, #tpu.memory_space<hbm>>
      tpu.enqueue_dma source(%dma_start3A_643 : memref<128xf32, #tpu.memory_space<hbm>>) target(%arg15 : memref<128xf32, #tpu.memory_space<vmem>>) target_semaphore(%run_scoped3A : memref<!tpu.dma_semaphore, #tpu.memory_space<semaphore_mem>>)
      %dma_wait3A_644 = arith.constant 0 : i32
      %dma_wait3A_645 = tpu.memref_slice %arg5[%add3A, %dma_wait3A_644] : memref<32x128xf32, #tpu.memory_space<hbm>> -> memref<1x128xf32, #tpu.memory_space<hbm>>
      %dma_wait3A_646 = tpu.memref_squeeze %dma_wait3A_645 : memref<1x128xf32, #tpu.memory_space<hbm>> -> memref<128xf32, #tpu.memory_space<hbm>>
      %dma_wait3A_647 = arith.constant 0 : i32
      %dma_wait3A_648 = tpu.memref_slice %arg5[%add3A, %dma_wait3A_647] : memref<32x128xf32, #tpu.memory_space<hbm>> -> memref<1x128xf32, #tpu.memory_space<hbm>>
      %dma_wait3A_649 = tpu.memref_squeeze %dma_wait3A_648 : memref<1x128xf32, #tpu.memory_space<hbm>> -> memref<128xf32, #tpu.memory_space<hbm>>
      tpu.wait_dma2 semaphore(%run_scoped3A : memref<!tpu.dma_semaphore, #tpu.memory_space<semaphore_mem>>) src(%dma_wait3A_649 : memref<128xf32, #tpu.memory_space<hbm>>) dst(%arg15 : memref<128xf32, #tpu.memory_space<vmem>>)
      tpu.yield
    }) : () -> ()
    "tpu.region"() ({
      %run_scoped3A = tpu.sem_alloc : memref<!tpu.dma_semaphore, #tpu.memory_space<semaphore_mem>>
      %dma_start3A_638 = arith.constant 0 : i32
      %dma_start3A_639 = tpu.memref_slice %arg6[%add3A, %dma_start3A_638] : memref<32x128xf32, #tpu.memory_space<hbm>> -> memref<1x128xf32, #tpu.memory_space<hbm>>
      %dma_start3A_640 = tpu.memref_squeeze %dma_start3A_639 : memref<1x128xf32, #tpu.memory_space<hbm>> -> memref<128xf32, #tpu.memory_space<hbm>>
      %dma_start3A_641 = arith.constant 0 : i32
      %dma_start3A_642 = tpu.memref_slice %arg6[%add3A, %dma_start3A_641] : memref<32x128xf32, #tpu.memory_space<hbm>> -> memref<1x128xf32, #tpu.memory_space<hbm>>
      %dma_start3A_643 = tpu.memref_squeeze %dma_start3A_642 : memref<1x128xf32, #tpu.memory_space<hbm>> -> memref<128xf32, #tpu.memory_space<hbm>>
      tpu.enqueue_dma source(%dma_start3A_643 : memref<128xf32, #tpu.memory_space<hbm>>) target(%arg16 : memref<128xf32, #tpu.memory_space<vmem>>) target_semaphore(%run_scoped3A : memref<!tpu.dma_semaphore, #tpu.memory_space<semaphore_mem>>)
      %dma_wait3A_644 = arith.constant 0 : i32
      %dma_wait3A_645 = tpu.memref_slice %arg6[%add3A, %dma_wait3A_644] : memref<32x128xf32, #tpu.memory_space<hbm>> -> memref<1x128xf32, #tpu.memory_space<hbm>>
      %dma_wait3A_646 = tpu.memref_squeeze %dma_wait3A_645 : memref<1x128xf32, #tpu.memory_space<hbm>> -> memref<128xf32, #tpu.memory_space<hbm>>
      %dma_wait3A_647 = arith.constant 0 : i32
      %dma_wait3A_648 = tpu.memref_slice %arg6[%add3A, %dma_wait3A_647] : memref<32x128xf32, #tpu.memory_space<hbm>> -> memref<1x128xf32, #tpu.memory_space<hbm>>
      %dma_wait3A_649 = tpu.memref_squeeze %dma_wait3A_648 : memref<1x128xf32, #tpu.memory_space<hbm>> -> memref<128xf32, #tpu.memory_space<hbm>>
      tpu.wait_dma2 semaphore(%run_scoped3A : memref<!tpu.dma_semaphore, #tpu.memory_space<semaphore_mem>>) src(%dma_wait3A_649 : memref<128xf32, #tpu.memory_space<hbm>>) dst(%arg16 : memref<128xf32, #tpu.memory_space<vmem>>)
      tpu.yield
    }) : () -> ()
    %get3A = arith.constant 0 : index
    %get3A_169 = tpu.vector_load %arg18[%get3A] {strides = array<i32>} : memref<16xi32, #tpu.memory_space<vmem>>, vector<16xi32>,
    %slice3A = vector.extract_strided_slice %get3A_169 {offsets = [0], sizes = [1], strides = [1]} : vector<16xi32> to vector<1xi32>
    %squeeze3A = vector.extract %slice3A[0] : i32 from vector<1xi32>
    "tpu.trace_start"() <{level = 10 : i32, message = "sc_build"}> : () -> ()
    %dma_wait3A = arith.constant 0 : i32
    %dma_wait3A_170 = arith.constant 0 : i32
    %dma_wait3A_171 = tpu.memref_slice %arg8[%dma_wait3A, %dma_wait3A_170] : memref<784x128xf32, #tpu.memory_space<vmem>> -> memref<98x128xf32, #tpu.memory_space<vmem>>
    %dma_wait3A_172 = arith.constant 0 : i32
    %dma_wait3A_173 = tpu.memref_slice %arg2[%add3A_61, %dma_wait3A_172] : memref<25088x128xf32, #tpu.memory_space<hbm>> -> memref<98x128xf32, #tpu.memory_space<hbm>>
    %dma_wait3A_174 = arith.constant 0 : i32
    %dma_wait3A_175 = arith.constant 0 : i32
    %dma_wait3A_176 = tpu.memref_slice %arg8[%dma_wait3A_174, %dma_wait3A_175] : memref<784x128xf32, #tpu.memory_space<vmem>> -> memref<98x128xf32, #tpu.memory_space<vmem>>
    %dma_wait3A_177 = arith.constant 0 : i32
    %dma_wait3A_178 = tpu.memref_slice %arg2[%add3A_61, %dma_wait3A_177] : memref<25088x128xf32, #tpu.memory_space<hbm>> -> memref<98x128xf32, #tpu.memory_space<hbm>>
    tpu.wait_dma2 semaphore(%arg20 : memref<!tpu.dma_semaphore, #tpu.memory_space<semaphore_mem>>) src(%dma_wait3A_178 : memref<98x128xf32, #tpu.memory_space<hbm>>) dst(%dma_wait3A_176 : memref<98x128xf32, #tpu.memory_space<vmem>>)
    %parallel_loop3A = arith.constant 0 : i32
    %parallel_loop3A_179 = arith.constant 49 : i32
    %parallel_loop3A_180 = arith.constant 1 : i32
    scf.for %parallel_loop3A_638 = %parallel_loop3A to %parallel_loop3A_179 step %parallel_loop3A_180  : i32 {
      %parallel_loop3A_639 = arith.constant 2 : i32
      %parallel_loop3A_640 = arith.muli %parallel_loop3A_639, %parallel_loop3A_638 : i32
      %parallel_loop3A_641 = arith.index_cast %parallel_loop3A_640 : i32 to index
      %parallel_loop3A_642 = arith.constant 0 : index
      %parallel_loop3A_643 = tpu.vector_load %arg8[%parallel_loop3A_641, %parallel_loop3A_642] {strides = array<i32>} : memref<784x128xf32, #tpu.memory_space<vmem>>, vector<16xf32>,
      %parallel_loop3A_644 = arith.constant 2 : i32
      %parallel_loop3A_645 = arith.muli %parallel_loop3A_644, %parallel_loop3A_638 : i32
      %parallel_loop3A_646 = arith.constant 0 : i32
      %parallel_loop3A_647 = arith.addi %parallel_loop3A_645, %parallel_loop3A_646 : i32
      %parallel_loop3A_648 = arith.index_cast %parallel_loop3A_647 : i32 to index
      %parallel_loop3A_649 = arith.constant 16 : index
      %parallel_loop3A_650 = tpu.vector_load %arg8[%parallel_loop3A_648, %parallel_loop3A_649] {strides = array<i32>} : memref<784x128xf32, #tpu.memory_space<vmem>>, vector<16xf32>,
      %parallel_loop3A_651 = arith.minimumf %parallel_loop3A_643, %parallel_loop3A_650 : vector<16xf32>
      %parallel_loop3A_652 = arith.constant 2 : i32
      %parallel_loop3A_653 = arith.muli %parallel_loop3A_652, %parallel_loop3A_638 : i32
      %parallel_loop3A_654 = arith.constant 0 : i32
      %parallel_loop3A_655 = arith.addi %parallel_loop3A_653, %parallel_loop3A_654 : i32
      %parallel_loop3A_656 = arith.index_cast %parallel_loop3A_655 : i32 to index
      %parallel_loop3A_657 = arith.constant 32 : index
      %parallel_loop3A_658 = tpu.vector_load %arg8[%parallel_loop3A_656, %parallel_loop3A_657] {strides = array<i32>} : memref<784x128xf32, #tpu.memory_space<vmem>>, vector<16xf32>,
      %parallel_loop3A_659 = arith.minimumf %parallel_loop3A_651, %parallel_loop3A_658 : vector<16xf32>
      %parallel_loop3A_660 = arith.constant 2 : i32
      %parallel_loop3A_661 = arith.muli %parallel_loop3A_660, %parallel_loop3A_638 : i32
      %parallel_loop3A_662 = arith.constant 0 : i32
      %parallel_loop3A_663 = arith.addi %parallel_loop3A_661, %parallel_loop3A_662 : i32
      %parallel_loop3A_664 = arith.index_cast %parallel_loop3A_663 : i32 to index
      %parallel_loop3A_665 = arith.constant 48 : index
      %parallel_loop3A_666 = tpu.vector_load %arg8[%parallel_loop3A_664, %parallel_loop3A_665] {strides = array<i32>} : memref<784x128xf32, #tpu.memory_space<vmem>>, vector<16xf32>,
      %parallel_loop3A_667 = arith.minimumf %parallel_loop3A_659, %parallel_loop3A_666 : vector<16xf32>
      %parallel_loop3A_668 = arith.constant 2 : i32
      %parallel_loop3A_669 = arith.muli %parallel_loop3A_668, %parallel_loop3A_638 : i32
      %parallel_loop3A_670 = arith.constant 0 : i32
      %parallel_loop3A_671 = arith.addi %parallel_loop3A_669, %parallel_loop3A_670 : i32
      %parallel_loop3A_672 = arith.index_cast %parallel_loop3A_671 : i32 to index
      %parallel_loop3A_673 = arith.constant 64 : index
      %parallel_loop3A_674 = tpu.vector_load %arg8[%parallel_loop3A_672, %parallel_loop3A_673] {strides = array<i32>} : memref<784x128xf32, #tpu.memory_space<vmem>>, vector<16xf32>,
      %parallel_loop3A_675 = arith.minimumf %parallel_loop3A_667, %parallel_loop3A_674 : vector<16xf32>
      %parallel_loop3A_676 = arith.constant 2 : i32
      %parallel_loop3A_677 = arith.muli %parallel_loop3A_676, %parallel_loop3A_638 : i32
      %parallel_loop3A_678 = arith.constant 0 : i32
      %parallel_loop3A_679 = arith.addi %parallel_loop3A_677, %parallel_loop3A_678 : i32
      %parallel_loop3A_680 = arith.index_cast %parallel_loop3A_679 : i32 to index
      %parallel_loop3A_681 = arith.constant 80 : index
      %parallel_loop3A_682 = tpu.vector_load %arg8[%parallel_loop3A_680, %parallel_loop3A_681] {strides = array<i32>} : memref<784x128xf32, #tpu.memory_space<vmem>>, vector<16xf32>,
      %parallel_loop3A_683 = arith.minimumf %parallel_loop3A_675, %parallel_loop3A_682 : vector<16xf32>
      %parallel_loop3A_684 = arith.constant 2 : i32
      %parallel_loop3A_685 = arith.muli %parallel_loop3A_684, %parallel_loop3A_638 : i32
      %parallel_loop3A_686 = arith.constant 0 : i32
      %parallel_loop3A_687 = arith.addi %parallel_loop3A_685, %parallel_loop3A_686 : i32
      %parallel_loop3A_688 = arith.index_cast %parallel_loop3A_687 : i32 to index
      %parallel_loop3A_689 = arith.constant 96 : index
      %parallel_loop3A_690 = tpu.vector_load %arg8[%parallel_loop3A_688, %parallel_loop3A_689] {strides = array<i32>} : memref<784x128xf32, #tpu.memory_space<vmem>>, vector<16xf32>,
      %parallel_loop3A_691 = arith.minimumf %parallel_loop3A_683, %parallel_loop3A_690 : vector<16xf32>
      %parallel_loop3A_692 = arith.constant 2 : i32
      %parallel_loop3A_693 = arith.muli %parallel_loop3A_692, %parallel_loop3A_638 : i32
      %parallel_loop3A_694 = arith.constant 0 : i32
      %parallel_loop3A_695 = arith.addi %parallel_loop3A_693, %parallel_loop3A_694 : i32
      %parallel_loop3A_696 = arith.index_cast %parallel_loop3A_695 : i32 to index
      %parallel_loop3A_697 = arith.constant 112 : index
      %parallel_loop3A_698 = tpu.vector_load %arg8[%parallel_loop3A_696, %parallel_loop3A_697] {strides = array<i32>} : memref<784x128xf32, #tpu.memory_space<vmem>>, vector<16xf32>,
      %parallel_loop3A_699 = arith.minimumf %parallel_loop3A_691, %parallel_loop3A_698 : vector<16xf32>
      %parallel_loop3A_700 = arith.constant 2 : i32
      %parallel_loop3A_701 = arith.muli %parallel_loop3A_700, %parallel_loop3A_638 : i32
      %parallel_loop3A_702 = arith.constant 1 : i32
      %parallel_loop3A_703 = arith.addi %parallel_loop3A_701, %parallel_loop3A_702 : i32
      %parallel_loop3A_704 = arith.index_cast %parallel_loop3A_703 : i32 to index
      %parallel_loop3A_705 = arith.constant 0 : index
      %parallel_loop3A_706 = tpu.vector_load %arg8[%parallel_loop3A_704, %parallel_loop3A_705] {strides = array<i32>} : memref<784x128xf32, #tpu.memory_space<vmem>>, vector<16xf32>,
      %parallel_loop3A_707 = arith.minimumf %parallel_loop3A_699, %parallel_loop3A_706 : vector<16xf32>
      %parallel_loop3A_708 = arith.constant 2 : i32
      %parallel_loop3A_709 = arith.muli %parallel_loop3A_708, %parallel_loop3A_638 : i32
      %parallel_loop3A_710 = arith.constant 1 : i32
      %parallel_loop3A_711 = arith.addi %parallel_loop3A_709, %parallel_loop3A_710 : i32
      %parallel_loop3A_712 = arith.index_cast %parallel_loop3A_711 : i32 to index
      %parallel_loop3A_713 = arith.constant 16 : index
      %parallel_loop3A_714 = tpu.vector_load %arg8[%parallel_loop3A_712, %parallel_loop3A_713] {strides = array<i32>} : memref<784x128xf32, #tpu.memory_space<vmem>>, vector<16xf32>,
      %parallel_loop3A_715 = arith.minimumf %parallel_loop3A_707, %parallel_loop3A_714 : vector<16xf32>
      %parallel_loop3A_716 = arith.constant 2 : i32
      %parallel_loop3A_717 = arith.muli %parallel_loop3A_716, %parallel_loop3A_638 : i32
      %parallel_loop3A_718 = arith.constant 1 : i32
      %parallel_loop3A_719 = arith.addi %parallel_loop3A_717, %parallel_loop3A_718 : i32
      %parallel_loop3A_720 = arith.index_cast %parallel_loop3A_719 : i32 to index
      %parallel_loop3A_721 = arith.constant 32 : index
      %parallel_loop3A_722 = tpu.vector_load %arg8[%parallel_loop3A_720, %parallel_loop3A_721] {strides = array<i32>} : memref<784x128xf32, #tpu.memory_space<vmem>>, vector<16xf32>,
      %parallel_loop3A_723 = arith.minimumf %parallel_loop3A_715, %parallel_loop3A_722 : vector<16xf32>
      %parallel_loop3A_724 = arith.constant 2 : i32
      %parallel_loop3A_725 = arith.muli %parallel_loop3A_724, %parallel_loop3A_638 : i32
      %parallel_loop3A_726 = arith.constant 1 : i32
      %parallel_loop3A_727 = arith.addi %parallel_loop3A_725, %parallel_loop3A_726 : i32
      %parallel_loop3A_728 = arith.index_cast %parallel_loop3A_727 : i32 to index
      %parallel_loop3A_729 = arith.constant 48 : index
      %parallel_loop3A_730 = tpu.vector_load %arg8[%parallel_loop3A_728, %parallel_loop3A_729] {strides = array<i32>} : memref<784x128xf32, #tpu.memory_space<vmem>>, vector<16xf32>,
      %parallel_loop3A_731 = arith.minimumf %parallel_loop3A_723, %parallel_loop3A_730 : vector<16xf32>
      %parallel_loop3A_732 = arith.constant 2 : i32
      %parallel_loop3A_733 = arith.muli %parallel_loop3A_732, %parallel_loop3A_638 : i32
      %parallel_loop3A_734 = arith.constant 1 : i32
      %parallel_loop3A_735 = arith.addi %parallel_loop3A_733, %parallel_loop3A_734 : i32
      %parallel_loop3A_736 = arith.index_cast %parallel_loop3A_735 : i32 to index
      %parallel_loop3A_737 = arith.constant 64 : index
      %parallel_loop3A_738 = tpu.vector_load %arg8[%parallel_loop3A_736, %parallel_loop3A_737] {strides = array<i32>} : memref<784x128xf32, #tpu.memory_space<vmem>>, vector<16xf32>,
      %parallel_loop3A_739 = arith.minimumf %parallel_loop3A_731, %parallel_loop3A_738 : vector<16xf32>
      %parallel_loop3A_740 = arith.constant 2 : i32
      %parallel_loop3A_741 = arith.muli %parallel_loop3A_740, %parallel_loop3A_638 : i32
      %parallel_loop3A_742 = arith.constant 1 : i32
      %parallel_loop3A_743 = arith.addi %parallel_loop3A_741, %parallel_loop3A_742 : i32
      %parallel_loop3A_744 = arith.index_cast %parallel_loop3A_743 : i32 to index
      %parallel_loop3A_745 = arith.constant 80 : index
      %parallel_loop3A_746 = tpu.vector_load %arg8[%parallel_loop3A_744, %parallel_loop3A_745] {strides = array<i32>} : memref<784x128xf32, #tpu.memory_space<vmem>>, vector<16xf32>,
      %parallel_loop3A_747 = arith.minimumf %parallel_loop3A_739, %parallel_loop3A_746 : vector<16xf32>
      %parallel_loop3A_748 = arith.constant 2 : i32
      %parallel_loop3A_749 = arith.muli %parallel_loop3A_748, %parallel_loop3A_638 : i32
      %parallel_loop3A_750 = arith.constant 1 : i32
      %parallel_loop3A_751 = arith.addi %parallel_loop3A_749, %parallel_loop3A_750 : i32
      %parallel_loop3A_752 = arith.index_cast %parallel_loop3A_751 : i32 to index
      %parallel_loop3A_753 = arith.constant 96 : index
      %parallel_loop3A_754 = tpu.vector_load %arg8[%parallel_loop3A_752, %parallel_loop3A_753] {strides = array<i32>} : memref<784x128xf32, #tpu.memory_space<vmem>>, vector<16xf32>,
      %parallel_loop3A_755 = arith.minimumf %parallel_loop3A_747, %parallel_loop3A_754 : vector<16xf32>
      %parallel_loop3A_756 = arith.constant 2 : i32
      %parallel_loop3A_757 = arith.muli %parallel_loop3A_756, %parallel_loop3A_638 : i32
      %parallel_loop3A_758 = arith.constant 1 : i32
      %parallel_loop3A_759 = arith.addi %parallel_loop3A_757, %parallel_loop3A_758 : i32
      %parallel_loop3A_760 = arith.index_cast %parallel_loop3A_759 : i32 to index
      %parallel_loop3A_761 = arith.constant 112 : index
      %parallel_loop3A_762 = tpu.vector_load %arg8[%parallel_loop3A_760, %parallel_loop3A_761] {strides = array<i32>} : memref<784x128xf32, #tpu.memory_space<vmem>>, vector<16xf32>,
      %parallel_loop3A_763 = arith.minimumf %parallel_loop3A_755, %parallel_loop3A_762 : vector<16xf32>
      %parallel_loop3A_764 = arith.constant 16 : i32
      %parallel_loop3A_765 = arith.muli %parallel_loop3A_638, %parallel_loop3A_764 : i32
      %parallel_loop3A_766 = arith.index_cast %parallel_loop3A_765 : i32 to index
      %parallel_loop3A_767 = tpu.vector_load %arg9[%parallel_loop3A_766] {strides = array<i32>} : memref<6400xf32, #tpu.memory_space<vmem>>, vector<16xf32>,
      tpu.vector_store %arg9[%parallel_loop3A_766], %parallel_loop3A_763 {strides = array<i32>} : memref<6400xf32, #tpu.memory_space<vmem>>, vector<16xf32>,
    } {sc.loop_unroll_factor = 4 : i64, sc.parallel_access}
    %dma_wait3A_181 = arith.constant 98 : i32
    %dma_wait3A_182 = arith.constant 0 : i32
    %dma_wait3A_183 = tpu.memref_slice %arg8[%dma_wait3A_181, %dma_wait3A_182] : memref<784x128xf32, #tpu.memory_space<vmem>> -> memref<98x128xf32, #tpu.memory_space<vmem>>
    %dma_wait3A_184 = arith.constant 0 : i32
    %dma_wait3A_185 = tpu.memref_slice %arg2[%add3A_74, %dma_wait3A_184] : memref<25088x128xf32, #tpu.memory_space<hbm>> -> memref<98x128xf32, #tpu.memory_space<hbm>>
    %dma_wait3A_186 = arith.constant 98 : i32
    %dma_wait3A_187 = arith.constant 0 : i32
    %dma_wait3A_188 = tpu.memref_slice %arg8[%dma_wait3A_186, %dma_wait3A_187] : memref<784x128xf32, #tpu.memory_space<vmem>> -> memref<98x128xf32, #tpu.memory_space<vmem>>
    %dma_wait3A_189 = arith.constant 0 : i32
    %dma_wait3A_190 = tpu.memref_slice %arg2[%add3A_74, %dma_wait3A_189] : memref<25088x128xf32, #tpu.memory_space<hbm>> -> memref<98x128xf32, #tpu.memory_space<hbm>>
    tpu.wait_dma2 semaphore(%arg21 : memref<!tpu.dma_semaphore, #tpu.memory_space<semaphore_mem>>) src(%dma_wait3A_190 : memref<98x128xf32, #tpu.memory_space<hbm>>) dst(%dma_wait3A_188 : memref<98x128xf32, #tpu.memory_space<vmem>>)
    %parallel_loop3A_191 = arith.constant 49 : i32
    %parallel_loop3A_192 = arith.constant 98 : i32
    %parallel_loop3A_193 = arith.constant 1 : i32
    scf.for %parallel_loop3A_638 = %parallel_loop3A_191 to %parallel_loop3A_192 step %parallel_loop3A_193  : i32 {
      %parallel_loop3A_639 = arith.constant 2 : i32
      %parallel_loop3A_640 = arith.muli %parallel_loop3A_639, %parallel_loop3A_638 : i32
      %parallel_loop3A_641 = arith.index_cast %parallel_loop3A_640 : i32 to index
      %parallel_loop3A_642 = arith.constant 0 : index
      %parallel_loop3A_643 = tpu.vector_load %arg8[%parallel_loop3A_641, %parallel_loop3A_642] {strides = array<i32>} : memref<784x128xf32, #tpu.memory_space<vmem>>, vector<16xf32>,
      %parallel_loop3A_644 = arith.constant 2 : i32
      %parallel_loop3A_645 = arith.muli %parallel_loop3A_644, %parallel_loop3A_638 : i32
      %parallel_loop3A_646 = arith.constant 0 : i32
      %parallel_loop3A_647 = arith.addi %parallel_loop3A_645, %parallel_loop3A_646 : i32
      %parallel_loop3A_648 = arith.index_cast %parallel_loop3A_647 : i32 to index
      %parallel_loop3A_649 = arith.constant 16 : index
      %parallel_loop3A_650 = tpu.vector_load %arg8[%parallel_loop3A_648, %parallel_loop3A_649] {strides = array<i32>} : memref<784x128xf32, #tpu.memory_space<vmem>>, vector<16xf32>,
      %parallel_loop3A_651 = arith.minimumf %parallel_loop3A_643, %parallel_loop3A_650 : vector<16xf32>
      %parallel_loop3A_652 = arith.constant 2 : i32
      %parallel_loop3A_653 = arith.muli %parallel_loop3A_652, %parallel_loop3A_638 : i32
      %parallel_loop3A_654 = arith.constant 0 : i32
      %parallel_loop3A_655 = arith.addi %parallel_loop3A_653, %parallel_loop3A_654 : i32
      %parallel_loop3A_656 = arith.index_cast %parallel_loop3A_655 : i32 to index
      %parallel_loop3A_657 = arith.constant 32 : index
      %parallel_loop3A_658 = tpu.vector_load %arg8[%parallel_loop3A_656, %parallel_loop3A_657] {strides = array<i32>} : memref<784x128xf32, #tpu.memory_space<vmem>>, vector<16xf32>,
      %parallel_loop3A_659 = arith.minimumf %parallel_loop3A_651, %parallel_loop3A_658 : vector<16xf32>
      %parallel_loop3A_660 = arith.constant 2 : i32
      %parallel_loop3A_661 = arith.muli %parallel_loop3A_660, %parallel_loop3A_638 : i32
      %parallel_loop3A_662 = arith.constant 0 : i32
      %parallel_loop3A_663 = arith.addi %parallel_loop3A_661, %parallel_loop3A_662 : i32
      %parallel_loop3A_664 = arith.index_cast %parallel_loop3A_663 : i32 to index
      %parallel_loop3A_665 = arith.constant 48 : index
      %parallel_loop3A_666 = tpu.vector_load %arg8[%parallel_loop3A_664, %parallel_loop3A_665] {strides = array<i32>} : memref<784x128xf32, #tpu.memory_space<vmem>>, vector<16xf32>,
      %parallel_loop3A_667 = arith.minimumf %parallel_loop3A_659, %parallel_loop3A_666 : vector<16xf32>
      %parallel_loop3A_668 = arith.constant 2 : i32
      %parallel_loop3A_669 = arith.muli %parallel_loop3A_668, %parallel_loop3A_638 : i32
      %parallel_loop3A_670 = arith.constant 0 : i32
      %parallel_loop3A_671 = arith.addi %parallel_loop3A_669, %parallel_loop3A_670 : i32
      %parallel_loop3A_672 = arith.index_cast %parallel_loop3A_671 : i32 to index
      %parallel_loop3A_673 = arith.constant 64 : index
      %parallel_loop3A_674 = tpu.vector_load %arg8[%parallel_loop3A_672, %parallel_loop3A_673] {strides = array<i32>} : memref<784x128xf32, #tpu.memory_space<vmem>>, vector<16xf32>,
      %parallel_loop3A_675 = arith.minimumf %parallel_loop3A_667, %parallel_loop3A_674 : vector<16xf32>
      %parallel_loop3A_676 = arith.constant 2 : i32
      %parallel_loop3A_677 = arith.muli %parallel_loop3A_676, %parallel_loop3A_638 : i32
      %parallel_loop3A_678 = arith.constant 0 : i32
      %parallel_loop3A_679 = arith.addi %parallel_loop3A_677, %parallel_loop3A_678 : i32
      %parallel_loop3A_680 = arith.index_cast %parallel_loop3A_679 : i32 to index
      %parallel_loop3A_681 = arith.constant 80 : index
      %parallel_loop3A_682 = tpu.vector_load %arg8[%parallel_loop3A_680, %parallel_loop3A_681] {strides = array<i32>} : memref<784x128xf32, #tpu.memory_space<vmem>>, vector<16xf32>,
      %parallel_loop3A_683 = arith.minimumf %parallel_loop3A_675, %parallel_loop3A_682 : vector<16xf32>
      %parallel_loop3A_684 = arith.constant 2 : i32
      %parallel_loop3A_685 = arith.muli %parallel_loop3A_684, %parallel_loop3A_638 : i32
      %parallel_loop3A_686 = arith.constant 0 : i32
      %parallel_loop3A_687 = arith.addi %parallel_loop3A_685, %parallel_loop3A_686 : i32
      %parallel_loop3A_688 = arith.index_cast %parallel_loop3A_687 : i32 to index
      %parallel_loop3A_689 = arith.constant 96 : index
      %parallel_loop3A_690 = tpu.vector_load %arg8[%parallel_loop3A_688, %parallel_loop3A_689] {strides = array<i32>} : memref<784x128xf32, #tpu.memory_space<vmem>>, vector<16xf32>,
      %parallel_loop3A_691 = arith.minimumf %parallel_loop3A_683, %parallel_loop3A_690 : vector<16xf32>
      %parallel_loop3A_692 = arith.constant 2 : i32
      %parallel_loop3A_693 = arith.muli %parallel_loop3A_692, %parallel_loop3A_638 : i32
      %parallel_loop3A_694 = arith.constant 0 : i32
      %parallel_loop3A_695 = arith.addi %parallel_loop3A_693, %parallel_loop3A_694 : i32
      %parallel_loop3A_696 = arith.index_cast %parallel_loop3A_695 : i32 to index
      %parallel_loop3A_697 = arith.constant 112 : index
      %parallel_loop3A_698 = tpu.vector_load %arg8[%parallel_loop3A_696, %parallel_loop3A_697] {strides = array<i32>} : memref<784x128xf32, #tpu.memory_space<vmem>>, vector<16xf32>,
      %parallel_loop3A_699 = arith.minimumf %parallel_loop3A_691, %parallel_loop3A_698 : vector<16xf32>
      %parallel_loop3A_700 = arith.constant 2 : i32
      %parallel_loop3A_701 = arith.muli %parallel_loop3A_700, %parallel_loop3A_638 : i32
      %parallel_loop3A_702 = arith.constant 1 : i32
      %parallel_loop3A_703 = arith.addi %parallel_loop3A_701, %parallel_loop3A_702 : i32
      %parallel_loop3A_704 = arith.index_cast %parallel_loop3A_703 : i32 to index
      %parallel_loop3A_705 = arith.constant 0 : index
      %parallel_loop3A_706 = tpu.vector_load %arg8[%parallel_loop3A_704, %parallel_loop3A_705] {strides = array<i32>} : memref<784x128xf32, #tpu.memory_space<vmem>>, vector<16xf32>,
      %parallel_loop3A_707 = arith.minimumf %parallel_loop3A_699, %parallel_loop3A_706 : vector<16xf32>
      %parallel_loop3A_708 = arith.constant 2 : i32
      %parallel_loop3A_709 = arith.muli %parallel_loop3A_708, %parallel_loop3A_638 : i32
      %parallel_loop3A_710 = arith.constant 1 : i32
      %parallel_loop3A_711 = arith.addi %parallel_loop3A_709, %parallel_loop3A_710 : i32
      %parallel_loop3A_712 = arith.index_cast %parallel_loop3A_711 : i32 to index
      %parallel_loop3A_713 = arith.constant 16 : index
      %parallel_loop3A_714 = tpu.vector_load %arg8[%parallel_loop3A_712, %parallel_loop3A_713] {strides = array<i32>} : memref<784x128xf32, #tpu.memory_space<vmem>>, vector<16xf32>,
      %parallel_loop3A_715 = arith.minimumf %parallel_loop3A_707, %parallel_loop3A_714 : vector<16xf32>
      %parallel_loop3A_716 = arith.constant 2 : i32
      %parallel_loop3A_717 = arith.muli %parallel_loop3A_716, %parallel_loop3A_638 : i32
      %parallel_loop3A_718 = arith.constant 1 : i32
      %parallel_loop3A_719 = arith.addi %parallel_loop3A_717, %parallel_loop3A_718 : i32
      %parallel_loop3A_720 = arith.index_cast %parallel_loop3A_719 : i32 to index
      %parallel_loop3A_721 = arith.constant 32 : index
      %parallel_loop3A_722 = tpu.vector_load %arg8[%parallel_loop3A_720, %parallel_loop3A_721] {strides = array<i32>} : memref<784x128xf32, #tpu.memory_space<vmem>>, vector<16xf32>,
      %parallel_loop3A_723 = arith.minimumf %parallel_loop3A_715, %parallel_loop3A_722 : vector<16xf32>
      %parallel_loop3A_724 = arith.constant 2 : i32
      %parallel_loop3A_725 = arith.muli %parallel_loop3A_724, %parallel_loop3A_638 : i32
      %parallel_loop3A_726 = arith.constant 1 : i32
      %parallel_loop3A_727 = arith.addi %parallel_loop3A_725, %parallel_loop3A_726 : i32
      %parallel_loop3A_728 = arith.index_cast %parallel_loop3A_727 : i32 to index
      %parallel_loop3A_729 = arith.constant 48 : index
      %parallel_loop3A_730 = tpu.vector_load %arg8[%parallel_loop3A_728, %parallel_loop3A_729] {strides = array<i32>} : memref<784x128xf32, #tpu.memory_space<vmem>>, vector<16xf32>,
      %parallel_loop3A_731 = arith.minimumf %parallel_loop3A_723, %parallel_loop3A_730 : vector<16xf32>
      %parallel_loop3A_732 = arith.constant 2 : i32
      %parallel_loop3A_733 = arith.muli %parallel_loop3A_732, %parallel_loop3A_638 : i32
      %parallel_loop3A_734 = arith.constant 1 : i32
      %parallel_loop3A_735 = arith.addi %parallel_loop3A_733, %parallel_loop3A_734 : i32
      %parallel_loop3A_736 = arith.index_cast %parallel_loop3A_735 : i32 to index
      %parallel_loop3A_737 = arith.constant 64 : index
      %parallel_loop3A_738 = tpu.vector_load %arg8[%parallel_loop3A_736, %parallel_loop3A_737] {strides = array<i32>} : memref<784x128xf32, #tpu.memory_space<vmem>>, vector<16xf32>,
      %parallel_loop3A_739 = arith.minimumf %parallel_loop3A_731, %parallel_loop3A_738 : vector<16xf32>
      %parallel_loop3A_740 = arith.constant 2 : i32
      %parallel_loop3A_741 = arith.muli %parallel_loop3A_740, %parallel_loop3A_638 : i32
      %parallel_loop3A_742 = arith.constant 1 : i32
      %parallel_loop3A_743 = arith.addi %parallel_loop3A_741, %parallel_loop3A_742 : i32
      %parallel_loop3A_744 = arith.index_cast %parallel_loop3A_743 : i32 to index
      %parallel_loop3A_745 = arith.constant 80 : index
      %parallel_loop3A_746 = tpu.vector_load %arg8[%parallel_loop3A_744, %parallel_loop3A_745] {strides = array<i32>} : memref<784x128xf32, #tpu.memory_space<vmem>>, vector<16xf32>,
      %parallel_loop3A_747 = arith.minimumf %parallel_loop3A_739, %parallel_loop3A_746 : vector<16xf32>
      %parallel_loop3A_748 = arith.constant 2 : i32
      %parallel_loop3A_749 = arith.muli %parallel_loop3A_748, %parallel_loop3A_638 : i32
      %parallel_loop3A_750 = arith.constant 1 : i32
      %parallel_loop3A_751 = arith.addi %parallel_loop3A_749, %parallel_loop3A_750 : i32
      %parallel_loop3A_752 = arith.index_cast %parallel_loop3A_751 : i32 to index
      %parallel_loop3A_753 = arith.constant 96 : index
      %parallel_loop3A_754 = tpu.vector_load %arg8[%parallel_loop3A_752, %parallel_loop3A_753] {strides = array<i32>} : memref<784x128xf32, #tpu.memory_space<vmem>>, vector<16xf32>,
      %parallel_loop3A_755 = arith.minimumf %parallel_loop3A_747, %parallel_loop3A_754 : vector<16xf32>
      %parallel_loop3A_756 = arith.constant 2 : i32
      %parallel_loop3A_757 = arith.muli %parallel_loop3A_756, %parallel_loop3A_638 : i32
      %parallel_loop3A_758 = arith.constant 1 : i32
      %parallel_loop3A_759 = arith.addi %parallel_loop3A_757, %parallel_loop3A_758 : i32
      %parallel_loop3A_760 = arith.index_cast %parallel_loop3A_759 : i32 to index
      %parallel_loop3A_761 = arith.constant 112 : index
      %parallel_loop3A_762 = tpu.vector_load %arg8[%parallel_loop3A_760, %parallel_loop3A_761] {strides = array<i32>} : memref<784x128xf32, #tpu.memory_space<vmem>>, vector<16xf32>,
      %parallel_loop3A_763 = arith.minimumf %parallel_loop3A_755, %parallel_loop3A_762 : vector<16xf32>
      %parallel_loop3A_764 = arith.constant 16 : i32
      %parallel_loop3A_765 = arith.muli %parallel_loop3A_638, %parallel_loop3A_764 : i32
      %parallel_loop3A_766 = arith.index_cast %parallel_loop3A_765 : i32 to index
      %parallel_loop3A_767 = tpu.vector_load %arg9[%parallel_loop3A_766] {strides = array<i32>} : memref<6400xf32, #tpu.memory_space<vmem>>, vector<16xf32>,
      tpu.vector_store %arg9[%parallel_loop3A_766], %parallel_loop3A_763 {strides = array<i32>} : memref<6400xf32, #tpu.memory_space<vmem>>, vector<16xf32>,
    } {sc.loop_unroll_factor = 4 : i64, sc.parallel_access}
    %dma_wait3A_194 = arith.constant 196 : i32
    %dma_wait3A_195 = arith.constant 0 : i32
    %dma_wait3A_196 = tpu.memref_slice %arg8[%dma_wait3A_194, %dma_wait3A_195] : memref<784x128xf32, #tpu.memory_space<vmem>> -> memref<98x128xf32, #tpu.memory_space<vmem>>
    %dma_wait3A_197 = arith.constant 0 : i32
    %dma_wait3A_198 = tpu.memref_slice %arg2[%add3A_88, %dma_wait3A_197] : memref<25088x128xf32, #tpu.memory_space<hbm>> -> memref<98x128xf32, #tpu.memory_space<hbm>>
    %dma_wait3A_199 = arith.constant 196 : i32
    %dma_wait3A_200 = arith.constant 0 : i32
    %dma_wait3A_201 = tpu.memref_slice %arg8[%dma_wait3A_199, %dma_wait3A_200] : memref<784x128xf32, #tpu.memory_space<vmem>> -> memref<98x128xf32, #tpu.memory_space<vmem>>
    %dma_wait3A_202 = arith.constant 0 : i32
    %dma_wait3A_203 = tpu.memref_slice %arg2[%add3A_88, %dma_wait3A_202] : memref<25088x128xf32, #tpu.memory_space<hbm>> -> memref<98x128xf32, #tpu.memory_space<hbm>>
    tpu.wait_dma2 semaphore(%arg22 : memref<!tpu.dma_semaphore, #tpu.memory_space<semaphore_mem>>) src(%dma_wait3A_203 : memref<98x128xf32, #tpu.memory_space<hbm>>) dst(%dma_wait3A_201 : memref<98x128xf32, #tpu.memory_space<vmem>>)
    %parallel_loop3A_204 = arith.constant 98 : i32
    %parallel_loop3A_205 = arith.constant 147 : i32
    %parallel_loop3A_206 = arith.constant 1 : i32
    scf.for %parallel_loop3A_638 = %parallel_loop3A_204 to %parallel_loop3A_205 step %parallel_loop3A_206  : i32 {
      %parallel_loop3A_639 = arith.constant 2 : i32
      %parallel_loop3A_640 = arith.muli %parallel_loop3A_639, %parallel_loop3A_638 : i32
      %parallel_loop3A_641 = arith.index_cast %parallel_loop3A_640 : i32 to index
      %parallel_loop3A_642 = arith.constant 0 : index
      %parallel_loop3A_643 = tpu.vector_load %arg8[%parallel_loop3A_641, %parallel_loop3A_642] {strides = array<i32>} : memref<784x128xf32, #tpu.memory_space<vmem>>, vector<16xf32>,
      %parallel_loop3A_644 = arith.constant 2 : i32
      %parallel_loop3A_645 = arith.muli %parallel_loop3A_644, %parallel_loop3A_638 : i32
      %parallel_loop3A_646 = arith.constant 0 : i32
      %parallel_loop3A_647 = arith.addi %parallel_loop3A_645, %parallel_loop3A_646 : i32
      %parallel_loop3A_648 = arith.index_cast %parallel_loop3A_647 : i32 to index
      %parallel_loop3A_649 = arith.constant 16 : index
      %parallel_loop3A_650 = tpu.vector_load %arg8[%parallel_loop3A_648, %parallel_loop3A_649] {strides = array<i32>} : memref<784x128xf32, #tpu.memory_space<vmem>>, vector<16xf32>,
      %parallel_loop3A_651 = arith.minimumf %parallel_loop3A_643, %parallel_loop3A_650 : vector<16xf32>
      %parallel_loop3A_652 = arith.constant 2 : i32
      %parallel_loop3A_653 = arith.muli %parallel_loop3A_652, %parallel_loop3A_638 : i32
      %parallel_loop3A_654 = arith.constant 0 : i32
      %parallel_loop3A_655 = arith.addi %parallel_loop3A_653, %parallel_loop3A_654 : i32
      %parallel_loop3A_656 = arith.index_cast %parallel_loop3A_655 : i32 to index
      %parallel_loop3A_657 = arith.constant 32 : index
      %parallel_loop3A_658 = tpu.vector_load %arg8[%parallel_loop3A_656, %parallel_loop3A_657] {strides = array<i32>} : memref<784x128xf32, #tpu.memory_space<vmem>>, vector<16xf32>,
      %parallel_loop3A_659 = arith.minimumf %parallel_loop3A_651, %parallel_loop3A_658 : vector<16xf32>
      %parallel_loop3A_660 = arith.constant 2 : i32
      %parallel_loop3A_661 = arith.muli %parallel_loop3A_660, %parallel_loop3A_638 : i32
      %parallel_loop3A_662 = arith.constant 0 : i32
      %parallel_loop3A_663 = arith.addi %parallel_loop3A_661, %parallel_loop3A_662 : i32
      %parallel_loop3A_664 = arith.index_cast %parallel_loop3A_663 : i32 to index
      %parallel_loop3A_665 = arith.constant 48 : index
      %parallel_loop3A_666 = tpu.vector_load %arg8[%parallel_loop3A_664, %parallel_loop3A_665] {strides = array<i32>} : memref<784x128xf32, #tpu.memory_space<vmem>>, vector<16xf32>,
      %parallel_loop3A_667 = arith.minimumf %parallel_loop3A_659, %parallel_loop3A_666 : vector<16xf32>
      %parallel_loop3A_668 = arith.constant 2 : i32
      %parallel_loop3A_669 = arith.muli %parallel_loop3A_668, %parallel_loop3A_638 : i32
      %parallel_loop3A_670 = arith.constant 0 : i32
      %parallel_loop3A_671 = arith.addi %parallel_loop3A_669, %parallel_loop3A_670 : i32
      %parallel_loop3A_672 = arith.index_cast %parallel_loop3A_671 : i32 to index
      %parallel_loop3A_673 = arith.constant 64 : index
      %parallel_loop3A_674 = tpu.vector_load %arg8[%parallel_loop3A_672, %parallel_loop3A_673] {strides = array<i32>} : memref<784x128xf32, #tpu.memory_space<vmem>>, vector<16xf32>,
      %parallel_loop3A_675 = arith.minimumf %parallel_loop3A_667, %parallel_loop3A_674 : vector<16xf32>
      %parallel_loop3A_676 = arith.constant 2 : i32
      %parallel_loop3A_677 = arith.muli %parallel_loop3A_676, %parallel_loop3A_638 : i32
      %parallel_loop3A_678 = arith.constant 0 : i32
      %parallel_loop3A_679 = arith.addi %parallel_loop3A_677, %parallel_loop3A_678 : i32
      %parallel_loop3A_680 = arith.index_cast %parallel_loop3A_679 : i32 to index
      %parallel_loop3A_681 = arith.constant 80 : index
      %parallel_loop3A_682 = tpu.vector_load %arg8[%parallel_loop3A_680, %parallel_loop3A_681] {strides = array<i32>} : memref<784x128xf32, #tpu.memory_space<vmem>>, vector<16xf32>,
      %parallel_loop3A_683 = arith.minimumf %parallel_loop3A_675, %parallel_loop3A_682 : vector<16xf32>
      %parallel_loop3A_684 = arith.constant 2 : i32
      %parallel_loop3A_685 = arith.muli %parallel_loop3A_684, %parallel_loop3A_638 : i32
      %parallel_loop3A_686 = arith.constant 0 : i32
      %parallel_loop3A_687 = arith.addi %parallel_loop3A_685, %parallel_loop3A_686 : i32
      %parallel_loop3A_688 = arith.index_cast %parallel_loop3A_687 : i32 to index
      %parallel_loop3A_689 = arith.constant 96 : index
      %parallel_loop3A_690 = tpu.vector_load %arg8[%parallel_loop3A_688, %parallel_loop3A_689] {strides = array<i32>} : memref<784x128xf32, #tpu.memory_space<vmem>>, vector<16xf32>,
      %parallel_loop3A_691 = arith.minimumf %parallel_loop3A_683, %parallel_loop3A_690 : vector<16xf32>
      %parallel_loop3A_692 = arith.constant 2 : i32
      %parallel_loop3A_693 = arith.muli %parallel_loop3A_692, %parallel_loop3A_638 : i32
      %parallel_loop3A_694 = arith.constant 0 : i32
      %parallel_loop3A_695 = arith.addi %parallel_loop3A_693, %parallel_loop3A_694 : i32
      %parallel_loop3A_696 = arith.index_cast %parallel_loop3A_695 : i32 to index
      %parallel_loop3A_697 = arith.constant 112 : index
      %parallel_loop3A_698 = tpu.vector_load %arg8[%parallel_loop3A_696, %parallel_loop3A_697] {strides = array<i32>} : memref<784x128xf32, #tpu.memory_space<vmem>>, vector<16xf32>,
      %parallel_loop3A_699 = arith.minimumf %parallel_loop3A_691, %parallel_loop3A_698 : vector<16xf32>
      %parallel_loop3A_700 = arith.constant 2 : i32
      %parallel_loop3A_701 = arith.muli %parallel_loop3A_700, %parallel_loop3A_638 : i32
      %parallel_loop3A_702 = arith.constant 1 : i32
      %parallel_loop3A_703 = arith.addi %parallel_loop3A_701, %parallel_loop3A_702 : i32
      %parallel_loop3A_704 = arith.index_cast %parallel_loop3A_703 : i32 to index
      %parallel_loop3A_705 = arith.constant 0 : index
      %parallel_loop3A_706 = tpu.vector_load %arg8[%parallel_loop3A_704, %parallel_loop3A_705] {strides = array<i32>} : memref<784x128xf32, #tpu.memory_space<vmem>>, vector<16xf32>,
      %parallel_loop3A_707 = arith.minimumf %parallel_loop3A_699, %parallel_loop3A_706 : vector<16xf32>
      %parallel_loop3A_708 = arith.constant 2 : i32
      %parallel_loop3A_709 = arith.muli %parallel_loop3A_708, %parallel_loop3A_638 : i32
      %parallel_loop3A_710 = arith.constant 1 : i32
      %parallel_loop3A_711 = arith.addi %parallel_loop3A_709, %parallel_loop3A_710 : i32
      %parallel_loop3A_712 = arith.index_cast %parallel_loop3A_711 : i32 to index
      %parallel_loop3A_713 = arith.constant 16 : index
      %parallel_loop3A_714 = tpu.vector_load %arg8[%parallel_loop3A_712, %parallel_loop3A_713] {strides = array<i32>} : memref<784x128xf32, #tpu.memory_space<vmem>>, vector<16xf32>,
      %parallel_loop3A_715 = arith.minimumf %parallel_loop3A_707, %parallel_loop3A_714 : vector<16xf32>
      %parallel_loop3A_716 = arith.constant 2 : i32
      %parallel_loop3A_717 = arith.muli %parallel_loop3A_716, %parallel_loop3A_638 : i32
      %parallel_loop3A_718 = arith.constant 1 : i32
      %parallel_loop3A_719 = arith.addi %parallel_loop3A_717, %parallel_loop3A_718 : i32
      %parallel_loop3A_720 = arith.index_cast %parallel_loop3A_719 : i32 to index
      %parallel_loop3A_721 = arith.constant 32 : index
      %parallel_loop3A_722 = tpu.vector_load %arg8[%parallel_loop3A_720, %parallel_loop3A_721] {strides = array<i32>} : memref<784x128xf32, #tpu.memory_space<vmem>>, vector<16xf32>,
      %parallel_loop3A_723 = arith.minimumf %parallel_loop3A_715, %parallel_loop3A_722 : vector<16xf32>
      %parallel_loop3A_724 = arith.constant 2 : i32
      %parallel_loop3A_725 = arith.muli %parallel_loop3A_724, %parallel_loop3A_638 : i32
      %parallel_loop3A_726 = arith.constant 1 : i32
      %parallel_loop3A_727 = arith.addi %parallel_loop3A_725, %parallel_loop3A_726 : i32
      %parallel_loop3A_728 = arith.index_cast %parallel_loop3A_727 : i32 to index
      %parallel_loop3A_729 = arith.constant 48 : index
      %parallel_loop3A_730 = tpu.vector_load %arg8[%parallel_loop3A_728, %parallel_loop3A_729] {strides = array<i32>} : memref<784x128xf32, #tpu.memory_space<vmem>>, vector<16xf32>,
      %parallel_loop3A_731 = arith.minimumf %parallel_loop3A_723, %parallel_loop3A_730 : vector<16xf32>
      %parallel_loop3A_732 = arith.constant 2 : i32
      %parallel_loop3A_733 = arith.muli %parallel_loop3A_732, %parallel_loop3A_638 : i32
      %parallel_loop3A_734 = arith.constant 1 : i32
      %parallel_loop3A_735 = arith.addi %parallel_loop3A_733, %parallel_loop3A_734 : i32
      %parallel_loop3A_736 = arith.index_cast %parallel_loop3A_735 : i32 to index
      %parallel_loop3A_737 = arith.constant 64 : index
      %parallel_loop3A_738 = tpu.vector_load %arg8[%parallel_loop3A_736, %parallel_loop3A_737] {strides = array<i32>} : memref<784x128xf32, #tpu.memory_space<vmem>>, vector<16xf32>,
      %parallel_loop3A_739 = arith.minimumf %parallel_loop3A_731, %parallel_loop3A_738 : vector<16xf32>
      %parallel_loop3A_740 = arith.constant 2 : i32
      %parallel_loop3A_741 = arith.muli %parallel_loop3A_740, %parallel_loop3A_638 : i32
      %parallel_loop3A_742 = arith.constant 1 : i32
      %parallel_loop3A_743 = arith.addi %parallel_loop3A_741, %parallel_loop3A_742 : i32
      %parallel_loop3A_744 = arith.index_cast %parallel_loop3A_743 : i32 to index
      %parallel_loop3A_745 = arith.constant 80 : index
      %parallel_loop3A_746 = tpu.vector_load %arg8[%parallel_loop3A_744, %parallel_loop3A_745] {strides = array<i32>} : memref<784x128xf32, #tpu.memory_space<vmem>>, vector<16xf32>,
      %parallel_loop3A_747 = arith.minimumf %parallel_loop3A_739, %parallel_loop3A_746 : vector<16xf32>
      %parallel_loop3A_748 = arith.constant 2 : i32
      %parallel_loop3A_749 = arith.muli %parallel_loop3A_748, %parallel_loop3A_638 : i32
      %parallel_loop3A_750 = arith.constant 1 : i32
      %parallel_loop3A_751 = arith.addi %parallel_loop3A_749, %parallel_loop3A_750 : i32
      %parallel_loop3A_752 = arith.index_cast %parallel_loop3A_751 : i32 to index
      %parallel_loop3A_753 = arith.constant 96 : index
      %parallel_loop3A_754 = tpu.vector_load %arg8[%parallel_loop3A_752, %parallel_loop3A_753] {strides = array<i32>} : memref<784x128xf32, #tpu.memory_space<vmem>>, vector<16xf32>,
      %parallel_loop3A_755 = arith.minimumf %parallel_loop3A_747, %parallel_loop3A_754 : vector<16xf32>
      %parallel_loop3A_756 = arith.constant 2 : i32
      %parallel_loop3A_757 = arith.muli %parallel_loop3A_756, %parallel_loop3A_638 : i32
      %parallel_loop3A_758 = arith.constant 1 : i32
      %parallel_loop3A_759 = arith.addi %parallel_loop3A_757, %parallel_loop3A_758 : i32
      %parallel_loop3A_760 = arith.index_cast %parallel_loop3A_759 : i32 to index
      %parallel_loop3A_761 = arith.constant 112 : index
      %parallel_loop3A_762 = tpu.vector_load %arg8[%parallel_loop3A_760, %parallel_loop3A_761] {strides = array<i32>} : memref<784x128xf32, #tpu.memory_space<vmem>>, vector<16xf32>,
      %parallel_loop3A_763 = arith.minimumf %parallel_loop3A_755, %parallel_loop3A_762 : vector<16xf32>
      %parallel_loop3A_764 = arith.constant 16 : i32
      %parallel_loop3A_765 = arith.muli %parallel_loop3A_638, %parallel_loop3A_764 : i32
      %parallel_loop3A_766 = arith.index_cast %parallel_loop3A_765 : i32 to index
      %parallel_loop3A_767 = tpu.vector_load %arg9[%parallel_loop3A_766] {strides = array<i32>} : memref<6400xf32, #tpu.memory_space<vmem>>, vector<16xf32>,
      tpu.vector_store %arg9[%parallel_loop3A_766], %parallel_loop3A_763 {strides = array<i32>} : memref<6400xf32, #tpu.memory_space<vmem>>, vector<16xf32>,
    } {sc.loop_unroll_factor = 4 : i64, sc.parallel_access}
    %dma_wait3A_207 = arith.constant 294 : i32
    %dma_wait3A_208 = arith.constant 0 : i32
    %dma_wait3A_209 = tpu.memref_slice %arg8[%dma_wait3A_207, %dma_wait3A_208] : memref<784x128xf32, #tpu.memory_space<vmem>> -> memref<98x128xf32, #tpu.memory_space<vmem>>
    %dma_wait3A_210 = arith.constant 0 : i32
    %dma_wait3A_211 = tpu.memref_slice %arg2[%add3A_102, %dma_wait3A_210] : memref<25088x128xf32, #tpu.memory_space<hbm>> -> memref<98x128xf32, #tpu.memory_space<hbm>>
    %dma_wait3A_212 = arith.constant 294 : i32
    %dma_wait3A_213 = arith.constant 0 : i32
    %dma_wait3A_214 = tpu.memref_slice %arg8[%dma_wait3A_212, %dma_wait3A_213] : memref<784x128xf32, #tpu.memory_space<vmem>> -> memref<98x128xf32, #tpu.memory_space<vmem>>
    %dma_wait3A_215 = arith.constant 0 : i32
    %dma_wait3A_216 = tpu.memref_slice %arg2[%add3A_102, %dma_wait3A_215] : memref<25088x128xf32, #tpu.memory_space<hbm>> -> memref<98x128xf32, #tpu.memory_space<hbm>>
    tpu.wait_dma2 semaphore(%arg23 : memref<!tpu.dma_semaphore, #tpu.memory_space<semaphore_mem>>) src(%dma_wait3A_216 : memref<98x128xf32, #tpu.memory_space<hbm>>) dst(%dma_wait3A_214 : memref<98x128xf32, #tpu.memory_space<vmem>>)
    %parallel_loop3A_217 = arith.constant 147 : i32
    %parallel_loop3A_218 = arith.constant 196 : i32
    %parallel_loop3A_219 = arith.constant 1 : i32
    scf.for %parallel_loop3A_638 = %parallel_loop3A_217 to %parallel_loop3A_218 step %parallel_loop3A_219  : i32 {
      %parallel_loop3A_639 = arith.constant 2 : i32
      %parallel_loop3A_640 = arith.muli %parallel_loop3A_639, %parallel_loop3A_638 : i32
      %parallel_loop3A_641 = arith.index_cast %parallel_loop3A_640 : i32 to index
      %parallel_loop3A_642 = arith.constant 0 : index
      %parallel_loop3A_643 = tpu.vector_load %arg8[%parallel_loop3A_641, %parallel_loop3A_642] {strides = array<i32>} : memref<784x128xf32, #tpu.memory_space<vmem>>, vector<16xf32>,
      %parallel_loop3A_644 = arith.constant 2 : i32
      %parallel_loop3A_645 = arith.muli %parallel_loop3A_644, %parallel_loop3A_638 : i32
      %parallel_loop3A_646 = arith.constant 0 : i32
      %parallel_loop3A_647 = arith.addi %parallel_loop3A_645, %parallel_loop3A_646 : i32
      %parallel_loop3A_648 = arith.index_cast %parallel_loop3A_647 : i32 to index
      %parallel_loop3A_649 = arith.constant 16 : index
      %parallel_loop3A_650 = tpu.vector_load %arg8[%parallel_loop3A_648, %parallel_loop3A_649] {strides = array<i32>} : memref<784x128xf32, #tpu.memory_space<vmem>>, vector<16xf32>,
      %parallel_loop3A_651 = arith.minimumf %parallel_loop3A_643, %parallel_loop3A_650 : vector<16xf32>
      %parallel_loop3A_652 = arith.constant 2 : i32
      %parallel_loop3A_653 = arith.muli %parallel_loop3A_652, %parallel_loop3A_638 : i32
      %parallel_loop3A_654 = arith.constant 0 : i32
      %parallel_loop3A_655 = arith.addi %parallel_loop3A_653, %parallel_loop3A_654 : i32
      %parallel_loop3A_656 = arith.index_cast %parallel_loop3A_655 : i32 to index
      %parallel_loop3A_657 = arith.constant 32 : index
      %parallel_loop3A_658 = tpu.vector_load %arg8[%parallel_loop3A_656, %parallel_loop3A_657] {strides = array<i32>} : memref<784x128xf32, #tpu.memory_space<vmem>>, vector<16xf32>,
      %parallel_loop3A_659 = arith.minimumf %parallel_loop3A_651, %parallel_loop3A_658 : vector<16xf32>
      %parallel_loop3A_660 = arith.constant 2 : i32
      %parallel_loop3A_661 = arith.muli %parallel_loop3A_660, %parallel_loop3A_638 : i32
      %parallel_loop3A_662 = arith.constant 0 : i32
      %parallel_loop3A_663 = arith.addi %parallel_loop3A_661, %parallel_loop3A_662 : i32
      %parallel_loop3A_664 = arith.index_cast %parallel_loop3A_663 : i32 to index
      %parallel_loop3A_665 = arith.constant 48 : index
      %parallel_loop3A_666 = tpu.vector_load %arg8[%parallel_loop3A_664, %parallel_loop3A_665] {strides = array<i32>} : memref<784x128xf32, #tpu.memory_space<vmem>>, vector<16xf32>,
      %parallel_loop3A_667 = arith.minimumf %parallel_loop3A_659, %parallel_loop3A_666 : vector<16xf32>
      %parallel_loop3A_668 = arith.constant 2 : i32
      %parallel_loop3A_669 = arith.muli %parallel_loop3A_668, %parallel_loop3A_638 : i32
      %parallel_loop3A_670 = arith.constant 0 : i32
      %parallel_loop3A_671 = arith.addi %parallel_loop3A_669, %parallel_loop3A_670 : i32
      %parallel_loop3A_672 = arith.index_cast %parallel_loop3A_671 : i32 to index
      %parallel_loop3A_673 = arith.constant 64 : index
      %parallel_loop3A_674 = tpu.vector_load %arg8[%parallel_loop3A_672, %parallel_loop3A_673] {strides = array<i32>} : memref<784x128xf32, #tpu.memory_space<vmem>>, vector<16xf32>,
      %parallel_loop3A_675 = arith.minimumf %parallel_loop3A_667, %parallel_loop3A_674 : vector<16xf32>
      %parallel_loop3A_676 = arith.constant 2 : i32
      %parallel_loop3A_677 = arith.muli %parallel_loop3A_676, %parallel_loop3A_638 : i32
      %parallel_loop3A_678 = arith.constant 0 : i32
      %parallel_loop3A_679 = arith.addi %parallel_loop3A_677, %parallel_loop3A_678 : i32
      %parallel_loop3A_680 = arith.index_cast %parallel_loop3A_679 : i32 to index
      %parallel_loop3A_681 = arith.constant 80 : index
      %parallel_loop3A_682 = tpu.vector_load %arg8[%parallel_loop3A_680, %parallel_loop3A_681] {strides = array<i32>} : memref<784x128xf32, #tpu.memory_space<vmem>>, vector<16xf32>,
      %parallel_loop3A_683 = arith.minimumf %parallel_loop3A_675, %parallel_loop3A_682 : vector<16xf32>
      %parallel_loop3A_684 = arith.constant 2 : i32
      %parallel_loop3A_685 = arith.muli %parallel_loop3A_684, %parallel_loop3A_638 : i32
      %parallel_loop3A_686 = arith.constant 0 : i32
      %parallel_loop3A_687 = arith.addi %parallel_loop3A_685, %parallel_loop3A_686 : i32
      %parallel_loop3A_688 = arith.index_cast %parallel_loop3A_687 : i32 to index
      %parallel_loop3A_689 = arith.constant 96 : index
      %parallel_loop3A_690 = tpu.vector_load %arg8[%parallel_loop3A_688, %parallel_loop3A_689] {strides = array<i32>} : memref<784x128xf32, #tpu.memory_space<vmem>>, vector<16xf32>,
      %parallel_loop3A_691 = arith.minimumf %parallel_loop3A_683, %parallel_loop3A_690 : vector<16xf32>
      %parallel_loop3A_692 = arith.constant 2 : i32
      %parallel_loop3A_693 = arith.muli %parallel_loop3A_692, %parallel_loop3A_638 : i32
      %parallel_loop3A_694 = arith.constant 0 : i32
      %parallel_loop3A_695 = arith.addi %parallel_loop3A_693, %parallel_loop3A_694 : i32
      %parallel_loop3A_696 = arith.index_cast %parallel_loop3A_695 : i32 to index
      %parallel_loop3A_697 = arith.constant 112 : index
      %parallel_loop3A_698 = tpu.vector_load %arg8[%parallel_loop3A_696, %parallel_loop3A_697] {strides = array<i32>} : memref<784x128xf32, #tpu.memory_space<vmem>>, vector<16xf32>,
      %parallel_loop3A_699 = arith.minimumf %parallel_loop3A_691, %parallel_loop3A_698 : vector<16xf32>
      %parallel_loop3A_700 = arith.constant 2 : i32
      %parallel_loop3A_701 = arith.muli %parallel_loop3A_700, %parallel_loop3A_638 : i32
      %parallel_loop3A_702 = arith.constant 1 : i32
      %parallel_loop3A_703 = arith.addi %parallel_loop3A_701, %parallel_loop3A_702 : i32
      %parallel_loop3A_704 = arith.index_cast %parallel_loop3A_703 : i32 to index
      %parallel_loop3A_705 = arith.constant 0 : index
      %parallel_loop3A_706 = tpu.vector_load %arg8[%parallel_loop3A_704, %parallel_loop3A_705] {strides = array<i32>} : memref<784x128xf32, #tpu.memory_space<vmem>>, vector<16xf32>,
      %parallel_loop3A_707 = arith.minimumf %parallel_loop3A_699, %parallel_loop3A_706 : vector<16xf32>
      %parallel_loop3A_708 = arith.constant 2 : i32
      %parallel_loop3A_709 = arith.muli %parallel_loop3A_708, %parallel_loop3A_638 : i32
      %parallel_loop3A_710 = arith.constant 1 : i32
      %parallel_loop3A_711 = arith.addi %parallel_loop3A_709, %parallel_loop3A_710 : i32
      %parallel_loop3A_712 = arith.index_cast %parallel_loop3A_711 : i32 to index
      %parallel_loop3A_713 = arith.constant 16 : index
      %parallel_loop3A_714 = tpu.vector_load %arg8[%parallel_loop3A_712, %parallel_loop3A_713] {strides = array<i32>} : memref<784x128xf32, #tpu.memory_space<vmem>>, vector<16xf32>,
      %parallel_loop3A_715 = arith.minimumf %parallel_loop3A_707, %parallel_loop3A_714 : vector<16xf32>
      %parallel_loop3A_716 = arith.constant 2 : i32
      %parallel_loop3A_717 = arith.muli %parallel_loop3A_716, %parallel_loop3A_638 : i32
      %parallel_loop3A_718 = arith.constant 1 : i32
      %parallel_loop3A_719 = arith.addi %parallel_loop3A_717, %parallel_loop3A_718 : i32
      %parallel_loop3A_720 = arith.index_cast %parallel_loop3A_719 : i32 to index
      %parallel_loop3A_721 = arith.constant 32 : index
      %parallel_loop3A_722 = tpu.vector_load %arg8[%parallel_loop3A_720, %parallel_loop3A_721] {strides = array<i32>} : memref<784x128xf32, #tpu.memory_space<vmem>>, vector<16xf32>,
      %parallel_loop3A_723 = arith.minimumf %parallel_loop3A_715, %parallel_loop3A_722 : vector<16xf32>
      %parallel_loop3A_724 = arith.constant 2 : i32
      %parallel_loop3A_725 = arith.muli %parallel_loop3A_724, %parallel_loop3A_638 : i32
      %parallel_loop3A_726 = arith.constant 1 : i32
      %parallel_loop3A_727 = arith.addi %parallel_loop3A_725, %parallel_loop3A_726 : i32
      %parallel_loop3A_728 = arith.index_cast %parallel_loop3A_727 : i32 to index
      %parallel_loop3A_729 = arith.constant 48 : index
      %parallel_loop3A_730 = tpu.vector_load %arg8[%parallel_loop3A_728, %parallel_loop3A_729] {strides = array<i32>} : memref<784x128xf32, #tpu.memory_space<vmem>>, vector<16xf32>,
      %parallel_loop3A_731 = arith.minimumf %parallel_loop3A_723, %parallel_loop3A_730 : vector<16xf32>
      %parallel_loop3A_732 = arith.constant 2 : i32
      %parallel_loop3A_733 = arith.muli %parallel_loop3A_732, %parallel_loop3A_638 : i32
      %parallel_loop3A_734 = arith.constant 1 : i32
      %parallel_loop3A_735 = arith.addi %parallel_loop3A_733, %parallel_loop3A_734 : i32
      %parallel_loop3A_736 = arith.index_cast %parallel_loop3A_735 : i32 to index
      %parallel_loop3A_737 = arith.constant 64 : index
      %parallel_loop3A_738 = tpu.vector_load %arg8[%parallel_loop3A_736, %parallel_loop3A_737] {strides = array<i32>} : memref<784x128xf32, #tpu.memory_space<vmem>>, vector<16xf32>,
      %parallel_loop3A_739 = arith.minimumf %parallel_loop3A_731, %parallel_loop3A_738 : vector<16xf32>
      %parallel_loop3A_740 = arith.constant 2 : i32
      %parallel_loop3A_741 = arith.muli %parallel_loop3A_740, %parallel_loop3A_638 : i32
      %parallel_loop3A_742 = arith.constant 1 : i32
      %parallel_loop3A_743 = arith.addi %parallel_loop3A_741, %parallel_loop3A_742 : i32
      %parallel_loop3A_744 = arith.index_cast %parallel_loop3A_743 : i32 to index
      %parallel_loop3A_745 = arith.constant 80 : index
      %parallel_loop3A_746 = tpu.vector_load %arg8[%parallel_loop3A_744, %parallel_loop3A_745] {strides = array<i32>} : memref<784x128xf32, #tpu.memory_space<vmem>>, vector<16xf32>,
      %parallel_loop3A_747 = arith.minimumf %parallel_loop3A_739, %parallel_loop3A_746 : vector<16xf32>
      %parallel_loop3A_748 = arith.constant 2 : i32
      %parallel_loop3A_749 = arith.muli %parallel_loop3A_748, %parallel_loop3A_638 : i32
      %parallel_loop3A_750 = arith.constant 1 : i32
      %parallel_loop3A_751 = arith.addi %parallel_loop3A_749, %parallel_loop3A_750 : i32
      %parallel_loop3A_752 = arith.index_cast %parallel_loop3A_751 : i32 to index
      %parallel_loop3A_753 = arith.constant 96 : index
      %parallel_loop3A_754 = tpu.vector_load %arg8[%parallel_loop3A_752, %parallel_loop3A_753] {strides = array<i32>} : memref<784x128xf32, #tpu.memory_space<vmem>>, vector<16xf32>,
      %parallel_loop3A_755 = arith.minimumf %parallel_loop3A_747, %parallel_loop3A_754 : vector<16xf32>
      %parallel_loop3A_756 = arith.constant 2 : i32
      %parallel_loop3A_757 = arith.muli %parallel_loop3A_756, %parallel_loop3A_638 : i32
      %parallel_loop3A_758 = arith.constant 1 : i32
      %parallel_loop3A_759 = arith.addi %parallel_loop3A_757, %parallel_loop3A_758 : i32
      %parallel_loop3A_760 = arith.index_cast %parallel_loop3A_759 : i32 to index
      %parallel_loop3A_761 = arith.constant 112 : index
      %parallel_loop3A_762 = tpu.vector_load %arg8[%parallel_loop3A_760, %parallel_loop3A_761] {strides = array<i32>} : memref<784x128xf32, #tpu.memory_space<vmem>>, vector<16xf32>,
      %parallel_loop3A_763 = arith.minimumf %parallel_loop3A_755, %parallel_loop3A_762 : vector<16xf32>
      %parallel_loop3A_764 = arith.constant 16 : i32
      %parallel_loop3A_765 = arith.muli %parallel_loop3A_638, %parallel_loop3A_764 : i32
      %parallel_loop3A_766 = arith.index_cast %parallel_loop3A_765 : i32 to index
      %parallel_loop3A_767 = tpu.vector_load %arg9[%parallel_loop3A_766] {strides = array<i32>} : memref<6400xf32, #tpu.memory_space<vmem>>, vector<16xf32>,
      tpu.vector_store %arg9[%parallel_loop3A_766], %parallel_loop3A_763 {strides = array<i32>} : memref<6400xf32, #tpu.memory_space<vmem>>, vector<16xf32>,
    } {sc.loop_unroll_factor = 4 : i64, sc.parallel_access}
    %dma_wait3A_220 = arith.constant 392 : i32
    %dma_wait3A_221 = arith.constant 0 : i32
    %dma_wait3A_222 = tpu.memref_slice %arg8[%dma_wait3A_220, %dma_wait3A_221] : memref<784x128xf32, #tpu.memory_space<vmem>> -> memref<98x128xf32, #tpu.memory_space<vmem>>
    %dma_wait3A_223 = arith.constant 0 : i32
    %dma_wait3A_224 = tpu.memref_slice %arg2[%add3A_116, %dma_wait3A_223] : memref<25088x128xf32, #tpu.memory_space<hbm>> -> memref<98x128xf32, #tpu.memory_space<hbm>>
    %dma_wait3A_225 = arith.constant 392 : i32
    %dma_wait3A_226 = arith.constant 0 : i32
    %dma_wait3A_227 = tpu.memref_slice %arg8[%dma_wait3A_225, %dma_wait3A_226] : memref<784x128xf32, #tpu.memory_space<vmem>> -> memref<98x128xf32, #tpu.memory_space<vmem>>
    %dma_wait3A_228 = arith.constant 0 : i32
    %dma_wait3A_229 = tpu.memref_slice %arg2[%add3A_116, %dma_wait3A_228] : memref<25088x128xf32, #tpu.memory_space<hbm>> -> memref<98x128xf32, #tpu.memory_space<hbm>>
    tpu.wait_dma2 semaphore(%arg24 : memref<!tpu.dma_semaphore, #tpu.memory_space<semaphore_mem>>) src(%dma_wait3A_229 : memref<98x128xf32, #tpu.memory_space<hbm>>) dst(%dma_wait3A_227 : memref<98x128xf32, #tpu.memory_space<vmem>>)
    %parallel_loop3A_230 = arith.constant 196 : i32
    %parallel_loop3A_231 = arith.constant 245 : i32
    %parallel_loop3A_232 = arith.constant 1 : i32
    scf.for %parallel_loop3A_638 = %parallel_loop3A_230 to %parallel_loop3A_231 step %parallel_loop3A_232  : i32 {
      %parallel_loop3A_639 = arith.constant 2 : i32
      %parallel_loop3A_640 = arith.muli %parallel_loop3A_639, %parallel_loop3A_638 : i32
      %parallel_loop3A_641 = arith.index_cast %parallel_loop3A_640 : i32 to index
      %parallel_loop3A_642 = arith.constant 0 : index
      %parallel_loop3A_643 = tpu.vector_load %arg8[%parallel_loop3A_641, %parallel_loop3A_642] {strides = array<i32>} : memref<784x128xf32, #tpu.memory_space<vmem>>, vector<16xf32>,
      %parallel_loop3A_644 = arith.constant 2 : i32
      %parallel_loop3A_645 = arith.muli %parallel_loop3A_644, %parallel_loop3A_638 : i32
      %parallel_loop3A_646 = arith.constant 0 : i32
      %parallel_loop3A_647 = arith.addi %parallel_loop3A_645, %parallel_loop3A_646 : i32
      %parallel_loop3A_648 = arith.index_cast %parallel_loop3A_647 : i32 to index
      %parallel_loop3A_649 = arith.constant 16 : index
      %parallel_loop3A_650 = tpu.vector_load %arg8[%parallel_loop3A_648, %parallel_loop3A_649] {strides = array<i32>} : memref<784x128xf32, #tpu.memory_space<vmem>>, vector<16xf32>,
      %parallel_loop3A_651 = arith.minimumf %parallel_loop3A_643, %parallel_loop3A_650 : vector<16xf32>
      %parallel_loop3A_652 = arith.constant 2 : i32
      %parallel_loop3A_653 = arith.muli %parallel_loop3A_652, %parallel_loop3A_638 : i32
      %parallel_loop3A_654 = arith.constant 0 : i32
      %parallel_loop3A_655 = arith.addi %parallel_loop3A_653, %parallel_loop3A_654 : i32
      %parallel_loop3A_656 = arith.index_cast %parallel_loop3A_655 : i32 to index
      %parallel_loop3A_657 = arith.constant 32 : index
      %parallel_loop3A_658 = tpu.vector_load %arg8[%parallel_loop3A_656, %parallel_loop3A_657] {strides = array<i32>} : memref<784x128xf32, #tpu.memory_space<vmem>>, vector<16xf32>,
      %parallel_loop3A_659 = arith.minimumf %parallel_loop3A_651, %parallel_loop3A_658 : vector<16xf32>
      %parallel_loop3A_660 = arith.constant 2 : i32
      %parallel_loop3A_661 = arith.muli %parallel_loop3A_660, %parallel_loop3A_638 : i32
      %parallel_loop3A_662 = arith.constant 0 : i32
      %parallel_loop3A_663 = arith.addi %parallel_loop3A_661, %parallel_loop3A_662 : i32
      %parallel_loop3A_664 = arith.index_cast %parallel_loop3A_663 : i32 to index
      %parallel_loop3A_665 = arith.constant 48 : index
      %parallel_loop3A_666 = tpu.vector_load %arg8[%parallel_loop3A_664, %parallel_loop3A_665] {strides = array<i32>} : memref<784x128xf32, #tpu.memory_space<vmem>>, vector<16xf32>,
      %parallel_loop3A_667 = arith.minimumf %parallel_loop3A_659, %parallel_loop3A_666 : vector<16xf32>
      %parallel_loop3A_668 = arith.constant 2 : i32
      %parallel_loop3A_669 = arith.muli %parallel_loop3A_668, %parallel_loop3A_638 : i32
      %parallel_loop3A_670 = arith.constant 0 : i32
      %parallel_loop3A_671 = arith.addi %parallel_loop3A_669, %parallel_loop3A_670 : i32
      %parallel_loop3A_672 = arith.index_cast %parallel_loop3A_671 : i32 to index
      %parallel_loop3A_673 = arith.constant 64 : index
      %parallel_loop3A_674 = tpu.vector_load %arg8[%parallel_loop3A_672, %parallel_loop3A_673] {strides = array<i32>} : memref<784x128xf32, #tpu.memory_space<vmem>>, vector<16xf32>,
      %parallel_loop3A_675 = arith.minimumf %parallel_loop3A_667, %parallel_loop3A_674 : vector<16xf32>
      %parallel_loop3A_676 = arith.constant 2 : i32
      %parallel_loop3A_677 = arith.muli %parallel_loop3A_676, %parallel_loop3A_638 : i32
      %parallel_loop3A_678 = arith.constant 0 : i32
      %parallel_loop3A_679 = arith.addi %parallel_loop3A_677, %parallel_loop3A_678 : i32
      %parallel_loop3A_680 = arith.index_cast %parallel_loop3A_679 : i32 to index
      %parallel_loop3A_681 = arith.constant 80 : index
      %parallel_loop3A_682 = tpu.vector_load %arg8[%parallel_loop3A_680, %parallel_loop3A_681] {strides = array<i32>} : memref<784x128xf32, #tpu.memory_space<vmem>>, vector<16xf32>,
      %parallel_loop3A_683 = arith.minimumf %parallel_loop3A_675, %parallel_loop3A_682 : vector<16xf32>
      %parallel_loop3A_684 = arith.constant 2 : i32
      %parallel_loop3A_685 = arith.muli %parallel_loop3A_684, %parallel_loop3A_638 : i32
      %parallel_loop3A_686 = arith.constant 0 : i32
      %parallel_loop3A_687 = arith.addi %parallel_loop3A_685, %parallel_loop3A_686 : i32
      %parallel_loop3A_688 = arith.index_cast %parallel_loop3A_687 : i32 to index
      %parallel_loop3A_689 = arith.constant 96 : index
      %parallel_loop3A_690 = tpu.vector_load %arg8[%parallel_loop3A_688, %parallel_loop3A_689] {strides = array<i32>} : memref<784x128xf32, #tpu.memory_space<vmem>>, vector<16xf32>,
      %parallel_loop3A_691 = arith.minimumf %parallel_loop3A_683, %parallel_loop3A_690 : vector<16xf32>
      %parallel_loop3A_692 = arith.constant 2 : i32
      %parallel_loop3A_693 = arith.muli %parallel_loop3A_692, %parallel_loop3A_638 : i32
      %parallel_loop3A_694 = arith.constant 0 : i32
      %parallel_loop3A_695 = arith.addi %parallel_loop3A_693, %parallel_loop3A_694 : i32
      %parallel_loop3A_696 = arith.index_cast %parallel_loop3A_695 : i32 to index
      %parallel_loop3A_697 = arith.constant 112 : index
      %parallel_loop3A_698 = tpu.vector_load %arg8[%parallel_loop3A_696, %parallel_loop3A_697] {strides = array<i32>} : memref<784x128xf32, #tpu.memory_space<vmem>>, vector<16xf32>,
      %parallel_loop3A_699 = arith.minimumf %parallel_loop3A_691, %parallel_loop3A_698 : vector<16xf32>
      %parallel_loop3A_700 = arith.constant 2 : i32
      %parallel_loop3A_701 = arith.muli %parallel_loop3A_700, %parallel_loop3A_638 : i32
      %parallel_loop3A_702 = arith.constant 1 : i32
      %parallel_loop3A_703 = arith.addi %parallel_loop3A_701, %parallel_loop3A_702 : i32
      %parallel_loop3A_704 = arith.index_cast %parallel_loop3A_703 : i32 to index
      %parallel_loop3A_705 = arith.constant 0 : index
      %parallel_loop3A_706 = tpu.vector_load %arg8[%parallel_loop3A_704, %parallel_loop3A_705] {strides = array<i32>} : memref<784x128xf32, #tpu.memory_space<vmem>>, vector<16xf32>,
      %parallel_loop3A_707 = arith.minimumf %parallel_loop3A_699, %parallel_loop3A_706 : vector<16xf32>
      %parallel_loop3A_708 = arith.constant 2 : i32
      %parallel_loop3A_709 = arith.muli %parallel_loop3A_708, %parallel_loop3A_638 : i32
      %parallel_loop3A_710 = arith.constant 1 : i32
      %parallel_loop3A_711 = arith.addi %parallel_loop3A_709, %parallel_loop3A_710 : i32
      %parallel_loop3A_712 = arith.index_cast %parallel_loop3A_711 : i32 to index
      %parallel_loop3A_713 = arith.constant 16 : index
      %parallel_loop3A_714 = tpu.vector_load %arg8[%parallel_loop3A_712, %parallel_loop3A_713] {strides = array<i32>} : memref<784x128xf32, #tpu.memory_space<vmem>>, vector<16xf32>,
      %parallel_loop3A_715 = arith.minimumf %parallel_loop3A_707, %parallel_loop3A_714 : vector<16xf32>
      %parallel_loop3A_716 = arith.constant 2 : i32
      %parallel_loop3A_717 = arith.muli %parallel_loop3A_716, %parallel_loop3A_638 : i32
      %parallel_loop3A_718 = arith.constant 1 : i32
      %parallel_loop3A_719 = arith.addi %parallel_loop3A_717, %parallel_loop3A_718 : i32
      %parallel_loop3A_720 = arith.index_cast %parallel_loop3A_719 : i32 to index
      %parallel_loop3A_721 = arith.constant 32 : index
      %parallel_loop3A_722 = tpu.vector_load %arg8[%parallel_loop3A_720, %parallel_loop3A_721] {strides = array<i32>} : memref<784x128xf32, #tpu.memory_space<vmem>>, vector<16xf32>,
      %parallel_loop3A_723 = arith.minimumf %parallel_loop3A_715, %parallel_loop3A_722 : vector<16xf32>
      %parallel_loop3A_724 = arith.constant 2 : i32
      %parallel_loop3A_725 = arith.muli %parallel_loop3A_724, %parallel_loop3A_638 : i32
      %parallel_loop3A_726 = arith.constant 1 : i32
      %parallel_loop3A_727 = arith.addi %parallel_loop3A_725, %parallel_loop3A_726 : i32
      %parallel_loop3A_728 = arith.index_cast %parallel_loop3A_727 : i32 to index
      %parallel_loop3A_729 = arith.constant 48 : index
      %parallel_loop3A_730 = tpu.vector_load %arg8[%parallel_loop3A_728, %parallel_loop3A_729] {strides = array<i32>} : memref<784x128xf32, #tpu.memory_space<vmem>>, vector<16xf32>,
      %parallel_loop3A_731 = arith.minimumf %parallel_loop3A_723, %parallel_loop3A_730 : vector<16xf32>
      %parallel_loop3A_732 = arith.constant 2 : i32
      %parallel_loop3A_733 = arith.muli %parallel_loop3A_732, %parallel_loop3A_638 : i32
      %parallel_loop3A_734 = arith.constant 1 : i32
      %parallel_loop3A_735 = arith.addi %parallel_loop3A_733, %parallel_loop3A_734 : i32
      %parallel_loop3A_736 = arith.index_cast %parallel_loop3A_735 : i32 to index
      %parallel_loop3A_737 = arith.constant 64 : index
      %parallel_loop3A_738 = tpu.vector_load %arg8[%parallel_loop3A_736, %parallel_loop3A_737] {strides = array<i32>} : memref<784x128xf32, #tpu.memory_space<vmem>>, vector<16xf32>,
      %parallel_loop3A_739 = arith.minimumf %parallel_loop3A_731, %parallel_loop3A_738 : vector<16xf32>
      %parallel_loop3A_740 = arith.constant 2 : i32
      %parallel_loop3A_741 = arith.muli %parallel_loop3A_740, %parallel_loop3A_638 : i32
      %parallel_loop3A_742 = arith.constant 1 : i32
      %parallel_loop3A_743 = arith.addi %parallel_loop3A_741, %parallel_loop3A_742 : i32
      %parallel_loop3A_744 = arith.index_cast %parallel_loop3A_743 : i32 to index
      %parallel_loop3A_745 = arith.constant 80 : index
      %parallel_loop3A_746 = tpu.vector_load %arg8[%parallel_loop3A_744, %parallel_loop3A_745] {strides = array<i32>} : memref<784x128xf32, #tpu.memory_space<vmem>>, vector<16xf32>,
      %parallel_loop3A_747 = arith.minimumf %parallel_loop3A_739, %parallel_loop3A_746 : vector<16xf32>
      %parallel_loop3A_748 = arith.constant 2 : i32
      %parallel_loop3A_749 = arith.muli %parallel_loop3A_748, %parallel_loop3A_638 : i32
      %parallel_loop3A_750 = arith.constant 1 : i32
      %parallel_loop3A_751 = arith.addi %parallel_loop3A_749, %parallel_loop3A_750 : i32
      %parallel_loop3A_752 = arith.index_cast %parallel_loop3A_751 : i32 to index
      %parallel_loop3A_753 = arith.constant 96 : index
      %parallel_loop3A_754 = tpu.vector_load %arg8[%parallel_loop3A_752, %parallel_loop3A_753] {strides = array<i32>} : memref<784x128xf32, #tpu.memory_space<vmem>>, vector<16xf32>,
      %parallel_loop3A_755 = arith.minimumf %parallel_loop3A_747, %parallel_loop3A_754 : vector<16xf32>
      %parallel_loop3A_756 = arith.constant 2 : i32
      %parallel_loop3A_757 = arith.muli %parallel_loop3A_756, %parallel_loop3A_638 : i32
      %parallel_loop3A_758 = arith.constant 1 : i32
      %parallel_loop3A_759 = arith.addi %parallel_loop3A_757, %parallel_loop3A_758 : i32
      %parallel_loop3A_760 = arith.index_cast %parallel_loop3A_759 : i32 to index
      %parallel_loop3A_761 = arith.constant 112 : index
      %parallel_loop3A_762 = tpu.vector_load %arg8[%parallel_loop3A_760, %parallel_loop3A_761] {strides = array<i32>} : memref<784x128xf32, #tpu.memory_space<vmem>>, vector<16xf32>,
      %parallel_loop3A_763 = arith.minimumf %parallel_loop3A_755, %parallel_loop3A_762 : vector<16xf32>
      %parallel_loop3A_764 = arith.constant 16 : i32
      %parallel_loop3A_765 = arith.muli %parallel_loop3A_638, %parallel_loop3A_764 : i32
      %parallel_loop3A_766 = arith.index_cast %parallel_loop3A_765 : i32 to index
      %parallel_loop3A_767 = tpu.vector_load %arg9[%parallel_loop3A_766] {strides = array<i32>} : memref<6400xf32, #tpu.memory_space<vmem>>, vector<16xf32>,
      tpu.vector_store %arg9[%parallel_loop3A_766], %parallel_loop3A_763 {strides = array<i32>} : memref<6400xf32, #tpu.memory_space<vmem>>, vector<16xf32>,
    } {sc.loop_unroll_factor = 4 : i64, sc.parallel_access}
    %dma_wait3A_233 = arith.constant 490 : i32
    %dma_wait3A_234 = arith.constant 0 : i32
    %dma_wait3A_235 = tpu.memref_slice %arg8[%dma_wait3A_233, %dma_wait3A_234] : memref<784x128xf32, #tpu.memory_space<vmem>> -> memref<98x128xf32, #tpu.memory_space<vmem>>
    %dma_wait3A_236 = arith.constant 0 : i32
    %dma_wait3A_237 = tpu.memref_slice %arg2[%add3A_130, %dma_wait3A_236] : memref<25088x128xf32, #tpu.memory_space<hbm>> -> memref<98x128xf32, #tpu.memory_space<hbm>>
    %dma_wait3A_238 = arith.constant 490 : i32
    %dma_wait3A_239 = arith.constant 0 : i32
    %dma_wait3A_240 = tpu.memref_slice %arg8[%dma_wait3A_238, %dma_wait3A_239] : memref<784x128xf32, #tpu.memory_space<vmem>> -> memref<98x128xf32, #tpu.memory_space<vmem>>
    %dma_wait3A_241 = arith.constant 0 : i32
    %dma_wait3A_242 = tpu.memref_slice %arg2[%add3A_130, %dma_wait3A_241] : memref<25088x128xf32, #tpu.memory_space<hbm>> -> memref<98x128xf32, #tpu.memory_space<hbm>>
    tpu.wait_dma2 semaphore(%arg25 : memref<!tpu.dma_semaphore, #tpu.memory_space<semaphore_mem>>) src(%dma_wait3A_242 : memref<98x128xf32, #tpu.memory_space<hbm>>) dst(%dma_wait3A_240 : memref<98x128xf32, #tpu.memory_space<vmem>>)
    %parallel_loop3A_243 = arith.constant 245 : i32
    %parallel_loop3A_244 = arith.constant 294 : i32
    %parallel_loop3A_245 = arith.constant 1 : i32
    scf.for %parallel_loop3A_638 = %parallel_loop3A_243 to %parallel_loop3A_244 step %parallel_loop3A_245  : i32 {
      %parallel_loop3A_639 = arith.constant 2 : i32
      %parallel_loop3A_640 = arith.muli %parallel_loop3A_639, %parallel_loop3A_638 : i32
      %parallel_loop3A_641 = arith.index_cast %parallel_loop3A_640 : i32 to index
      %parallel_loop3A_642 = arith.constant 0 : index
      %parallel_loop3A_643 = tpu.vector_load %arg8[%parallel_loop3A_641, %parallel_loop3A_642] {strides = array<i32>} : memref<784x128xf32, #tpu.memory_space<vmem>>, vector<16xf32>,
      %parallel_loop3A_644 = arith.constant 2 : i32
      %parallel_loop3A_645 = arith.muli %parallel_loop3A_644, %parallel_loop3A_638 : i32
      %parallel_loop3A_646 = arith.constant 0 : i32
      %parallel_loop3A_647 = arith.addi %parallel_loop3A_645, %parallel_loop3A_646 : i32
      %parallel_loop3A_648 = arith.index_cast %parallel_loop3A_647 : i32 to index
      %parallel_loop3A_649 = arith.constant 16 : index
      %parallel_loop3A_650 = tpu.vector_load %arg8[%parallel_loop3A_648, %parallel_loop3A_649] {strides = array<i32>} : memref<784x128xf32, #tpu.memory_space<vmem>>, vector<16xf32>,
      %parallel_loop3A_651 = arith.minimumf %parallel_loop3A_643, %parallel_loop3A_650 : vector<16xf32>
      %parallel_loop3A_652 = arith.constant 2 : i32
      %parallel_loop3A_653 = arith.muli %parallel_loop3A_652, %parallel_loop3A_638 : i32
      %parallel_loop3A_654 = arith.constant 0 : i32
      %parallel_loop3A_655 = arith.addi %parallel_loop3A_653, %parallel_loop3A_654 : i32
      %parallel_loop3A_656 = arith.index_cast %parallel_loop3A_655 : i32 to index
      %parallel_loop3A_657 = arith.constant 32 : index
      %parallel_loop3A_658 = tpu.vector_load %arg8[%parallel_loop3A_656, %parallel_loop3A_657] {strides = array<i32>} : memref<784x128xf32, #tpu.memory_space<vmem>>, vector<16xf32>,
      %parallel_loop3A_659 = arith.minimumf %parallel_loop3A_651, %parallel_loop3A_658 : vector<16xf32>
      %parallel_loop3A_660 = arith.constant 2 : i32
      %parallel_loop3A_661 = arith.muli %parallel_loop3A_660, %parallel_loop3A_638 : i32
      %parallel_loop3A_662 = arith.constant 0 : i32
      %parallel_loop3A_663 = arith.addi %parallel_loop3A_661, %parallel_loop3A_662 : i32
      %parallel_loop3A_664 = arith.index_cast %parallel_loop3A_663 : i32 to index
      %parallel_loop3A_665 = arith.constant 48 : index
      %parallel_loop3A_666 = tpu.vector_load %arg8[%parallel_loop3A_664, %parallel_loop3A_665] {strides = array<i32>} : memref<784x128xf32, #tpu.memory_space<vmem>>, vector<16xf32>,
      %parallel_loop3A_667 = arith.minimumf %parallel_loop3A_659, %parallel_loop3A_666 : vector<16xf32>
      %parallel_loop3A_668 = arith.constant 2 : i32
      %parallel_loop3A_669 = arith.muli %parallel_loop3A_668, %parallel_loop3A_638 : i32
      %parallel_loop3A_670 = arith.constant 0 : i32
      %parallel_loop3A_671 = arith.addi %parallel_loop3A_669, %parallel_loop3A_670 : i32
      %parallel_loop3A_672 = arith.index_cast %parallel_loop3A_671 : i32 to index
      %parallel_loop3A_673 = arith.constant 64 : index
      %parallel_loop3A_674 = tpu.vector_load %arg8[%parallel_loop3A_672, %parallel_loop3A_673] {strides = array<i32>} : memref<784x128xf32, #tpu.memory_space<vmem>>, vector<16xf32>,
      %parallel_loop3A_675 = arith.minimumf %parallel_loop3A_667, %parallel_loop3A_674 : vector<16xf32>
      %parallel_loop3A_676 = arith.constant 2 : i32
      %parallel_loop3A_677 = arith.muli %parallel_loop3A_676, %parallel_loop3A_638 : i32
      %parallel_loop3A_678 = arith.constant 0 : i32
      %parallel_loop3A_679 = arith.addi %parallel_loop3A_677, %parallel_loop3A_678 : i32
      %parallel_loop3A_680 = arith.index_cast %parallel_loop3A_679 : i32 to index
      %parallel_loop3A_681 = arith.constant 80 : index
      %parallel_loop3A_682 = tpu.vector_load %arg8[%parallel_loop3A_680, %parallel_loop3A_681] {strides = array<i32>} : memref<784x128xf32, #tpu.memory_space<vmem>>, vector<16xf32>,
      %parallel_loop3A_683 = arith.minimumf %parallel_loop3A_675, %parallel_loop3A_682 : vector<16xf32>
      %parallel_loop3A_684 = arith.constant 2 : i32
      %parallel_loop3A_685 = arith.muli %parallel_loop3A_684, %parallel_loop3A_638 : i32
      %parallel_loop3A_686 = arith.constant 0 : i32
      %parallel_loop3A_687 = arith.addi %parallel_loop3A_685, %parallel_loop3A_686 : i32
      %parallel_loop3A_688 = arith.index_cast %parallel_loop3A_687 : i32 to index
      %parallel_loop3A_689 = arith.constant 96 : index
      %parallel_loop3A_690 = tpu.vector_load %arg8[%parallel_loop3A_688, %parallel_loop3A_689] {strides = array<i32>} : memref<784x128xf32, #tpu.memory_space<vmem>>, vector<16xf32>,
      %parallel_loop3A_691 = arith.minimumf %parallel_loop3A_683, %parallel_loop3A_690 : vector<16xf32>
      %parallel_loop3A_692 = arith.constant 2 : i32
      %parallel_loop3A_693 = arith.muli %parallel_loop3A_692, %parallel_loop3A_638 : i32
      %parallel_loop3A_694 = arith.constant 0 : i32
      %parallel_loop3A_695 = arith.addi %parallel_loop3A_693, %parallel_loop3A_694 : i32
      %parallel_loop3A_696 = arith.index_cast %parallel_loop3A_695 : i32 to index
      %parallel_loop3A_697 = arith.constant 112 : index
      %parallel_loop3A_698 = tpu.vector_load %arg8[%parallel_loop3A_696, %parallel_loop3A_697] {strides = array<i32>} : memref<784x128xf32, #tpu.memory_space<vmem>>, vector<16xf32>,
      %parallel_loop3A_699 = arith.minimumf %parallel_loop3A_691, %parallel_loop3A_698 : vector<16xf32>
      %parallel_loop3A_700 = arith.constant 2 : i32
      %parallel_loop3A_701 = arith.muli %parallel_loop3A_700, %parallel_loop3A_638 : i32
      %parallel_loop3A_702 = arith.constant 1 : i32
      %parallel_loop3A_703 = arith.addi %parallel_loop3A_701, %parallel_loop3A_702 : i32
      %parallel_loop3A_704 = arith.index_cast %parallel_loop3A_703 : i32 to index
      %parallel_loop3A_705 = arith.constant 0 : index
      %parallel_loop3A_706 = tpu.vector_load %arg8[%parallel_loop3A_704, %parallel_loop3A_705] {strides = array<i32>} : memref<784x128xf32, #tpu.memory_space<vmem>>, vector<16xf32>,
      %parallel_loop3A_707 = arith.minimumf %parallel_loop3A_699, %parallel_loop3A_706 : vector<16xf32>
      %parallel_loop3A_708 = arith.constant 2 : i32
      %parallel_loop3A_709 = arith.muli %parallel_loop3A_708, %parallel_loop3A_638 : i32
      %parallel_loop3A_710 = arith.constant 1 : i32
      %parallel_loop3A_711 = arith.addi %parallel_loop3A_709, %parallel_loop3A_710 : i32
      %parallel_loop3A_712 = arith.index_cast %parallel_loop3A_711 : i32 to index
      %parallel_loop3A_713 = arith.constant 16 : index
      %parallel_loop3A_714 = tpu.vector_load %arg8[%parallel_loop3A_712, %parallel_loop3A_713] {strides = array<i32>} : memref<784x128xf32, #tpu.memory_space<vmem>>, vector<16xf32>,
      %parallel_loop3A_715 = arith.minimumf %parallel_loop3A_707, %parallel_loop3A_714 : vector<16xf32>
      %parallel_loop3A_716 = arith.constant 2 : i32
      %parallel_loop3A_717 = arith.muli %parallel_loop3A_716, %parallel_loop3A_638 : i32
      %parallel_loop3A_718 = arith.constant 1 : i32
      %parallel_loop3A_719 = arith.addi %parallel_loop3A_717, %parallel_loop3A_718 : i32
      %parallel_loop3A_720 = arith.index_cast %parallel_loop3A_719 : i32 to index
      %parallel_loop3A_721 = arith.constant 32 : index
      %parallel_loop3A_722 = tpu.vector_load %arg8[%parallel_loop3A_720, %parallel_loop3A_721] {strides = array<i32>} : memref<784x128xf32, #tpu.memory_space<vmem>>, vector<16xf32>,
      %parallel_loop3A_723 = arith.minimumf %parallel_loop3A_715, %parallel_loop3A_722 : vector<16xf32>
      %parallel_loop3A_724 = arith.constant 2 : i32
      %parallel_loop3A_725 = arith.muli %parallel_loop3A_724, %parallel_loop3A_638 : i32
      %parallel_loop3A_726 = arith.constant 1 : i32
      %parallel_loop3A_727 = arith.addi %parallel_loop3A_725, %parallel_loop3A_726 : i32
      %parallel_loop3A_728 = arith.index_cast %parallel_loop3A_727 : i32 to index
      %parallel_loop3A_729 = arith.constant 48 : index
      %parallel_loop3A_730 = tpu.vector_load %arg8[%parallel_loop3A_728, %parallel_loop3A_729] {strides = array<i32>} : memref<784x128xf32, #tpu.memory_space<vmem>>, vector<16xf32>,
      %parallel_loop3A_731 = arith.minimumf %parallel_loop3A_723, %parallel_loop3A_730 : vector<16xf32>
      %parallel_loop3A_732 = arith.constant 2 : i32
      %parallel_loop3A_733 = arith.muli %parallel_loop3A_732, %parallel_loop3A_638 : i32
      %parallel_loop3A_734 = arith.constant 1 : i32
      %parallel_loop3A_735 = arith.addi %parallel_loop3A_733, %parallel_loop3A_734 : i32
      %parallel_loop3A_736 = arith.index_cast %parallel_loop3A_735 : i32 to index
      %parallel_loop3A_737 = arith.constant 64 : index
      %parallel_loop3A_738 = tpu.vector_load %arg8[%parallel_loop3A_736, %parallel_loop3A_737] {strides = array<i32>} : memref<784x128xf32, #tpu.memory_space<vmem>>, vector<16xf32>,
      %parallel_loop3A_739 = arith.minimumf %parallel_loop3A_731, %parallel_loop3A_738 : vector<16xf32>
      %parallel_loop3A_740 = arith.constant 2 : i32
      %parallel_loop3A_741 = arith.muli %parallel_loop3A_740, %parallel_loop3A_638 : i32
      %parallel_loop3A_742 = arith.constant 1 : i32
      %parallel_loop3A_743 = arith.addi %parallel_loop3A_741, %parallel_loop3A_742 : i32
      %parallel_loop3A_744 = arith.index_cast %parallel_loop3A_743 : i32 to index
      %parallel_loop3A_745 = arith.constant 80 : index
      %parallel_loop3A_746 = tpu.vector_load %arg8[%parallel_loop3A_744, %parallel_loop3A_745] {strides = array<i32>} : memref<784x128xf32, #tpu.memory_space<vmem>>, vector<16xf32>,
      %parallel_loop3A_747 = arith.minimumf %parallel_loop3A_739, %parallel_loop3A_746 : vector<16xf32>
      %parallel_loop3A_748 = arith.constant 2 : i32
      %parallel_loop3A_749 = arith.muli %parallel_loop3A_748, %parallel_loop3A_638 : i32
      %parallel_loop3A_750 = arith.constant 1 : i32
      %parallel_loop3A_751 = arith.addi %parallel_loop3A_749, %parallel_loop3A_750 : i32
      %parallel_loop3A_752 = arith.index_cast %parallel_loop3A_751 : i32 to index
      %parallel_loop3A_753 = arith.constant 96 : index
      %parallel_loop3A_754 = tpu.vector_load %arg8[%parallel_loop3A_752, %parallel_loop3A_753] {strides = array<i32>} : memref<784x128xf32, #tpu.memory_space<vmem>>, vector<16xf32>,
      %parallel_loop3A_755 = arith.minimumf %parallel_loop3A_747, %parallel_loop3A_754 : vector<16xf32>
      %parallel_loop3A_756 = arith.constant 2 : i32
      %parallel_loop3A_757 = arith.muli %parallel_loop3A_756, %parallel_loop3A_638 : i32
      %parallel_loop3A_758 = arith.constant 1 : i32
      %parallel_loop3A_759 = arith.addi %parallel_loop3A_757, %parallel_loop3A_758 : i32
      %parallel_loop3A_760 = arith.index_cast %parallel_loop3A_759 : i32 to index
      %parallel_loop3A_761 = arith.constant 112 : index
      %parallel_loop3A_762 = tpu.vector_load %arg8[%parallel_loop3A_760, %parallel_loop3A_761] {strides = array<i32>} : memref<784x128xf32, #tpu.memory_space<vmem>>, vector<16xf32>,
      %parallel_loop3A_763 = arith.minimumf %parallel_loop3A_755, %parallel_loop3A_762 : vector<16xf32>
      %parallel_loop3A_764 = arith.constant 16 : i32
      %parallel_loop3A_765 = arith.muli %parallel_loop3A_638, %parallel_loop3A_764 : i32
      %parallel_loop3A_766 = arith.index_cast %parallel_loop3A_765 : i32 to index
      %parallel_loop3A_767 = tpu.vector_load %arg9[%parallel_loop3A_766] {strides = array<i32>} : memref<6400xf32, #tpu.memory_space<vmem>>, vector<16xf32>,
      tpu.vector_store %arg9[%parallel_loop3A_766], %parallel_loop3A_763 {strides = array<i32>} : memref<6400xf32, #tpu.memory_space<vmem>>, vector<16xf32>,
    } {sc.loop_unroll_factor = 4 : i64, sc.parallel_access}
    %dma_wait3A_246 = arith.constant 588 : i32
    %dma_wait3A_247 = arith.constant 0 : i32
    %dma_wait3A_248 = tpu.memref_slice %arg8[%dma_wait3A_246, %dma_wait3A_247] : memref<784x128xf32, #tpu.memory_space<vmem>> -> memref<98x128xf32, #tpu.memory_space<vmem>>
    %dma_wait3A_249 = arith.constant 0 : i32
    %dma_wait3A_250 = tpu.memref_slice %arg2[%add3A_144, %dma_wait3A_249] : memref<25088x128xf32, #tpu.memory_space<hbm>> -> memref<98x128xf32, #tpu.memory_space<hbm>>
    %dma_wait3A_251 = arith.constant 588 : i32
    %dma_wait3A_252 = arith.constant 0 : i32
    %dma_wait3A_253 = tpu.memref_slice %arg8[%dma_wait3A_251, %dma_wait3A_252] : memref<784x128xf32, #tpu.memory_space<vmem>> -> memref<98x128xf32, #tpu.memory_space<vmem>>
    %dma_wait3A_254 = arith.constant 0 : i32
    %dma_wait3A_255 = tpu.memref_slice %arg2[%add3A_144, %dma_wait3A_254] : memref<25088x128xf32, #tpu.memory_space<hbm>> -> memref<98x128xf32, #tpu.memory_space<hbm>>
    tpu.wait_dma2 semaphore(%arg26 : memref<!tpu.dma_semaphore, #tpu.memory_space<semaphore_mem>>) src(%dma_wait3A_255 : memref<98x128xf32, #tpu.memory_space<hbm>>) dst(%dma_wait3A_253 : memref<98x128xf32, #tpu.memory_space<vmem>>)
    %parallel_loop3A_256 = arith.constant 294 : i32
    %parallel_loop3A_257 = arith.constant 343 : i32
    %parallel_loop3A_258 = arith.constant 1 : i32
    scf.for %parallel_loop3A_638 = %parallel_loop3A_256 to %parallel_loop3A_257 step %parallel_loop3A_258  : i32 {
      %parallel_loop3A_639 = arith.constant 2 : i32
      %parallel_loop3A_640 = arith.muli %parallel_loop3A_639, %parallel_loop3A_638 : i32
      %parallel_loop3A_641 = arith.index_cast %parallel_loop3A_640 : i32 to index
      %parallel_loop3A_642 = arith.constant 0 : index
      %parallel_loop3A_643 = tpu.vector_load %arg8[%parallel_loop3A_641, %parallel_loop3A_642] {strides = array<i32>} : memref<784x128xf32, #tpu.memory_space<vmem>>, vector<16xf32>,
      %parallel_loop3A_644 = arith.constant 2 : i32
      %parallel_loop3A_645 = arith.muli %parallel_loop3A_644, %parallel_loop3A_638 : i32
      %parallel_loop3A_646 = arith.constant 0 : i32
      %parallel_loop3A_647 = arith.addi %parallel_loop3A_645, %parallel_loop3A_646 : i32
      %parallel_loop3A_648 = arith.index_cast %parallel_loop3A_647 : i32 to index
      %parallel_loop3A_649 = arith.constant 16 : index
      %parallel_loop3A_650 = tpu.vector_load %arg8[%parallel_loop3A_648, %parallel_loop3A_649] {strides = array<i32>} : memref<784x128xf32, #tpu.memory_space<vmem>>, vector<16xf32>,
      %parallel_loop3A_651 = arith.minimumf %parallel_loop3A_643, %parallel_loop3A_650 : vector<16xf32>
      %parallel_loop3A_652 = arith.constant 2 : i32
      %parallel_loop3A_653 = arith.muli %parallel_loop3A_652, %parallel_loop3A_638 : i32
      %parallel_loop3A_654 = arith.constant 0 : i32
      %parallel_loop3A_655 = arith.addi %parallel_loop3A_653, %parallel_loop3A_654 : i32
      %parallel_loop3A_656 = arith.index_cast %parallel_loop3A_655 : i32 to index
      %parallel_loop3A_657 = arith.constant 32 : index
      %parallel_loop3A_658 = tpu.vector_load %arg8[%parallel_loop3A_656, %parallel_loop3A_657] {strides = array<i32>} : memref<784x128xf32, #tpu.memory_space<vmem>>, vector<16xf32>,
      %parallel_loop3A_659 = arith.minimumf %parallel_loop3A_651, %parallel_loop3A_658 : vector<16xf32>
      %parallel_loop3A_660 = arith.constant 2 : i32
      %parallel_loop3A_661 = arith.muli %parallel_loop3A_660, %parallel_loop3A_638 : i32
      %parallel_loop3A_662 = arith.constant 0 : i32
      %parallel_loop3A_663 = arith.addi %parallel_loop3A_661, %parallel_loop3A_662 : i32
      %parallel_loop3A_664 = arith.index_cast %parallel_loop3A_663 : i32 to index
      %parallel_loop3A_665 = arith.constant 48 : index
      %parallel_loop3A_666 = tpu.vector_load %arg8[%parallel_loop3A_664, %parallel_loop3A_665] {strides = array<i32>} : memref<784x128xf32, #tpu.memory_space<vmem>>, vector<16xf32>,
      %parallel_loop3A_667 = arith.minimumf %parallel_loop3A_659, %parallel_loop3A_666 : vector<16xf32>
      %parallel_loop3A_668 = arith.constant 2 : i32
      %parallel_loop3A_669 = arith.muli %parallel_loop3A_668, %parallel_loop3A_638 : i32
      %parallel_loop3A_670 = arith.constant 0 : i32
      %parallel_loop3A_671 = arith.addi %parallel_loop3A_669, %parallel_loop3A_670 : i32
      %parallel_loop3A_672 = arith.index_cast %parallel_loop3A_671 : i32 to index
      %parallel_loop3A_673 = arith.constant 64 : index
      %parallel_loop3A_674 = tpu.vector_load %arg8[%parallel_loop3A_672, %parallel_loop3A_673] {strides = array<i32>} : memref<784x128xf32, #tpu.memory_space<vmem>>, vector<16xf32>,
      %parallel_loop3A_675 = arith.minimumf %parallel_loop3A_667, %parallel_loop3A_674 : vector<16xf32>
      %parallel_loop3A_676 = arith.constant 2 : i32
      %parallel_loop3A_677 = arith.muli %parallel_loop3A_676, %parallel_loop3A_638 : i32
      %parallel_loop3A_678 = arith.constant 0 : i32
      %parallel_loop3A_679 = arith.addi %parallel_loop3A_677, %parallel_loop3A_678 : i32
      %parallel_loop3A_680 = arith.index_cast %parallel_loop3A_679 : i32 to index
      %parallel_loop3A_681 = arith.constant 80 : index
      %parallel_loop3A_682 = tpu.vector_load %arg8[%parallel_loop3A_680, %parallel_loop3A_681] {strides = array<i32>} : memref<784x128xf32, #tpu.memory_space<vmem>>, vector<16xf32>,
      %parallel_loop3A_683 = arith.minimumf %parallel_loop3A_675, %parallel_loop3A_682 : vector<16xf32>
      %parallel_loop3A_684 = arith.constant 2 : i32
      %parallel_loop3A_685 = arith.muli %parallel_loop3A_684, %parallel_loop3A_638 : i32
      %parallel_loop3A_686 = arith.constant 0 : i32
      %parallel_loop3A_687 = arith.addi %parallel_loop3A_685, %parallel_loop3A_686 : i32
      %parallel_loop3A_688 = arith.index_cast %parallel_loop3A_687 : i32 to index
      %parallel_loop3A_689 = arith.constant 96 : index
      %parallel_loop3A_690 = tpu.vector_load %arg8[%parallel_loop3A_688, %parallel_loop3A_689] {strides = array<i32>} : memref<784x128xf32, #tpu.memory_space<vmem>>, vector<16xf32>,
      %parallel_loop3A_691 = arith.minimumf %parallel_loop3A_683, %parallel_loop3A_690 : vector<16xf32>
      %parallel_loop3A_692 = arith.constant 2 : i32
      %parallel_loop3A_693 = arith.muli %parallel_loop3A_692, %parallel_loop3A_638 : i32
      %parallel_loop3A_694 = arith.constant 0 : i32
      %parallel_loop3A_695 = arith.addi %parallel_loop3A_693, %parallel_loop3A_694 : i32
      %parallel_loop3A_696 = arith.index_cast %parallel_loop3A_695 : i32 to index
      %parallel_loop3A_697 = arith.constant 112 : index
      %parallel_loop3A_698 = tpu.vector_load %arg8[%parallel_loop3A_696, %parallel_loop3A_697] {strides = array<i32>} : memref<784x128xf32, #tpu.memory_space<vmem>>, vector<16xf32>,
      %parallel_loop3A_699 = arith.minimumf %parallel_loop3A_691, %parallel_loop3A_698 : vector<16xf32>
      %parallel_loop3A_700 = arith.constant 2 : i32
      %parallel_loop3A_701 = arith.muli %parallel_loop3A_700, %parallel_loop3A_638 : i32
      %parallel_loop3A_702 = arith.constant 1 : i32
      %parallel_loop3A_703 = arith.addi %parallel_loop3A_701, %parallel_loop3A_702 : i32
      %parallel_loop3A_704 = arith.index_cast %parallel_loop3A_703 : i32 to index
      %parallel_loop3A_705 = arith.constant 0 : index
      %parallel_loop3A_706 = tpu.vector_load %arg8[%parallel_loop3A_704, %parallel_loop3A_705] {strides = array<i32>} : memref<784x128xf32, #tpu.memory_space<vmem>>, vector<16xf32>,
      %parallel_loop3A_707 = arith.minimumf %parallel_loop3A_699, %parallel_loop3A_706 : vector<16xf32>
      %parallel_loop3A_708 = arith.constant 2 : i32
      %parallel_loop3A_709 = arith.muli %parallel_loop3A_708, %parallel_loop3A_638 : i32
      %parallel_loop3A_710 = arith.constant 1 : i32
      %parallel_loop3A_711 = arith.addi %parallel_loop3A_709, %parallel_loop3A_710 : i32
      %parallel_loop3A_712 = arith.index_cast %parallel_loop3A_711 : i32 to index
      %parallel_loop3A_713 = arith.constant 16 : index
      %parallel_loop3A_714 = tpu.vector_load %arg8[%parallel_loop3A_712, %parallel_loop3A_713] {strides = array<i32>} : memref<784x128xf32, #tpu.memory_space<vmem>>, vector<16xf32>,
      %parallel_loop3A_715 = arith.minimumf %parallel_loop3A_707, %parallel_loop3A_714 : vector<16xf32>
      %parallel_loop3A_716 = arith.constant 2 : i32
      %parallel_loop3A_717 = arith.muli %parallel_loop3A_716, %parallel_loop3A_638 : i32
      %parallel_loop3A_718 = arith.constant 1 : i32
      %parallel_loop3A_719 = arith.addi %parallel_loop3A_717, %parallel_loop3A_718 : i32
      %parallel_loop3A_720 = arith.index_cast %parallel_loop3A_719 : i32 to index
      %parallel_loop3A_721 = arith.constant 32 : index
      %parallel_loop3A_722 = tpu.vector_load %arg8[%parallel_loop3A_720, %parallel_loop3A_721] {strides = array<i32>} : memref<784x128xf32, #tpu.memory_space<vmem>>, vector<16xf32>,
      %parallel_loop3A_723 = arith.minimumf %parallel_loop3A_715, %parallel_loop3A_722 : vector<16xf32>
      %parallel_loop3A_724 = arith.constant 2 : i32
      %parallel_loop3A_725 = arith.muli %parallel_loop3A_724, %parallel_loop3A_638 : i32
      %parallel_loop3A_726 = arith.constant 1 : i32
      %parallel_loop3A_727 = arith.addi %parallel_loop3A_725, %parallel_loop3A_726 : i32
      %parallel_loop3A_728 = arith.index_cast %parallel_loop3A_727 : i32 to index
      %parallel_loop3A_729 = arith.constant 48 : index
      %parallel_loop3A_730 = tpu.vector_load %arg8[%parallel_loop3A_728, %parallel_loop3A_729] {strides = array<i32>} : memref<784x128xf32, #tpu.memory_space<vmem>>, vector<16xf32>,
      %parallel_loop3A_731 = arith.minimumf %parallel_loop3A_723, %parallel_loop3A_730 : vector<16xf32>
      %parallel_loop3A_732 = arith.constant 2 : i32
      %parallel_loop3A_733 = arith.muli %parallel_loop3A_732, %parallel_loop3A_638 : i32
      %parallel_loop3A_734 = arith.constant 1 : i32
      %parallel_loop3A_735 = arith.addi %parallel_loop3A_733, %parallel_loop3A_734 : i32
      %parallel_loop3A_736 = arith.index_cast %parallel_loop3A_735 : i32 to index
      %parallel_loop3A_737 = arith.constant 64 : index
      %parallel_loop3A_738 = tpu.vector_load %arg8[%parallel_loop3A_736, %parallel_loop3A_737] {strides = array<i32>} : memref<784x128xf32, #tpu.memory_space<vmem>>, vector<16xf32>,
      %parallel_loop3A_739 = arith.minimumf %parallel_loop3A_731, %parallel_loop3A_738 : vector<16xf32>
      %parallel_loop3A_740 = arith.constant 2 : i32
      %parallel_loop3A_741 = arith.muli %parallel_loop3A_740, %parallel_loop3A_638 : i32
      %parallel_loop3A_742 = arith.constant 1 : i32
      %parallel_loop3A_743 = arith.addi %parallel_loop3A_741, %parallel_loop3A_742 : i32
      %parallel_loop3A_744 = arith.index_cast %parallel_loop3A_743 : i32 to index
      %parallel_loop3A_745 = arith.constant 80 : index
      %parallel_loop3A_746 = tpu.vector_load %arg8[%parallel_loop3A_744, %parallel_loop3A_745] {strides = array<i32>} : memref<784x128xf32, #tpu.memory_space<vmem>>, vector<16xf32>,
      %parallel_loop3A_747 = arith.minimumf %parallel_loop3A_739, %parallel_loop3A_746 : vector<16xf32>
      %parallel_loop3A_748 = arith.constant 2 : i32
      %parallel_loop3A_749 = arith.muli %parallel_loop3A_748, %parallel_loop3A_638 : i32
      %parallel_loop3A_750 = arith.constant 1 : i32
      %parallel_loop3A_751 = arith.addi %parallel_loop3A_749, %parallel_loop3A_750 : i32
      %parallel_loop3A_752 = arith.index_cast %parallel_loop3A_751 : i32 to index
      %parallel_loop3A_753 = arith.constant 96 : index
      %parallel_loop3A_754 = tpu.vector_load %arg8[%parallel_loop3A_752, %parallel_loop3A_753] {strides = array<i32>} : memref<784x128xf32, #tpu.memory_space<vmem>>, vector<16xf32>,
      %parallel_loop3A_755 = arith.minimumf %parallel_loop3A_747, %parallel_loop3A_754 : vector<16xf32>
      %parallel_loop3A_756 = arith.constant 2 : i32
      %parallel_loop3A_757 = arith.muli %parallel_loop3A_756, %parallel_loop3A_638 : i32
      %parallel_loop3A_758 = arith.constant 1 : i32
      %parallel_loop3A_759 = arith.addi %parallel_loop3A_757, %parallel_loop3A_758 : i32
      %parallel_loop3A_760 = arith.index_cast %parallel_loop3A_759 : i32 to index
      %parallel_loop3A_761 = arith.constant 112 : index
      %parallel_loop3A_762 = tpu.vector_load %arg8[%parallel_loop3A_760, %parallel_loop3A_761] {strides = array<i32>} : memref<784x128xf32, #tpu.memory_space<vmem>>, vector<16xf32>,
      %parallel_loop3A_763 = arith.minimumf %parallel_loop3A_755, %parallel_loop3A_762 : vector<16xf32>
      %parallel_loop3A_764 = arith.constant 16 : i32
      %parallel_loop3A_765 = arith.muli %parallel_loop3A_638, %parallel_loop3A_764 : i32
      %parallel_loop3A_766 = arith.index_cast %parallel_loop3A_765 : i32 to index
      %parallel_loop3A_767 = tpu.vector_load %arg9[%parallel_loop3A_766] {strides = array<i32>} : memref<6400xf32, #tpu.memory_space<vmem>>, vector<16xf32>,
      tpu.vector_store %arg9[%parallel_loop3A_766], %parallel_loop3A_763 {strides = array<i32>} : memref<6400xf32, #tpu.memory_space<vmem>>, vector<16xf32>,
    } {sc.loop_unroll_factor = 4 : i64, sc.parallel_access}
    %dma_wait3A_259 = arith.constant 686 : i32
    %dma_wait3A_260 = arith.constant 0 : i32
    %dma_wait3A_261 = tpu.memref_slice %arg8[%dma_wait3A_259, %dma_wait3A_260] : memref<784x128xf32, #tpu.memory_space<vmem>> -> memref<98x128xf32, #tpu.memory_space<vmem>>
    %dma_wait3A_262 = arith.constant 0 : i32
    %dma_wait3A_263 = tpu.memref_slice %arg2[%add3A_158, %dma_wait3A_262] : memref<25088x128xf32, #tpu.memory_space<hbm>> -> memref<98x128xf32, #tpu.memory_space<hbm>>
    %dma_wait3A_264 = arith.constant 686 : i32
    %dma_wait3A_265 = arith.constant 0 : i32
    %dma_wait3A_266 = tpu.memref_slice %arg8[%dma_wait3A_264, %dma_wait3A_265] : memref<784x128xf32, #tpu.memory_space<vmem>> -> memref<98x128xf32, #tpu.memory_space<vmem>>
    %dma_wait3A_267 = arith.constant 0 : i32
    %dma_wait3A_268 = tpu.memref_slice %arg2[%add3A_158, %dma_wait3A_267] : memref<25088x128xf32, #tpu.memory_space<hbm>> -> memref<98x128xf32, #tpu.memory_space<hbm>>
    tpu.wait_dma2 semaphore(%arg27 : memref<!tpu.dma_semaphore, #tpu.memory_space<semaphore_mem>>) src(%dma_wait3A_268 : memref<98x128xf32, #tpu.memory_space<hbm>>) dst(%dma_wait3A_266 : memref<98x128xf32, #tpu.memory_space<vmem>>)
    %parallel_loop3A_269 = arith.constant 343 : i32
    %parallel_loop3A_270 = arith.constant 392 : i32
    %parallel_loop3A_271 = arith.constant 1 : i32
    scf.for %parallel_loop3A_638 = %parallel_loop3A_269 to %parallel_loop3A_270 step %parallel_loop3A_271  : i32 {
      %parallel_loop3A_639 = arith.constant 2 : i32
      %parallel_loop3A_640 = arith.muli %parallel_loop3A_639, %parallel_loop3A_638 : i32
      %parallel_loop3A_641 = arith.index_cast %parallel_loop3A_640 : i32 to index
      %parallel_loop3A_642 = arith.constant 0 : index
      %parallel_loop3A_643 = tpu.vector_load %arg8[%parallel_loop3A_641, %parallel_loop3A_642] {strides = array<i32>} : memref<784x128xf32, #tpu.memory_space<vmem>>, vector<16xf32>,
      %parallel_loop3A_644 = arith.constant 2 : i32
      %parallel_loop3A_645 = arith.muli %parallel_loop3A_644, %parallel_loop3A_638 : i32
      %parallel_loop3A_646 = arith.constant 0 : i32
      %parallel_loop3A_647 = arith.addi %parallel_loop3A_645, %parallel_loop3A_646 : i32
      %parallel_loop3A_648 = arith.index_cast %parallel_loop3A_647 : i32 to index
      %parallel_loop3A_649 = arith.constant 16 : index
      %parallel_loop3A_650 = tpu.vector_load %arg8[%parallel_loop3A_648, %parallel_loop3A_649] {strides = array<i32>} : memref<784x128xf32, #tpu.memory_space<vmem>>, vector<16xf32>,
      %parallel_loop3A_651 = arith.minimumf %parallel_loop3A_643, %parallel_loop3A_650 : vector<16xf32>
      %parallel_loop3A_652 = arith.constant 2 : i32
      %parallel_loop3A_653 = arith.muli %parallel_loop3A_652, %parallel_loop3A_638 : i32
      %parallel_loop3A_654 = arith.constant 0 : i32
      %parallel_loop3A_655 = arith.addi %parallel_loop3A_653, %parallel_loop3A_654 : i32
      %parallel_loop3A_656 = arith.index_cast %parallel_loop3A_655 : i32 to index
      %parallel_loop3A_657 = arith.constant 32 : index
      %parallel_loop3A_658 = tpu.vector_load %arg8[%parallel_loop3A_656, %parallel_loop3A_657] {strides = array<i32>} : memref<784x128xf32, #tpu.memory_space<vmem>>, vector<16xf32>,
      %parallel_loop3A_659 = arith.minimumf %parallel_loop3A_651, %parallel_loop3A_658 : vector<16xf32>
      %parallel_loop3A_660 = arith.constant 2 : i32
      %parallel_loop3A_661 = arith.muli %parallel_loop3A_660, %parallel_loop3A_638 : i32
      %parallel_loop3A_662 = arith.constant 0 : i32
      %parallel_loop3A_663 = arith.addi %parallel_loop3A_661, %parallel_loop3A_662 : i32
      %parallel_loop3A_664 = arith.index_cast %parallel_loop3A_663 : i32 to index
      %parallel_loop3A_665 = arith.constant 48 : index
      %parallel_loop3A_666 = tpu.vector_load %arg8[%parallel_loop3A_664, %parallel_loop3A_665] {strides = array<i32>} : memref<784x128xf32, #tpu.memory_space<vmem>>, vector<16xf32>,
      %parallel_loop3A_667 = arith.minimumf %parallel_loop3A_659, %parallel_loop3A_666 : vector<16xf32>
      %parallel_loop3A_668 = arith.constant 2 : i32
      %parallel_loop3A_669 = arith.muli %parallel_loop3A_668, %parallel_loop3A_638 : i32
      %parallel_loop3A_670 = arith.constant 0 : i32
      %parallel_loop3A_671 = arith.addi %parallel_loop3A_669, %parallel_loop3A_670 : i32
      %parallel_loop3A_672 = arith.index_cast %parallel_loop3A_671 : i32 to index
      %parallel_loop3A_673 = arith.constant 64 : index
      %parallel_loop3A_674 = tpu.vector_load %arg8[%parallel_loop3A_672, %parallel_loop3A_673] {strides = array<i32>} : memref<784x128xf32, #tpu.memory_space<vmem>>, vector<16xf32>,
      %parallel_loop3A_675 = arith.minimumf %parallel_loop3A_667, %parallel_loop3A_674 : vector<16xf32>
      %parallel_loop3A_676 = arith.constant 2 : i32
      %parallel_loop3A_677 = arith.muli %parallel_loop3A_676, %parallel_loop3A_638 : i32
      %parallel_loop3A_678 = arith.constant 0 : i32
      %parallel_loop3A_679 = arith.addi %parallel_loop3A_677, %parallel_loop3A_678 : i32
      %parallel_loop3A_680 = arith.index_cast %parallel_loop3A_679 : i32 to index
      %parallel_loop3A_681 = arith.constant 80 : index
      %parallel_loop3A_682 = tpu.vector_load %arg8[%parallel_loop3A_680, %parallel_loop3A_681] {strides = array<i32>} : memref<784x128xf32, #tpu.memory_space<vmem>>, vector<16xf32>,
      %parallel_loop3A_683 = arith.minimumf %parallel_loop3A_675, %parallel_loop3A_682 : vector<16xf32>
      %parallel_loop3A_684 = arith.constant 2 : i32
      %parallel_loop3A_685 = arith.muli %parallel_loop3A_684, %parallel_loop3A_638 : i32
      %parallel_loop3A_686 = arith.constant 0 : i32
      %parallel_loop3A_687 = arith.addi %parallel_loop3A_685, %parallel_loop3A_686 : i32
      %parallel_loop3A_688 = arith.index_cast %parallel_loop3A_687 : i32 to index
      %parallel_loop3A_689 = arith.constant 96 : index
      %parallel_loop3A_690 = tpu.vector_load %arg8[%parallel_loop3A_688, %parallel_loop3A_689] {strides = array<i32>} : memref<784x128xf32, #tpu.memory_space<vmem>>, vector<16xf32>,
      %parallel_loop3A_691 = arith.minimumf %parallel_loop3A_683, %parallel_loop3A_690 : vector<16xf32>
      %parallel_loop3A_692 = arith.constant 2 : i32
      %parallel_loop3A_693 = arith.muli %parallel_loop3A_692, %parallel_loop3A_638 : i32
      %parallel_loop3A_694 = arith.constant 0 : i32
      %parallel_loop3A_695 = arith.addi %parallel_loop3A_693, %parallel_loop3A_694 : i32
      %parallel_loop3A_696 = arith.index_cast %parallel_loop3A_695 : i32 to index
      %parallel_loop3A_697 = arith.constant 112 : index
      %parallel_loop3A_698 = tpu.vector_load %arg8[%parallel_loop3A_696, %parallel_loop3A_697] {strides = array<i32>} : memref<784x128xf32, #tpu.memory_space<vmem>>, vector<16xf32>,
      %parallel_loop3A_699 = arith.minimumf %parallel_loop3A_691, %parallel_loop3A_698 : vector<16xf32>
      %parallel_loop3A_700 = arith.constant 2 : i32
      %parallel_loop3A_701 = arith.muli %parallel_loop3A_700, %parallel_loop3A_638 : i32
      %parallel_loop3A_702 = arith.constant 1 : i32
      %parallel_loop3A_703 = arith.addi %parallel_loop3A_701, %parallel_loop3A_702 : i32
      %parallel_loop3A_704 = arith.index_cast %parallel_loop3A_703 : i32 to index
      %parallel_loop3A_705 = arith.constant 0 : index
      %parallel_loop3A_706 = tpu.vector_load %arg8[%parallel_loop3A_704, %parallel_loop3A_705] {strides = array<i32>} : memref<784x128xf32, #tpu.memory_space<vmem>>, vector<16xf32>,
      %parallel_loop3A_707 = arith.minimumf %parallel_loop3A_699, %parallel_loop3A_706 : vector<16xf32>
      %parallel_loop3A_708 = arith.constant 2 : i32
      %parallel_loop3A_709 = arith.muli %parallel_loop3A_708, %parallel_loop3A_638 : i32
      %parallel_loop3A_710 = arith.constant 1 : i32
      %parallel_loop3A_711 = arith.addi %parallel_loop3A_709, %parallel_loop3A_710 : i32
      %parallel_loop3A_712 = arith.index_cast %parallel_loop3A_711 : i32 to index
      %parallel_loop3A_713 = arith.constant 16 : index
      %parallel_loop3A_714 = tpu.vector_load %arg8[%parallel_loop3A_712, %parallel_loop3A_713] {strides = array<i32>} : memref<784x128xf32, #tpu.memory_space<vmem>>, vector<16xf32>,
      %parallel_loop3A_715 = arith.minimumf %parallel_loop3A_707, %parallel_loop3A_714 : vector<16xf32>
      %parallel_loop3A_716 = arith.constant 2 : i32
      %parallel_loop3A_717 = arith.muli %parallel_loop3A_716, %parallel_loop3A_638 : i32
      %parallel_loop3A_718 = arith.constant 1 : i32
      %parallel_loop3A_719 = arith.addi %parallel_loop3A_717, %parallel_loop3A_718 : i32
      %parallel_loop3A_720 = arith.index_cast %parallel_loop3A_719 : i32 to index
      %parallel_loop3A_721 = arith.constant 32 : index
      %parallel_loop3A_722 = tpu.vector_load %arg8[%parallel_loop3A_720, %parallel_loop3A_721] {strides = array<i32>} : memref<784x128xf32, #tpu.memory_space<vmem>>, vector<16xf32>,
      %parallel_loop3A_723 = arith.minimumf %parallel_loop3A_715, %parallel_loop3A_722 : vector<16xf32>
      %parallel_loop3A_724 = arith.constant 2 : i32
      %parallel_loop3A_725 = arith.muli %parallel_loop3A_724, %parallel_loop3A_638 : i32
      %parallel_loop3A_726 = arith.constant 1 : i32
      %parallel_loop3A_727 = arith.addi %parallel_loop3A_725, %parallel_loop3A_726 : i32
      %parallel_loop3A_728 = arith.index_cast %parallel_loop3A_727 : i32 to index
      %parallel_loop3A_729 = arith.constant 48 : index
      %parallel_loop3A_730 = tpu.vector_load %arg8[%parallel_loop3A_728, %parallel_loop3A_729] {strides = array<i32>} : memref<784x128xf32, #tpu.memory_space<vmem>>, vector<16xf32>,
      %parallel_loop3A_731 = arith.minimumf %parallel_loop3A_723, %parallel_loop3A_730 : vector<16xf32>
      %parallel_loop3A_732 = arith.constant 2 : i32
      %parallel_loop3A_733 = arith.muli %parallel_loop3A_732, %parallel_loop3A_638 : i32
      %parallel_loop3A_734 = arith.constant 1 : i32
      %parallel_loop3A_735 = arith.addi %parallel_loop3A_733, %parallel_loop3A_734 : i32
      %parallel_loop3A_736 = arith.index_cast %parallel_loop3A_735 : i32 to index
      %parallel_loop3A_737 = arith.constant 64 : index
      %parallel_loop3A_738 = tpu.vector_load %arg8[%parallel_loop3A_736, %parallel_loop3A_737] {strides = array<i32>} : memref<784x128xf32, #tpu.memory_space<vmem>>, vector<16xf32>,
      %parallel_loop3A_739 = arith.minimumf %parallel_loop3A_731, %parallel_loop3A_738 : vector<16xf32>
      %parallel_loop3A_740 = arith.constant 2 : i32
      %parallel_loop3A_741 = arith.muli %parallel_loop3A_740, %parallel_loop3A_638 : i32
      %parallel_loop3A_742 = arith.constant 1 : i32
      %parallel_loop3A_743 = arith.addi %parallel_loop3A_741, %parallel_loop3A_742 : i32
      %parallel_loop3A_744 = arith.index_cast %parallel_loop3A_743 : i32 to index
      %parallel_loop3A_745 = arith.constant 80 : index
      %parallel_loop3A_746 = tpu.vector_load %arg8[%parallel_loop3A_744, %parallel_loop3A_745] {strides = array<i32>} : memref<784x128xf32, #tpu.memory_space<vmem>>, vector<16xf32>,
      %parallel_loop3A_747 = arith.minimumf %parallel_loop3A_739, %parallel_loop3A_746 : vector<16xf32>
      %parallel_loop3A_748 = arith.constant 2 : i32
      %parallel_loop3A_749 = arith.muli %parallel_loop3A_748, %parallel_loop3A_638 : i32
      %parallel_loop3A_750 = arith.constant 1 : i32
      %parallel_loop3A_751 = arith.addi %parallel_loop3A_749, %parallel_loop3A_750 : i32
      %parallel_loop3A_752 = arith.index_cast %parallel_loop3A_751 : i32 to index
      %parallel_loop3A_753 = arith.constant 96 : index
      %parallel_loop3A_754 = tpu.vector_load %arg8[%parallel_loop3A_752, %parallel_loop3A_753] {strides = array<i32>} : memref<784x128xf32, #tpu.memory_space<vmem>>, vector<16xf32>,
      %parallel_loop3A_755 = arith.minimumf %parallel_loop3A_747, %parallel_loop3A_754 : vector<16xf32>
      %parallel_loop3A_756 = arith.constant 2 : i32
      %parallel_loop3A_757 = arith.muli %parallel_loop3A_756, %parallel_loop3A_638 : i32
      %parallel_loop3A_758 = arith.constant 1 : i32
      %parallel_loop3A_759 = arith.addi %parallel_loop3A_757, %parallel_loop3A_758 : i32
      %parallel_loop3A_760 = arith.index_cast %parallel_loop3A_759 : i32 to index
      %parallel_loop3A_761 = arith.constant 112 : index
      %parallel_loop3A_762 = tpu.vector_load %arg8[%parallel_loop3A_760, %parallel_loop3A_761] {strides = array<i32>} : memref<784x128xf32, #tpu.memory_space<vmem>>, vector<16xf32>,
      %parallel_loop3A_763 = arith.minimumf %parallel_loop3A_755, %parallel_loop3A_762 : vector<16xf32>
      %parallel_loop3A_764 = arith.constant 16 : i32
      %parallel_loop3A_765 = arith.muli %parallel_loop3A_638, %parallel_loop3A_764 : i32
      %parallel_loop3A_766 = arith.index_cast %parallel_loop3A_765 : i32 to index
      %parallel_loop3A_767 = tpu.vector_load %arg9[%parallel_loop3A_766] {strides = array<i32>} : memref<6400xf32, #tpu.memory_space<vmem>>, vector<16xf32>,
      tpu.vector_store %arg9[%parallel_loop3A_766], %parallel_loop3A_763 {strides = array<i32>} : memref<6400xf32, #tpu.memory_space<vmem>>, vector<16xf32>,
    } {sc.loop_unroll_factor = 4 : i64, sc.parallel_access}
    "tpu.trace_stop"() : () -> ()
    %swap3A_272 = arith.constant 6272 : index
    %swap3A_273 = tpu.vector_load %arg9[%swap3A_272] {strides = array<i32>} : memref<6400xf32, #tpu.memory_space<vmem>>, vector<16xf32>,
    tpu.vector_store %arg9[%swap3A_272], %add3A_42 {strides = array<i32>} : memref<6400xf32, #tpu.memory_space<vmem>>, vector<16xf32>,
    %swap3A_274 = arith.constant 6288 : index
    %swap3A_275 = tpu.vector_load %arg9[%swap3A_274] {strides = array<i32>} : memref<6400xf32, #tpu.memory_space<vmem>>, vector<16xf32>,
    tpu.vector_store %arg9[%swap3A_274], %add3A_42 {strides = array<i32>} : memref<6400xf32, #tpu.memory_space<vmem>>, vector<16xf32>,
    %swap3A_276 = arith.constant 6304 : index
    %swap3A_277 = tpu.vector_load %arg9[%swap3A_276] {strides = array<i32>} : memref<6400xf32, #tpu.memory_space<vmem>>, vector<16xf32>,
    tpu.vector_store %arg9[%swap3A_276], %add3A_42 {strides = array<i32>} : memref<6400xf32, #tpu.memory_space<vmem>>, vector<16xf32>,
    %swap3A_278 = arith.constant 6320 : index
    %swap3A_279 = tpu.vector_load %arg9[%swap3A_278] {strides = array<i32>} : memref<6400xf32, #tpu.memory_space<vmem>>, vector<16xf32>,
    tpu.vector_store %arg9[%swap3A_278], %add3A_42 {strides = array<i32>} : memref<6400xf32, #tpu.memory_space<vmem>>, vector<16xf32>,
    %swap3A_280 = arith.constant 6336 : index
    %swap3A_281 = tpu.vector_load %arg9[%swap3A_280] {strides = array<i32>} : memref<6400xf32, #tpu.memory_space<vmem>>, vector<16xf32>,
    tpu.vector_store %arg9[%swap3A_280], %add3A_42 {strides = array<i32>} : memref<6400xf32, #tpu.memory_space<vmem>>, vector<16xf32>,
    %swap3A_282 = arith.constant 6352 : index
    %swap3A_283 = tpu.vector_load %arg9[%swap3A_282] {strides = array<i32>} : memref<6400xf32, #tpu.memory_space<vmem>>, vector<16xf32>,
    tpu.vector_store %arg9[%swap3A_282], %add3A_42 {strides = array<i32>} : memref<6400xf32, #tpu.memory_space<vmem>>, vector<16xf32>,
    %swap3A_284 = arith.constant 6368 : index
    %swap3A_285 = tpu.vector_load %arg9[%swap3A_284] {strides = array<i32>} : memref<6400xf32, #tpu.memory_space<vmem>>, vector<16xf32>,
    tpu.vector_store %arg9[%swap3A_284], %add3A_42 {strides = array<i32>} : memref<6400xf32, #tpu.memory_space<vmem>>, vector<16xf32>,
    %swap3A_286 = arith.constant 6384 : index
    %swap3A_287 = tpu.vector_load %arg9[%swap3A_286] {strides = array<i32>} : memref<6400xf32, #tpu.memory_space<vmem>>, vector<16xf32>,
    tpu.vector_store %arg9[%swap3A_286], %add3A_42 {strides = array<i32>} : memref<6400xf32, #tpu.memory_space<vmem>>, vector<16xf32>,
    %parallel_loop3A_288 = arith.constant 0 : i32
    %parallel_loop3A_289 = arith.constant 25 : i32
    %parallel_loop3A_290 = arith.constant 1 : i32
    scf.for %parallel_loop3A_638 = %parallel_loop3A_288 to %parallel_loop3A_289 step %parallel_loop3A_290  : i32 {
      %parallel_loop3A_639 = arith.constant 256 : i32
      %parallel_loop3A_640 = arith.muli %parallel_loop3A_638, %parallel_loop3A_639 : i32
      %parallel_loop3A_641 = arith.index_cast %parallel_loop3A_640 : i32 to index
      %parallel_loop3A_642 = tpu.vector_load %arg9[%parallel_loop3A_641] {strides = array<i32>} : memref<6400xf32, #tpu.memory_space<vmem>>, vector<16xf32>,
      %parallel_loop3A_643 = arith.constant 16 : i32
      %parallel_loop3A_644 = arith.addi %parallel_loop3A_640, %parallel_loop3A_643 : i32
      %parallel_loop3A_645 = arith.index_cast %parallel_loop3A_644 : i32 to index
      %parallel_loop3A_646 = tpu.vector_load %arg9[%parallel_loop3A_645] {strides = array<i32>} : memref<6400xf32, #tpu.memory_space<vmem>>, vector<16xf32>,
      %parallel_loop3A_647 = arith.minimumf %parallel_loop3A_642, %parallel_loop3A_646 : vector<16xf32>
      %parallel_loop3A_648 = arith.constant 32 : i32
      %parallel_loop3A_649 = arith.addi %parallel_loop3A_640, %parallel_loop3A_648 : i32
      %parallel_loop3A_650 = arith.index_cast %parallel_loop3A_649 : i32 to index
      %parallel_loop3A_651 = tpu.vector_load %arg9[%parallel_loop3A_650] {strides = array<i32>} : memref<6400xf32, #tpu.memory_space<vmem>>, vector<16xf32>,
      %parallel_loop3A_652 = arith.minimumf %parallel_loop3A_647, %parallel_loop3A_651 : vector<16xf32>
      %parallel_loop3A_653 = arith.constant 48 : i32
      %parallel_loop3A_654 = arith.addi %parallel_loop3A_640, %parallel_loop3A_653 : i32
      %parallel_loop3A_655 = arith.index_cast %parallel_loop3A_654 : i32 to index
      %parallel_loop3A_656 = tpu.vector_load %arg9[%parallel_loop3A_655] {strides = array<i32>} : memref<6400xf32, #tpu.memory_space<vmem>>, vector<16xf32>,
      %parallel_loop3A_657 = arith.minimumf %parallel_loop3A_652, %parallel_loop3A_656 : vector<16xf32>
      %parallel_loop3A_658 = arith.constant 64 : i32
      %parallel_loop3A_659 = arith.addi %parallel_loop3A_640, %parallel_loop3A_658 : i32
      %parallel_loop3A_660 = arith.index_cast %parallel_loop3A_659 : i32 to index
      %parallel_loop3A_661 = tpu.vector_load %arg9[%parallel_loop3A_660] {strides = array<i32>} : memref<6400xf32, #tpu.memory_space<vmem>>, vector<16xf32>,
      %parallel_loop3A_662 = arith.minimumf %parallel_loop3A_657, %parallel_loop3A_661 : vector<16xf32>
      %parallel_loop3A_663 = arith.constant 80 : i32
      %parallel_loop3A_664 = arith.addi %parallel_loop3A_640, %parallel_loop3A_663 : i32
      %parallel_loop3A_665 = arith.index_cast %parallel_loop3A_664 : i32 to index
      %parallel_loop3A_666 = tpu.vector_load %arg9[%parallel_loop3A_665] {strides = array<i32>} : memref<6400xf32, #tpu.memory_space<vmem>>, vector<16xf32>,
      %parallel_loop3A_667 = arith.minimumf %parallel_loop3A_662, %parallel_loop3A_666 : vector<16xf32>
      %parallel_loop3A_668 = arith.constant 96 : i32
      %parallel_loop3A_669 = arith.addi %parallel_loop3A_640, %parallel_loop3A_668 : i32
      %parallel_loop3A_670 = arith.index_cast %parallel_loop3A_669 : i32 to index
      %parallel_loop3A_671 = tpu.vector_load %arg9[%parallel_loop3A_670] {strides = array<i32>} : memref<6400xf32, #tpu.memory_space<vmem>>, vector<16xf32>,
      %parallel_loop3A_672 = arith.minimumf %parallel_loop3A_667, %parallel_loop3A_671 : vector<16xf32>
      %parallel_loop3A_673 = arith.constant 112 : i32
      %parallel_loop3A_674 = arith.addi %parallel_loop3A_640, %parallel_loop3A_673 : i32
      %parallel_loop3A_675 = arith.index_cast %parallel_loop3A_674 : i32 to index
      %parallel_loop3A_676 = tpu.vector_load %arg9[%parallel_loop3A_675] {strides = array<i32>} : memref<6400xf32, #tpu.memory_space<vmem>>, vector<16xf32>,
      %parallel_loop3A_677 = arith.minimumf %parallel_loop3A_672, %parallel_loop3A_676 : vector<16xf32>
      %parallel_loop3A_678 = arith.constant 128 : i32
      %parallel_loop3A_679 = arith.addi %parallel_loop3A_640, %parallel_loop3A_678 : i32
      %parallel_loop3A_680 = arith.index_cast %parallel_loop3A_679 : i32 to index
      %parallel_loop3A_681 = tpu.vector_load %arg9[%parallel_loop3A_680] {strides = array<i32>} : memref<6400xf32, #tpu.memory_space<vmem>>, vector<16xf32>,
      %parallel_loop3A_682 = arith.minimumf %parallel_loop3A_677, %parallel_loop3A_681 : vector<16xf32>
      %parallel_loop3A_683 = arith.constant 144 : i32
      %parallel_loop3A_684 = arith.addi %parallel_loop3A_640, %parallel_loop3A_683 : i32
      %parallel_loop3A_685 = arith.index_cast %parallel_loop3A_684 : i32 to index
      %parallel_loop3A_686 = tpu.vector_load %arg9[%parallel_loop3A_685] {strides = array<i32>} : memref<6400xf32, #tpu.memory_space<vmem>>, vector<16xf32>,
      %parallel_loop3A_687 = arith.minimumf %parallel_loop3A_682, %parallel_loop3A_686 : vector<16xf32>
      %parallel_loop3A_688 = arith.constant 160 : i32
      %parallel_loop3A_689 = arith.addi %parallel_loop3A_640, %parallel_loop3A_688 : i32
      %parallel_loop3A_690 = arith.index_cast %parallel_loop3A_689 : i32 to index
      %parallel_loop3A_691 = tpu.vector_load %arg9[%parallel_loop3A_690] {strides = array<i32>} : memref<6400xf32, #tpu.memory_space<vmem>>, vector<16xf32>,
      %parallel_loop3A_692 = arith.minimumf %parallel_loop3A_687, %parallel_loop3A_691 : vector<16xf32>
      %parallel_loop3A_693 = arith.constant 176 : i32
      %parallel_loop3A_694 = arith.addi %parallel_loop3A_640, %parallel_loop3A_693 : i32
      %parallel_loop3A_695 = arith.index_cast %parallel_loop3A_694 : i32 to index
      %parallel_loop3A_696 = tpu.vector_load %arg9[%parallel_loop3A_695] {strides = array<i32>} : memref<6400xf32, #tpu.memory_space<vmem>>, vector<16xf32>,
      %parallel_loop3A_697 = arith.minimumf %parallel_loop3A_692, %parallel_loop3A_696 : vector<16xf32>
      %parallel_loop3A_698 = arith.constant 192 : i32
      %parallel_loop3A_699 = arith.addi %parallel_loop3A_640, %parallel_loop3A_698 : i32
      %parallel_loop3A_700 = arith.index_cast %parallel_loop3A_699 : i32 to index
      %parallel_loop3A_701 = tpu.vector_load %arg9[%parallel_loop3A_700] {strides = array<i32>} : memref<6400xf32, #tpu.memory_space<vmem>>, vector<16xf32>,
      %parallel_loop3A_702 = arith.minimumf %parallel_loop3A_697, %parallel_loop3A_701 : vector<16xf32>
      %parallel_loop3A_703 = arith.constant 208 : i32
      %parallel_loop3A_704 = arith.addi %parallel_loop3A_640, %parallel_loop3A_703 : i32
      %parallel_loop3A_705 = arith.index_cast %parallel_loop3A_704 : i32 to index
      %parallel_loop3A_706 = tpu.vector_load %arg9[%parallel_loop3A_705] {strides = array<i32>} : memref<6400xf32, #tpu.memory_space<vmem>>, vector<16xf32>,
      %parallel_loop3A_707 = arith.minimumf %parallel_loop3A_702, %parallel_loop3A_706 : vector<16xf32>
      %parallel_loop3A_708 = arith.constant 224 : i32
      %parallel_loop3A_709 = arith.addi %parallel_loop3A_640, %parallel_loop3A_708 : i32
      %parallel_loop3A_710 = arith.index_cast %parallel_loop3A_709 : i32 to index
      %parallel_loop3A_711 = tpu.vector_load %arg9[%parallel_loop3A_710] {strides = array<i32>} : memref<6400xf32, #tpu.memory_space<vmem>>, vector<16xf32>,
      %parallel_loop3A_712 = arith.minimumf %parallel_loop3A_707, %parallel_loop3A_711 : vector<16xf32>
      %parallel_loop3A_713 = arith.constant 240 : i32
      %parallel_loop3A_714 = arith.addi %parallel_loop3A_640, %parallel_loop3A_713 : i32
      %parallel_loop3A_715 = arith.index_cast %parallel_loop3A_714 : i32 to index
      %parallel_loop3A_716 = tpu.vector_load %arg9[%parallel_loop3A_715] {strides = array<i32>} : memref<6400xf32, #tpu.memory_space<vmem>>, vector<16xf32>,
      %parallel_loop3A_717 = arith.minimumf %parallel_loop3A_712, %parallel_loop3A_716 : vector<16xf32>
      %parallel_loop3A_718 = arith.constant 16 : i32
      %parallel_loop3A_719 = arith.muli %parallel_loop3A_638, %parallel_loop3A_718 : i32
      %parallel_loop3A_720 = arith.index_cast %parallel_loop3A_719 : i32 to index
      %parallel_loop3A_721 = tpu.vector_load %arg10[%parallel_loop3A_720] {strides = array<i32>} : memref<512xf32, #tpu.memory_space<vmem>>, vector<16xf32>,
      tpu.vector_store %arg10[%parallel_loop3A_720], %parallel_loop3A_717 {strides = array<i32>} : memref<512xf32, #tpu.memory_space<vmem>>, vector<16xf32>,
    } {sc.loop_unroll_factor = 4 : i64, sc.parallel_access}
    %swap3A_291 = arith.constant 400 : index
    %swap3A_292 = tpu.vector_load %arg10[%swap3A_291] {strides = array<i32>} : memref<512xf32, #tpu.memory_space<vmem>>, vector<16xf32>,
    tpu.vector_store %arg10[%swap3A_291], %add3A_42 {strides = array<i32>} : memref<512xf32, #tpu.memory_space<vmem>>, vector<16xf32>,
    %swap3A_293 = arith.constant 416 : index
    %swap3A_294 = tpu.vector_load %arg10[%swap3A_293] {strides = array<i32>} : memref<512xf32, #tpu.memory_space<vmem>>, vector<16xf32>,
    tpu.vector_store %arg10[%swap3A_293], %add3A_42 {strides = array<i32>} : memref<512xf32, #tpu.memory_space<vmem>>, vector<16xf32>,
    %swap3A_295 = arith.constant 432 : index
    %swap3A_296 = tpu.vector_load %arg10[%swap3A_295] {strides = array<i32>} : memref<512xf32, #tpu.memory_space<vmem>>, vector<16xf32>,
    tpu.vector_store %arg10[%swap3A_295], %add3A_42 {strides = array<i32>} : memref<512xf32, #tpu.memory_space<vmem>>, vector<16xf32>,
    %swap3A_297 = arith.constant 448 : index
    %swap3A_298 = tpu.vector_load %arg10[%swap3A_297] {strides = array<i32>} : memref<512xf32, #tpu.memory_space<vmem>>, vector<16xf32>,
    tpu.vector_store %arg10[%swap3A_297], %add3A_42 {strides = array<i32>} : memref<512xf32, #tpu.memory_space<vmem>>, vector<16xf32>,
    %swap3A_299 = arith.constant 464 : index
    %swap3A_300 = tpu.vector_load %arg10[%swap3A_299] {strides = array<i32>} : memref<512xf32, #tpu.memory_space<vmem>>, vector<16xf32>,
    tpu.vector_store %arg10[%swap3A_299], %add3A_42 {strides = array<i32>} : memref<512xf32, #tpu.memory_space<vmem>>, vector<16xf32>,
    %swap3A_301 = arith.constant 480 : index
    %swap3A_302 = tpu.vector_load %arg10[%swap3A_301] {strides = array<i32>} : memref<512xf32, #tpu.memory_space<vmem>>, vector<16xf32>,
    tpu.vector_store %arg10[%swap3A_301], %add3A_42 {strides = array<i32>} : memref<512xf32, #tpu.memory_space<vmem>>, vector<16xf32>,
    %swap3A_303 = arith.constant 496 : index
    %swap3A_304 = tpu.vector_load %arg10[%swap3A_303] {strides = array<i32>} : memref<512xf32, #tpu.memory_space<vmem>>, vector<16xf32>,
    tpu.vector_store %arg10[%swap3A_303], %add3A_42 {strides = array<i32>} : memref<512xf32, #tpu.memory_space<vmem>>, vector<16xf32>,
    %parallel_loop3A_305 = arith.constant 0 : i32
    %parallel_loop3A_306 = arith.constant 2 : i32
    %parallel_loop3A_307 = arith.constant 1 : i32
    scf.for %parallel_loop3A_638 = %parallel_loop3A_305 to %parallel_loop3A_306 step %parallel_loop3A_307  : i32 {
      %parallel_loop3A_639 = arith.constant 256 : i32
      %parallel_loop3A_640 = arith.muli %parallel_loop3A_638, %parallel_loop3A_639 : i32
      %parallel_loop3A_641 = arith.index_cast %parallel_loop3A_640 : i32 to index
      %parallel_loop3A_642 = tpu.vector_load %arg10[%parallel_loop3A_641] {strides = array<i32>} : memref<512xf32, #tpu.memory_space<vmem>>, vector<16xf32>,
      %parallel_loop3A_643 = arith.constant 16 : i32
      %parallel_loop3A_644 = arith.addi %parallel_loop3A_640, %parallel_loop3A_643 : i32
      %parallel_loop3A_645 = arith.index_cast %parallel_loop3A_644 : i32 to index
      %parallel_loop3A_646 = tpu.vector_load %arg10[%parallel_loop3A_645] {strides = array<i32>} : memref<512xf32, #tpu.memory_space<vmem>>, vector<16xf32>,
      %parallel_loop3A_647 = arith.minimumf %parallel_loop3A_642, %parallel_loop3A_646 : vector<16xf32>
      %parallel_loop3A_648 = arith.constant 32 : i32
      %parallel_loop3A_649 = arith.addi %parallel_loop3A_640, %parallel_loop3A_648 : i32
      %parallel_loop3A_650 = arith.index_cast %parallel_loop3A_649 : i32 to index
      %parallel_loop3A_651 = tpu.vector_load %arg10[%parallel_loop3A_650] {strides = array<i32>} : memref<512xf32, #tpu.memory_space<vmem>>, vector<16xf32>,
      %parallel_loop3A_652 = arith.minimumf %parallel_loop3A_647, %parallel_loop3A_651 : vector<16xf32>
      %parallel_loop3A_653 = arith.constant 48 : i32
      %parallel_loop3A_654 = arith.addi %parallel_loop3A_640, %parallel_loop3A_653 : i32
      %parallel_loop3A_655 = arith.index_cast %parallel_loop3A_654 : i32 to index
      %parallel_loop3A_656 = tpu.vector_load %arg10[%parallel_loop3A_655] {strides = array<i32>} : memref<512xf32, #tpu.memory_space<vmem>>, vector<16xf32>,
      %parallel_loop3A_657 = arith.minimumf %parallel_loop3A_652, %parallel_loop3A_656 : vector<16xf32>
      %parallel_loop3A_658 = arith.constant 64 : i32
      %parallel_loop3A_659 = arith.addi %parallel_loop3A_640, %parallel_loop3A_658 : i32
      %parallel_loop3A_660 = arith.index_cast %parallel_loop3A_659 : i32 to index
      %parallel_loop3A_661 = tpu.vector_load %arg10[%parallel_loop3A_660] {strides = array<i32>} : memref<512xf32, #tpu.memory_space<vmem>>, vector<16xf32>,
      %parallel_loop3A_662 = arith.minimumf %parallel_loop3A_657, %parallel_loop3A_661 : vector<16xf32>
      %parallel_loop3A_663 = arith.constant 80 : i32
      %parallel_loop3A_664 = arith.addi %parallel_loop3A_640, %parallel_loop3A_663 : i32
      %parallel_loop3A_665 = arith.index_cast %parallel_loop3A_664 : i32 to index
      %parallel_loop3A_666 = tpu.vector_load %arg10[%parallel_loop3A_665] {strides = array<i32>} : memref<512xf32, #tpu.memory_space<vmem>>, vector<16xf32>,
      %parallel_loop3A_667 = arith.minimumf %parallel_loop3A_662, %parallel_loop3A_666 : vector<16xf32>
      %parallel_loop3A_668 = arith.constant 96 : i32
      %parallel_loop3A_669 = arith.addi %parallel_loop3A_640, %parallel_loop3A_668 : i32
      %parallel_loop3A_670 = arith.index_cast %parallel_loop3A_669 : i32 to index
      %parallel_loop3A_671 = tpu.vector_load %arg10[%parallel_loop3A_670] {strides = array<i32>} : memref<512xf32, #tpu.memory_space<vmem>>, vector<16xf32>,
      %parallel_loop3A_672 = arith.minimumf %parallel_loop3A_667, %parallel_loop3A_671 : vector<16xf32>
      %parallel_loop3A_673 = arith.constant 112 : i32
      %parallel_loop3A_674 = arith.addi %parallel_loop3A_640, %parallel_loop3A_673 : i32
      %parallel_loop3A_675 = arith.index_cast %parallel_loop3A_674 : i32 to index
      %parallel_loop3A_676 = tpu.vector_load %arg10[%parallel_loop3A_675] {strides = array<i32>} : memref<512xf32, #tpu.memory_space<vmem>>, vector<16xf32>,
      %parallel_loop3A_677 = arith.minimumf %parallel_loop3A_672, %parallel_loop3A_676 : vector<16xf32>
      %parallel_loop3A_678 = arith.constant 128 : i32
      %parallel_loop3A_679 = arith.addi %parallel_loop3A_640, %parallel_loop3A_678 : i32
      %parallel_loop3A_680 = arith.index_cast %parallel_loop3A_679 : i32 to index
      %parallel_loop3A_681 = tpu.vector_load %arg10[%parallel_loop3A_680] {strides = array<i32>} : memref<512xf32, #tpu.memory_space<vmem>>, vector<16xf32>,
      %parallel_loop3A_682 = arith.minimumf %parallel_loop3A_677, %parallel_loop3A_681 : vector<16xf32>
      %parallel_loop3A_683 = arith.constant 144 : i32
      %parallel_loop3A_684 = arith.addi %parallel_loop3A_640, %parallel_loop3A_683 : i32
      %parallel_loop3A_685 = arith.index_cast %parallel_loop3A_684 : i32 to index
      %parallel_loop3A_686 = tpu.vector_load %arg10[%parallel_loop3A_685] {strides = array<i32>} : memref<512xf32, #tpu.memory_space<vmem>>, vector<16xf32>,
      %parallel_loop3A_687 = arith.minimumf %parallel_loop3A_682, %parallel_loop3A_686 : vector<16xf32>
      %parallel_loop3A_688 = arith.constant 160 : i32
      %parallel_loop3A_689 = arith.addi %parallel_loop3A_640, %parallel_loop3A_688 : i32
      %parallel_loop3A_690 = arith.index_cast %parallel_loop3A_689 : i32 to index
      %parallel_loop3A_691 = tpu.vector_load %arg10[%parallel_loop3A_690] {strides = array<i32>} : memref<512xf32, #tpu.memory_space<vmem>>, vector<16xf32>,
      %parallel_loop3A_692 = arith.minimumf %parallel_loop3A_687, %parallel_loop3A_691 : vector<16xf32>
      %parallel_loop3A_693 = arith.constant 176 : i32
      %parallel_loop3A_694 = arith.addi %parallel_loop3A_640, %parallel_loop3A_693 : i32
      %parallel_loop3A_695 = arith.index_cast %parallel_loop3A_694 : i32 to index
      %parallel_loop3A_696 = tpu.vector_load %arg10[%parallel_loop3A_695] {strides = array<i32>} : memref<512xf32, #tpu.memory_space<vmem>>, vector<16xf32>,
      %parallel_loop3A_697 = arith.minimumf %parallel_loop3A_692, %parallel_loop3A_696 : vector<16xf32>
      %parallel_loop3A_698 = arith.constant 192 : i32
      %parallel_loop3A_699 = arith.addi %parallel_loop3A_640, %parallel_loop3A_698 : i32
      %parallel_loop3A_700 = arith.index_cast %parallel_loop3A_699 : i32 to index
      %parallel_loop3A_701 = tpu.vector_load %arg10[%parallel_loop3A_700] {strides = array<i32>} : memref<512xf32, #tpu.memory_space<vmem>>, vector<16xf32>,
      %parallel_loop3A_702 = arith.minimumf %parallel_loop3A_697, %parallel_loop3A_701 : vector<16xf32>
      %parallel_loop3A_703 = arith.constant 208 : i32
      %parallel_loop3A_704 = arith.addi %parallel_loop3A_640, %parallel_loop3A_703 : i32
      %parallel_loop3A_705 = arith.index_cast %parallel_loop3A_704 : i32 to index
      %parallel_loop3A_706 = tpu.vector_load %arg10[%parallel_loop3A_705] {strides = array<i32>} : memref<512xf32, #tpu.memory_space<vmem>>, vector<16xf32>,
      %parallel_loop3A_707 = arith.minimumf %parallel_loop3A_702, %parallel_loop3A_706 : vector<16xf32>
      %parallel_loop3A_708 = arith.constant 224 : i32
      %parallel_loop3A_709 = arith.addi %parallel_loop3A_640, %parallel_loop3A_708 : i32
      %parallel_loop3A_710 = arith.index_cast %parallel_loop3A_709 : i32 to index
      %parallel_loop3A_711 = tpu.vector_load %arg10[%parallel_loop3A_710] {strides = array<i32>} : memref<512xf32, #tpu.memory_space<vmem>>, vector<16xf32>,
      %parallel_loop3A_712 = arith.minimumf %parallel_loop3A_707, %parallel_loop3A_711 : vector<16xf32>
      %parallel_loop3A_713 = arith.constant 240 : i32
      %parallel_loop3A_714 = arith.addi %parallel_loop3A_640, %parallel_loop3A_713 : i32
      %parallel_loop3A_715 = arith.index_cast %parallel_loop3A_714 : i32 to index
      %parallel_loop3A_716 = tpu.vector_load %arg10[%parallel_loop3A_715] {strides = array<i32>} : memref<512xf32, #tpu.memory_space<vmem>>, vector<16xf32>,
      %parallel_loop3A_717 = arith.minimumf %parallel_loop3A_712, %parallel_loop3A_716 : vector<16xf32>
      %parallel_loop3A_718 = arith.constant 16 : i32
      %parallel_loop3A_719 = arith.muli %parallel_loop3A_638, %parallel_loop3A_718 : i32
      %parallel_loop3A_720 = arith.index_cast %parallel_loop3A_719 : i32 to index
      %parallel_loop3A_721 = tpu.vector_load %arg11[%parallel_loop3A_720] {strides = array<i32>} : memref<32xf32, #tpu.memory_space<vmem>>, vector<16xf32>,
      tpu.vector_store %arg11[%parallel_loop3A_720], %parallel_loop3A_717 {strides = array<i32>} : memref<32xf32, #tpu.memory_space<vmem>>, vector<16xf32>,
    } {sc.loop_unroll_factor = 4 : i64, sc.parallel_access}
    %while3A = arith.constant 0 : i32
    %while3A_308 = arith.constant 0.000000e+00 : f32
    "tpu.trace_start"() <{level = 10 : i32, message = "sc_extract"}> : () -> ()
    %while3A_309 = arith.subi %squeeze3A, %while3A : i32
    %while3A_310 = arith.addi %while3A, %while3A_309 : i32
    %while3A_311 = arith.constant 1 : i32
    %while3A_312 = arith.divsi %while3A_309, %while3A_311 : i32
    %while3A_313 = arith.muli %while3A_312, %while3A_311 : i32
    %while3A_314 = arith.addi %while3A, %while3A_313 : i32
    %while3A_315 = arith.constant 1 : i32
    %while3A_316 = scf.for %while3A_638 = %while3A to %while3A_314 step %while3A_315 iter_args(%while3A_639 = %while3A_308) -> (f32)  : i32 {
      %get3A_640 = arith.constant 0 : index
      %get3A_641 = tpu.vector_load %arg11[%get3A_640] {strides = array<i32>} : memref<32xf32, #tpu.memory_space<vmem>>, vector<16xf32>,
      %get3A_642 = arith.constant 16 : index
      %get3A_643 = tpu.vector_load %arg11[%get3A_642] {strides = array<i32>} : memref<32xf32, #tpu.memory_space<vmem>>, vector<16xf32>,
      %reduce_min3A = arith.constant true
      %reduce_min3A_644 = vector.broadcast %reduce_min3A : i1 to vector<16xi1>
      %reduce_min3A_645 = tpu.scan <min>, %get3A_641 masked %reduce_min3A_644 : vector<16xf32>, vector<16xi1> -> vector<16xf32>
      %reduce_min3A_646 = vector.extract %reduce_min3A_645[15] : f32 from vector<16xf32>
      %reduce_min3A_647 = arith.constant true
      %reduce_min3A_648 = vector.broadcast %reduce_min3A_647 : i1 to vector<16xi1>
      %reduce_min3A_649 = tpu.scan <min>, %get3A_643 masked %reduce_min3A_648 : vector<16xf32>, vector<16xi1> -> vector<16xf32>
      %reduce_min3A_650 = vector.extract %reduce_min3A_649[15] : f32 from vector<16xf32>
      %min3A = arith.minimumf %reduce_min3A_646, %reduce_min3A_650 : f32
      %le3A = arith.cmpf ole, %reduce_min3A_646, %reduce_min3A_650 : f32
      %jit3A_651 = arith.constant 0 : i32
      %jit3A_652 = arith.constant 1 : i32
      %select_n3A_653 = arith.select %le3A, %jit3A_651, %jit3A_652 : i32
      %select_n3A_654 = arith.select %le3A, %get3A_641, %get3A_643 : vector<16xf32>
      %eq3A_655 = vector.broadcast %min3A : f32 to vector<16xf32>
      %eq3A_656 = arith.cmpf oeq, %select_n3A_654, %eq3A_655 : vector<16xf32>
      %all_reduce_ffs3A = tpu.all_reduce %eq3A_656 {dim = 0 : i64, kind = #tpu.reduction_kind<find_first_set>} : vector<16xi1> -> vector<16xi32>
      %slice3A_657 = vector.extract_strided_slice %all_reduce_ffs3A {offsets = [0], sizes = [1], strides = [1]} : vector<16xi32> to vector<1xi32>
      %squeeze3A_658 = vector.extract %slice3A_657[0] : i32 from vector<1xi32>
      %mul3A_659 = arith.constant 256 : i32
      %mul3A_660 = arith.muli %select_n3A_653, %mul3A_659 : i32
      %add3A_661 = arith.addi %mul3A_660, %squeeze3A_658 : i32
      %mul3A_662 = arith.constant 16 : i32
      %mul3A_663 = vector.broadcast %mul3A_662 : i32 to vector<16xi32>
      %mul3A_664 = arith.muli %iota3A, %mul3A_663 : vector<16xi32>
      %add3A_665 = vector.broadcast %add3A_661 : i32 to vector<16xi32>
      %add3A_666 = arith.addi %add3A_665, %mul3A_664 : vector<16xi32>
      %gather3A = tpu.vector_load_idx %arg10[%add3A_666] : memref<512xf32, #tpu.memory_space<vmem>>[vector<16xi32>], vector<16xf32>,
      %eq3A_667 = vector.broadcast %min3A : f32 to vector<16xf32>
      %eq3A_668 = arith.cmpf oeq, %gather3A, %eq3A_667 : vector<16xf32>
      %all_reduce_ffs3A_669 = tpu.all_reduce %eq3A_668 {dim = 0 : i64, kind = #tpu.reduction_kind<find_first_set>} : vector<16xi1> -> vector<16xi32>
      %slice3A_670 = vector.extract_strided_slice %all_reduce_ffs3A_669 {offsets = [0], sizes = [1], strides = [1]} : vector<16xi32> to vector<1xi32>
      %squeeze3A_671 = vector.extract %slice3A_670[0] : i32 from vector<1xi32>
      %mul3A_672 = arith.constant 16 : i32
      %mul3A_673 = arith.muli %squeeze3A_671, %mul3A_672 : i32
      %add3A_674 = arith.addi %add3A_661, %mul3A_673 : i32
      %jit3A_675 = arith.constant 16 : i32
      %div3A_676 = arith.divsi %add3A_674, %jit3A_675 : i32
      %sign3A_677 = arith.constant 0 : i32
      %sign3A_678 = arith.cmpi sgt, %add3A_674, %sign3A_677 : i32
      %sign3A_679 = arith.extui %sign3A_678 : i1 to i32
      %sign3A_680 = arith.constant 0 : i32
      %sign3A_681 = arith.cmpi slt, %add3A_674, %sign3A_680 : i32
      %sign3A_682 = arith.extui %sign3A_681 : i1 to i32
      %sign3A_683 = arith.subi %sign3A_679, %sign3A_682 : i32
      %sign3A_684 = arith.constant 0 : i32
      %sign3A_685 = arith.cmpi sgt, %jit3A_675, %sign3A_684 : i32
      %sign3A_686 = arith.extui %sign3A_685 : i1 to i32
      %sign3A_687 = arith.constant 0 : i32
      %sign3A_688 = arith.cmpi slt, %jit3A_675, %sign3A_687 : i32
      %sign3A_689 = arith.extui %sign3A_688 : i1 to i32
      %sign3A_690 = arith.subi %sign3A_686, %sign3A_689 : i32
      %ne3A_691 = arith.cmpi ne, %sign3A_683, %sign3A_690 : i32
      %rem3A_692 = arith.remsi %add3A_674, %jit3A_675 : i32
      %ne3A_693 = arith.constant 0 : i32
      %ne3A_694 = arith.cmpi ne, %rem3A_692, %ne3A_693 : i32
      %and3A_695 = arith.andi %ne3A_691, %ne3A_694 : i1
      %sub3A_696 = arith.constant 1 : i32
      %sub3A_697 = arith.subi %div3A_676, %sub3A_696 : i32
      %select_n3A_698 = arith.select %and3A_695, %sub3A_697, %div3A_676 : i32
      %mul3A_699 = arith.constant 256 : i32
      %mul3A_700 = arith.muli %select_n3A_698, %mul3A_699 : i32
      %jit3A_701 = arith.constant 16 : i32
      %eq3A_702 = arith.constant 0 : i32
      %eq3A_703 = arith.cmpi eq, %jit3A_701, %eq3A_702 : i32
      %jit3A_704 = arith.constant 1 : i32
      %select_n3A_705 = arith.select %eq3A_703, %jit3A_704, %jit3A_701 : i32
      %rem3A_706 = arith.remsi %add3A_674, %select_n3A_705 : i32
      %ne3A_707 = arith.constant 0 : i32
      %ne3A_708 = arith.cmpi ne, %rem3A_706, %ne3A_707 : i32
      %lt3A_709 = arith.constant 0 : i32
      %lt3A_710 = arith.cmpi slt, %rem3A_706, %lt3A_709 : i32
      %lt3A_711 = arith.constant 0 : i32
      %lt3A_712 = arith.cmpi slt, %select_n3A_705, %lt3A_711 : i32
      %ne3A_713 = arith.xori %lt3A_710, %lt3A_712 : i1
      %and3A_714 = arith.andi %ne3A_713, %ne3A_708 : i1
      %add3A_715 = arith.addi %rem3A_706, %select_n3A_705 : i32
      %select_n3A_716 = arith.select %and3A_714, %add3A_715, %rem3A_706 : i32
      %add3A_717 = arith.addi %mul3A_700, %select_n3A_716 : i32
      %mul3A_718 = arith.constant 16 : i32
      %mul3A_719 = vector.broadcast %mul3A_718 : i32 to vector<16xi32>
      %mul3A_720 = arith.muli %iota3A, %mul3A_719 : vector<16xi32>
      %add3A_721 = vector.broadcast %add3A_717 : i32 to vector<16xi32>
      %add3A_722 = arith.addi %add3A_721, %mul3A_720 : vector<16xi32>
      %gather3A_723 = tpu.vector_load_idx %arg9[%add3A_722] : memref<6400xf32, #tpu.memory_space<vmem>>[vector<16xi32>], vector<16xf32>,
      %eq3A_724 = vector.broadcast %min3A : f32 to vector<16xf32>
      %eq3A_725 = arith.cmpf oeq, %gather3A_723, %eq3A_724 : vector<16xf32>
      %all_reduce_ffs3A_726 = tpu.all_reduce %eq3A_725 {dim = 0 : i64, kind = #tpu.reduction_kind<find_first_set>} : vector<16xi1> -> vector<16xi32>
      %slice3A_727 = vector.extract_strided_slice %all_reduce_ffs3A_726 {offsets = [0], sizes = [1], strides = [1]} : vector<16xi32> to vector<1xi32>
      %squeeze3A_728 = vector.extract %slice3A_727[0] : i32 from vector<1xi32>
      %mul3A_729 = arith.constant 16 : i32
      %mul3A_730 = arith.muli %squeeze3A_728, %mul3A_729 : i32
      %add3A_731 = arith.addi %add3A_717, %mul3A_730 : i32
      %jit3A_732 = arith.constant 16 : i32
      %div3A_733 = arith.divsi %add3A_731, %jit3A_732 : i32
      %sign3A_734 = arith.constant 0 : i32
      %sign3A_735 = arith.cmpi sgt, %add3A_731, %sign3A_734 : i32
      %sign3A_736 = arith.extui %sign3A_735 : i1 to i32
      %sign3A_737 = arith.constant 0 : i32
      %sign3A_738 = arith.cmpi slt, %add3A_731, %sign3A_737 : i32
      %sign3A_739 = arith.extui %sign3A_738 : i1 to i32
      %sign3A_740 = arith.subi %sign3A_736, %sign3A_739 : i32
      %sign3A_741 = arith.constant 0 : i32
      %sign3A_742 = arith.cmpi sgt, %jit3A_732, %sign3A_741 : i32
      %sign3A_743 = arith.extui %sign3A_742 : i1 to i32
      %sign3A_744 = arith.constant 0 : i32
      %sign3A_745 = arith.cmpi slt, %jit3A_732, %sign3A_744 : i32
      %sign3A_746 = arith.extui %sign3A_745 : i1 to i32
      %sign3A_747 = arith.subi %sign3A_743, %sign3A_746 : i32
      %ne3A_748 = arith.cmpi ne, %sign3A_740, %sign3A_747 : i32
      %rem3A_749 = arith.remsi %add3A_731, %jit3A_732 : i32
      %ne3A_750 = arith.constant 0 : i32
      %ne3A_751 = arith.cmpi ne, %rem3A_749, %ne3A_750 : i32
      %and3A_752 = arith.andi %ne3A_748, %ne3A_751 : i1
      %sub3A_753 = arith.constant 1 : i32
      %sub3A_754 = arith.subi %div3A_733, %sub3A_753 : i32
      %select_n3A_755 = arith.select %and3A_752, %sub3A_754, %div3A_733 : i32
      %mul3A_756 = arith.constant 256 : i32
      %mul3A_757 = arith.muli %select_n3A_755, %mul3A_756 : i32
      %jit3A_758 = arith.constant 16 : i32
      %eq3A_759 = arith.constant 0 : i32
      %eq3A_760 = arith.cmpi eq, %jit3A_758, %eq3A_759 : i32
      %jit3A_761 = arith.constant 1 : i32
      %select_n3A_762 = arith.select %eq3A_760, %jit3A_761, %jit3A_758 : i32
      %rem3A_763 = arith.remsi %add3A_731, %select_n3A_762 : i32
      %ne3A_764 = arith.constant 0 : i32
      %ne3A_765 = arith.cmpi ne, %rem3A_763, %ne3A_764 : i32
      %lt3A_766 = arith.constant 0 : i32
      %lt3A_767 = arith.cmpi slt, %rem3A_763, %lt3A_766 : i32
      %lt3A_768 = arith.constant 0 : i32
      %lt3A_769 = arith.cmpi slt, %select_n3A_762, %lt3A_768 : i32
      %ne3A_770 = arith.xori %lt3A_767, %lt3A_769 : i1
      %and3A_771 = arith.andi %ne3A_770, %ne3A_765 : i1
      %add3A_772 = arith.addi %rem3A_763, %select_n3A_762 : i32
      %select_n3A_773 = arith.select %and3A_771, %add3A_772, %rem3A_763 : i32
      %add3A_774 = arith.addi %mul3A_757, %select_n3A_773 : i32
      %mul3A_775 = arith.constant 16 : i32
      %mul3A_776 = vector.broadcast %mul3A_775 : i32 to vector<16xi32>
      %mul3A_777 = arith.muli %iota3A, %mul3A_776 : vector<16xi32>
      %add3A_778 = vector.broadcast %add3A_774 : i32 to vector<16xi32>
      %add3A_779 = arith.addi %add3A_778, %mul3A_777 : vector<16xi32>
      %jit3A_780 = arith.constant 128 : i32
      %div3A_781 = vector.broadcast %jit3A_780 : i32 to vector<16xi32>
      %div3A_782 = arith.divsi %add3A_779, %div3A_781 : vector<16xi32>
      %sign3A_783 = arith.constant 0 : i32
      %sign3A_784 = vector.broadcast %sign3A_783 : i32 to vector<16xi32>
      %sign3A_785 = arith.cmpi sgt, %add3A_779, %sign3A_784 : vector<16xi32>
      %sign3A_786 = arith.extui %sign3A_785 : vector<16xi1> to vector<16xi32>
      %sign3A_787 = arith.constant 0 : i32
      %sign3A_788 = vector.broadcast %sign3A_787 : i32 to vector<16xi32>
      %sign3A_789 = arith.cmpi slt, %add3A_779, %sign3A_788 : vector<16xi32>
      %sign3A_790 = arith.extui %sign3A_789 : vector<16xi1> to vector<16xi32>
      %sign3A_791 = arith.subi %sign3A_786, %sign3A_790 : vector<16xi32>
      %sign3A_792 = arith.constant 0 : i32
      %sign3A_793 = arith.cmpi sgt, %jit3A_780, %sign3A_792 : i32
      %sign3A_794 = arith.extui %sign3A_793 : i1 to i32
      %sign3A_795 = arith.constant 0 : i32
      %sign3A_796 = arith.cmpi slt, %jit3A_780, %sign3A_795 : i32
      %sign3A_797 = arith.extui %sign3A_796 : i1 to i32
      %sign3A_798 = arith.subi %sign3A_794, %sign3A_797 : i32
      %ne3A_799 = vector.broadcast %sign3A_798 : i32 to vector<16xi32>
      %ne3A_800 = arith.cmpi ne, %sign3A_791, %ne3A_799 : vector<16xi32>
      %rem3A_801 = vector.broadcast %jit3A_780 : i32 to vector<16xi32>
      %rem3A_802 = arith.remsi %add3A_779, %rem3A_801 : vector<16xi32>
      %ne3A_803 = arith.constant 0 : i32
      %ne3A_804 = vector.broadcast %ne3A_803 : i32 to vector<16xi32>
      %ne3A_805 = arith.cmpi ne, %rem3A_802, %ne3A_804 : vector<16xi32>
      %and3A_806 = arith.andi %ne3A_800, %ne3A_805 : vector<16xi1>
      %sub3A_807 = arith.constant 1 : i32
      %sub3A_808 = vector.broadcast %sub3A_807 : i32 to vector<16xi32>
      %sub3A_809 = arith.subi %div3A_782, %sub3A_808 : vector<16xi32>
      %select_n3A_810 = arith.select %and3A_806, %sub3A_809, %div3A_782 : vector<16xi1>, vector<16xi32>
      %jit3A_811 = arith.constant 128 : i32
      %eq3A_812 = arith.constant 0 : i32
      %eq3A_813 = arith.cmpi eq, %jit3A_811, %eq3A_812 : i32
      %jit3A_814 = arith.constant 1 : i32
      %select_n3A_815 = arith.select %eq3A_813, %jit3A_814, %jit3A_811 : i32
      %rem3A_816 = vector.broadcast %select_n3A_815 : i32 to vector<16xi32>
      %rem3A_817 = arith.remsi %add3A_779, %rem3A_816 : vector<16xi32>
      %ne3A_818 = arith.constant 0 : i32
      %ne3A_819 = vector.broadcast %ne3A_818 : i32 to vector<16xi32>
      %ne3A_820 = arith.cmpi ne, %rem3A_817, %ne3A_819 : vector<16xi32>
      %lt3A_821 = arith.constant 0 : i32
      %lt3A_822 = vector.broadcast %lt3A_821 : i32 to vector<16xi32>
      %lt3A_823 = arith.cmpi slt, %rem3A_817, %lt3A_822 : vector<16xi32>
      %lt3A_824 = arith.constant 0 : i32
      %lt3A_825 = arith.cmpi slt, %select_n3A_815, %lt3A_824 : i32
      %ne3A_826 = vector.broadcast %lt3A_825 : i1 to vector<16xi1>
      %ne3A_827 = vector.broadcast %ne3A_826 : vector<16xi1> to vector<16xi1>
      %ne3A_828 = arith.xori %lt3A_823, %ne3A_827 : vector<16xi1>
      %and3A_829 = arith.andi %ne3A_828, %ne3A_820 : vector<16xi1>
      %add3A_830 = vector.broadcast %select_n3A_815 : i32 to vector<16xi32>
      %add3A_831 = arith.addi %rem3A_817, %add3A_830 : vector<16xi32>
      %select_n3A_832 = arith.select %and3A_829, %add3A_831, %rem3A_817 : vector<16xi1>, vector<16xi32>
      %gather3A_833 = tpu.vector_load_idx %arg8[%select_n3A_810, %select_n3A_832] : memref<784x128xf32, #tpu.memory_space<vmem>>[vector<16xi32>, vector<16xi32>], vector<16xf32>,
      %eq3A_834 = vector.broadcast %min3A : f32 to vector<16xf32>
      %eq3A_835 = arith.cmpf oeq, %gather3A_833, %eq3A_834 : vector<16xf32>
      %all_reduce_ffs3A_836 = tpu.all_reduce %eq3A_835 {dim = 0 : i64, kind = #tpu.reduction_kind<find_first_set>} : vector<16xi1> -> vector<16xi32>
      %slice3A_837 = vector.extract_strided_slice %all_reduce_ffs3A_836 {offsets = [0], sizes = [1], strides = [1]} : vector<16xi32> to vector<1xi32>
      %squeeze3A_838 = vector.extract %slice3A_837[0] : i32 from vector<1xi32>
      %mul3A_839 = arith.constant 16 : i32
      %mul3A_840 = arith.muli %squeeze3A_838, %mul3A_839 : i32
      %add3A_841 = arith.addi %add3A_774, %mul3A_840 : i32
      %add3A_842 = vector.broadcast %while3A_638 : i32 to vector<16xi32>
      %add3A_843 = arith.addi %mul3A_36, %add3A_842 : vector<16xi32>
      %add3A_844 = vector.broadcast %add3A_841 : i32 to vector<16xi32>
      %add3A_845 = arith.addi %mul3A_36, %add3A_844 : vector<16xi32>
      tpu.vector_store_idx %arg12[%add3A_843], %add3A_845 masked %eq3A_33 : memref<64xi32, #tpu.memory_space<vmem>>[vector<16xi32>], vector<16xi32>, vector<16xi1>
      %add3A_846 = vector.broadcast %while3A_638 : i32 to vector<16xi32>
      %add3A_847 = arith.addi %mul3A_36, %add3A_846 : vector<16xi32>
      %mul3A_848 = arith.constant 0.000000e+00 : f32
      %mul3A_849 = vector.broadcast %mul3A_848 : f32 to vector<16xf32>
      %mul3A_850 = arith.mulf %mul3A_39, %mul3A_849 : vector<16xf32>
      %add3A_851 = vector.broadcast %min3A : f32 to vector<16xf32>
      %add3A_852 = arith.addf %mul3A_850, %add3A_851 : vector<16xf32>
      tpu.vector_store_idx %arg13[%add3A_847], %add3A_852 masked %eq3A_33 : memref<64xf32, #tpu.memory_space<vmem>>[vector<16xi32>], vector<16xf32>, vector<16xi1>
      %dma_start3A_853 = arith.constant 0 : i32
      %dma_start3A_854 = tpu.memref_slice %arg14[%while3A_638, %dma_start3A_853] : memref<64x128xf32, #tpu.memory_space<vmem>> -> memref<1x128xf32, #tpu.memory_space<vmem>>
      %dma_start3A_855 = tpu.memref_squeeze %dma_start3A_854 : memref<1x128xf32, #tpu.memory_space<vmem>> -> memref<128xf32, #tpu.memory_space<vmem>>
      %dma_start3A_856 = arith.constant 0 : i32
      %dma_start3A_857 = tpu.memref_slice %arg3[%add3A_841, %dma_start3A_856] : memref<100000x128xf32, #tpu.memory_space<hbm>> -> memref<1x128xf32, #tpu.memory_space<hbm>>
      %dma_start3A_858 = tpu.memref_squeeze %dma_start3A_857 : memref<1x128xf32, #tpu.memory_space<hbm>> -> memref<128xf32, #tpu.memory_space<hbm>>
      %dma_start3A_859 = arith.constant 0 : i32
      %dma_start3A_860 = tpu.memref_slice %arg14[%while3A_638, %dma_start3A_859] : memref<64x128xf32, #tpu.memory_space<vmem>> -> memref<1x128xf32, #tpu.memory_space<vmem>>
      %dma_start3A_861 = tpu.memref_squeeze %dma_start3A_860 : memref<1x128xf32, #tpu.memory_space<vmem>> -> memref<128xf32, #tpu.memory_space<vmem>>
      %dma_start3A_862 = arith.constant 0 : i32
      %dma_start3A_863 = tpu.memref_slice %arg3[%add3A_841, %dma_start3A_862] : memref<100000x128xf32, #tpu.memory_space<hbm>> -> memref<1x128xf32, #tpu.memory_space<hbm>>
      %dma_start3A_864 = tpu.memref_squeeze %dma_start3A_863 : memref<1x128xf32, #tpu.memory_space<hbm>> -> memref<128xf32, #tpu.memory_space<hbm>>
      tpu.enqueue_dma source(%dma_start3A_864 : memref<128xf32, #tpu.memory_space<hbm>>) target(%dma_start3A_861 : memref<128xf32, #tpu.memory_space<vmem>>) target_semaphore(%arg19 : memref<!tpu.dma_semaphore, #tpu.memory_space<semaphore_mem>>)
      %jit3A_865 = arith.constant 128 : i32
      %div3A_866 = arith.divsi %add3A_841, %jit3A_865 : i32
      %sign3A_867 = arith.constant 0 : i32
      %sign3A_868 = arith.cmpi sgt, %add3A_841, %sign3A_867 : i32
      %sign3A_869 = arith.extui %sign3A_868 : i1 to i32
      %sign3A_870 = arith.constant 0 : i32
      %sign3A_871 = arith.cmpi slt, %add3A_841, %sign3A_870 : i32
      %sign3A_872 = arith.extui %sign3A_871 : i1 to i32
      %sign3A_873 = arith.subi %sign3A_869, %sign3A_872 : i32
      %sign3A_874 = arith.constant 0 : i32
      %sign3A_875 = arith.cmpi sgt, %jit3A_865, %sign3A_874 : i32
      %sign3A_876 = arith.extui %sign3A_875 : i1 to i32
      %sign3A_877 = arith.constant 0 : i32
      %sign3A_878 = arith.cmpi slt, %jit3A_865, %sign3A_877 : i32
      %sign3A_879 = arith.extui %sign3A_878 : i1 to i32
      %sign3A_880 = arith.subi %sign3A_876, %sign3A_879 : i32
      %ne3A_881 = arith.cmpi ne, %sign3A_873, %sign3A_880 : i32
      %rem3A_882 = arith.remsi %add3A_841, %jit3A_865 : i32
      %ne3A_883 = arith.constant 0 : i32
      %ne3A_884 = arith.cmpi ne, %rem3A_882, %ne3A_883 : i32
      %and3A_885 = arith.andi %ne3A_881, %ne3A_884 : i1
      %sub3A_886 = arith.constant 1 : i32
      %sub3A_887 = arith.subi %div3A_866, %sub3A_886 : i32
      %select_n3A_888 = arith.select %and3A_885, %sub3A_887, %div3A_866 : i32
      %jit3A_889 = arith.constant 128 : i32
      %eq3A_890 = arith.constant 0 : i32
      %eq3A_891 = arith.cmpi eq, %jit3A_889, %eq3A_890 : i32
      %jit3A_892 = arith.constant 1 : i32
      %select_n3A_893 = arith.select %eq3A_891, %jit3A_892, %jit3A_889 : i32
      %rem3A_894 = arith.remsi %add3A_841, %select_n3A_893 : i32
      %ne3A_895 = arith.constant 0 : i32
      %ne3A_896 = arith.cmpi ne, %rem3A_894, %ne3A_895 : i32
      %lt3A_897 = arith.constant 0 : i32
      %lt3A_898 = arith.cmpi slt, %rem3A_894, %lt3A_897 : i32
      %lt3A_899 = arith.constant 0 : i32
      %lt3A_900 = arith.cmpi slt, %select_n3A_893, %lt3A_899 : i32
      %ne3A_901 = arith.xori %lt3A_898, %lt3A_900 : i1
      %and3A_902 = arith.andi %ne3A_901, %ne3A_896 : i1
      %add3A_903 = arith.addi %rem3A_894, %select_n3A_893 : i32
      %select_n3A_904 = arith.select %and3A_902, %add3A_903, %rem3A_894 : i32
      %mul3A_905 = arith.constant 0.000000e+00 : f32
      %mul3A_906 = arith.mulf %min3A, %mul3A_905 : f32
      %add3A_907 = arith.constant 3.000000e+38 : f32
      %add3A_908 = arith.addf %mul3A_906, %add3A_907 : f32
      %add3A_909 = vector.broadcast %select_n3A_888 : i32 to vector<16xi32>
      %add3A_910 = arith.addi %mul3A_36, %add3A_909 : vector<16xi32>
      %add3A_911 = vector.broadcast %select_n3A_904 : i32 to vector<16xi32>
      %add3A_912 = arith.addi %mul3A_36, %add3A_911 : vector<16xi32>
      %mul3A_913 = arith.constant 0.000000e+00 : f32
      %mul3A_914 = vector.broadcast %mul3A_913 : f32 to vector<16xf32>
      %mul3A_915 = arith.mulf %mul3A_39, %mul3A_914 : vector<16xf32>
      %add3A_916 = vector.broadcast %add3A_908 : f32 to vector<16xf32>
      %add3A_917 = arith.addf %mul3A_915, %add3A_916 : vector<16xf32>
      tpu.vector_store_idx %arg8[%add3A_910, %add3A_912], %add3A_917 masked %eq3A_33 : memref<784x128xf32, #tpu.memory_space<vmem>>[vector<16xi32>, vector<16xi32>], vector<16xf32>, vector<16xi1>
      %eq3A_918 = vector.broadcast %squeeze3A_838 : i32 to vector<16xi32>
      %eq3A_919 = arith.cmpi eq, %iota3A, %eq3A_918 : vector<16xi32>
      %jit3A_920 = arith.constant 3.000000e+38 : f32
      %broadcast_in_dim3A_921 = vector.broadcast %jit3A_920 : f32 to vector<16xf32>
      %select_n3A_922 = arith.select %eq3A_919, %broadcast_in_dim3A_921, %gather3A_833 : vector<16xi1>, vector<16xf32>
      %reduce_min3A_923 = arith.constant true
      %reduce_min3A_924 = vector.broadcast %reduce_min3A_923 : i1 to vector<16xi1>
      %reduce_min3A_925 = tpu.scan <min>, %select_n3A_922 masked %reduce_min3A_924 : vector<16xf32>, vector<16xi1> -> vector<16xf32>
      %reduce_min3A_926 = vector.extract %reduce_min3A_925[15] : f32 from vector<16xf32>
      %add3A_927 = vector.broadcast %add3A_731 : i32 to vector<16xi32>
      %add3A_928 = arith.addi %mul3A_36, %add3A_927 : vector<16xi32>
      %mul3A_929 = arith.constant 0.000000e+00 : f32
      %mul3A_930 = vector.broadcast %mul3A_929 : f32 to vector<16xf32>
      %mul3A_931 = arith.mulf %mul3A_39, %mul3A_930 : vector<16xf32>
      %add3A_932 = vector.broadcast %reduce_min3A_926 : f32 to vector<16xf32>
      %add3A_933 = arith.addf %mul3A_931, %add3A_932 : vector<16xf32>
      tpu.vector_store_idx %arg9[%add3A_928], %add3A_933 masked %eq3A_33 : memref<6400xf32, #tpu.memory_space<vmem>>[vector<16xi32>], vector<16xf32>, vector<16xi1>
      %eq3A_934 = vector.broadcast %squeeze3A_728 : i32 to vector<16xi32>
      %eq3A_935 = arith.cmpi eq, %iota3A, %eq3A_934 : vector<16xi32>
      %broadcast_in_dim3A_936 = vector.broadcast %reduce_min3A_926 : f32 to vector<16xf32>
      %select_n3A_937 = arith.select %eq3A_935, %broadcast_in_dim3A_936, %gather3A_723 : vector<16xi1>, vector<16xf32>
      %reduce_min3A_938 = arith.constant true
      %reduce_min3A_939 = vector.broadcast %reduce_min3A_938 : i1 to vector<16xi1>
      %reduce_min3A_940 = tpu.scan <min>, %select_n3A_937 masked %reduce_min3A_939 : vector<16xf32>, vector<16xi1> -> vector<16xf32>
      %reduce_min3A_941 = vector.extract %reduce_min3A_940[15] : f32 from vector<16xf32>
      %add3A_942 = vector.broadcast %add3A_674 : i32 to vector<16xi32>
      %add3A_943 = arith.addi %mul3A_36, %add3A_942 : vector<16xi32>
      %mul3A_944 = arith.constant 0.000000e+00 : f32
      %mul3A_945 = vector.broadcast %mul3A_944 : f32 to vector<16xf32>
      %mul3A_946 = arith.mulf %mul3A_39, %mul3A_945 : vector<16xf32>
      %add3A_947 = vector.broadcast %reduce_min3A_941 : f32 to vector<16xf32>
      %add3A_948 = arith.addf %mul3A_946, %add3A_947 : vector<16xf32>
      tpu.vector_store_idx %arg10[%add3A_943], %add3A_948 masked %eq3A_33 : memref<512xf32, #tpu.memory_space<vmem>>[vector<16xi32>], vector<16xf32>, vector<16xi1>
      %eq3A_949 = vector.broadcast %squeeze3A_671 : i32 to vector<16xi32>
      %eq3A_950 = arith.cmpi eq, %iota3A, %eq3A_949 : vector<16xi32>
      %broadcast_in_dim3A_951 = vector.broadcast %reduce_min3A_941 : f32 to vector<16xf32>
      %select_n3A_952 = arith.select %eq3A_950, %broadcast_in_dim3A_951, %gather3A : vector<16xi1>, vector<16xf32>
      %reduce_min3A_953 = arith.constant true
      %reduce_min3A_954 = vector.broadcast %reduce_min3A_953 : i1 to vector<16xi1>
      %reduce_min3A_955 = tpu.scan <min>, %select_n3A_952 masked %reduce_min3A_954 : vector<16xf32>, vector<16xi1> -> vector<16xf32>
      %reduce_min3A_956 = vector.extract %reduce_min3A_955[15] : f32 from vector<16xf32>
      %mul3A_957 = arith.constant 16 : i32
      %mul3A_958 = arith.muli %select_n3A_653, %mul3A_957 : i32
      %add3A_959 = arith.addi %mul3A_958, %squeeze3A_658 : i32
      %add3A_960 = vector.broadcast %add3A_959 : i32 to vector<16xi32>
      %add3A_961 = arith.addi %mul3A_36, %add3A_960 : vector<16xi32>
      %mul3A_962 = arith.constant 0.000000e+00 : f32
      %mul3A_963 = vector.broadcast %mul3A_962 : f32 to vector<16xf32>
      %mul3A_964 = arith.mulf %mul3A_39, %mul3A_963 : vector<16xf32>
      %add3A_965 = vector.broadcast %reduce_min3A_956 : f32 to vector<16xf32>
      %add3A_966 = arith.addf %mul3A_964, %add3A_965 : vector<16xf32>
      tpu.vector_store_idx %arg11[%add3A_961], %add3A_966 masked %eq3A_33 : memref<32xf32, #tpu.memory_space<vmem>>[vector<16xi32>], vector<16xf32>, vector<16xi1>
      scf.yield %min3A : f32
    }
    %while3A_317 = arith.constant 1 : i32
    %while3A_318 = scf.for %while3A_638 = %while3A_314 to %while3A_310 step %while3A_317 iter_args(%while3A_639 = %while3A_316) -> (f32)  : i32 {
      %get3A_640 = arith.constant 0 : index
      %get3A_641 = tpu.vector_load %arg11[%get3A_640] {strides = array<i32>} : memref<32xf32, #tpu.memory_space<vmem>>, vector<16xf32>,
      %get3A_642 = arith.constant 16 : index
      %get3A_643 = tpu.vector_load %arg11[%get3A_642] {strides = array<i32>} : memref<32xf32, #tpu.memory_space<vmem>>, vector<16xf32>,
      %reduce_min3A = arith.constant true
      %reduce_min3A_644 = vector.broadcast %reduce_min3A : i1 to vector<16xi1>
      %reduce_min3A_645 = tpu.scan <min>, %get3A_641 masked %reduce_min3A_644 : vector<16xf32>, vector<16xi1> -> vector<16xf32>
      %reduce_min3A_646 = vector.extract %reduce_min3A_645[15] : f32 from vector<16xf32>
      %reduce_min3A_647 = arith.constant true
      %reduce_min3A_648 = vector.broadcast %reduce_min3A_647 : i1 to vector<16xi1>
      %reduce_min3A_649 = tpu.scan <min>, %get3A_643 masked %reduce_min3A_648 : vector<16xf32>, vector<16xi1> -> vector<16xf32>
      %reduce_min3A_650 = vector.extract %reduce_min3A_649[15] : f32 from vector<16xf32>
      %min3A = arith.minimumf %reduce_min3A_646, %reduce_min3A_650 : f32
      %le3A = arith.cmpf ole, %reduce_min3A_646, %reduce_min3A_650 : f32
      %jit3A_651 = arith.constant 0 : i32
      %jit3A_652 = arith.constant 1 : i32
      %select_n3A_653 = arith.select %le3A, %jit3A_651, %jit3A_652 : i32
      %select_n3A_654 = arith.select %le3A, %get3A_641, %get3A_643 : vector<16xf32>
      %eq3A_655 = vector.broadcast %min3A : f32 to vector<16xf32>
      %eq3A_656 = arith.cmpf oeq, %select_n3A_654, %eq3A_655 : vector<16xf32>
      %all_reduce_ffs3A = tpu.all_reduce %eq3A_656 {dim = 0 : i64, kind = #tpu.reduction_kind<find_first_set>} : vector<16xi1> -> vector<16xi32>
      %slice3A_657 = vector.extract_strided_slice %all_reduce_ffs3A {offsets = [0], sizes = [1], strides = [1]} : vector<16xi32> to vector<1xi32>
      %squeeze3A_658 = vector.extract %slice3A_657[0] : i32 from vector<1xi32>
      %mul3A_659 = arith.constant 256 : i32
      %mul3A_660 = arith.muli %select_n3A_653, %mul3A_659 : i32
      %add3A_661 = arith.addi %mul3A_660, %squeeze3A_658 : i32
      %mul3A_662 = arith.constant 16 : i32
      %mul3A_663 = vector.broadcast %mul3A_662 : i32 to vector<16xi32>
      %mul3A_664 = arith.muli %iota3A, %mul3A_663 : vector<16xi32>
      %add3A_665 = vector.broadcast %add3A_661 : i32 to vector<16xi32>
      %add3A_666 = arith.addi %add3A_665, %mul3A_664 : vector<16xi32>
      %gather3A = tpu.vector_load_idx %arg10[%add3A_666] : memref<512xf32, #tpu.memory_space<vmem>>[vector<16xi32>], vector<16xf32>,
      %eq3A_667 = vector.broadcast %min3A : f32 to vector<16xf32>
      %eq3A_668 = arith.cmpf oeq, %gather3A, %eq3A_667 : vector<16xf32>
      %all_reduce_ffs3A_669 = tpu.all_reduce %eq3A_668 {dim = 0 : i64, kind = #tpu.reduction_kind<find_first_set>} : vector<16xi1> -> vector<16xi32>
      %slice3A_670 = vector.extract_strided_slice %all_reduce_ffs3A_669 {offsets = [0], sizes = [1], strides = [1]} : vector<16xi32> to vector<1xi32>
      %squeeze3A_671 = vector.extract %slice3A_670[0] : i32 from vector<1xi32>
      %mul3A_672 = arith.constant 16 : i32
      %mul3A_673 = arith.muli %squeeze3A_671, %mul3A_672 : i32
      %add3A_674 = arith.addi %add3A_661, %mul3A_673 : i32
      %jit3A_675 = arith.constant 16 : i32
      %div3A_676 = arith.divsi %add3A_674, %jit3A_675 : i32
      %sign3A_677 = arith.constant 0 : i32
      %sign3A_678 = arith.cmpi sgt, %add3A_674, %sign3A_677 : i32
      %sign3A_679 = arith.extui %sign3A_678 : i1 to i32
      %sign3A_680 = arith.constant 0 : i32
      %sign3A_681 = arith.cmpi slt, %add3A_674, %sign3A_680 : i32
      %sign3A_682 = arith.extui %sign3A_681 : i1 to i32
      %sign3A_683 = arith.subi %sign3A_679, %sign3A_682 : i32
      %sign3A_684 = arith.constant 0 : i32
      %sign3A_685 = arith.cmpi sgt, %jit3A_675, %sign3A_684 : i32
      %sign3A_686 = arith.extui %sign3A_685 : i1 to i32
      %sign3A_687 = arith.constant 0 : i32
      %sign3A_688 = arith.cmpi slt, %jit3A_675, %sign3A_687 : i32
      %sign3A_689 = arith.extui %sign3A_688 : i1 to i32
      %sign3A_690 = arith.subi %sign3A_686, %sign3A_689 : i32
      %ne3A_691 = arith.cmpi ne, %sign3A_683, %sign3A_690 : i32
      %rem3A_692 = arith.remsi %add3A_674, %jit3A_675 : i32
      %ne3A_693 = arith.constant 0 : i32
      %ne3A_694 = arith.cmpi ne, %rem3A_692, %ne3A_693 : i32
      %and3A_695 = arith.andi %ne3A_691, %ne3A_694 : i1
      %sub3A_696 = arith.constant 1 : i32
      %sub3A_697 = arith.subi %div3A_676, %sub3A_696 : i32
      %select_n3A_698 = arith.select %and3A_695, %sub3A_697, %div3A_676 : i32
      %mul3A_699 = arith.constant 256 : i32
      %mul3A_700 = arith.muli %select_n3A_698, %mul3A_699 : i32
      %jit3A_701 = arith.constant 16 : i32
      %eq3A_702 = arith.constant 0 : i32
      %eq3A_703 = arith.cmpi eq, %jit3A_701, %eq3A_702 : i32
      %jit3A_704 = arith.constant 1 : i32
      %select_n3A_705 = arith.select %eq3A_703, %jit3A_704, %jit3A_701 : i32
      %rem3A_706 = arith.remsi %add3A_674, %select_n3A_705 : i32
      %ne3A_707 = arith.constant 0 : i32
      %ne3A_708 = arith.cmpi ne, %rem3A_706, %ne3A_707 : i32
      %lt3A_709 = arith.constant 0 : i32
      %lt3A_710 = arith.cmpi slt, %rem3A_706, %lt3A_709 : i32
      %lt3A_711 = arith.constant 0 : i32
      %lt3A_712 = arith.cmpi slt, %select_n3A_705, %lt3A_711 : i32
      %ne3A_713 = arith.xori %lt3A_710, %lt3A_712 : i1
      %and3A_714 = arith.andi %ne3A_713, %ne3A_708 : i1
      %add3A_715 = arith.addi %rem3A_706, %select_n3A_705 : i32
      %select_n3A_716 = arith.select %and3A_714, %add3A_715, %rem3A_706 : i32
      %add3A_717 = arith.addi %mul3A_700, %select_n3A_716 : i32
      %mul3A_718 = arith.constant 16 : i32
      %mul3A_719 = vector.broadcast %mul3A_718 : i32 to vector<16xi32>
      %mul3A_720 = arith.muli %iota3A, %mul3A_719 : vector<16xi32>
      %add3A_721 = vector.broadcast %add3A_717 : i32 to vector<16xi32>
      %add3A_722 = arith.addi %add3A_721, %mul3A_720 : vector<16xi32>
      %gather3A_723 = tpu.vector_load_idx %arg9[%add3A_722] : memref<6400xf32, #tpu.memory_space<vmem>>[vector<16xi32>], vector<16xf32>,
      %eq3A_724 = vector.broadcast %min3A : f32 to vector<16xf32>
      %eq3A_725 = arith.cmpf oeq, %gather3A_723, %eq3A_724 : vector<16xf32>
      %all_reduce_ffs3A_726 = tpu.all_reduce %eq3A_725 {dim = 0 : i64, kind = #tpu.reduction_kind<find_first_set>} : vector<16xi1> -> vector<16xi32>
      %slice3A_727 = vector.extract_strided_slice %all_reduce_ffs3A_726 {offsets = [0], sizes = [1], strides = [1]} : vector<16xi32> to vector<1xi32>
      %squeeze3A_728 = vector.extract %slice3A_727[0] : i32 from vector<1xi32>
      %mul3A_729 = arith.constant 16 : i32
      %mul3A_730 = arith.muli %squeeze3A_728, %mul3A_729 : i32
      %add3A_731 = arith.addi %add3A_717, %mul3A_730 : i32
      %jit3A_732 = arith.constant 16 : i32
      %div3A_733 = arith.divsi %add3A_731, %jit3A_732 : i32
      %sign3A_734 = arith.constant 0 : i32
      %sign3A_735 = arith.cmpi sgt, %add3A_731, %sign3A_734 : i32
      %sign3A_736 = arith.extui %sign3A_735 : i1 to i32
      %sign3A_737 = arith.constant 0 : i32
      %sign3A_738 = arith.cmpi slt, %add3A_731, %sign3A_737 : i32
      %sign3A_739 = arith.extui %sign3A_738 : i1 to i32
      %sign3A_740 = arith.subi %sign3A_736, %sign3A_739 : i32
      %sign3A_741 = arith.constant 0 : i32
      %sign3A_742 = arith.cmpi sgt, %jit3A_732, %sign3A_741 : i32
      %sign3A_743 = arith.extui %sign3A_742 : i1 to i32
      %sign3A_744 = arith.constant 0 : i32
      %sign3A_745 = arith.cmpi slt, %jit3A_732, %sign3A_744 : i32
      %sign3A_746 = arith.extui %sign3A_745 : i1 to i32
      %sign3A_747 = arith.subi %sign3A_743, %sign3A_746 : i32
      %ne3A_748 = arith.cmpi ne, %sign3A_740, %sign3A_747 : i32
      %rem3A_749 = arith.remsi %add3A_731, %jit3A_732 : i32
      %ne3A_750 = arith.constant 0 : i32
      %ne3A_751 = arith.cmpi ne, %rem3A_749, %ne3A_750 : i32
      %and3A_752 = arith.andi %ne3A_748, %ne3A_751 : i1
      %sub3A_753 = arith.constant 1 : i32
      %sub3A_754 = arith.subi %div3A_733, %sub3A_753 : i32
      %select_n3A_755 = arith.select %and3A_752, %sub3A_754, %div3A_733 : i32
      %mul3A_756 = arith.constant 256 : i32
      %mul3A_757 = arith.muli %select_n3A_755, %mul3A_756 : i32
      %jit3A_758 = arith.constant 16 : i32
      %eq3A_759 = arith.constant 0 : i32
      %eq3A_760 = arith.cmpi eq, %jit3A_758, %eq3A_759 : i32
      %jit3A_761 = arith.constant 1 : i32
      %select_n3A_762 = arith.select %eq3A_760, %jit3A_761, %jit3A_758 : i32
      %rem3A_763 = arith.remsi %add3A_731, %select_n3A_762 : i32
      %ne3A_764 = arith.constant 0 : i32
      %ne3A_765 = arith.cmpi ne, %rem3A_763, %ne3A_764 : i32
      %lt3A_766 = arith.constant 0 : i32
      %lt3A_767 = arith.cmpi slt, %rem3A_763, %lt3A_766 : i32
      %lt3A_768 = arith.constant 0 : i32
      %lt3A_769 = arith.cmpi slt, %select_n3A_762, %lt3A_768 : i32
      %ne3A_770 = arith.xori %lt3A_767, %lt3A_769 : i1
      %and3A_771 = arith.andi %ne3A_770, %ne3A_765 : i1
      %add3A_772 = arith.addi %rem3A_763, %select_n3A_762 : i32
      %select_n3A_773 = arith.select %and3A_771, %add3A_772, %rem3A_763 : i32
      %add3A_774 = arith.addi %mul3A_757, %select_n3A_773 : i32
      %mul3A_775 = arith.constant 16 : i32
      %mul3A_776 = vector.broadcast %mul3A_775 : i32 to vector<16xi32>
      %mul3A_777 = arith.muli %iota3A, %mul3A_776 : vector<16xi32>
      %add3A_778 = vector.broadcast %add3A_774 : i32 to vector<16xi32>
      %add3A_779 = arith.addi %add3A_778, %mul3A_777 : vector<16xi32>
      %jit3A_780 = arith.constant 128 : i32
      %div3A_781 = vector.broadcast %jit3A_780 : i32 to vector<16xi32>
      %div3A_782 = arith.divsi %add3A_779, %div3A_781 : vector<16xi32>
      %sign3A_783 = arith.constant 0 : i32
      %sign3A_784 = vector.broadcast %sign3A_783 : i32 to vector<16xi32>
      %sign3A_785 = arith.cmpi sgt, %add3A_779, %sign3A_784 : vector<16xi32>
      %sign3A_786 = arith.extui %sign3A_785 : vector<16xi1> to vector<16xi32>
      %sign3A_787 = arith.constant 0 : i32
      %sign3A_788 = vector.broadcast %sign3A_787 : i32 to vector<16xi32>
      %sign3A_789 = arith.cmpi slt, %add3A_779, %sign3A_788 : vector<16xi32>
      %sign3A_790 = arith.extui %sign3A_789 : vector<16xi1> to vector<16xi32>
      %sign3A_791 = arith.subi %sign3A_786, %sign3A_790 : vector<16xi32>
      %sign3A_792 = arith.constant 0 : i32
      %sign3A_793 = arith.cmpi sgt, %jit3A_780, %sign3A_792 : i32
      %sign3A_794 = arith.extui %sign3A_793 : i1 to i32
      %sign3A_795 = arith.constant 0 : i32
      %sign3A_796 = arith.cmpi slt, %jit3A_780, %sign3A_795 : i32
      %sign3A_797 = arith.extui %sign3A_796 : i1 to i32
      %sign3A_798 = arith.subi %sign3A_794, %sign3A_797 : i32
      %ne3A_799 = vector.broadcast %sign3A_798 : i32 to vector<16xi32>
      %ne3A_800 = arith.cmpi ne, %sign3A_791, %ne3A_799 : vector<16xi32>
      %rem3A_801 = vector.broadcast %jit3A_780 : i32 to vector<16xi32>
      %rem3A_802 = arith.remsi %add3A_779, %rem3A_801 : vector<16xi32>
      %ne3A_803 = arith.constant 0 : i32
      %ne3A_804 = vector.broadcast %ne3A_803 : i32 to vector<16xi32>
      %ne3A_805 = arith.cmpi ne, %rem3A_802, %ne3A_804 : vector<16xi32>
      %and3A_806 = arith.andi %ne3A_800, %ne3A_805 : vector<16xi1>
      %sub3A_807 = arith.constant 1 : i32
      %sub3A_808 = vector.broadcast %sub3A_807 : i32 to vector<16xi32>
      %sub3A_809 = arith.subi %div3A_782, %sub3A_808 : vector<16xi32>
      %select_n3A_810 = arith.select %and3A_806, %sub3A_809, %div3A_782 : vector<16xi1>, vector<16xi32>
      %jit3A_811 = arith.constant 128 : i32
      %eq3A_812 = arith.constant 0 : i32
      %eq3A_813 = arith.cmpi eq, %jit3A_811, %eq3A_812 : i32
      %jit3A_814 = arith.constant 1 : i32
      %select_n3A_815 = arith.select %eq3A_813, %jit3A_814, %jit3A_811 : i32
      %rem3A_816 = vector.broadcast %select_n3A_815 : i32 to vector<16xi32>
      %rem3A_817 = arith.remsi %add3A_779, %rem3A_816 : vector<16xi32>
      %ne3A_818 = arith.constant 0 : i32
      %ne3A_819 = vector.broadcast %ne3A_818 : i32 to vector<16xi32>
      %ne3A_820 = arith.cmpi ne, %rem3A_817, %ne3A_819 : vector<16xi32>
      %lt3A_821 = arith.constant 0 : i32
      %lt3A_822 = vector.broadcast %lt3A_821 : i32 to vector<16xi32>
      %lt3A_823 = arith.cmpi slt, %rem3A_817, %lt3A_822 : vector<16xi32>
      %lt3A_824 = arith.constant 0 : i32
      %lt3A_825 = arith.cmpi slt, %select_n3A_815, %lt3A_824 : i32
      %ne3A_826 = vector.broadcast %lt3A_825 : i1 to vector<16xi1>
      %ne3A_827 = vector.broadcast %ne3A_826 : vector<16xi1> to vector<16xi1>
      %ne3A_828 = arith.xori %lt3A_823, %ne3A_827 : vector<16xi1>
      %and3A_829 = arith.andi %ne3A_828, %ne3A_820 : vector<16xi1>
      %add3A_830 = vector.broadcast %select_n3A_815 : i32 to vector<16xi32>
      %add3A_831 = arith.addi %rem3A_817, %add3A_830 : vector<16xi32>
      %select_n3A_832 = arith.select %and3A_829, %add3A_831, %rem3A_817 : vector<16xi1>, vector<16xi32>
      %gather3A_833 = tpu.vector_load_idx %arg8[%select_n3A_810, %select_n3A_832] : memref<784x128xf32, #tpu.memory_space<vmem>>[vector<16xi32>, vector<16xi32>], vector<16xf32>,
      %eq3A_834 = vector.broadcast %min3A : f32 to vector<16xf32>
      %eq3A_835 = arith.cmpf oeq, %gather3A_833, %eq3A_834 : vector<16xf32>
      %all_reduce_ffs3A_836 = tpu.all_reduce %eq3A_835 {dim = 0 : i64, kind = #tpu.reduction_kind<find_first_set>} : vector<16xi1> -> vector<16xi32>
      %slice3A_837 = vector.extract_strided_slice %all_reduce_ffs3A_836 {offsets = [0], sizes = [1], strides = [1]} : vector<16xi32> to vector<1xi32>
      %squeeze3A_838 = vector.extract %slice3A_837[0] : i32 from vector<1xi32>
      %mul3A_839 = arith.constant 16 : i32
      %mul3A_840 = arith.muli %squeeze3A_838, %mul3A_839 : i32
      %add3A_841 = arith.addi %add3A_774, %mul3A_840 : i32
      %add3A_842 = vector.broadcast %while3A_638 : i32 to vector<16xi32>
      %add3A_843 = arith.addi %mul3A_36, %add3A_842 : vector<16xi32>
      %add3A_844 = vector.broadcast %add3A_841 : i32 to vector<16xi32>
      %add3A_845 = arith.addi %mul3A_36, %add3A_844 : vector<16xi32>
      tpu.vector_store_idx %arg12[%add3A_843], %add3A_845 masked %eq3A_33 : memref<64xi32, #tpu.memory_space<vmem>>[vector<16xi32>], vector<16xi32>, vector<16xi1>
      %add3A_846 = vector.broadcast %while3A_638 : i32 to vector<16xi32>
      %add3A_847 = arith.addi %mul3A_36, %add3A_846 : vector<16xi32>
      %mul3A_848 = arith.constant 0.000000e+00 : f32
      %mul3A_849 = vector.broadcast %mul3A_848 : f32 to vector<16xf32>
      %mul3A_850 = arith.mulf %mul3A_39, %mul3A_849 : vector<16xf32>
      %add3A_851 = vector.broadcast %min3A : f32 to vector<16xf32>
      %add3A_852 = arith.addf %mul3A_850, %add3A_851 : vector<16xf32>
      tpu.vector_store_idx %arg13[%add3A_847], %add3A_852 masked %eq3A_33 : memref<64xf32, #tpu.memory_space<vmem>>[vector<16xi32>], vector<16xf32>, vector<16xi1>
      %dma_start3A_853 = arith.constant 0 : i32
      %dma_start3A_854 = tpu.memref_slice %arg14[%while3A_638, %dma_start3A_853] : memref<64x128xf32, #tpu.memory_space<vmem>> -> memref<1x128xf32, #tpu.memory_space<vmem>>
      %dma_start3A_855 = tpu.memref_squeeze %dma_start3A_854 : memref<1x128xf32, #tpu.memory_space<vmem>> -> memref<128xf32, #tpu.memory_space<vmem>>
      %dma_start3A_856 = arith.constant 0 : i32
      %dma_start3A_857 = tpu.memref_slice %arg3[%add3A_841, %dma_start3A_856] : memref<100000x128xf32, #tpu.memory_space<hbm>> -> memref<1x128xf32, #tpu.memory_space<hbm>>
      %dma_start3A_858 = tpu.memref_squeeze %dma_start3A_857 : memref<1x128xf32, #tpu.memory_space<hbm>> -> memref<128xf32, #tpu.memory_space<hbm>>
      %dma_start3A_859 = arith.constant 0 : i32
      %dma_start3A_860 = tpu.memref_slice %arg14[%while3A_638, %dma_start3A_859] : memref<64x128xf32, #tpu.memory_space<vmem>> -> memref<1x128xf32, #tpu.memory_space<vmem>>
      %dma_start3A_861 = tpu.memref_squeeze %dma_start3A_860 : memref<1x128xf32, #tpu.memory_space<vmem>> -> memref<128xf32, #tpu.memory_space<vmem>>
      %dma_start3A_862 = arith.constant 0 : i32
      %dma_start3A_863 = tpu.memref_slice %arg3[%add3A_841, %dma_start3A_862] : memref<100000x128xf32, #tpu.memory_space<hbm>> -> memref<1x128xf32, #tpu.memory_space<hbm>>
      %dma_start3A_864 = tpu.memref_squeeze %dma_start3A_863 : memref<1x128xf32, #tpu.memory_space<hbm>> -> memref<128xf32, #tpu.memory_space<hbm>>
      tpu.enqueue_dma source(%dma_start3A_864 : memref<128xf32, #tpu.memory_space<hbm>>) target(%dma_start3A_861 : memref<128xf32, #tpu.memory_space<vmem>>) target_semaphore(%arg19 : memref<!tpu.dma_semaphore, #tpu.memory_space<semaphore_mem>>)
      %jit3A_865 = arith.constant 128 : i32
      %div3A_866 = arith.divsi %add3A_841, %jit3A_865 : i32
      %sign3A_867 = arith.constant 0 : i32
      %sign3A_868 = arith.cmpi sgt, %add3A_841, %sign3A_867 : i32
      %sign3A_869 = arith.extui %sign3A_868 : i1 to i32
      %sign3A_870 = arith.constant 0 : i32
      %sign3A_871 = arith.cmpi slt, %add3A_841, %sign3A_870 : i32
      %sign3A_872 = arith.extui %sign3A_871 : i1 to i32
      %sign3A_873 = arith.subi %sign3A_869, %sign3A_872 : i32
      %sign3A_874 = arith.constant 0 : i32
      %sign3A_875 = arith.cmpi sgt, %jit3A_865, %sign3A_874 : i32
      %sign3A_876 = arith.extui %sign3A_875 : i1 to i32
      %sign3A_877 = arith.constant 0 : i32
      %sign3A_878 = arith.cmpi slt, %jit3A_865, %sign3A_877 : i32
      %sign3A_879 = arith.extui %sign3A_878 : i1 to i32
      %sign3A_880 = arith.subi %sign3A_876, %sign3A_879 : i32
      %ne3A_881 = arith.cmpi ne, %sign3A_873, %sign3A_880 : i32
      %rem3A_882 = arith.remsi %add3A_841, %jit3A_865 : i32
      %ne3A_883 = arith.constant 0 : i32
      %ne3A_884 = arith.cmpi ne, %rem3A_882, %ne3A_883 : i32
      %and3A_885 = arith.andi %ne3A_881, %ne3A_884 : i1
      %sub3A_886 = arith.constant 1 : i32
      %sub3A_887 = arith.subi %div3A_866, %sub3A_886 : i32
      %select_n3A_888 = arith.select %and3A_885, %sub3A_887, %div3A_866 : i32
      %jit3A_889 = arith.constant 128 : i32
      %eq3A_890 = arith.constant 0 : i32
      %eq3A_891 = arith.cmpi eq, %jit3A_889, %eq3A_890 : i32
      %jit3A_892 = arith.constant 1 : i32
      %select_n3A_893 = arith.select %eq3A_891, %jit3A_892, %jit3A_889 : i32
      %rem3A_894 = arith.remsi %add3A_841, %select_n3A_893 : i32
      %ne3A_895 = arith.constant 0 : i32
      %ne3A_896 = arith.cmpi ne, %rem3A_894, %ne3A_895 : i32
      %lt3A_897 = arith.constant 0 : i32
      %lt3A_898 = arith.cmpi slt, %rem3A_894, %lt3A_897 : i32
      %lt3A_899 = arith.constant 0 : i32
      %lt3A_900 = arith.cmpi slt, %select_n3A_893, %lt3A_899 : i32
      %ne3A_901 = arith.xori %lt3A_898, %lt3A_900 : i1
      %and3A_902 = arith.andi %ne3A_901, %ne3A_896 : i1
      %add3A_903 = arith.addi %rem3A_894, %select_n3A_893 : i32
      %select_n3A_904 = arith.select %and3A_902, %add3A_903, %rem3A_894 : i32
      %mul3A_905 = arith.constant 0.000000e+00 : f32
      %mul3A_906 = arith.mulf %min3A, %mul3A_905 : f32
      %add3A_907 = arith.constant 3.000000e+38 : f32
      %add3A_908 = arith.addf %mul3A_906, %add3A_907 : f32
      %add3A_909 = vector.broadcast %select_n3A_888 : i32 to vector<16xi32>
      %add3A_910 = arith.addi %mul3A_36, %add3A_909 : vector<16xi32>
      %add3A_911 = vector.broadcast %select_n3A_904 : i32 to vector<16xi32>
      %add3A_912 = arith.addi %mul3A_36, %add3A_911 : vector<16xi32>
      %mul3A_913 = arith.constant 0.000000e+00 : f32
      %mul3A_914 = vector.broadcast %mul3A_913 : f32 to vector<16xf32>
      %mul3A_915 = arith.mulf %mul3A_39, %mul3A_914 : vector<16xf32>
      %add3A_916 = vector.broadcast %add3A_908 : f32 to vector<16xf32>
      %add3A_917 = arith.addf %mul3A_915, %add3A_916 : vector<16xf32>
      tpu.vector_store_idx %arg8[%add3A_910, %add3A_912], %add3A_917 masked %eq3A_33 : memref<784x128xf32, #tpu.memory_space<vmem>>[vector<16xi32>, vector<16xi32>], vector<16xf32>, vector<16xi1>
      %eq3A_918 = vector.broadcast %squeeze3A_838 : i32 to vector<16xi32>
      %eq3A_919 = arith.cmpi eq, %iota3A, %eq3A_918 : vector<16xi32>
      %jit3A_920 = arith.constant 3.000000e+38 : f32
      %broadcast_in_dim3A_921 = vector.broadcast %jit3A_920 : f32 to vector<16xf32>
      %select_n3A_922 = arith.select %eq3A_919, %broadcast_in_dim3A_921, %gather3A_833 : vector<16xi1>, vector<16xf32>
      %reduce_min3A_923 = arith.constant true
      %reduce_min3A_924 = vector.broadcast %reduce_min3A_923 : i1 to vector<16xi1>
      %reduce_min3A_925 = tpu.scan <min>, %select_n3A_922 masked %reduce_min3A_924 : vector<16xf32>, vector<16xi1> -> vector<16xf32>
      %reduce_min3A_926 = vector.extract %reduce_min3A_925[15] : f32 from vector<16xf32>
      %add3A_927 = vector.broadcast %add3A_731 : i32 to vector<16xi32>
      %add3A_928 = arith.addi %mul3A_36, %add3A_927 : vector<16xi32>
      %mul3A_929 = arith.constant 0.000000e+00 : f32
      %mul3A_930 = vector.broadcast %mul3A_929 : f32 to vector<16xf32>
      %mul3A_931 = arith.mulf %mul3A_39, %mul3A_930 : vector<16xf32>
      %add3A_932 = vector.broadcast %reduce_min3A_926 : f32 to vector<16xf32>
      %add3A_933 = arith.addf %mul3A_931, %add3A_932 : vector<16xf32>
      tpu.vector_store_idx %arg9[%add3A_928], %add3A_933 masked %eq3A_33 : memref<6400xf32, #tpu.memory_space<vmem>>[vector<16xi32>], vector<16xf32>, vector<16xi1>
      %eq3A_934 = vector.broadcast %squeeze3A_728 : i32 to vector<16xi32>
      %eq3A_935 = arith.cmpi eq, %iota3A, %eq3A_934 : vector<16xi32>
      %broadcast_in_dim3A_936 = vector.broadcast %reduce_min3A_926 : f32 to vector<16xf32>
      %select_n3A_937 = arith.select %eq3A_935, %broadcast_in_dim3A_936, %gather3A_723 : vector<16xi1>, vector<16xf32>
      %reduce_min3A_938 = arith.constant true
      %reduce_min3A_939 = vector.broadcast %reduce_min3A_938 : i1 to vector<16xi1>
      %reduce_min3A_940 = tpu.scan <min>, %select_n3A_937 masked %reduce_min3A_939 : vector<16xf32>, vector<16xi1> -> vector<16xf32>
      %reduce_min3A_941 = vector.extract %reduce_min3A_940[15] : f32 from vector<16xf32>
      %add3A_942 = vector.broadcast %add3A_674 : i32 to vector<16xi32>
      %add3A_943 = arith.addi %mul3A_36, %add3A_942 : vector<16xi32>
      %mul3A_944 = arith.constant 0.000000e+00 : f32
      %mul3A_945 = vector.broadcast %mul3A_944 : f32 to vector<16xf32>
      %mul3A_946 = arith.mulf %mul3A_39, %mul3A_945 : vector<16xf32>
      %add3A_947 = vector.broadcast %reduce_min3A_941 : f32 to vector<16xf32>
      %add3A_948 = arith.addf %mul3A_946, %add3A_947 : vector<16xf32>
      tpu.vector_store_idx %arg10[%add3A_943], %add3A_948 masked %eq3A_33 : memref<512xf32, #tpu.memory_space<vmem>>[vector<16xi32>], vector<16xf32>, vector<16xi1>
      %eq3A_949 = vector.broadcast %squeeze3A_671 : i32 to vector<16xi32>
      %eq3A_950 = arith.cmpi eq, %iota3A, %eq3A_949 : vector<16xi32>
      %broadcast_in_dim3A_951 = vector.broadcast %reduce_min3A_941 : f32 to vector<16xf32>
      %select_n3A_952 = arith.select %eq3A_950, %broadcast_in_dim3A_951, %gather3A : vector<16xi1>, vector<16xf32>
      %reduce_min3A_953 = arith.constant true
      %reduce_min3A_954 = vector.broadcast %reduce_min3A_953 : i1 to vector<16xi1>
      %reduce_min3A_955 = tpu.scan <min>, %select_n3A_952 masked %reduce_min3A_954 : vector<16xf32>, vector<16xi1> -> vector<16xf32>
      %reduce_min3A_956 = vector.extract %reduce_min3A_955[15] : f32 from vector<16xf32>
      %mul3A_957 = arith.constant 16 : i32
      %mul3A_958 = arith.muli %select_n3A_653, %mul3A_957 : i32
      %add3A_959 = arith.addi %mul3A_958, %squeeze3A_658 : i32
      %add3A_960 = vector.broadcast %add3A_959 : i32 to vector<16xi32>
      %add3A_961 = arith.addi %mul3A_36, %add3A_960 : vector<16xi32>
      %mul3A_962 = arith.constant 0.000000e+00 : f32
      %mul3A_963 = vector.broadcast %mul3A_962 : f32 to vector<16xf32>
      %mul3A_964 = arith.mulf %mul3A_39, %mul3A_963 : vector<16xf32>
      %add3A_965 = vector.broadcast %reduce_min3A_956 : f32 to vector<16xf32>
      %add3A_966 = arith.addf %mul3A_964, %add3A_965 : vector<16xf32>
      tpu.vector_store_idx %arg11[%add3A_961], %add3A_966 masked %eq3A_33 : memref<32xf32, #tpu.memory_space<vmem>>[vector<16xi32>], vector<16xf32>, vector<16xi1>
      scf.yield %min3A : f32
    }
    "tpu.trace_stop"() : () -> ()
    %get3A_319 = arith.constant 0 : index
    %get3A_320 = tpu.vector_load %arg13[%get3A_319] {strides = array<i32>} : memref<64xf32, #tpu.memory_space<vmem>>, vector<16xf32>,
    %sub3A_321 = vector.broadcast %while3A_318 : f32 to vector<16xf32>
    %sub3A_322 = arith.subf %sub3A_321, %get3A_320 : vector<16xf32>
    %max3A = arith.constant 0.000000e+00 : f32
    %max3A_323 = vector.broadcast %max3A : f32 to vector<16xf32>
    %max3A_324 = arith.maximumf %sub3A_322, %max3A_323 : vector<16xf32>
    %swap3A_325 = arith.constant 0 : index
    %swap3A_326 = tpu.vector_load %arg13[%swap3A_325] {strides = array<i32>} : memref<64xf32, #tpu.memory_space<vmem>>, vector<16xf32>,
    tpu.vector_store %arg13[%swap3A_325], %max3A_324 {strides = array<i32>} : memref<64xf32, #tpu.memory_space<vmem>>, vector<16xf32>,
    %get3A_327 = arith.constant 16 : index
    %get3A_328 = tpu.vector_load %arg13[%get3A_327] {strides = array<i32>} : memref<64xf32, #tpu.memory_space<vmem>>, vector<16xf32>,
    %sub3A_329 = vector.broadcast %while3A_318 : f32 to vector<16xf32>
    %sub3A_330 = arith.subf %sub3A_329, %get3A_328 : vector<16xf32>
    %max3A_331 = arith.constant 0.000000e+00 : f32
    %max3A_332 = vector.broadcast %max3A_331 : f32 to vector<16xf32>
    %max3A_333 = arith.maximumf %sub3A_330, %max3A_332 : vector<16xf32>
    %swap3A_334 = arith.constant 16 : index
    %swap3A_335 = tpu.vector_load %arg13[%swap3A_334] {strides = array<i32>} : memref<64xf32, #tpu.memory_space<vmem>>, vector<16xf32>,
    tpu.vector_store %arg13[%swap3A_334], %max3A_333 {strides = array<i32>} : memref<64xf32, #tpu.memory_space<vmem>>, vector<16xf32>,
    %get3A_336 = arith.constant 32 : index
    %get3A_337 = tpu.vector_load %arg13[%get3A_336] {strides = array<i32>} : memref<64xf32, #tpu.memory_space<vmem>>, vector<16xf32>,
    %sub3A_338 = vector.broadcast %while3A_318 : f32 to vector<16xf32>
    %sub3A_339 = arith.subf %sub3A_338, %get3A_337 : vector<16xf32>
    %max3A_340 = arith.constant 0.000000e+00 : f32
    %max3A_341 = vector.broadcast %max3A_340 : f32 to vector<16xf32>
    %max3A_342 = arith.maximumf %sub3A_339, %max3A_341 : vector<16xf32>
    %swap3A_343 = arith.constant 32 : index
    %swap3A_344 = tpu.vector_load %arg13[%swap3A_343] {strides = array<i32>} : memref<64xf32, #tpu.memory_space<vmem>>, vector<16xf32>,
    tpu.vector_store %arg13[%swap3A_343], %max3A_342 {strides = array<i32>} : memref<64xf32, #tpu.memory_space<vmem>>, vector<16xf32>,
    %get3A_345 = arith.constant 48 : index
    %get3A_346 = tpu.vector_load %arg13[%get3A_345] {strides = array<i32>} : memref<64xf32, #tpu.memory_space<vmem>>, vector<16xf32>,
    %sub3A_347 = vector.broadcast %while3A_318 : f32 to vector<16xf32>
    %sub3A_348 = arith.subf %sub3A_347, %get3A_346 : vector<16xf32>
    %max3A_349 = arith.constant 0.000000e+00 : f32
    %max3A_350 = vector.broadcast %max3A_349 : f32 to vector<16xf32>
    %max3A_351 = arith.maximumf %sub3A_348, %max3A_350 : vector<16xf32>
    %swap3A_352 = arith.constant 48 : index
    %swap3A_353 = tpu.vector_load %arg13[%swap3A_352] {strides = array<i32>} : memref<64xf32, #tpu.memory_space<vmem>>, vector<16xf32>,
    tpu.vector_store %arg13[%swap3A_352], %max3A_351 {strides = array<i32>} : memref<64xf32, #tpu.memory_space<vmem>>, vector<16xf32>,
    %while3A_354 = arith.constant 0 : i32
    %while3A_355 = arith.constant 0 : i32
    %while3A_356 = arith.subi %squeeze3A, %while3A_355 : i32
    %while3A_357 = arith.addi %while3A_355, %while3A_356 : i32
    %while3A_358 = arith.constant 1 : i32
    %while3A_359 = arith.divsi %while3A_356, %while3A_358 : i32
    %while3A_360 = arith.muli %while3A_359, %while3A_358 : i32
    %while3A_361 = arith.addi %while3A_355, %while3A_360 : i32
    %while3A_362 = arith.constant 1 : i32
    scf.for %while3A_638 = %while3A_355 to %while3A_361 step %while3A_362  : i32 {
      %dma_wait3A_639 = arith.constant 0 : i32
      %dma_wait3A_640 = arith.constant 0 : i32
      %dma_wait3A_641 = arith.constant 0 : i32
      %dma_wait3A_642 = tpu.memref_slice %arg14[%dma_wait3A_640, %dma_wait3A_641] : memref<64x128xf32, #tpu.memory_space<vmem>> -> memref<1x128xf32, #tpu.memory_space<vmem>>
      %dma_wait3A_643 = tpu.memref_squeeze %dma_wait3A_642 : memref<1x128xf32, #tpu.memory_space<vmem>> -> memref<128xf32, #tpu.memory_space<vmem>>
      %dma_wait3A_644 = arith.constant 0 : i32
      %dma_wait3A_645 = tpu.memref_slice %arg3[%dma_wait3A_639, %dma_wait3A_644] : memref<100000x128xf32, #tpu.memory_space<hbm>> -> memref<1x128xf32, #tpu.memory_space<hbm>>
      %dma_wait3A_646 = tpu.memref_squeeze %dma_wait3A_645 : memref<1x128xf32, #tpu.memory_space<hbm>> -> memref<128xf32, #tpu.memory_space<hbm>>
      %dma_wait3A_647 = arith.constant 0 : i32
      %dma_wait3A_648 = tpu.memref_slice %arg14[%dma_wait3A_640, %dma_wait3A_647] : memref<64x128xf32, #tpu.memory_space<vmem>> -> memref<1x128xf32, #tpu.memory_space<vmem>>
      %dma_wait3A_649 = tpu.memref_squeeze %dma_wait3A_648 : memref<1x128xf32, #tpu.memory_space<vmem>> -> memref<128xf32, #tpu.memory_space<vmem>>
      %dma_wait3A_650 = arith.constant 0 : i32
      %dma_wait3A_651 = tpu.memref_slice %arg3[%dma_wait3A_639, %dma_wait3A_650] : memref<100000x128xf32, #tpu.memory_space<hbm>> -> memref<1x128xf32, #tpu.memory_space<hbm>>
      %dma_wait3A_652 = tpu.memref_squeeze %dma_wait3A_651 : memref<1x128xf32, #tpu.memory_space<hbm>> -> memref<128xf32, #tpu.memory_space<hbm>>
      tpu.wait_dma2 semaphore(%arg19 : memref<!tpu.dma_semaphore, #tpu.memory_space<semaphore_mem>>) src(%dma_wait3A_652 : memref<128xf32, #tpu.memory_space<hbm>>) dst(%dma_wait3A_649 : memref<128xf32, #tpu.memory_space<vmem>>)
    }
    %while3A_363 = arith.constant 1 : i32
    scf.for %while3A_638 = %while3A_361 to %while3A_357 step %while3A_363  : i32 {
      %dma_wait3A_639 = arith.constant 0 : i32
      %dma_wait3A_640 = arith.constant 0 : i32
      %dma_wait3A_641 = arith.constant 0 : i32
      %dma_wait3A_642 = tpu.memref_slice %arg14[%dma_wait3A_640, %dma_wait3A_641] : memref<64x128xf32, #tpu.memory_space<vmem>> -> memref<1x128xf32, #tpu.memory_space<vmem>>
      %dma_wait3A_643 = tpu.memref_squeeze %dma_wait3A_642 : memref<1x128xf32, #tpu.memory_space<vmem>> -> memref<128xf32, #tpu.memory_space<vmem>>
      %dma_wait3A_644 = arith.constant 0 : i32
      %dma_wait3A_645 = tpu.memref_slice %arg3[%dma_wait3A_639, %dma_wait3A_644] : memref<100000x128xf32, #tpu.memory_space<hbm>> -> memref<1x128xf32, #tpu.memory_space<hbm>>
      %dma_wait3A_646 = tpu.memref_squeeze %dma_wait3A_645 : memref<1x128xf32, #tpu.memory_space<hbm>> -> memref<128xf32, #tpu.memory_space<hbm>>
      %dma_wait3A_647 = arith.constant 0 : i32
      %dma_wait3A_648 = tpu.memref_slice %arg14[%dma_wait3A_640, %dma_wait3A_647] : memref<64x128xf32, #tpu.memory_space<vmem>> -> memref<1x128xf32, #tpu.memory_space<vmem>>
      %dma_wait3A_649 = tpu.memref_squeeze %dma_wait3A_648 : memref<1x128xf32, #tpu.memory_space<vmem>> -> memref<128xf32, #tpu.memory_space<vmem>>
      %dma_wait3A_650 = arith.constant 0 : i32
      %dma_wait3A_651 = tpu.memref_slice %arg3[%dma_wait3A_639, %dma_wait3A_650] : memref<100000x128xf32, #tpu.memory_space<hbm>> -> memref<1x128xf32, #tpu.memory_space<hbm>>
      %dma_wait3A_652 = tpu.memref_squeeze %dma_wait3A_651 : memref<1x128xf32, #tpu.memory_space<hbm>> -> memref<128xf32, #tpu.memory_space<hbm>>
      tpu.wait_dma2 semaphore(%arg19 : memref<!tpu.dma_semaphore, #tpu.memory_space<semaphore_mem>>) src(%dma_wait3A_652 : memref<128xf32, #tpu.memory_space<hbm>>) dst(%dma_wait3A_649 : memref<128xf32, #tpu.memory_space<vmem>>)
    }
    %while3A_364 = arith.constant 0 : i32
    "tpu.trace_start"() <{level = 10 : i32, message = "sc_accum"}> : () -> ()
    %while3A_365 = arith.subi %squeeze3A, %while3A_364 : i32
    %while3A_366 = arith.addi %while3A_364, %while3A_365 : i32
    %while3A_367 = arith.constant 1 : i32
    %while3A_368 = arith.divsi %while3A_365, %while3A_367 : i32
    %while3A_369 = arith.muli %while3A_368, %while3A_367 : i32
    %while3A_370 = arith.addi %while3A_364, %while3A_369 : i32
    %while3A_371 = arith.constant 1 : i32
    %while3A_372:8 = scf.for %while3A_638 = %while3A_364 to %while3A_370 step %while3A_371 iter_args(%while3A_639 = %mul3A_39, %while3A_640 = %mul3A_39, %while3A_641 = %mul3A_39, %while3A_642 = %mul3A_39, %while3A_643 = %mul3A_39, %while3A_644 = %mul3A_39, %while3A_645 = %mul3A_39, %while3A_646 = %mul3A_39) -> (vector<16xf32>, vector<16xf32>, vector<16xf32>, vector<16xf32>, vector<16xf32>, vector<16xf32>, vector<16xf32>, vector<16xf32>)  : i32 {
      %add3A_647 = vector.broadcast %while3A_638 : i32 to vector<16xi32>
      %add3A_648 = arith.addi %mul3A_36, %add3A_647 : vector<16xi32>
      %gather3A = tpu.vector_load_idx %arg13[%add3A_648] : memref<64xf32, #tpu.memory_space<vmem>>[vector<16xi32>], vector<16xf32>,
      %slice3A_649 = vector.extract_strided_slice %gather3A {offsets = [0], sizes = [1], strides = [1]} : vector<16xf32> to vector<1xf32>
      %squeeze3A_650 = vector.extract %slice3A_649[0] : f32 from vector<1xf32>
      %get3A_651 = arith.index_cast %while3A_638 : i32 to index
      %get3A_652 = arith.constant 0 : index
      %get3A_653 = tpu.vector_load %arg14[%get3A_651, %get3A_652] {strides = array<i32>} : memref<64x128xf32, #tpu.memory_space<vmem>>, vector<16xf32>,
      %mul3A_654 = vector.broadcast %squeeze3A_650 : f32 to vector<16xf32>
      %mul3A_655 = arith.mulf %mul3A_654, %get3A_653 : vector<16xf32>
      %add3A_656 = arith.addf %while3A_639, %mul3A_655 : vector<16xf32>
      %get3A_657 = arith.index_cast %while3A_638 : i32 to index
      %get3A_658 = arith.constant 16 : index
      %get3A_659 = tpu.vector_load %arg14[%get3A_657, %get3A_658] {strides = array<i32>} : memref<64x128xf32, #tpu.memory_space<vmem>>, vector<16xf32>,
      %mul3A_660 = vector.broadcast %squeeze3A_650 : f32 to vector<16xf32>
      %mul3A_661 = arith.mulf %mul3A_660, %get3A_659 : vector<16xf32>
      %add3A_662 = arith.addf %while3A_640, %mul3A_661 : vector<16xf32>
      %get3A_663 = arith.index_cast %while3A_638 : i32 to index
      %get3A_664 = arith.constant 32 : index
      %get3A_665 = tpu.vector_load %arg14[%get3A_663, %get3A_664] {strides = array<i32>} : memref<64x128xf32, #tpu.memory_space<vmem>>, vector<16xf32>,
      %mul3A_666 = vector.broadcast %squeeze3A_650 : f32 to vector<16xf32>
      %mul3A_667 = arith.mulf %mul3A_666, %get3A_665 : vector<16xf32>
      %add3A_668 = arith.addf %while3A_641, %mul3A_667 : vector<16xf32>
      %get3A_669 = arith.index_cast %while3A_638 : i32 to index
      %get3A_670 = arith.constant 48 : index
      %get3A_671 = tpu.vector_load %arg14[%get3A_669, %get3A_670] {strides = array<i32>} : memref<64x128xf32, #tpu.memory_space<vmem>>, vector<16xf32>,
      %mul3A_672 = vector.broadcast %squeeze3A_650 : f32 to vector<16xf32>
      %mul3A_673 = arith.mulf %mul3A_672, %get3A_671 : vector<16xf32>
      %add3A_674 = arith.addf %while3A_642, %mul3A_673 : vector<16xf32>
      %get3A_675 = arith.index_cast %while3A_638 : i32 to index
      %get3A_676 = arith.constant 64 : index
      %get3A_677 = tpu.vector_load %arg14[%get3A_675, %get3A_676] {strides = array<i32>} : memref<64x128xf32, #tpu.memory_space<vmem>>, vector<16xf32>,
      %mul3A_678 = vector.broadcast %squeeze3A_650 : f32 to vector<16xf32>
      %mul3A_679 = arith.mulf %mul3A_678, %get3A_677 : vector<16xf32>
      %add3A_680 = arith.addf %while3A_643, %mul3A_679 : vector<16xf32>
      %get3A_681 = arith.index_cast %while3A_638 : i32 to index
      %get3A_682 = arith.constant 80 : index
      %get3A_683 = tpu.vector_load %arg14[%get3A_681, %get3A_682] {strides = array<i32>} : memref<64x128xf32, #tpu.memory_space<vmem>>, vector<16xf32>,
      %mul3A_684 = vector.broadcast %squeeze3A_650 : f32 to vector<16xf32>
      %mul3A_685 = arith.mulf %mul3A_684, %get3A_683 : vector<16xf32>
      %add3A_686 = arith.addf %while3A_644, %mul3A_685 : vector<16xf32>
      %get3A_687 = arith.index_cast %while3A_638 : i32 to index
      %get3A_688 = arith.constant 96 : index
      %get3A_689 = tpu.vector_load %arg14[%get3A_687, %get3A_688] {strides = array<i32>} : memref<64x128xf32, #tpu.memory_space<vmem>>, vector<16xf32>,
      %mul3A_690 = vector.broadcast %squeeze3A_650 : f32 to vector<16xf32>
      %mul3A_691 = arith.mulf %mul3A_690, %get3A_689 : vector<16xf32>
      %add3A_692 = arith.addf %while3A_645, %mul3A_691 : vector<16xf32>
      %get3A_693 = arith.index_cast %while3A_638 : i32 to index
      %get3A_694 = arith.constant 112 : index
      %get3A_695 = tpu.vector_load %arg14[%get3A_693, %get3A_694] {strides = array<i32>} : memref<64x128xf32, #tpu.memory_space<vmem>>, vector<16xf32>,
      %mul3A_696 = vector.broadcast %squeeze3A_650 : f32 to vector<16xf32>
      %mul3A_697 = arith.mulf %mul3A_696, %get3A_695 : vector<16xf32>
      %add3A_698 = arith.addf %while3A_646, %mul3A_697 : vector<16xf32>
      scf.yield %add3A_656, %add3A_662, %add3A_668, %add3A_674, %add3A_680, %add3A_686, %add3A_692, %add3A_698 : vector<16xf32>, vector<16xf32>, vector<16xf32>, vector<16xf32>, vector<16xf32>, vector<16xf32>, vector<16xf32>, vector<16xf32>
    }
    %while3A_373 = arith.constant 1 : i32
    %while3A_374:8 = scf.for %while3A_638 = %while3A_370 to %while3A_366 step %while3A_373 iter_args(%while3A_639 = %while3A_372#0, %while3A_640 = %while3A_372#1, %while3A_641 = %while3A_372#2, %while3A_642 = %while3A_372#3, %while3A_643 = %while3A_372#4, %while3A_644 = %while3A_372#5, %while3A_645 = %while3A_372#6, %while3A_646 = %while3A_372#7) -> (vector<16xf32>, vector<16xf32>, vector<16xf32>, vector<16xf32>, vector<16xf32>, vector<16xf32>, vector<16xf32>, vector<16xf32>)  : i32 {
      %add3A_647 = vector.broadcast %while3A_638 : i32 to vector<16xi32>
      %add3A_648 = arith.addi %mul3A_36, %add3A_647 : vector<16xi32>
      %gather3A = tpu.vector_load_idx %arg13[%add3A_648] : memref<64xf32, #tpu.memory_space<vmem>>[vector<16xi32>], vector<16xf32>,
      %slice3A_649 = vector.extract_strided_slice %gather3A {offsets = [0], sizes = [1], strides = [1]} : vector<16xf32> to vector<1xf32>
      %squeeze3A_650 = vector.extract %slice3A_649[0] : f32 from vector<1xf32>
      %get3A_651 = arith.index_cast %while3A_638 : i32 to index
      %get3A_652 = arith.constant 0 : index
      %get3A_653 = tpu.vector_load %arg14[%get3A_651, %get3A_652] {strides = array<i32>} : memref<64x128xf32, #tpu.memory_space<vmem>>, vector<16xf32>,
      %mul3A_654 = vector.broadcast %squeeze3A_650 : f32 to vector<16xf32>
      %mul3A_655 = arith.mulf %mul3A_654, %get3A_653 : vector<16xf32>
      %add3A_656 = arith.addf %while3A_639, %mul3A_655 : vector<16xf32>
      %get3A_657 = arith.index_cast %while3A_638 : i32 to index
      %get3A_658 = arith.constant 16 : index
      %get3A_659 = tpu.vector_load %arg14[%get3A_657, %get3A_658] {strides = array<i32>} : memref<64x128xf32, #tpu.memory_space<vmem>>, vector<16xf32>,
      %mul3A_660 = vector.broadcast %squeeze3A_650 : f32 to vector<16xf32>
      %mul3A_661 = arith.mulf %mul3A_660, %get3A_659 : vector<16xf32>
      %add3A_662 = arith.addf %while3A_640, %mul3A_661 : vector<16xf32>
      %get3A_663 = arith.index_cast %while3A_638 : i32 to index
      %get3A_664 = arith.constant 32 : index
      %get3A_665 = tpu.vector_load %arg14[%get3A_663, %get3A_664] {strides = array<i32>} : memref<64x128xf32, #tpu.memory_space<vmem>>, vector<16xf32>,
      %mul3A_666 = vector.broadcast %squeeze3A_650 : f32 to vector<16xf32>
      %mul3A_667 = arith.mulf %mul3A_666, %get3A_665 : vector<16xf32>
      %add3A_668 = arith.addf %while3A_641, %mul3A_667 : vector<16xf32>
      %get3A_669 = arith.index_cast %while3A_638 : i32 to index
      %get3A_670 = arith.constant 48 : index
      %get3A_671 = tpu.vector_load %arg14[%get3A_669, %get3A_670] {strides = array<i32>} : memref<64x128xf32, #tpu.memory_space<vmem>>, vector<16xf32>,
      %mul3A_672 = vector.broadcast %squeeze3A_650 : f32 to vector<16xf32>
      %mul3A_673 = arith.mulf %mul3A_672, %get3A_671 : vector<16xf32>
      %add3A_674 = arith.addf %while3A_642, %mul3A_673 : vector<16xf32>
      %get3A_675 = arith.index_cast %while3A_638 : i32 to index
      %get3A_676 = arith.constant 64 : index
      %get3A_677 = tpu.vector_load %arg14[%get3A_675, %get3A_676] {strides = array<i32>} : memref<64x128xf32, #tpu.memory_space<vmem>>, vector<16xf32>,
      %mul3A_678 = vector.broadcast %squeeze3A_650 : f32 to vector<16xf32>
      %mul3A_679 = arith.mulf %mul3A_678, %get3A_677 : vector<16xf32>
      %add3A_680 = arith.addf %while3A_643, %mul3A_679 : vector<16xf32>
      %get3A_681 = arith.index_cast %while3A_638 : i32 to index
      %get3A_682 = arith.constant 80 : index
      %get3A_683 = tpu.vector_load %arg14[%get3A_681, %get3A_682] {strides = array<i32>} : memref<64x128xf32, #tpu.memory_space<vmem>>, vector<16xf32>,
      %mul3A_684 = vector.broadcast %squeeze3A_650 : f32 to vector<16xf32>
      %mul3A_685 = arith.mulf %mul3A_684, %get3A_683 : vector<16xf32>
      %add3A_686 = arith.addf %while3A_644, %mul3A_685 : vector<16xf32>
      %get3A_687 = arith.index_cast %while3A_638 : i32 to index
      %get3A_688 = arith.constant 96 : index
      %get3A_689 = tpu.vector_load %arg14[%get3A_687, %get3A_688] {strides = array<i32>} : memref<64x128xf32, #tpu.memory_space<vmem>>, vector<16xf32>,
      %mul3A_690 = vector.broadcast %squeeze3A_650 : f32 to vector<16xf32>
      %mul3A_691 = arith.mulf %mul3A_690, %get3A_689 : vector<16xf32>
      %add3A_692 = arith.addf %while3A_645, %mul3A_691 : vector<16xf32>
      %get3A_693 = arith.index_cast %while3A_638 : i32 to index
      %get3A_694 = arith.constant 112 : index
      %get3A_695 = tpu.vector_load %arg14[%get3A_693, %get3A_694] {strides = array<i32>} : memref<64x128xf32, #tpu.memory_space<vmem>>, vector<16xf32>,
      %mul3A_696 = vector.broadcast %squeeze3A_650 : f32 to vector<16xf32>
      %mul3A_697 = arith.mulf %mul3A_696, %get3A_695 : vector<16xf32>
      %add3A_698 = arith.addf %while3A_646, %mul3A_697 : vector<16xf32>
      scf.yield %add3A_656, %add3A_662, %add3A_668, %add3A_674, %add3A_680, %add3A_686, %add3A_692, %add3A_698 : vector<16xf32>, vector<16xf32>, vector<16xf32>, vector<16xf32>, vector<16xf32>, vector<16xf32>, vector<16xf32>, vector<16xf32>
    }
    "tpu.trace_stop"() : () -> ()
    %get3A_375 = arith.constant 0 : index
    %get3A_376 = tpu.vector_load %arg16[%get3A_375] {strides = array<i32>} : memref<128xf32, #tpu.memory_space<vmem>>, vector<16xf32>,
    %get3A_377 = arith.constant 0 : index
    %get3A_378 = tpu.vector_load %arg15[%get3A_377] {strides = array<i32>} : memref<128xf32, #tpu.memory_space<vmem>>, vector<16xf32>,
    %ne3A_379 = arith.constant 0.000000e+00 : f32
    %ne3A_380 = vector.broadcast %ne3A_379 : f32 to vector<16xf32>
    %ne3A_381 = arith.cmpf one, %get3A_376, %ne3A_380 : vector<16xf32>
    %jit3A_382 = arith.constant 1.000000e+00 : f32
    %broadcast_in_dim3A = vector.broadcast %jit3A_382 : f32 to vector<16xf32>
    %select_n3A_383 = arith.select %ne3A_381, %get3A_376, %broadcast_in_dim3A : vector<16xi1>, vector<16xf32>
    %ne3A_384 = arith.constant 0.000000e+00 : f32
    %ne3A_385 = vector.broadcast %ne3A_384 : f32 to vector<16xf32>
    %ne3A_386 = arith.cmpf one, %get3A_376, %ne3A_385 : vector<16xf32>
    %div3A_387 = arith.divf %get3A_378, %select_n3A_383 : vector<16xf32>
    %jit3A_388 = arith.constant 0.000000e+00 : f32
    %broadcast_in_dim3A_389 = vector.broadcast %jit3A_388 : f32 to vector<16xf32>
    %select_n3A_390 = arith.select %ne3A_386, %div3A_387, %broadcast_in_dim3A_389 : vector<16xi1>, vector<16xf32>
    %mul3A_391 = vector.broadcast %while3A_318 : f32 to vector<16xf32>
    %mul3A_392 = arith.mulf %mul3A_391, %select_n3A_390 : vector<16xf32>
    %add3A_393 = arith.addf %while3A_374#0, %mul3A_392 : vector<16xf32>
    %swap3A_394 = arith.constant 0 : index
    %swap3A_395 = tpu.vector_load %arg17[%swap3A_394] {strides = array<i32>} : memref<128xf32, #tpu.memory_space<vmem>>, vector<16xf32>,
    tpu.vector_store %arg17[%swap3A_394], %add3A_393 {strides = array<i32>} : memref<128xf32, #tpu.memory_space<vmem>>, vector<16xf32>,
    %reduce_sum3A = arith.constant true
    %reduce_sum3A_396 = vector.broadcast %reduce_sum3A : i1 to vector<16xi1>
    %reduce_sum3A_397 = tpu.scan <sum>, %add3A_393 masked %reduce_sum3A_396 : vector<16xf32>, vector<16xi1> -> vector<16xf32>
    %reduce_sum3A_398 = vector.extract %reduce_sum3A_397[15] : f32 from vector<16xf32>
    %add3A_399 = arith.constant 0.000000e+00 : f32
    %add3A_400 = arith.addf %add3A_399, %reduce_sum3A_398 : f32
    %get3A_401 = arith.constant 16 : index
    %get3A_402 = tpu.vector_load %arg16[%get3A_401] {strides = array<i32>} : memref<128xf32, #tpu.memory_space<vmem>>, vector<16xf32>,
    %get3A_403 = arith.constant 16 : index
    %get3A_404 = tpu.vector_load %arg15[%get3A_403] {strides = array<i32>} : memref<128xf32, #tpu.memory_space<vmem>>, vector<16xf32>,
    %ne3A_405 = arith.constant 0.000000e+00 : f32
    %ne3A_406 = vector.broadcast %ne3A_405 : f32 to vector<16xf32>
    %ne3A_407 = arith.cmpf one, %get3A_402, %ne3A_406 : vector<16xf32>
    %jit3A_408 = arith.constant 1.000000e+00 : f32
    %broadcast_in_dim3A_409 = vector.broadcast %jit3A_408 : f32 to vector<16xf32>
    %select_n3A_410 = arith.select %ne3A_407, %get3A_402, %broadcast_in_dim3A_409 : vector<16xi1>, vector<16xf32>
    %ne3A_411 = arith.constant 0.000000e+00 : f32
    %ne3A_412 = vector.broadcast %ne3A_411 : f32 to vector<16xf32>
    %ne3A_413 = arith.cmpf one, %get3A_402, %ne3A_412 : vector<16xf32>
    %div3A_414 = arith.divf %get3A_404, %select_n3A_410 : vector<16xf32>
    %jit3A_415 = arith.constant 0.000000e+00 : f32
    %broadcast_in_dim3A_416 = vector.broadcast %jit3A_415 : f32 to vector<16xf32>
    %select_n3A_417 = arith.select %ne3A_413, %div3A_414, %broadcast_in_dim3A_416 : vector<16xi1>, vector<16xf32>
    %mul3A_418 = vector.broadcast %while3A_318 : f32 to vector<16xf32>
    %mul3A_419 = arith.mulf %mul3A_418, %select_n3A_417 : vector<16xf32>
    %add3A_420 = arith.addf %while3A_374#1, %mul3A_419 : vector<16xf32>
    %swap3A_421 = arith.constant 16 : index
    %swap3A_422 = tpu.vector_load %arg17[%swap3A_421] {strides = array<i32>} : memref<128xf32, #tpu.memory_space<vmem>>, vector<16xf32>,
    tpu.vector_store %arg17[%swap3A_421], %add3A_420 {strides = array<i32>} : memref<128xf32, #tpu.memory_space<vmem>>, vector<16xf32>,
    %reduce_sum3A_423 = arith.constant true
    %reduce_sum3A_424 = vector.broadcast %reduce_sum3A_423 : i1 to vector<16xi1>
    %reduce_sum3A_425 = tpu.scan <sum>, %add3A_420 masked %reduce_sum3A_424 : vector<16xf32>, vector<16xi1> -> vector<16xf32>
    %reduce_sum3A_426 = vector.extract %reduce_sum3A_425[15] : f32 from vector<16xf32>
    %add3A_427 = arith.addf %add3A_400, %reduce_sum3A_426 : f32
    %get3A_428 = arith.constant 32 : index
    %get3A_429 = tpu.vector_load %arg16[%get3A_428] {strides = array<i32>} : memref<128xf32, #tpu.memory_space<vmem>>, vector<16xf32>,
    %get3A_430 = arith.constant 32 : index
    %get3A_431 = tpu.vector_load %arg15[%get3A_430] {strides = array<i32>} : memref<128xf32, #tpu.memory_space<vmem>>, vector<16xf32>,
    %ne3A_432 = arith.constant 0.000000e+00 : f32
    %ne3A_433 = vector.broadcast %ne3A_432 : f32 to vector<16xf32>
    %ne3A_434 = arith.cmpf one, %get3A_429, %ne3A_433 : vector<16xf32>
    %jit3A_435 = arith.constant 1.000000e+00 : f32
    %broadcast_in_dim3A_436 = vector.broadcast %jit3A_435 : f32 to vector<16xf32>
    %select_n3A_437 = arith.select %ne3A_434, %get3A_429, %broadcast_in_dim3A_436 : vector<16xi1>, vector<16xf32>
    %ne3A_438 = arith.constant 0.000000e+00 : f32
    %ne3A_439 = vector.broadcast %ne3A_438 : f32 to vector<16xf32>
    %ne3A_440 = arith.cmpf one, %get3A_429, %ne3A_439 : vector<16xf32>
    %div3A_441 = arith.divf %get3A_431, %select_n3A_437 : vector<16xf32>
    %jit3A_442 = arith.constant 0.000000e+00 : f32
    %broadcast_in_dim3A_443 = vector.broadcast %jit3A_442 : f32 to vector<16xf32>
    %select_n3A_444 = arith.select %ne3A_440, %div3A_441, %broadcast_in_dim3A_443 : vector<16xi1>, vector<16xf32>
    %mul3A_445 = vector.broadcast %while3A_318 : f32 to vector<16xf32>
    %mul3A_446 = arith.mulf %mul3A_445, %select_n3A_444 : vector<16xf32>
    %add3A_447 = arith.addf %while3A_374#2, %mul3A_446 : vector<16xf32>
    %swap3A_448 = arith.constant 32 : index
    %swap3A_449 = tpu.vector_load %arg17[%swap3A_448] {strides = array<i32>} : memref<128xf32, #tpu.memory_space<vmem>>, vector<16xf32>,
    tpu.vector_store %arg17[%swap3A_448], %add3A_447 {strides = array<i32>} : memref<128xf32, #tpu.memory_space<vmem>>, vector<16xf32>,
    %reduce_sum3A_450 = arith.constant true
    %reduce_sum3A_451 = vector.broadcast %reduce_sum3A_450 : i1 to vector<16xi1>
    %reduce_sum3A_452 = tpu.scan <sum>, %add3A_447 masked %reduce_sum3A_451 : vector<16xf32>, vector<16xi1> -> vector<16xf32>
    %reduce_sum3A_453 = vector.extract %reduce_sum3A_452[15] : f32 from vector<16xf32>
    %add3A_454 = arith.addf %add3A_427, %reduce_sum3A_453 : f32
    %get3A_455 = arith.constant 48 : index
    %get3A_456 = tpu.vector_load %arg16[%get3A_455] {strides = array<i32>} : memref<128xf32, #tpu.memory_space<vmem>>, vector<16xf32>,
    %get3A_457 = arith.constant 48 : index
    %get3A_458 = tpu.vector_load %arg15[%get3A_457] {strides = array<i32>} : memref<128xf32, #tpu.memory_space<vmem>>, vector<16xf32>,
    %ne3A_459 = arith.constant 0.000000e+00 : f32
    %ne3A_460 = vector.broadcast %ne3A_459 : f32 to vector<16xf32>
    %ne3A_461 = arith.cmpf one, %get3A_456, %ne3A_460 : vector<16xf32>
    %jit3A_462 = arith.constant 1.000000e+00 : f32
    %broadcast_in_dim3A_463 = vector.broadcast %jit3A_462 : f32 to vector<16xf32>
    %select_n3A_464 = arith.select %ne3A_461, %get3A_456, %broadcast_in_dim3A_463 : vector<16xi1>, vector<16xf32>
    %ne3A_465 = arith.constant 0.000000e+00 : f32
    %ne3A_466 = vector.broadcast %ne3A_465 : f32 to vector<16xf32>
    %ne3A_467 = arith.cmpf one, %get3A_456, %ne3A_466 : vector<16xf32>
    %div3A_468 = arith.divf %get3A_458, %select_n3A_464 : vector<16xf32>
    %jit3A_469 = arith.constant 0.000000e+00 : f32
    %broadcast_in_dim3A_470 = vector.broadcast %jit3A_469 : f32 to vector<16xf32>
    %select_n3A_471 = arith.select %ne3A_467, %div3A_468, %broadcast_in_dim3A_470 : vector<16xi1>, vector<16xf32>
    %mul3A_472 = vector.broadcast %while3A_318 : f32 to vector<16xf32>
    %mul3A_473 = arith.mulf %mul3A_472, %select_n3A_471 : vector<16xf32>
    %add3A_474 = arith.addf %while3A_374#3, %mul3A_473 : vector<16xf32>
    %swap3A_475 = arith.constant 48 : index
    %swap3A_476 = tpu.vector_load %arg17[%swap3A_475] {strides = array<i32>} : memref<128xf32, #tpu.memory_space<vmem>>, vector<16xf32>,
    tpu.vector_store %arg17[%swap3A_475], %add3A_474 {strides = array<i32>} : memref<128xf32, #tpu.memory_space<vmem>>, vector<16xf32>,
    %reduce_sum3A_477 = arith.constant true
    %reduce_sum3A_478 = vector.broadcast %reduce_sum3A_477 : i1 to vector<16xi1>
    %reduce_sum3A_479 = tpu.scan <sum>, %add3A_474 masked %reduce_sum3A_478 : vector<16xf32>, vector<16xi1> -> vector<16xf32>
    %reduce_sum3A_480 = vector.extract %reduce_sum3A_479[15] : f32 from vector<16xf32>
    %add3A_481 = arith.addf %add3A_454, %reduce_sum3A_480 : f32
    %get3A_482 = arith.constant 64 : index
    %get3A_483 = tpu.vector_load %arg16[%get3A_482] {strides = array<i32>} : memref<128xf32, #tpu.memory_space<vmem>>, vector<16xf32>,
    %get3A_484 = arith.constant 64 : index
    %get3A_485 = tpu.vector_load %arg15[%get3A_484] {strides = array<i32>} : memref<128xf32, #tpu.memory_space<vmem>>, vector<16xf32>,
    %ne3A_486 = arith.constant 0.000000e+00 : f32
    %ne3A_487 = vector.broadcast %ne3A_486 : f32 to vector<16xf32>
    %ne3A_488 = arith.cmpf one, %get3A_483, %ne3A_487 : vector<16xf32>
    %jit3A_489 = arith.constant 1.000000e+00 : f32
    %broadcast_in_dim3A_490 = vector.broadcast %jit3A_489 : f32 to vector<16xf32>
    %select_n3A_491 = arith.select %ne3A_488, %get3A_483, %broadcast_in_dim3A_490 : vector<16xi1>, vector<16xf32>
    %ne3A_492 = arith.constant 0.000000e+00 : f32
    %ne3A_493 = vector.broadcast %ne3A_492 : f32 to vector<16xf32>
    %ne3A_494 = arith.cmpf one, %get3A_483, %ne3A_493 : vector<16xf32>
    %div3A_495 = arith.divf %get3A_485, %select_n3A_491 : vector<16xf32>
    %jit3A_496 = arith.constant 0.000000e+00 : f32
    %broadcast_in_dim3A_497 = vector.broadcast %jit3A_496 : f32 to vector<16xf32>
    %select_n3A_498 = arith.select %ne3A_494, %div3A_495, %broadcast_in_dim3A_497 : vector<16xi1>, vector<16xf32>
    %mul3A_499 = vector.broadcast %while3A_318 : f32 to vector<16xf32>
    %mul3A_500 = arith.mulf %mul3A_499, %select_n3A_498 : vector<16xf32>
    %add3A_501 = arith.addf %while3A_374#4, %mul3A_500 : vector<16xf32>
    %swap3A_502 = arith.constant 64 : index
    %swap3A_503 = tpu.vector_load %arg17[%swap3A_502] {strides = array<i32>} : memref<128xf32, #tpu.memory_space<vmem>>, vector<16xf32>,
    tpu.vector_store %arg17[%swap3A_502], %add3A_501 {strides = array<i32>} : memref<128xf32, #tpu.memory_space<vmem>>, vector<16xf32>,
    %reduce_sum3A_504 = arith.constant true
    %reduce_sum3A_505 = vector.broadcast %reduce_sum3A_504 : i1 to vector<16xi1>
    %reduce_sum3A_506 = tpu.scan <sum>, %add3A_501 masked %reduce_sum3A_505 : vector<16xf32>, vector<16xi1> -> vector<16xf32>
    %reduce_sum3A_507 = vector.extract %reduce_sum3A_506[15] : f32 from vector<16xf32>
    %add3A_508 = arith.addf %add3A_481, %reduce_sum3A_507 : f32
    %get3A_509 = arith.constant 80 : index
    %get3A_510 = tpu.vector_load %arg16[%get3A_509] {strides = array<i32>} : memref<128xf32, #tpu.memory_space<vmem>>, vector<16xf32>,
    %get3A_511 = arith.constant 80 : index
    %get3A_512 = tpu.vector_load %arg15[%get3A_511] {strides = array<i32>} : memref<128xf32, #tpu.memory_space<vmem>>, vector<16xf32>,
    %ne3A_513 = arith.constant 0.000000e+00 : f32
    %ne3A_514 = vector.broadcast %ne3A_513 : f32 to vector<16xf32>
    %ne3A_515 = arith.cmpf one, %get3A_510, %ne3A_514 : vector<16xf32>
    %jit3A_516 = arith.constant 1.000000e+00 : f32
    %broadcast_in_dim3A_517 = vector.broadcast %jit3A_516 : f32 to vector<16xf32>
    %select_n3A_518 = arith.select %ne3A_515, %get3A_510, %broadcast_in_dim3A_517 : vector<16xi1>, vector<16xf32>
    %ne3A_519 = arith.constant 0.000000e+00 : f32
    %ne3A_520 = vector.broadcast %ne3A_519 : f32 to vector<16xf32>
    %ne3A_521 = arith.cmpf one, %get3A_510, %ne3A_520 : vector<16xf32>
    %div3A_522 = arith.divf %get3A_512, %select_n3A_518 : vector<16xf32>
    %jit3A_523 = arith.constant 0.000000e+00 : f32
    %broadcast_in_dim3A_524 = vector.broadcast %jit3A_523 : f32 to vector<16xf32>
    %select_n3A_525 = arith.select %ne3A_521, %div3A_522, %broadcast_in_dim3A_524 : vector<16xi1>, vector<16xf32>
    %mul3A_526 = vector.broadcast %while3A_318 : f32 to vector<16xf32>
    %mul3A_527 = arith.mulf %mul3A_526, %select_n3A_525 : vector<16xf32>
    %add3A_528 = arith.addf %while3A_374#5, %mul3A_527 : vector<16xf32>
    %swap3A_529 = arith.constant 80 : index
    %swap3A_530 = tpu.vector_load %arg17[%swap3A_529] {strides = array<i32>} : memref<128xf32, #tpu.memory_space<vmem>>, vector<16xf32>,
    tpu.vector_store %arg17[%swap3A_529], %add3A_528 {strides = array<i32>} : memref<128xf32, #tpu.memory_space<vmem>>, vector<16xf32>,
    %reduce_sum3A_531 = arith.constant true
    %reduce_sum3A_532 = vector.broadcast %reduce_sum3A_531 : i1 to vector<16xi1>
    %reduce_sum3A_533 = tpu.scan <sum>, %add3A_528 masked %reduce_sum3A_532 : vector<16xf32>, vector<16xi1> -> vector<16xf32>
    %reduce_sum3A_534 = vector.extract %reduce_sum3A_533[15] : f32 from vector<16xf32>
    %add3A_535 = arith.addf %add3A_508, %reduce_sum3A_534 : f32
    %get3A_536 = arith.constant 96 : index
    %get3A_537 = tpu.vector_load %arg16[%get3A_536] {strides = array<i32>} : memref<128xf32, #tpu.memory_space<vmem>>, vector<16xf32>,
    %get3A_538 = arith.constant 96 : index
    %get3A_539 = tpu.vector_load %arg15[%get3A_538] {strides = array<i32>} : memref<128xf32, #tpu.memory_space<vmem>>, vector<16xf32>,
    %ne3A_540 = arith.constant 0.000000e+00 : f32
    %ne3A_541 = vector.broadcast %ne3A_540 : f32 to vector<16xf32>
    %ne3A_542 = arith.cmpf one, %get3A_537, %ne3A_541 : vector<16xf32>
    %jit3A_543 = arith.constant 1.000000e+00 : f32
    %broadcast_in_dim3A_544 = vector.broadcast %jit3A_543 : f32 to vector<16xf32>
    %select_n3A_545 = arith.select %ne3A_542, %get3A_537, %broadcast_in_dim3A_544 : vector<16xi1>, vector<16xf32>
    %ne3A_546 = arith.constant 0.000000e+00 : f32
    %ne3A_547 = vector.broadcast %ne3A_546 : f32 to vector<16xf32>
    %ne3A_548 = arith.cmpf one, %get3A_537, %ne3A_547 : vector<16xf32>
    %div3A_549 = arith.divf %get3A_539, %select_n3A_545 : vector<16xf32>
    %jit3A_550 = arith.constant 0.000000e+00 : f32
    %broadcast_in_dim3A_551 = vector.broadcast %jit3A_550 : f32 to vector<16xf32>
    %select_n3A_552 = arith.select %ne3A_548, %div3A_549, %broadcast_in_dim3A_551 : vector<16xi1>, vector<16xf32>
    %mul3A_553 = vector.broadcast %while3A_318 : f32 to vector<16xf32>
    %mul3A_554 = arith.mulf %mul3A_553, %select_n3A_552 : vector<16xf32>
    %add3A_555 = arith.addf %while3A_374#6, %mul3A_554 : vector<16xf32>
    %swap3A_556 = arith.constant 96 : index
    %swap3A_557 = tpu.vector_load %arg17[%swap3A_556] {strides = array<i32>} : memref<128xf32, #tpu.memory_space<vmem>>, vector<16xf32>,
    tpu.vector_store %arg17[%swap3A_556], %add3A_555 {strides = array<i32>} : memref<128xf32, #tpu.memory_space<vmem>>, vector<16xf32>,
    %reduce_sum3A_558 = arith.constant true
    %reduce_sum3A_559 = vector.broadcast %reduce_sum3A_558 : i1 to vector<16xi1>
    %reduce_sum3A_560 = tpu.scan <sum>, %add3A_555 masked %reduce_sum3A_559 : vector<16xf32>, vector<16xi1> -> vector<16xf32>
    %reduce_sum3A_561 = vector.extract %reduce_sum3A_560[15] : f32 from vector<16xf32>
    %add3A_562 = arith.addf %add3A_535, %reduce_sum3A_561 : f32
    %get3A_563 = arith.constant 112 : index
    %get3A_564 = tpu.vector_load %arg16[%get3A_563] {strides = array<i32>} : memref<128xf32, #tpu.memory_space<vmem>>, vector<16xf32>,
    %get3A_565 = arith.constant 112 : index
    %get3A_566 = tpu.vector_load %arg15[%get3A_565] {strides = array<i32>} : memref<128xf32, #tpu.memory_space<vmem>>, vector<16xf32>,
    %ne3A_567 = arith.constant 0.000000e+00 : f32
    %ne3A_568 = vector.broadcast %ne3A_567 : f32 to vector<16xf32>
    %ne3A_569 = arith.cmpf one, %get3A_564, %ne3A_568 : vector<16xf32>
    %jit3A_570 = arith.constant 1.000000e+00 : f32
    %broadcast_in_dim3A_571 = vector.broadcast %jit3A_570 : f32 to vector<16xf32>
    %select_n3A_572 = arith.select %ne3A_569, %get3A_564, %broadcast_in_dim3A_571 : vector<16xi1>, vector<16xf32>
    %ne3A_573 = arith.constant 0.000000e+00 : f32
    %ne3A_574 = vector.broadcast %ne3A_573 : f32 to vector<16xf32>
    %ne3A_575 = arith.cmpf one, %get3A_564, %ne3A_574 : vector<16xf32>
    %div3A_576 = arith.divf %get3A_566, %select_n3A_572 : vector<16xf32>
    %jit3A_577 = arith.constant 0.000000e+00 : f32
    %broadcast_in_dim3A_578 = vector.broadcast %jit3A_577 : f32 to vector<16xf32>
    %select_n3A_579 = arith.select %ne3A_575, %div3A_576, %broadcast_in_dim3A_578 : vector<16xi1>, vector<16xf32>
    %mul3A_580 = vector.broadcast %while3A_318 : f32 to vector<16xf32>
    %mul3A_581 = arith.mulf %mul3A_580, %select_n3A_579 : vector<16xf32>
    %add3A_582 = arith.addf %while3A_374#7, %mul3A_581 : vector<16xf32>
    %swap3A_583 = arith.constant 112 : index
    %swap3A_584 = tpu.vector_load %arg17[%swap3A_583] {strides = array<i32>} : memref<128xf32, #tpu.memory_space<vmem>>, vector<16xf32>,
    tpu.vector_store %arg17[%swap3A_583], %add3A_582 {strides = array<i32>} : memref<128xf32, #tpu.memory_space<vmem>>, vector<16xf32>,
    %reduce_sum3A_585 = arith.constant true
    %reduce_sum3A_586 = vector.broadcast %reduce_sum3A_585 : i1 to vector<16xi1>
    %reduce_sum3A_587 = tpu.scan <sum>, %add3A_582 masked %reduce_sum3A_586 : vector<16xf32>, vector<16xi1> -> vector<16xf32>
    %reduce_sum3A_588 = vector.extract %reduce_sum3A_587[15] : f32 from vector<16xf32>
    %add3A_589 = arith.addf %add3A_562, %reduce_sum3A_588 : f32
    %get3A_590 = arith.constant 0 : index
    %get3A_591 = tpu.vector_load %arg17[%get3A_590] {strides = array<i32>} : memref<128xf32, #tpu.memory_space<vmem>>, vector<16xf32>,
    %div3A_592 = vector.broadcast %add3A_589 : f32 to vector<16xf32>
    %div3A_593 = arith.divf %get3A_591, %div3A_592 : vector<16xf32>
    %swap3A_594 = arith.constant 0 : index
    %swap3A_595 = tpu.vector_load %arg17[%swap3A_594] {strides = array<i32>} : memref<128xf32, #tpu.memory_space<vmem>>, vector<16xf32>,
    tpu.vector_store %arg17[%swap3A_594], %div3A_593 {strides = array<i32>} : memref<128xf32, #tpu.memory_space<vmem>>, vector<16xf32>,
    %get3A_596 = arith.constant 16 : index
    %get3A_597 = tpu.vector_load %arg17[%get3A_596] {strides = array<i32>} : memref<128xf32, #tpu.memory_space<vmem>>, vector<16xf32>,
    %div3A_598 = vector.broadcast %add3A_589 : f32 to vector<16xf32>
    %div3A_599 = arith.divf %get3A_597, %div3A_598 : vector<16xf32>
    %swap3A_600 = arith.constant 16 : index
    %swap3A_601 = tpu.vector_load %arg17[%swap3A_600] {strides = array<i32>} : memref<128xf32, #tpu.memory_space<vmem>>, vector<16xf32>,
    tpu.vector_store %arg17[%swap3A_600], %div3A_599 {strides = array<i32>} : memref<128xf32, #tpu.memory_space<vmem>>, vector<16xf32>,
    %get3A_602 = arith.constant 32 : index
    %get3A_603 = tpu.vector_load %arg17[%get3A_602] {strides = array<i32>} : memref<128xf32, #tpu.memory_space<vmem>>, vector<16xf32>,
    %div3A_604 = vector.broadcast %add3A_589 : f32 to vector<16xf32>
    %div3A_605 = arith.divf %get3A_603, %div3A_604 : vector<16xf32>
    %swap3A_606 = arith.constant 32 : index
    %swap3A_607 = tpu.vector_load %arg17[%swap3A_606] {strides = array<i32>} : memref<128xf32, #tpu.memory_space<vmem>>, vector<16xf32>,
    tpu.vector_store %arg17[%swap3A_606], %div3A_605 {strides = array<i32>} : memref<128xf32, #tpu.memory_space<vmem>>, vector<16xf32>,
    %get3A_608 = arith.constant 48 : index
    %get3A_609 = tpu.vector_load %arg17[%get3A_608] {strides = array<i32>} : memref<128xf32, #tpu.memory_space<vmem>>, vector<16xf32>,
    %div3A_610 = vector.broadcast %add3A_589 : f32 to vector<16xf32>
    %div3A_611 = arith.divf %get3A_609, %div3A_610 : vector<16xf32>
    %swap3A_612 = arith.constant 48 : index
    %swap3A_613 = tpu.vector_load %arg17[%swap3A_612] {strides = array<i32>} : memref<128xf32, #tpu.memory_space<vmem>>, vector<16xf32>,
    tpu.vector_store %arg17[%swap3A_612], %div3A_611 {strides = array<i32>} : memref<128xf32, #tpu.memory_space<vmem>>, vector<16xf32>,
    %get3A_614 = arith.constant 64 : index
    %get3A_615 = tpu.vector_load %arg17[%get3A_614] {strides = array<i32>} : memref<128xf32, #tpu.memory_space<vmem>>, vector<16xf32>,
    %div3A_616 = vector.broadcast %add3A_589 : f32 to vector<16xf32>
    %div3A_617 = arith.divf %get3A_615, %div3A_616 : vector<16xf32>
    %swap3A_618 = arith.constant 64 : index
    %swap3A_619 = tpu.vector_load %arg17[%swap3A_618] {strides = array<i32>} : memref<128xf32, #tpu.memory_space<vmem>>, vector<16xf32>,
    tpu.vector_store %arg17[%swap3A_618], %div3A_617 {strides = array<i32>} : memref<128xf32, #tpu.memory_space<vmem>>, vector<16xf32>,
    %get3A_620 = arith.constant 80 : index
    %get3A_621 = tpu.vector_load %arg17[%get3A_620] {strides = array<i32>} : memref<128xf32, #tpu.memory_space<vmem>>, vector<16xf32>,
    %div3A_622 = vector.broadcast %add3A_589 : f32 to vector<16xf32>
    %div3A_623 = arith.divf %get3A_621, %div3A_622 : vector<16xf32>
    %swap3A_624 = arith.constant 80 : index
    %swap3A_625 = tpu.vector_load %arg17[%swap3A_624] {strides = array<i32>} : memref<128xf32, #tpu.memory_space<vmem>>, vector<16xf32>,
    tpu.vector_store %arg17[%swap3A_624], %div3A_623 {strides = array<i32>} : memref<128xf32, #tpu.memory_space<vmem>>, vector<16xf32>,
    %get3A_626 = arith.constant 96 : index
    %get3A_627 = tpu.vector_load %arg17[%get3A_626] {strides = array<i32>} : memref<128xf32, #tpu.memory_space<vmem>>, vector<16xf32>,
    %div3A_628 = vector.broadcast %add3A_589 : f32 to vector<16xf32>
    %div3A_629 = arith.divf %get3A_627, %div3A_628 : vector<16xf32>
    %swap3A_630 = arith.constant 96 : index
    %swap3A_631 = tpu.vector_load %arg17[%swap3A_630] {strides = array<i32>} : memref<128xf32, #tpu.memory_space<vmem>>, vector<16xf32>,
    tpu.vector_store %arg17[%swap3A_630], %div3A_629 {strides = array<i32>} : memref<128xf32, #tpu.memory_space<vmem>>, vector<16xf32>,
    %get3A_632 = arith.constant 112 : index
    %get3A_633 = tpu.vector_load %arg17[%get3A_632] {strides = array<i32>} : memref<128xf32, #tpu.memory_space<vmem>>, vector<16xf32>,
    %div3A_634 = vector.broadcast %add3A_589 : f32 to vector<16xf32>
    %div3A_635 = arith.divf %get3A_633, %div3A_634 : vector<16xf32>
    %swap3A_636 = arith.constant 112 : index
    %swap3A_637 = tpu.vector_load %arg17[%swap3A_636] {strides = array<i32>} : memref<128xf32, #tpu.memory_space<vmem>>, vector<16xf32>,
    tpu.vector_store %arg17[%swap3A_636], %div3A_635 {strides = array<i32>} : memref<128xf32, #tpu.memory_space<vmem>>, vector<16xf32>,
    "tpu.region"() ({
      %run_scoped3A = tpu.sem_alloc : memref<!tpu.dma_semaphore, #tpu.memory_space<semaphore_mem>>
      %dma_start3A_638 = arith.constant 0 : i32
      %dma_start3A_639 = tpu.memref_slice %arg7[%add3A, %dma_start3A_638] : memref<32x128xf32, #tpu.memory_space<hbm>> -> memref<1x128xf32, #tpu.memory_space<hbm>>
      %dma_start3A_640 = tpu.memref_squeeze %dma_start3A_639 : memref<1x128xf32, #tpu.memory_space<hbm>> -> memref<128xf32, #tpu.memory_space<hbm>>
      %dma_start3A_641 = arith.constant 0 : i32
      %dma_start3A_642 = tpu.memref_slice %arg7[%add3A, %dma_start3A_641] : memref<32x128xf32, #tpu.memory_space<hbm>> -> memref<1x128xf32, #tpu.memory_space<hbm>>
      %dma_start3A_643 = tpu.memref_squeeze %dma_start3A_642 : memref<1x128xf32, #tpu.memory_space<hbm>> -> memref<128xf32, #tpu.memory_space<hbm>>
      tpu.enqueue_dma source(%arg17 : memref<128xf32, #tpu.memory_space<vmem>>) target(%dma_start3A_643 : memref<128xf32, #tpu.memory_space<hbm>>) target_semaphore(%run_scoped3A : memref<!tpu.dma_semaphore, #tpu.memory_space<semaphore_mem>>)
      %dma_wait3A_644 = arith.constant 0 : i32
      %dma_wait3A_645 = tpu.memref_slice %arg7[%add3A, %dma_wait3A_644] : memref<32x128xf32, #tpu.memory_space<hbm>> -> memref<1x128xf32, #tpu.memory_space<hbm>>
      %dma_wait3A_646 = tpu.memref_squeeze %dma_wait3A_645 : memref<1x128xf32, #tpu.memory_space<hbm>> -> memref<128xf32, #tpu.memory_space<hbm>>
      %dma_wait3A_647 = arith.constant 0 : i32
      %dma_wait3A_648 = tpu.memref_slice %arg7[%add3A, %dma_wait3A_647] : memref<32x128xf32, #tpu.memory_space<hbm>> -> memref<1x128xf32, #tpu.memory_space<hbm>>
      %dma_wait3A_649 = tpu.memref_squeeze %dma_wait3A_648 : memref<1x128xf32, #tpu.memory_space<hbm>> -> memref<128xf32, #tpu.memory_space<hbm>>
      tpu.wait_dma2 semaphore(%run_scoped3A : memref<!tpu.dma_semaphore, #tpu.memory_space<semaphore_mem>>) src(%arg17 : memref<128xf32, #tpu.memory_space<vmem>>) dst(%dma_wait3A_649 : memref<128xf32, #tpu.memory_space<hbm>>)
      tpu.yield
    }) : () -> ()
    return
  }
}

module attributes {stable_mosaic.version = 14 : i64} {
  func.func @_dist_kernel(%arg0: i32, %arg1: memref<32x128xf32, #tpu.memory_space<vmem>>, %arg2: memref<12544x128xf32, #tpu.memory_space<vmem>>, %arg3: memref<3136x128xf32, #tpu.memory_space<vmem>>) attributes {dimension_semantics = [#tpu.dimension_semantics<arbitrary>], iteration_bounds = array<i64: 8>, scalar_prefetch = 0 : i64, scratch_operands = 0 : i64, tpu.core_type = #tpu.core_type<tc>, window_params = [{pipeline_mode = #tpu.pipeline_mode<synchronous>, transform_indices = @transform_0, window_bounds = array<i64: 32, 128>}, {transform_indices = @transform_1, window_bounds = array<i64: 12544, 128>}, {transform_indices = @transform_2, window_bounds = array<i64: 3136, 128>}]} {
    %get3A = arith.constant 0 : index
    %get3A_0 = arith.constant 0 : index
    %get3A_1 = vector.load %arg1[%get3A, %get3A_0] : memref<32x128xf32, #tpu.memory_space<vmem>>, vector<32x128xf32>
    %reduce_sum3A = arith.constant dense<0.000000e+00> : vector<32xf32>
    %reduce_sum3A_2 = vector.multi_reduction <add>, %get3A_1, %reduce_sum3A [1] : vector<32x128xf32> to vector<32xf32>
    %broadcast_in_dim3A = vector.shape_cast %reduce_sum3A_2 : vector<32xf32> to vector<32x1xf32>
    %div3A = vector.broadcast %broadcast_in_dim3A : vector<32x1xf32> to vector<32x128xf32>
    %div3A_3 = arith.divf %get3A_1, %div3A : vector<32x128xf32>
    %mul3A = arith.mulf %div3A_3, %div3A_3 : vector<32x128xf32>
    %reduce_sum3A_4 = arith.constant dense<0.000000e+00> : vector<32xf32>
    %reduce_sum3A_5 = vector.multi_reduction <add>, %mul3A, %reduce_sum3A_4 [1] : vector<32x128xf32> to vector<32xf32>
    %broadcast_in_dim3A_6 = vector.shape_cast %reduce_sum3A_5 : vector<32xf32> to vector<32x1xf32>
    %get3A_7 = arith.constant 0 : index
    %get3A_8 = arith.constant 0 : index
    %get3A_9 = vector.load %arg2[%get3A_7, %get3A_8] : memref<12544x128xf32, #tpu.memory_space<vmem>>, vector<12544x128xf32>
    %broadcast_in_dim3A_10 = arith.constant 1.000000e+00 : f32
    %broadcast_in_dim3A_11 = vector.broadcast %broadcast_in_dim3A_10 : f32 to vector<8x128xf32>
    %concatenate3A = tpu.concatenate %div3A_3, %broadcast_in_dim3A_11 in 0 : vector<32x128xf32>, vector<8x128xf32> -> vector<40x128xf32>
    %dot_general3A = arith.constant dense<0.000000e+00> : vector<40x12544xf32>
    %dot_general3A_12 = tpu.matmul %concatenate3A, %get3A_9, %dot_general3A {dimension_numbers = #tpu.dot_dimension_numbers<[1], [1], [0], [0], [0, 0, 1, 0], [], []>, transpose_lhs_hint = false} : vector<40x128xf32>, vector<12544x128xf32>, vector<40x12544xf32> -> vector<40x12544xf32>
    %slice3A = vector.extract_strided_slice %dot_general3A_12 {offsets = [0, 0], sizes = [32, 12544], strides = [1, 1]} : vector<40x12544xf32> to vector<32x12544xf32>
    %slice3A_13 = vector.extract_strided_slice %dot_general3A_12 {offsets = [32, 0], sizes = [1, 12544], strides = [1, 1]} : vector<40x12544xf32> to vector<1x12544xf32>
    %broadcast_in_dim3A_14 = arith.constant 1.000000e+00 : f32
    %broadcast_in_dim3A_15 = vector.broadcast %broadcast_in_dim3A_14 : f32 to vector<8x128xf32>
    %mul3A_16 = arith.mulf %get3A_9, %get3A_9 : vector<12544x128xf32>
    %dot_general3A_17 = arith.constant dense<0.000000e+00> : vector<8x12544xf32>
    %dot_general3A_18 = tpu.matmul %broadcast_in_dim3A_15, %mul3A_16, %dot_general3A_17 {dimension_numbers = #tpu.dot_dimension_numbers<[1], [1], [0], [0], [0, 0, 1, 0], [], []>, transpose_lhs_hint = false} : vector<8x128xf32>, vector<12544x128xf32>, vector<8x12544xf32> -> vector<8x12544xf32>
    %slice3A_19 = vector.extract_strided_slice %dot_general3A_18 {offsets = [0, 0], sizes = [1, 12544], strides = [1, 1]} : vector<8x12544xf32> to vector<1x12544xf32>
    %div3A_20 = arith.constant 1.000000e+00 : f32
    %div3A_21 = vector.broadcast %div3A_20 : f32 to vector<1x12544xf32>
    %div3A_22 = arith.divf %div3A_21, %slice3A_13 : vector<1x12544xf32>
    %mul3A_23 = arith.constant 2.000000e+00 : f32
    %mul3A_24 = vector.broadcast %mul3A_23 : f32 to vector<32x12544xf32>
    %mul3A_25 = arith.mulf %mul3A_24, %slice3A : vector<32x12544xf32>
    %mul3A_26 = vector.broadcast %div3A_22 : vector<1x12544xf32> to vector<32x12544xf32>
    %mul3A_27 = arith.mulf %mul3A_25, %mul3A_26 : vector<32x12544xf32>
    %sub3A = vector.broadcast %broadcast_in_dim3A_6 : vector<32x1xf32> to vector<32x12544xf32>
    %sub3A_28 = arith.subf %sub3A, %mul3A_27 : vector<32x12544xf32>
    %mul3A_29 = arith.mulf %slice3A_19, %div3A_22 : vector<1x12544xf32>
    %mul3A_30 = arith.mulf %mul3A_29, %div3A_22 : vector<1x12544xf32>
    %add3A = vector.broadcast %mul3A_30 : vector<1x12544xf32> to vector<32x12544xf32>
    %add3A_31 = arith.addf %sub3A_28, %add3A : vector<32x12544xf32>
    %max3A = arith.constant 0.000000e+00 : f32
    %max3A_32 = vector.broadcast %max3A : f32 to vector<32x12544xf32>
    %max3A_33 = arith.maximumf %add3A_31, %max3A_32 : vector<32x12544xf32>
    %sqrt3A = math.sqrt %max3A_33 : vector<32x12544xf32>
    %iota3A = tpu.iota {dimensions = array<i32: 1>} : vector<32x12544xi32>
    %mul3A_34 = arith.constant 12544 : i32
    %mul3A_35 = arith.muli %arg0, %mul3A_34 : i32
    %add3A_36 = vector.broadcast %mul3A_35 : i32 to vector<32x12544xi32>
    %add3A_37 = arith.addi %iota3A, %add3A_36 : vector<32x12544xi32>
    %ge3A = arith.constant 100000 : i32
    %ge3A_38 = vector.broadcast %ge3A : i32 to vector<32x12544xi32>
    %ge3A_39 = arith.cmpi sge, %add3A_37, %ge3A_38 : vector<32x12544xi32>
    %jit3A = arith.constant 3.000000e+38 : f32
    %broadcast_in_dim3A_40 = vector.broadcast %jit3A : f32 to vector<32x12544xf32>
    %select_n3A = arith.select %ge3A_39, %broadcast_in_dim3A_40, %sqrt3A : vector<32x12544xi1>, vector<32x12544xf32>
    %reshape3A = vector.shape_cast %select_n3A : vector<32x12544xf32> to vector<3136x128xf32>
    %swap3A = arith.constant 0 : index
    %swap3A_41 = arith.constant 0 : index
    %swap3A_42 = vector.load %arg3[%swap3A, %swap3A_41] : memref<3136x128xf32, #tpu.memory_space<vmem>>, vector<3136x128xf32>
    tpu.vector_store %arg3[%swap3A, %swap3A_41], %reshape3A {strides = array<i32>} : memref<3136x128xf32, #tpu.memory_space<vmem>>, vector<3136x128xf32>,
    return
  }
  func.func @transform_0(%arg0: i32) -> (i32, i32) {
    %c0_i32 = arith.constant 0 : i32
    %c0_i32_0 = arith.constant 0 : i32
    %c0_i32_1 = arith.constant 0 : i32
    return %c0_i32, %c0_i32_0 : i32, i32
  }
  func.func @transform_1(%arg0: i32) -> (i32, i32) {
    %c0_i32 = arith.constant 0 : i32
    %c0_i32_0 = arith.constant 0 : i32
    return %arg0, %c0_i32 : i32, i32
  }
  func.func @transform_2(%arg0: i32) -> (i32, i32) {
    %c0_i32 = arith.constant 0 : i32
    %c0_i32_0 = arith.constant 0 : i32
    return %arg0, %c0_i32 : i32, i32
  }
}

</mosaic_0001>

<sc_bundles>
// kernel: kernel.4.cloned.1.call-start
scs
__scs_entry_jumppad:
0x0: {  	(pc) =	sbr.rel $0x88, $3  }
0x1: {  	(tag) =	ssettag $0x0;
	lr =	simm.s32 $0x1  }
0x2: {  	[smem:$0x3F9B] =	sst lr;
	_ =	strace $0xD0000000  }
0x3: {  	_ = 	snop  }
0x4: {  	_ = 	snop  }
0x5: {  	_ = 	snop  }
0x6: {  	_ = 	snop  }
0x7: {  	_ = 	snop  }
__scs_overlays_trampoline_lowered:
0x8: {  	[smem:$0x3FAA] =	sst s0  }
0x9: {  	[smem:$0x3FAB] =	sst s1  }
0xa: {  	[smem:$0x3FAC] =	sst s2  }
0xb: {  	[smem:$0x3FAD] =	sst s3  }
0xc: {  	[smem:$0x3FAE] =	sst s4  }
0xd: {  	[smem:$0x3FAF] =	sst s5  }
0xe: {  	[smem:$0x3FB0] =	sst s6  }
0xf: {  	[smem:$0x3FB1] =	sst s7  }
0x10: {  	[smem:$0x3FB2] =	sst s8  }
0x11: {  	[smem:$0x3FB3] =	sst s9;
	s0 =	simm.s32 @!p0 $0x0  }
0x12: {  	s1 =	sld [smem:$0x3F99];
	s0 =	simm.s32 @p0 $0x1  }
0x13: {  	[smem:$0x3FB4] =	sst s0;
	s0 =	simm.s32 @!p1 $0x0  }
0x14: {  	s2 =	sld [smem:$0x3F98];
	s0 =	simm.s32 @p1 $0x1  }
0x15: {  	[smem:$0x3FB5] =	sst s0;
	s0 =	simm.s32 @!p2 $0x0  }
0x16: {  	s3 =	sld [smem:$0x3FDB];
	s0 =	simm.s32 @p2 $0x1  }
0x17: {  	s4 =	simm.s32 $0x1BF5;
	[smem:$0x3FB7] =	sst s0  }
0x18: {  	s0 =	sld [smem:$0x3F9A];
	_ =	swait.ge [sflag:s4], $0x0  }
0x19: {  	s7 =	sld [smem:$0x3F9B]  }
0x1a: {  	s8 =	sadd.s32 $0xFFFFE003, lr  }
0x1b: {  	s9 =	sadd.s32 $0xFFFFFEF7, lr;
	s5 =	simm.s32 $0xFFFFFFFF;
	p2 =	slt.u32 s8, $0xFFFFF086  }
0x1c: {  	p1 =	slt.u32 s9, $0xF7A;
	s5 =	simm.s32 @!p2 $0x0  }
0x1d: {  	s5 =	simm.s32 @p1 $0x1;
	p0 =	seq.s32 s7, s2  }
0x1e: {  	s7 =	smul.u32 @!p0 $0xF7A, s2;
	p2 =	seq.s32 @!p0 s5, $0x0  }
0x1f: {  	s9 =	smul.u32 $0xF7A, s1;
	s8 =	simm.s32 @!p0 $0x1BF5;
	p2 =	por !p2, p0  }
0x20: {  	[sflag:s8] =	ssyncset.s32 @!p0 $0xFFFFF086;
	s6 =	sadd.s32 @!p0 s3, s7;
	s7 =	simm.s32 @!p0 $0x108  }
0x21: {  	s3 =	sadd.s32 s3, s9;
	s6 =	sadd.s32 @!p0 $0x88, s6;
	s7 =	simm.s32 @p2 $0x1082  }
0x22: {  	[simem:s7], [sflag:s8] =	dma.local @!p0 [hbm:s6], $0xF7A  }
0x23: {  	s9 =	sor.u32 $0xD0000000, s2;
	s6 =	simm.s32 $0x108;
	_ =	swait.ge @!p0 [sflag:s8], $0x0  }
0x24: {  	s3 =	sadd.s32 $0x88, s3;
	s6 =	simm.s32 @!p1 $0x1082;
	[sflag:s4] =	ssyncset.s32 $0xFFFFF086  }
0x25: {  	[simem:s6], [sflag:s4] =	dma.local [hbm:s3], $0xF7A  }
0x26: {  	[smem:$0x3F9B] =	sst s1;
	(tag) =	ssettag s2;
	_ =	strace s9  }
0x27: {  	s1 =	sld [smem:$0x3FAB]  }
0x28: {  	s2 =	sld [smem:$0x3FAC]  }
0x29: {  	s4 =	sld [smem:$0x3FAE]  }
0x2a: {  	p0 =	seq.s32 s5, $0x0;
	s5 =	sld [smem:$0x3FAF]  }
0x2b: {  	s6 =	sld [smem:$0x3FB0]  }
0x2c: {  	s7 =	sld [smem:$0x3FB1]  }
0x2d: {  	s3 =	simm.s32 $0x108;
	s8 =	sld [smem:$0x3FB2]  }
0x2e: {  	s3 =	simm.s32 @!p0 $0x1082;
	s9 =	sld [smem:$0x3FB3]  }
0x2f: {  	lr =	sadd.s32 s0, s3;
	s0 =	sld [smem:$0x3FAA]  }
0x30: {  	s3 =	sld [smem:$0x3FAD]  }
0x31: {  	[smem:$0x3FB6] =	sst s10  }
0x32: {  	s10 =	sld [smem:$0x3FB4];
	_ =	sdelay $0x3  }
0x33: {  	p0 =	seq.s32 s10, $0x1;
	s10 =	sld [smem:$0x3FB6];
	_ =	sdelay $0x3  }
0x34: {  	[smem:$0x3FB6] =	sst s10  }
0x35: {  	s10 =	sld [smem:$0x3FB5];
	_ =	sdelay $0x3  }
0x36: {  	p1 =	seq.s32 s10, $0x1;
	s10 =	sld [smem:$0x3FB6];
	_ =	sdelay $0x3  }
0x37: {  	[smem:$0x3FB6] =	sst s10  }
0x38: {  	s10 =	sld [smem:$0x3FB7]  }
0x39: {  	_ = 	snop;
	(pc) =	sbr.ind lr, $3  }
0x3a: {  	_ = 	snop  }
0x3b: {  	_ = 	snop  }
0x3c: {  	p2 =	seq.s32 s10, $0x1;
	s10 =	sld [smem:$0x3FB6]  }
0x3d: {  	_ =	shalt  }
0x3e: {  	_ =	shalt  }
0x3f: {  	_ =	shalt  }
0x40: {  	_ =	shalt  }
0x41: {  	_ =	shalt  }
0x42: {  	_ =	shalt  }
0x43: {  	_ =	shalt  }
0x44: {  	_ =	shalt  }
0x45: {  	_ =	shalt  }
0x46: {  	_ =	shalt  }
0x47: {  	_ =	shalt  }
0x48: {  	_ =	shalt  }
0x49: {  	_ =	shalt  }
0x4a: {  	_ =	shalt  }
0x4b: {  	_ =	shalt  }
0x4c: {  	_ =	shalt  }
0x4d: {  	_ =	shalt  }
0x4e: {  	_ =	shalt  }
0x4f: {  	_ =	shalt  }
0x50: {  	_ =	shalt  }
0x51: {  	_ =	shalt  }
0x52: {  	_ =	shalt  }
0x53: {  	_ =	shalt  }
0x54: {  	_ =	shalt  }
0x55: {  	_ =	shalt  }
0x56: {  	_ =	shalt  }
0x57: {  	_ =	shalt  }
0x58: {  	_ =	shalt  }
0x59: {  	_ =	shalt  }
0x5a: {  	_ =	shalt  }
0x5b: {  	_ =	shalt  }
0x5c: {  	_ =	shalt  }
0x5d: {  	_ =	shalt  }
0x5e: {  	_ =	shalt  }
0x5f: {  	_ =	shalt  }
0x60: {  	_ =	shalt  }
0x61: {  	_ =	shalt  }
0x62: {  	_ =	shalt  }
0x63: {  	_ =	shalt  }
0x64: {  	_ =	shalt  }
0x65: {  	_ =	shalt  }
0x66: {  	_ =	shalt  }
0x67: {  	_ =	shalt  }
0x68: {  	_ =	shalt  }
0x69: {  	_ =	shalt  }
0x6a: {  	_ =	shalt  }
0x6b: {  	_ =	shalt  }
0x6c: {  	_ =	shalt  }
0x6d: {  	_ =	shalt  }
0x6e: {  	_ =	shalt  }
0x6f: {  	_ =	shalt  }
0x70: {  	_ =	shalt  }
0x71: {  	_ =	shalt  }
0x72: {  	_ =	shalt  }
0x73: {  	_ =	shalt  }
0x74: {  	_ =	shalt  }
0x75: {  	_ =	shalt  }
0x76: {  	_ =	shalt  }
0x77: {  	_ =	shalt  }
0x78: {  	_ =	shalt  }
0x79: {  	_ =	shalt  }
0x7a: {  	_ =	shalt  }
0x7b: {  	_ =	shalt  }
0x7c: {  	_ =	shalt  }
0x7d: {  	_ =	shalt  }
0x7e: {  	_ =	shalt  }
0x7f: {  	_ =	shalt  }
0x80: {  	_ =	shalt  }
0x81: {  	_ =	shalt  }
0x82: {  	_ =	shalt  }
0x83: {  	_ =	shalt  }
0x84: {  	_ =	shalt  }
0x85: {  	_ =	shalt  }
0x86: {  	_ =	shalt  }
0x87: {  	_ =	shalt  }
.Lfunc_end0:
.L_simem_size_0:
called_computation_lowered:
.L_overlay_start_0:
0x88: {  	s2 =	sld [smem:$0x3FD9]  }
0x89: {  	s3 =	sld [smem:$0x3FFE];
	_ =	sdelay $0x1  }
0x8a: {  	s1 =	srdreg.scid  }
0x8b: {  	s0 =	sand.u32 $0x1, s1  }
0x8c: {  	s17 =	sshll.u32 s0, $0xA;
	s2 =	sadd.s32 s3, s2  }
0x8d: {  	s2 =	sadd.s32 s2, s17  }
0x8e: {  	[smem:$0x3FC2] =	sst s2  }
0x8f: {  	_ = 	snop  }
0x90: {  	s2 =	sld [smem:$0x3FC7]  }
0x91: {  	s18 =	sld [smem:$0x3FC6]  }
0x92: {  	s4 =	sld [smem:$0x3FC5]  }
0x93: {  	s5 =	sld [smem:$0x3FD0];
	(tm) =	ssettm $0x1  }
0x94: {  	s6 =	sld [smem:$0x3FFB];
	_ =	sdelay $0x3  }
0x95: {  	_ =	strace s6  }
0x96: {  	s6 =	sld [smem:$0x3FFC];
	_ =	sdelay $0x3  }
0x97: {  	_ =	strace s6  }
0x98: {  	s6 =	sld [smem:$0x3FFD];
	_ =	sdelay $0x3  }
0x99: {  	_ =	strace s6  }
0x9a: {  	_ =	strace $0x8FFFFFFF  }
0x9b: {  	s19 =	sld [smem:$0x3FDB];
	_ =	sdelay $0x1  }
0x9c: {  	s7 =	simm.s32 $_scs_section_size  }
0x9d: {  	s8 =	simm.s32 $_size__tile_overlayer_lowered;
	s9 =	simm.s32 $_tile_overlayer_lowered  }
0x9e: {  	s22 =	simm.s32 $0x1BFF;
	s21 =	sshll.u32 s9, $0x1;
	s6 =	sadd.s32 s7, s19  }
0x9f: {  	s10 =	simm.s32 $0x0;
	s20 =	sshll.u32 s8, $0x1;
	s8 =	sadd.s32 s21, s6  }
0xa0: {  	[timem:s10], [sflag:s22] =	dma.local [hbm:s8], s20  }
0xa1: {  	_ =	swait.ge [sflag:s22], s20  }
0xa2: {  	s7 =	ssub.s32 $0x0, s20;
	[sflag:s22] =	ssyncset.done $0x0  }
0xa3: {  	[sflag:s22] =	ssyncadd.s32 s7;
	_ =	sdelay $0x1  }
0xa4: {  	s23 =	simm.s32 $0x1B8B  }
0xa5: {  	_ =	swait.ge [sflag:s23], $0x1  }
0xa6: {  	[sflag:s23] =	ssyncset.done $0x0  }
0xa7: {  	s25 =	simm.s32 $0x1B8E;
	s24 =	sld [smem:$0x3FFE];
	[sflag:s23] =	ssyncadd.s32 $0xFFFFFFFF  }
0xa8: {  	s26 =	simm.s32 $execute0_lowered;
	[smem:$0x3FD2] =	sst s25  }
0xa9: {  	s8 =	sshll.u32 s26, $0x1;
	_ =	strace $0x80000046;
	[dreg:$0x1] =	wrdreg $0xFFFFFFFF  }
0xaa: {  	s28 =	simm.s32 $_size_execute0_lowered;
	s6 =	sadd.s32 s6, s8;
	[dreg:$0x0] =	wrdreg $0x0  }
0xab: {  	s8 =	sshll.u32 s28, $0x1;
	[dreg:$0x2] =	wrdreg s6  }
0xac: {  	[dreg:$0x3] =	wrdreg s8  }
0xad: {  	[dreg:$0x4] =	wrdreg $0xC0  }
0xae: {  	_ =	task [dreg:s10], $0x5FFFF  }
0xaf: {  	[dreg:$0x1] =	wrdreg $0xFFFFFFFF  }
0xb0: {  	[dreg:$0x0] =	wrdreg $0x60  }
0xb1: {  	[dreg:$0x2] =	wrdreg s24  }
0xb2: {  	[dreg:$0x3] =	wrdreg s2  }
0xb3: {  	[dreg:$0x4] =	wrdreg s18  }
0xb4: {  	[dreg:$0x5] =	wrdreg s4  }
0xb5: {  	[dreg:$0x6] =	wrdreg s5  }
0xb6: {  	[dreg:$0x7] =	wrdreg $0x9  }
0xb7: {  	_ =	task.clear_ibuf [dreg:s10], $0x8FFFF;
	_ =	strace $0x90000046  }
0xb8: {  	s29 =	simm.s32 $0x9;
	_ =	strace $0x8000004B  }
0xb9: {  	_ =	swait.ge [sflag:s29], $0x1  }
0xba: {  	[sflag:s29] =	ssyncadd.s32 $0xFFFFFFFF  }
0xbb: {  	_ =	strace $0x9000004B  }
0xbc: {  	_ =	sfence  }
0xbd: {  	s30 =	sld [smem:$0x0];
	_ =	sdelay $0x2  }
0xbe: {  	s31 =	sshll.u32 s1, $0xD;
	s1 =	sshrl.u32 s1, $0x2  }
0xbf: {  	s3 =	sand.u32 $0x4000, s31;
	s1 =	sadd.s32 s1, s30  }
0xc0: {  	s0 =	sor.u32 s3, s0;
	s1 =	sshll.u32 s1, $0x11  }
0xc1: {  	s0 =	sor.u32 s1, s0  }
0xc2: {  	s0 =	sadd.s32 $0x8F2B, s0  }
0xc3: {  	[sflag:s0] =	ssyncadd.remote.s32 $0x1  }
0xc4: {  	_ =	sfence.sel $0xFFFF  }
0xc5: {  	[dreg:$0x0] =	wrdreg $0xFFFFFFFF;
	(pc) =	sbr.abs _section_cstart, $3  }
0xc6: {  	[dreg:$0x1] =	wrdreg $0xFFFFFFFF  }
0xc7: {  	_ =	task.clear_ibuf [dreg:s10], $0x2FFFF;
	_ =	strace $0x9FFFFFFF  }
0xc8: {  	(tm) =	ssettm $0x7FFFFFFF  }
0xc9: {  	_ =	shalt  }
tec
execute0_lowered:
.L_overlay_start_1:
0x0: {  	(tag) =	ssettag $0x1  }
0x1: {  	s0 =	rddreg [dreg:$0x0]  }
0x2: {  	s1 =	rddreg [dreg:$0x1]  }
0x3: {  	s14 =	rddreg [dreg:$0x2]  }
0x4: {  	s3 =	rddreg [dreg:$0x3];
	s2 =	srdreg.scid  }
0x5: {  	s6 =	stileid.u32;
	s4 =	rddreg [dreg:$0x4]  }
0x6: {  	s25 =	simm.s32 $0x1A320;
	s26 =	simm.s32 $0x1A300;
	s28 =	simm.s32 $0x2  }
0x7: {  	s29 =	simm.s32 $0x3;
	s30 =	simm.s32 $0x4;
	s31 =	simm.s32 $0x5  }
0x8: {  	[dreg:$0x7] =	wrdreg s1;
	s5 =	sand.u32 $0x1, s2;
	s6 =	sshll.u32 s6, $0x1  }
0x9: {  	s2 =	simm.s32 $0x0;
	s8 =	sadd.s32 $0x800, s0;
	s0 =	sadd.s32 $0x62800, s0  }
0xa: {  	s1 =	simm.s32 $0x6;
	s6 =	sor.u32 s5, s6;
	[smem:$0x7FF] =	sst s2  }
0xb: {  	s5 =	ssub.s32 $0x2, s5;
	_ =	strace $0x80000047;
	[dreg:$0x9] =	wrdreg s0  }
0xc: {  	s7 =	smul.u32 $0x3100, s6;
	s9 =	sshrl.u32 s5, $0x1;
	[dreg:$0x6] =	wrdreg s25  }
0xd: {  	s10 =	smul.u32 $0x620, s6;
	s24 =	sshll.u32 s6, $0x4;
	[dreg:$0x8] =	wrdreg s26  }
0xe: {  	s0 =	simm.s32 $0x7;
	s15 =	ssub.s32 s5, s9;
	s7 =	sshrl.u32 s7, $0x3  }
0xf: {  	s12 =	sadd.s32 s14, s24;
	s17 =	sadd.s32 s8, s10;
	s16 =	sadd.s32 s8, s7  }
0x10: {  	s13 =	sadd.s32 s3, s24;
	[dreg:$0xa] =	wrdreg s17;
	s18 =	sadd.s32 $0xC400, s16  }
0x11: {  	s14 =	sadd.s32 s4, s24;
	s19 =	sadd.s32 $0x18800, s16;
	[dreg:$0xb] =	wrdreg s18  }
0x12: {  	s24 =	simm.s32 $0x0;
	s20 =	sadd.s32 $0x24C00, s16;
	[dreg:$0xc] =	wrdreg s19  }
0x13: {  	s15 =	smax.u32 s15, $0x1;
	s21 =	sadd.s32 $0x31000, s16;
	[dreg:$0xd] =	wrdreg s20  }
.Ltmp0:
0x14: {  	s22 =	sadd.s32 $0x3D400, s16;
	[dreg:$0xe] =	wrdreg s21;
	(pc) =	sbr.rel .LBB2_1-.Ltmp0, $4  }
0x15: {  	s17 =	simm.s32 $0xA;
	s23 =	sadd.s32 $0x49800, s16;
	[dreg:$0xf] =	wrdreg s22  }
0x16: {  	s5 =	sadd.s32 $0x55C00, s16;
	s16 =	simm.s32 $0x8;
	[dreg:$0x10] =	wrdreg s23  }
0x17: {  	v0 =	vlaneseq.u32;
	[dreg:$0x11] =	wrdreg s5;
	s18 =	simm.s32 $0x9;
	s19 =	simm.s32 $0x1A100  }
0x18: {  	v1 =	vimm.f32 $3.000000010e+38;
	v2 =	vimm.s32 $0x0;
	v3 =	vmul.u32 $0x10, v0;
	s20 =	simm.s32 $0x1;
	s21 =	simm.s32 $0x18800;
	s22 =	simm.s32 $0x1A360  }
.LBB2_34:
0x19: {  	v11 =	vimm.f32 $0.0e+00;
	v8 =	vimm.f32 $0.0e+00  }
0x1a: {  	v10 =	vimm.f32 $0.0e+00;
	v9 =	vimm.f32 $0.0e+00;
	v7 =	vimm.f32 $0.0e+00  }
0x1b: {  	_ =	strace $0x8000004A;
	v6 =	vimm.f32 $0.0e+00;
	v4 =	vimm.f32 $0.0e+00;
	v5 =	vimm.f32 $0.0e+00  }
.LBB2_32:
0x1c: {  	_ =	strace $0x9000004A  }
0x1d: {  	v12 =	vld [tilespmem:$0x1C420];
	_ =	sdelay $0x2  }
0x1e: {  	v13 =	vld [tilespmem:$0x1C430];
	_ =	sdelay $0x1  }
0x1f: {  	v14 =	vld [tilespmem:$0x1C440];
	vm0 =	vlt.f32 v12, $0.0e+00;
	vm1 =	vgt.f32 v12, $0.0e+00  }
0x20: {  	vm6 =	vmor vm1, vm0  }
0x21: {  	v15 =	vld [tilespmem:$0x1C450];
	v12 =	vnsel vm6, $0x3F800000, v12  }
0x22: {  	vm4 =	vlt.f32 v13, $0.0e+00;
	vm5 =	vgt.f32 v13, $0.0e+00;
	(erf) = vrcp.f32 v12  }
0x23: {  	v28 =	vld [tilespmem:$0x1C460];
	vm3 =	vmor vm5, vm4  }
0x24: {  	v29 =	vld [tilespmem:$0x1C470];
	vm7 =	vlt.f32 v14, $0.0e+00;
	vm8 =	vgt.f32 v14, $0.0e+00;
	v27 =	vnsel vm3, $0x3F800000, v13  }
0x25: {  	v31 =	vld [tilespmem:$0x1C480];
	vm4 =	vmor vm8, vm7;
	(erf) = vrcp.f32 v27  }
0x26: {  	v32 =	vld [tilespmem:$0x1C490];
	vm9 =	vlt.f32 v15, $0.0e+00;
	vm10 =	vgt.f32 v15, $0.0e+00;
	v14 =	vnsel vm4, $0x3F800000, v14  }
0x27: {  	vm0 =	vmor vm10, vm9;
	(erf) = vrcp.f32 v14  }
0x28: {  	v16 =	vld [tilespmem:$0x1C3A0];
	vm11 =	vlt.f32 v28, $0.0e+00;
	vm2 =	vgt.f32 v28, $0.0e+00;
	v30 =	vnsel vm0, $0x3F800000, v15  }
0x29: {  	vm12 =	vlt.f32 v29, $0.0e+00;
	vm1 =	vmor vm2, vm11;
	(erf) = vrcp.f32 v30  }
0x2a: {  	v18 =	vld [tilespmem:$0x1C3B0];
	vm13 =	vlt.f32 v31, $0.0e+00;
	vm5 =	vgt.f32 v29, $0.0e+00;
	v13 =	vnsel vm1, $0x3F800000, v28  }
0x2b: {  	vm14 =	vlt.f32 v32, $0.0e+00;
	vm2 =	vmor vm5, vm12;
	v17 =	vpop (erf);
	(erf) = vrcp.f32 v13  }
0x2c: {  	v33 =	vld [tilespmem:$0x1C3C0];
	vm7 =	vgt.f32 v31, $0.0e+00;
	vm8 =	vgt.f32 v32, $0.0e+00;
	v12 =	vnsel vm2, $0x3F800000, v29  }
0x2d: {  	vm5 =	vmor vm7, vm13;
	v16 =	vmul.f32 v17, v16;
	(erf) = vrcp.f32 v12  }
0x2e: {  	v19 =	vmov s25;
	v36 =	vld [tilespmem:$0x1C3D0];
	vm15 =	vmor vm8, vm14;
	v15 =	vnsel vm5, $0x3F800000, v31;
	v35 =	vpop (erf)  }
0x2f: {  	(erf) = vrcp.f32 v15;
	v34 =	vnsel vm6, $0x0, v16;
	v16 =	vmul.f32 v35, v18  }
0x30: {  	v38 =	vld [tilespmem:$0x1C3E0];
	v14 =	vnsel vm15, $0x3F800000, v32;
	v37 =	vpop (erf);
	v12 =	vmul.f32 v34, v19  }
0x31: {  	v13 =	vmul.f32 v37, v33;
	(erf) = vrcp.f32 v14;
	v16 =	vnsel vm3, $0x0, v16  }
0x32: {  	v41 =	vld [tilespmem:$0x1C3F0];
	v39 =	vpop (erf);
	v11 =	vadd.f32 v12, v11;
	v40 =	vmul.f32 v16, v19  }
0x33: {  	v14 =	vmul.f32 v39, v36;
	v13 =	vnsel vm4, $0x0, v13  }
0x34: {  	v44 =	vld [tilespmem:$0x1C400];
	v43 =	vmul.f32 v13, v19;
	(xrf2) =	vadd.scan.msk.f32 $0xffff, v11;
	v8 =	vadd.f32 v40, v8;
	v42 =	vpop (erf)  }
0x35: {  	v14 =	vnsel vm0, $0x0, v14;
	v16 =	vmul.f32 v42, v38  }
0x36: {  	v47 =	vld [tilespmem:$0x1C410];
	v46 =	vmul.f32 v14, v19;
	v10 =	vadd.f32 v43, v10;
	v45 =	vpop (erf);
	(xrf2) =	vadd.scan.msk.f32 $0xffff, v8  }
0x37: {  	v15 =	vmul.f32 v45, v41;
	v16 =	vnsel vm1, $0x0, v16  }
0x38: {  	v9 =	vadd.f32 v46, v9;
	v48 =	vpop (erf);
	(xrf2) =	vadd.scan.msk.f32 $0xffff, v10;
	v49 =	vmul.f32 v16, v19  }
0x39: {  	v13 =	vmul.f32 v48, v44;
	v15 =	vnsel vm2, $0x0, v15  }
0x3a: {  	(xrf2) =	vadd.scan.msk.f32 $0xffff, v9;
	v51 =	vpop (erf);
	v50 =	vmul.f32 v15, v19;
	v7 =	vadd.f32 v49, v7  }
0x3b: {  	v14 =	vmul.f32 v51, v47;
	v13 =	vnsel vm5, $0x0, v13  }
0x3c: {  	v52 =	vmul.f32 v13, v19;
	v6 =	vadd.f32 v50, v6;
	(xrf2) =	vadd.scan.msk.f32 $0xffff, v7  }
0x3d: {  	v53 =	vnsel vm15, $0x0, v14  }
0x3e: {  	v13 =	vmul.f32 v53, v19;
	v4 =	vadd.f32 v52, v4;
	v54, _, _ =	vpop (xrf2);
	(xrf2) =	vadd.scan.msk.f32 $0xffff, v6  }
0x3f: {  	(v2sf) =	vpush v54, $0xF  }
0x40: {  	v5 =	vadd.f32 v13, v5;
	v55, _, _ =	vpop (xrf2);
	(xrf2) =	vadd.scan.msk.f32 $0xffff, v4  }
0x41: {  	(v2sf) =	vpush v55, $0xF  }
0x42: {  	v56, _, _ =	vpop (xrf2);
	(xrf2) =	vadd.scan.msk.f32 $0xffff, v5  }
0x43: {  	(v2sf) =	vpush v56, $0xF  }
0x44: {  	v57, _, _ =	vpop (xrf2)  }
0x45: {  	(v2sf) =	vpush v57, $0xF  }
0x46: {  	v58, _, _ =	vpop (xrf2)  }
0x47: {  	(v2sf) =	vpush v58, $0xF  }
0x48: {  	v59, _, _ =	vpop (xrf2)  }
0x49: {  	(v2sf) =	vpush v59, $0xF  }
0x4a: {  	v60, _, _ =	vpop (xrf2)  }
0x4b: {  	(v2sf) =	vpush v60, $0xF  }
0x4c: {  	v61, _, _ =	vpop (xrf2)  }
0x4d: {  	(v2sf) =	vpush v61, $0xF  }
0x4e: {  	s3 =	spop (v2sf)  }
0x4f: {  	s3 =	sadd.f32 $0.0e+00, s3  }
0x50: {  	s4 =	spop (v2sf)  }
0x51: {  	s3 =	sadd.f32 s4, s3  }
0x52: {  	s8 =	spop (v2sf)  }
0x53: {  	s3 =	sadd.f32 s8, s3  }
0x54: {  	s9 =	spop (v2sf)  }
0x55: {  	s3 =	sadd.f32 s9, s3  }
0x56: {  	s10 =	spop (v2sf)  }
0x57: {  	s3 =	sadd.f32 s10, s3  }
0x58: {  	s11 =	spop (v2sf)  }
0x59: {  	s3 =	sadd.f32 s11, s3  }
0x5a: {  	s23 =	spop (v2sf)  }
0x5b: {  	s3 =	sadd.f32 s23, s3  }
0x5c: {  	s25 =	spop (v2sf)  }
0x5d: {  	s3 =	sadd.f32 s25, s3;
	_ =	sdelay $0x1  }
0x5e: {  	v62 =	vmov s3  }
0x5f: {  	(erf) = vrcp.f32 v62;
	_ =	sdelay $0x4  }
0x60: {  	[tilespmem:$0x1C4A0] =	vst v11  }
0x61: {  	[tilespmem:$0x1C4B0] =	vst v8  }
0x62: {  	[tilespmem:$0x1C4C0] =	vst v10  }
0x63: {  	[tilespmem:$0x1C4D0] =	vst v9  }
0x64: {  	[tilespmem:$0x1C4E0] =	vst v7;
	v12 =	vpop (erf)  }
0x65: {  	[tilespmem:$0x1C4F0] =	vst v6;
	v11 =	vmul.f32 v12, v11  }
0x66: {  	[tilespmem:$0x1C500] =	vst v4;
	v8 =	vmul.f32 v12, v8  }
0x67: {  	v10 =	vmul.f32 v12, v10;
	[tilespmem:$0x1C4A0] =	vst v11  }
0x68: {  	v63 =	vmul.f32 v12, v9;
	[tilespmem:$0x1C4B0] =	vst v8  }
0x69: {  	v7 =	vmul.f32 v12, v7;
	[tilespmem:$0x1C4C0] =	vst v10  }
0x6a: {  	v6 =	vmul.f32 v12, v6;
	[tilespmem:$0x1C4D0] =	vst v63  }
0x6b: {  	v4 =	vmul.f32 v12, v4;
	[tilespmem:$0x1C4E0] =	vst v7  }
0x6c: {  	s24 =	sadd.s32 $0x1, s24;
	v5 =	vmul.f32 v12, v5;
	[tilespmem:$0x1C4F0] =	vst v6  }
0x6d: {  	p0 =	sne.s32 s24, s15;
	[tilespmem:$0x1C500] =	vst v4  }
.Ltmp1:
0x6e: {  	s26 =	simm.s32 $0x1C4A0;
	[tilespmem:$0x1C510] =	vst v5;
	(pc) =	sbr.rel @!p0 .LBB2_33-.Ltmp1, $4  }
0x6f: {  	[hbm4b:s14+s2] =	stream.linear.scatter [tilespmem:s26], [sflag:$0xA], $0x80, $0x38;
	[tilespmem:$0x1C530] =	vst v63  }
0x70: {  	_ =	swait.ge [sflag:s17], $0x80  }
0x71: {  	[sflag:s17] =	ssyncset.done $0x0  }
0x72: {  	[sflag:s17] =	ssyncadd.s32 $0xFFFFFF80  }
.LBB2_1:
0x73: {  	s3 =	rddreg [dreg:$0x9];
	s4 =	simm.s32 $0x1C520  }
0x74: {  	[tilespmem:s4], [sflag:$0xA] =	stream.linear.gather [hbm4b:s3+s2], $0x10, $0x38;
	[tilespmem:$0x1C530] =	vst v63  }
0x75: {  	_ =	swait.ge [sflag:s17], $0x10  }
0x76: {  	[sflag:s17] =	ssyncset.done $0x0  }
0x77: {  	[sflag:s17] =	ssyncadd.s32 $0xFFFFFFF0  }
0x78: {  	[tilespmem:$0x1A360] =	vst v1  }
0x79: {  	[tilespmem:$0x1A320] =	vst v2  }
0x7a: {  	[tilespmem:$0x1A370] =	vst v1  }
0x7b: {  	[tilespmem:$0x1A330] =	vst v2  }
0x7c: {  	[tilespmem:$0x1A380] =	vst v1  }
0x7d: {  	[tilespmem:$0x1A340] =	vst v2  }
0x7e: {  	[tilespmem:$0x1A390] =	vst v1  }
0x7f: {  	s6 =	rddreg [dreg:$0xa];
	[tilespmem:$0x1A350] =	vst v2  }
0x80: {  	[tilespmem:s2], [sflag:$0x2] =	stream.linear.gather [hbm4b:s6+s2], $0x3100, $0x38;
	[tilespmem:$0x1C530] =	vst v63  }
0x81: {  	s8 =	simm.s32 $0x3100;
	s7 =	rddreg [dreg:$0xb]  }
0x82: {  	[tilespmem:s8], [sflag:$0x3] =	stream.linear.gather [hbm4b:s7+s2], $0x3100, $0x38;
	[tilespmem:$0x1C530] =	vst v63  }
0x83: {  	s10 =	simm.s32 $0x6200;
	s9 =	rddreg [dreg:$0xc]  }
0x84: {  	[tilespmem:s10], [sflag:$0x4] =	stream.linear.gather [hbm4b:s9+s2], $0x3100, $0x38;
	[tilespmem:$0x1C530] =	vst v63  }
0x85: {  	s23 =	simm.s32 $0x9300;
	s11 =	rddreg [dreg:$0xd]  }
0x86: {  	[tilespmem:s23], [sflag:$0x5] =	stream.linear.gather [hbm4b:s11+s2], $0x3100, $0x38;
	[tilespmem:$0x1C530] =	vst v63  }
0x87: {  	s26 =	simm.s32 $0xC400;
	s25 =	rddreg [dreg:$0xe]  }
0x88: {  	[tilespmem:s26], [sflag:$0x6] =	stream.linear.gather [hbm4b:s25+s2], $0x3100, $0x38;
	[tilespmem:$0x1C530] =	vst v63  }
0x89: {  	s5 =	simm.s32 $0xF500;
	s4 =	rddreg [dreg:$0xf]  }
0x8a: {  	[tilespmem:s5], [sflag:$0x7] =	stream.linear.gather [hbm4b:s4+s2], $0x3100, $0x38;
	[tilespmem:$0x1C530] =	vst v63  }
0x8b: {  	s6 =	rddreg [dreg:$0x10];
	s7 =	simm.s32 $0x12600  }
0x8c: {  	[tilespmem:s7], [sflag:$0x8] =	stream.linear.gather [hbm4b:s6+s2], $0x3100, $0x38;
	[tilespmem:$0x1C530] =	vst v63  }
0x8d: {  	s8 =	rddreg [dreg:$0x11];
	s9 =	simm.s32 $0x15700  }
0x8e: {  	[tilespmem:s9], [sflag:$0x9] =	stream.linear.gather [hbm4b:s8+s2], $0x3100, $0x38;
	[tilespmem:$0x1C530] =	vst v63  }
0x8f: {  	s10 =	simm.s32 $0x1C3A0  }
0x90: {  	[tilespmem:s10], [sflag:$0xA] =	stream.linear.gather [hbm4b:s12+s2], $0x80, $0x38;
	[tilespmem:$0x1C530] =	vst v63  }
0x91: {  	_ =	swait.ge [sflag:s17], $0x80  }
0x92: {  	[sflag:s17] =	ssyncset.done $0x0  }
0x93: {  	s11 =	simm.s32 $0x1C420;
	[sflag:s17] =	ssyncadd.s32 $0xFFFFFF80  }
0x94: {  	[tilespmem:s11], [sflag:$0xA] =	stream.linear.gather [hbm4b:s13+s2], $0x80, $0x38;
	[tilespmem:$0x1C530] =	vst v63  }
0x95: {  	_ =	swait.ge [sflag:s17], $0x80  }
0x96: {  	[sflag:s17] =	ssyncset.done $0x0  }
0x97: {  	[sflag:s17] =	ssyncadd.s32 $0xFFFFFF80  }
0x98: {  	v4 =	vld [tilespmem:$0x1C520];
	_ =	strace $0x80000048  }
0x99: {  	_ =	swait.ge [sflag:s28], $0x3100  }
0x9a: {  	[sflag:s28] =	ssyncset.done $0x0  }
0x9b: {  	s23 =	simm.s32 $0x200;
	[sflag:s28] =	ssyncadd.s32 $0xFFFFCF00  }
0x9c: {  	v5 =	vld [tilespmem:s23+$0x100]  }
0x9d: {  	v6 =	vld [tilespmem:s23+$0x110]  }
0x9e: {  	v7 =	vld [tilespmem:s23+$0x120]  }
0x9f: {  	v8 =	vld [tilespmem:s23+$0x130]  }
0xa0: {  	v9 =	vld [tilespmem:s23+$0x140]  }
0xa1: {  	v10 =	vld [tilespmem:s23+$0x150]  }
0xa2: {  	v11 =	vld [tilespmem:s23+$0x160]  }
0xa3: {  	v12 =	vld [tilespmem:s23+$0x170]  }
0xa4: {  	v13 =	vld [tilespmem:s23+$0x180]  }
0xa5: {  	v14 =	vld [tilespmem:s23+$0x190]  }
0xa6: {  	v15 =	vld [tilespmem:s23+$0x1A0]  }
0xa7: {  	v16 =	vld [tilespmem:s23+$0x1B0]  }
0xa8: {  	v17 =	vld [tilespmem:s23+$0x1C0]  }
0xa9: {  	v18 =	vld [tilespmem:s23+$0x1D0]  }
0xaa: {  	v19 =	vld [tilespmem:s23+$0x1E0]  }
0xab: {  	v20 =	vld [tilespmem:s23+$0x1F0]  }
0xac: {  	v21 =	vld [tilespmem:s23+$0xFFFFFE10]  }
0xad: {  	v22 =	vld [tilespmem:s23+$0xFFFFFF00]  }
0xae: {  	v23 =	vld [tilespmem:s23+$0xFFFFFF10]  }
0xaf: {  	v24 =	vld [tilespmem:s23+$0x0]  }
0xb0: {  	v25 =	vld [tilespmem:s23+$0x10]  }
0xb1: {  	v26 =	vld [tilespmem:s23+$0xFFFFFE00]  }
0xb2: {  	v27 =	vld [tilespmem:s23+$0xFFFFFE20]  }
0xb3: {  	v28 =	vld [tilespmem:s23+$0xFFFFFF20]  }
0xb4: {  	v29 =	vld [tilespmem:s23+$0x20]  }
0xb5: {  	v30 =	vld [tilespmem:s23+$0xFFFFFE30]  }
0xb6: {  	v31 =	vld [tilespmem:s23+$0xFFFFFF30]  }
0xb7: {  	v32 =	vld [tilespmem:s23+$0x30]  }
0xb8: {  	v33 =	vld [tilespmem:s23+$0xFFFFFE40]  }
0xb9: {  	v34 =	vld [tilespmem:s23+$0xFFFFFF40]  }
0xba: {  	v35 =	vld [tilespmem:s23+$0x40]  }
0xbb: {  	v36 =	vld [tilespmem:s23+$0xFFFFFE50]  }
0xbc: {  	v37 =	vld [tilespmem:s23+$0xFFFFFF50]  }
0xbd: {  	v38 =	vld [tilespmem:s23+$0x50]  }
0xbe: {  	v39 =	vld [tilespmem:s23+$0xFFFFFE60]  }
0xbf: {  	v40 =	vld [tilespmem:s23+$0xFFFFFF60]  }
0xc0: {  	v52 =	vld [tilespmem:s23+$0xFFFFFEA0];
	v5 =	vmin.f32 v5, v6  }
0xc1: {  	v53 =	vld [tilespmem:s23+$0xFFFFFFA0];
	v5 =	vmin.f32 v5, v7  }
0xc2: {  	v54 =	vld [tilespmem:s23+$0xA0];
	v5 =	vmin.f32 v5, v8  }
0xc3: {  	v55 =	vld [tilespmem:s23+$0xFFFFFEB0];
	v5 =	vmin.f32 v5, v9  }
0xc4: {  	v56 =	vld [tilespmem:s23+$0xFFFFFFB0];
	v5 =	vmin.f32 v5, v10  }
0xc5: {  	v58 =	vld [tilespmem:s23+$0xB0];
	v5 =	vmin.f32 v5, v11  }
0xc6: {  	v59 =	vld [tilespmem:s23+$0xFFFFFEC0];
	v5 =	vmin.f32 v5, v12  }
0xc7: {  	v60 =	vld [tilespmem:s23+$0xFFFFFFC0];
	v5 =	vmin.f32 v5, v13  }
0xc8: {  	v61 =	vld [tilespmem:s23+$0xC0];
	v5 =	vmin.f32 v5, v14  }
0xc9: {  	v6 =	vld [tilespmem:s23+$0x60];
	v5 =	vmin.f32 v5, v15  }
0xca: {  	v7 =	vld [tilespmem:s23+$0xFFFFFE70];
	v5 =	vmin.f32 v5, v16  }
0xcb: {  	v8 =	vld [tilespmem:s23+$0xFFFFFF70];
	v5 =	vmin.f32 v5, v17  }
0xcc: {  	v9 =	vld [tilespmem:s23+$0x70];
	v5 =	vmin.f32 v5, v18  }
0xcd: {  	v10 =	vld [tilespmem:s23+$0xFFFFFE80];
	v5 =	vmin.f32 v5, v19  }
0xce: {  	v11 =	vld [tilespmem:s23+$0xFFFFFF80];
	v20 =	vmin.f32 v5, v20;
	v5 =	vmin.f32 v26, v21  }
0xcf: {  	v22 =	vmin.f32 v22, v23;
	v57 =	vmin.f32 v24, v25;
	v12 =	vld [tilespmem:s23+$0x80];
	v5 =	vmin.f32 v5, v27  }
0xd0: {  	v22 =	vmin.f32 v22, v28;
	v23 =	vmin.f32 v57, v29;
	v13 =	vld [tilespmem:s23+$0xFFFFFE90];
	v5 =	vmin.f32 v5, v30  }
0xd1: {  	v22 =	vmin.f32 v22, v31;
	v23 =	vmin.f32 v23, v32;
	v14 =	vld [tilespmem:s23+$0xFFFFFF90];
	v5 =	vmin.f32 v5, v33  }
0xd2: {  	v22 =	vmin.f32 v22, v34;
	v23 =	vmin.f32 v23, v35;
	v15 =	vld [tilespmem:s23+$0x90];
	v5 =	vmin.f32 v5, v36  }
0xd3: {  	v62 =	vld [tilespmem:s23+$0xFFFFFED0];
	v22 =	vmin.f32 v22, v37;
	v23 =	vmin.f32 v23, v38;
	v5 =	vmin.f32 v5, v39  }
0xd4: {  	v63 =	vld [tilespmem:s23+$0xFFFFFFD0];
	v22 =	vmin.f32 v22, v40;
	v6 =	vmin.f32 v23, v6;
	v5 =	vmin.f32 v5, v7  }
0xd5: {  	v6 =	vmin.f32 v6, v9;
	v9 =	vld [tilespmem:s23+$0xD0];
	v7 =	vmin.f32 v22, v8;
	v5 =	vmin.f32 v5, v10  }
0xd6: {  	v6 =	vmin.f32 v6, v12;
	v7 =	vmin.f32 v7, v11;
	v11 =	vld [tilespmem:s23+$0xFFFFFEE0];
	v5 =	vmin.f32 v5, v13  }
0xd7: {  	v6 =	vmin.f32 v6, v15;
	v7 =	vmin.f32 v7, v14;
	v8 =	vmin.f32 v5, v52;
	v5 =	vld [tilespmem:s23+$0xFFFFFFE0]  }
0xd8: {  	v10 =	vmin.f32 v6, v54;
	v6 =	vld [tilespmem:s23+$0xE0];
	v7 =	vmin.f32 v7, v53;
	v8 =	vmin.f32 v8, v55  }
0xd9: {  	v10 =	vmin.f32 v10, v58;
	v12 =	vmin.f32 v7, v56;
	v7 =	vld [tilespmem:s23+$0xFFFFFEF0];
	v8 =	vmin.f32 v8, v59  }
0xda: {  	s25 =	simm.s32 $0x18820;
	v10 =	vmin.f32 v10, v61;
	v12 =	vmin.f32 v12, v60;
	v13 =	vmin.f32 v8, v62;
	v8 =	vld [tilespmem:s23+$0xFFFFFFF0]  }
0xdb: {  	s26 =	simm.s32 $0x0;
	[tilespmem:s25+$0x10] =	vst v20;
	v10 =	vmin.f32 v10, v9;
	v9 =	vld [tilespmem:s23+$0xF0];
	v12 =	vmin.f32 v12, v63;
	s23 =	simm.s32 $0x600;
	v11 =	vmin.f32 v13, v11  }
.LBB2_2:
0xdc: {  	v13 =	vld [tilespmem:s23+$0x100];
	v5 =	vmin.f32 v12, v5  }
0xdd: {  	s26 =	sadd.s32 $0x4, s26;
	v12 =	vld [tilespmem:s23+$0x110];
	v6 =	vmin.f32 v10, v6  }
0xde: {  	p0 =	slt.u32 s26, $0x2C;
	v10 =	vld [tilespmem:s23+$0x120];
	v7 =	vmin.f32 v11, v7  }
0xdf: {  	v11 =	vld [tilespmem:s23+$0x130];
	[tilespmem:s25+$0xFFFFFFE0] =	vst v7;
	v5 =	vmin.f32 v5, v8  }
0xe0: {  	v7 =	vld [tilespmem:s23+$0x140];
	[tilespmem:s25+$0xFFFFFFF0] =	vst v5;
	v5 =	vmin.f32 v6, v9  }
0xe1: {  	v6 =	vld [tilespmem:s23+$0x150];
	[tilespmem:s25+$0x0] =	vst v5  }
0xe2: {  	v5 =	vmin.f32 v13, v12;
	v8 =	vld [tilespmem:s23+$0x160]  }
0xe3: {  	v5 =	vmin.f32 v5, v10;
	v9 =	vld [tilespmem:s23+$0x170]  }
0xe4: {  	v5 =	vmin.f32 v5, v11;
	v10 =	vld [tilespmem:s23+$0x180]  }
0xe5: {  	v5 =	vmin.f32 v5, v7;
	v7 =	vld [tilespmem:s23+$0x190]  }
0xe6: {  	v5 =	vmin.f32 v5, v6;
	v6 =	vld [tilespmem:s23+$0x1A0]  }
0xe7: {  	v5 =	vmin.f32 v5, v8;
	v8 =	vld [tilespmem:s23+$0x1B0]  }
0xe8: {  	v5 =	vmin.f32 v5, v9;
	v9 =	vld [tilespmem:s23+$0x1C0]  }
0xe9: {  	v5 =	vmin.f32 v5, v10;
	v10 =	vld [tilespmem:s23+$0x1D0]  }
0xea: {  	v5 =	vmin.f32 v5, v7;
	v7 =	vld [tilespmem:s23+$0x1E0]  }
0xeb: {  	v5 =	vmin.f32 v5, v6;
	v6 =	vld [tilespmem:s23+$0x1F0]  }
0xec: {  	v11 =	vld [tilespmem:s23+$0xFFFFFE10];
	v5 =	vmin.f32 v5, v8  }
0xed: {  	v8 =	vld [tilespmem:s23+$0xFFFFFF00];
	v5 =	vmin.f32 v5, v9  }
0xee: {  	v9 =	vld [tilespmem:s23+$0xFFFFFF10];
	v5 =	vmin.f32 v5, v10  }
0xef: {  	v10 =	vld [tilespmem:s23+$0x0];
	v5 =	vmin.f32 v5, v7  }
0xf0: {  	s25 =	sadd.s32 $0x40, s25;
	v7 =	vld [tilespmem:s23+$0x10];
	v5 =	vmin.f32 v5, v6  }
0xf1: {  	v6 =	vld [tilespmem:s23+$0xFFFFFE00];
	[tilespmem:s25+$0x10] =	vst v5  }
0xf2: {  	v5 =	vld [tilespmem:s23+$0xFFFFFE20]  }
0xf3: {  	v8 =	vmin.f32 v8, v9;
	v9 =	vld [tilespmem:s23+$0xFFFFFF20]  }
0xf4: {  	v12 =	vld [tilespmem:s23+$0x20]  }
0xf5: {  	v13 =	vld [tilespmem:s23+$0xFFFFFE30];
	v7 =	vmin.f32 v10, v7  }
0xf6: {  	v6 =	vmin.f32 v6, v11;
	v10 =	vld [tilespmem:s23+$0xFFFFFF30]  }
0xf7: {  	v5 =	vmin.f32 v6, v5;
	v6 =	vld [tilespmem:s23+$0x30]  }
0xf8: {  	v11 =	vld [tilespmem:s23+$0xFFFFFE40];
	v8 =	vmin.f32 v8, v9  }
0xf9: {  	v9 =	vld [tilespmem:s23+$0xFFFFFF40];
	v7 =	vmin.f32 v7, v12  }
0xfa: {  	v5 =	vmin.f32 v5, v13;
	v12 =	vld [tilespmem:s23+$0x40]  }
0xfb: {  	v13 =	vld [tilespmem:s23+$0xFFFFFE50];
	v8 =	vmin.f32 v8, v10  }
0xfc: {  	v10 =	vld [tilespmem:s23+$0xFFFFFF50];
	v6 =	vmin.f32 v7, v6  }
0xfd: {  	v5 =	vmin.f32 v5, v11;
	v7 =	vld [tilespmem:s23+$0x50]  }
0xfe: {  	v11 =	vld [tilespmem:s23+$0xFFFFFE60];
	v8 =	vmin.f32 v8, v9  }
0xff: {  	v9 =	vld [tilespmem:s23+$0xFFFFFF60];
	v6 =	vmin.f32 v6, v12  }
0x100: {  	v5 =	vmin.f32 v5, v13;
	v12 =	vld [tilespmem:s23+$0x60]  }
0x101: {  	v13 =	vld [tilespmem:s23+$0xFFFFFE70];
	v8 =	vmin.f32 v8, v10  }
0x102: {  	v10 =	vld [tilespmem:s23+$0xFFFFFF70];
	v6 =	vmin.f32 v6, v7  }
0x103: {  	v5 =	vmin.f32 v5, v11;
	v7 =	vld [tilespmem:s23+$0x70]  }
0x104: {  	v11 =	vld [tilespmem:s23+$0xFFFFFE80];
	v8 =	vmin.f32 v8, v9  }
0x105: {  	v9 =	vld [tilespmem:s23+$0xFFFFFF80];
	v6 =	vmin.f32 v6, v12  }
0x106: {  	v5 =	vmin.f32 v5, v13;
	v12 =	vld [tilespmem:s23+$0x80]  }
0x107: {  	v13 =	vld [tilespmem:s23+$0xFFFFFE90];
	v8 =	vmin.f32 v8, v10  }
0x108: {  	v10 =	vld [tilespmem:s23+$0xFFFFFF90];
	v6 =	vmin.f32 v6, v7  }
0x109: {  	v5 =	vmin.f32 v5, v11;
	v7 =	vld [tilespmem:s23+$0x90]  }
0x10a: {  	v11 =	vld [tilespmem:s23+$0xFFFFFEA0];
	v8 =	vmin.f32 v8, v9  }
0x10b: {  	v9 =	vld [tilespmem:s23+$0xFFFFFFA0];
	v6 =	vmin.f32 v6, v12  }
0x10c: {  	v5 =	vmin.f32 v5, v13;
	v12 =	vld [tilespmem:s23+$0xA0]  }
0x10d: {  	v13 =	vld [tilespmem:s23+$0xFFFFFEB0];
	v8 =	vmin.f32 v8, v10  }
0x10e: {  	v10 =	vld [tilespmem:s23+$0xFFFFFFB0];
	v6 =	vmin.f32 v6, v7  }
0x10f: {  	v5 =	vmin.f32 v5, v11;
	v7 =	vld [tilespmem:s23+$0xB0]  }
0x110: {  	v11 =	vld [tilespmem:s23+$0xFFFFFEC0];
	v8 =	vmin.f32 v8, v9  }
0x111: {  	v9 =	vld [tilespmem:s23+$0xFFFFFFC0];
	v6 =	vmin.f32 v6, v12  }
0x112: {  	v5 =	vmin.f32 v5, v13;
	v12 =	vld [tilespmem:s23+$0xC0]  }
0x113: {  	v13 =	vld [tilespmem:s23+$0xFFFFFED0];
	v8 =	vmin.f32 v8, v10  }
0x114: {  	v10 =	vld [tilespmem:s23+$0xFFFFFFD0];
	v6 =	vmin.f32 v6, v7  }
0x115: {  	v7 =	vmin.f32 v5, v11;
	v11 =	vld [tilespmem:s23+$0xD0]  }
0x116: {  	v14 =	vld [tilespmem:s23+$0xFFFFFEE0];
	v8 =	vmin.f32 v8, v9  }
.Ltmp2:
0x117: {  	v5 =	vld [tilespmem:s23+$0xFFFFFFE0];
	v9 =	vmin.f32 v6, v12;
	(pc) =	sbr.rel @p0 .LBB2_2-.Ltmp2, $4  }
0x118: {  	v13 =	vmin.f32 v7, v13;
	v6 =	vld [tilespmem:s23+$0xE0]  }
0x119: {  	v7 =	vld [tilespmem:s23+$0xFFFFFEF0];
	v12 =	vmin.f32 v8, v10  }
0x11a: {  	v8 =	vld [tilespmem:s23+$0xFFFFFFF0];
	v10 =	vmin.f32 v9, v11  }
0x11b: {  	v11 =	vmin.f32 v13, v14;
	v9 =	vld [tilespmem:s23+$0xF0];
	s23 =	sadd.s32 $0x400, s23  }
0x11c: {  	_ =	sdelay $0x1  }
0x11d: {  	v5 =	vmin.f32 v12, v5;
	v7 =	vmin.f32 v11, v7  }
0x11e: {  	v6 =	vmin.f32 v10, v6;
	[tilespmem:s25+$0xFFFFFFE0] =	vst v7;
	v5 =	vmin.f32 v5, v8  }
0x11f: {  	[tilespmem:s25+$0xFFFFFFF0] =	vst v5;
	v5 =	vmin.f32 v6, v9  }
0x120: {  	[tilespmem:s25+$0x0] =	vst v5  }
0x121: {  	v5 =	vld [tilespmem:$0x3000]  }
0x122: {  	v6 =	vld [tilespmem:$0x3010]  }
0x123: {  	v7 =	vld [tilespmem:$0x3020]  }
0x124: {  	v8 =	vld [tilespmem:$0x3030]  }
0x125: {  	v9 =	vld [tilespmem:$0x3040]  }
0x126: {  	v10 =	vld [tilespmem:$0x3050]  }
0x127: {  	v5 =	vmin.f32 v5, v6;
	v6 =	vld [tilespmem:$0x3060]  }
0x128: {  	v5 =	vmin.f32 v5, v7;
	v7 =	vld [tilespmem:$0x3070]  }
0x129: {  	v5 =	vmin.f32 v5, v8;
	v8 =	vld [tilespmem:$0x3080]  }
0x12a: {  	v5 =	vmin.f32 v5, v9;
	v9 =	vld [tilespmem:$0x3090]  }
0x12b: {  	v5 =	vmin.f32 v5, v10;
	v10 =	vld [tilespmem:$0x30A0]  }
0x12c: {  	v5 =	vmin.f32 v5, v6;
	v6 =	vld [tilespmem:$0x30B0]  }
0x12d: {  	v5 =	vmin.f32 v5, v7;
	v7 =	vld [tilespmem:$0x30C0]  }
0x12e: {  	v5 =	vmin.f32 v5, v8;
	v8 =	vld [tilespmem:$0x30D0]  }
0x12f: {  	v5 =	vmin.f32 v5, v9;
	v9 =	vld [tilespmem:$0x30E0]  }
0x130: {  	v5 =	vmin.f32 v5, v10;
	v10 =	vld [tilespmem:$0x30F0]  }
0x131: {  	v5 =	vmin.f32 v5, v6  }
0x132: {  	v5 =	vmin.f32 v5, v7  }
0x133: {  	v5 =	vmin.f32 v5, v8  }
0x134: {  	v5 =	vmin.f32 v5, v9  }
0x135: {  	v5 =	vmin.f32 v5, v10  }
0x136: {  	[tilespmem:$0x18B00] =	vst v5  }
0x137: {  	_ =	swait.ge [sflag:s29], $0x3100  }
0x138: {  	[sflag:s29] =	ssyncset.done $0x0  }
0x139: {  	s3 =	simm.s32 $0x34F0;
	[sflag:s29] =	ssyncadd.s32 $0xFFFFCF00  }
0x13a: {  	v5 =	vld [tilespmem:s3+$0xFFFFFF10]  }
0x13b: {  	v6 =	vld [tilespmem:s3+$0xFFFFFF20]  }
0x13c: {  	v7 =	vld [tilespmem:s3+$0xFFFFFF30]  }
0x13d: {  	v8 =	vld [tilespmem:s3+$0xFFFFFF40]  }
0x13e: {  	v9 =	vld [tilespmem:s3+$0xFFFFFF50]  }
0x13f: {  	v10 =	vld [tilespmem:s3+$0xFFFFFF60]  }
0x140: {  	v11 =	vld [tilespmem:s3+$0xFFFFFF70]  }
0x141: {  	v12 =	vld [tilespmem:s3+$0xFFFFFF80]  }
0x142: {  	v13 =	vld [tilespmem:s3+$0xFFFFFF90]  }
0x143: {  	v14 =	vld [tilespmem:s3+$0xFFFFFFA0]  }
0x144: {  	v15 =	vld [tilespmem:s3+$0xFFFFFFB0]  }
0x145: {  	v16 =	vld [tilespmem:s3+$0xFFFFFFC0]  }
0x146: {  	v17 =	vld [tilespmem:s3+$0xFFFFFFD0]  }
0x147: {  	v18 =	vld [tilespmem:s3+$0xFFFFFFE0]  }
0x148: {  	v19 =	vld [tilespmem:s3+$0xFFFFFFF0]  }
0x149: {  	v20 =	vld [tilespmem:s3+$0x0]  }
0x14a: {  	v21 =	vld [tilespmem:s3+$0xFFFFFC20]  }
0x14b: {  	v22 =	vld [tilespmem:s3+$0xFFFFFD10]  }
0x14c: {  	v23 =	vld [tilespmem:s3+$0xFFFFFD20]  }
0x14d: {  	v24 =	vld [tilespmem:s3+$0xFFFFFE10]  }
0x14e: {  	v25 =	vld [tilespmem:s3+$0xFFFFFE20]  }
0x14f: {  	v26 =	vld [tilespmem:s3+$0xFFFFFC10]  }
0x150: {  	v27 =	vld [tilespmem:s3+$0xFFFFFC30]  }
0x151: {  	v28 =	vld [tilespmem:s3+$0xFFFFFD30]  }
0x152: {  	v29 =	vld [tilespmem:s3+$0xFFFFFE30]  }
0x153: {  	v30 =	vld [tilespmem:s3+$0xFFFFFC40]  }
0x154: {  	v31 =	vld [tilespmem:s3+$0xFFFFFD40]  }
0x155: {  	v32 =	vld [tilespmem:s3+$0xFFFFFE40]  }
0x156: {  	v33 =	vld [tilespmem:s3+$0xFFFFFC50]  }
0x157: {  	v34 =	vld [tilespmem:s3+$0xFFFFFD50]  }
0x158: {  	v35 =	vld [tilespmem:s3+$0xFFFFFE50]  }
0x159: {  	v36 =	vld [tilespmem:s3+$0xFFFFFC60]  }
0x15a: {  	v37 =	vld [tilespmem:s3+$0xFFFFFD60]  }
0x15b: {  	v38 =	vld [tilespmem:s3+$0xFFFFFE60]  }
0x15c: {  	v39 =	vld [tilespmem:s3+$0xFFFFFC70]  }
0x15d: {  	v40 =	vld [tilespmem:s3+$0xFFFFFD70]  }
0x15e: {  	v52 =	vld [tilespmem:s3+$0xFFFFFCB0];
	v5 =	vmin.f32 v5, v6  }
0x15f: {  	v53 =	vld [tilespmem:s3+$0xFFFFFDB0];
	v5 =	vmin.f32 v5, v7  }
0x160: {  	v54 =	vld [tilespmem:s3+$0xFFFFFEB0];
	v5 =	vmin.f32 v5, v8  }
0x161: {  	v55 =	vld [tilespmem:s3+$0xFFFFFCC0];
	v5 =	vmin.f32 v5, v9  }
0x162: {  	v56 =	vld [tilespmem:s3+$0xFFFFFDC0];
	v5 =	vmin.f32 v5, v10  }
0x163: {  	v58 =	vld [tilespmem:s3+$0xFFFFFEC0];
	v5 =	vmin.f32 v5, v11  }
0x164: {  	v59 =	vld [tilespmem:s3+$0xFFFFFCD0];
	v5 =	vmin.f32 v5, v12  }
0x165: {  	v60 =	vld [tilespmem:s3+$0xFFFFFDD0];
	v5 =	vmin.f32 v5, v13  }
0x166: {  	v61 =	vld [tilespmem:s3+$0xFFFFFED0];
	v5 =	vmin.f32 v5, v14  }
0x167: {  	v6 =	vld [tilespmem:s3+$0xFFFFFE70];
	v5 =	vmin.f32 v5, v15  }
0x168: {  	v7 =	vld [tilespmem:s3+$0xFFFFFC80];
	v5 =	vmin.f32 v5, v16  }
0x169: {  	v8 =	vld [tilespmem:s3+$0xFFFFFD80];
	v5 =	vmin.f32 v5, v17  }
0x16a: {  	v9 =	vld [tilespmem:s3+$0xFFFFFE80];
	v5 =	vmin.f32 v5, v18  }
0x16b: {  	v10 =	vld [tilespmem:s3+$0xFFFFFC90];
	v5 =	vmin.f32 v5, v19  }
0x16c: {  	v11 =	vld [tilespmem:s3+$0xFFFFFD90];
	v20 =	vmin.f32 v5, v20;
	v5 =	vmin.f32 v26, v21  }
0x16d: {  	v22 =	vmin.f32 v22, v23;
	v57 =	vmin.f32 v24, v25;
	v12 =	vld [tilespmem:s3+$0xFFFFFE90];
	v5 =	vmin.f32 v5, v27  }
0x16e: {  	v22 =	vmin.f32 v22, v28;
	v23 =	vmin.f32 v57, v29;
	v13 =	vld [tilespmem:s3+$0xFFFFFCA0];
	v5 =	vmin.f32 v5, v30  }
0x16f: {  	v22 =	vmin.f32 v22, v31;
	v23 =	vmin.f32 v23, v32;
	v14 =	vld [tilespmem:s3+$0xFFFFFDA0];
	v5 =	vmin.f32 v5, v33  }
0x170: {  	v22 =	vmin.f32 v22, v34;
	v23 =	vmin.f32 v23, v35;
	v15 =	vld [tilespmem:s3+$0xFFFFFEA0];
	v5 =	vmin.f32 v5, v36  }
0x171: {  	v62 =	vld [tilespmem:s3+$0xFFFFFCE0];
	v22 =	vmin.f32 v22, v37;
	v23 =	vmin.f32 v23, v38;
	v5 =	vmin.f32 v5, v39  }
0x172: {  	v63 =	vld [tilespmem:s3+$0xFFFFFDE0];
	v22 =	vmin.f32 v22, v40;
	v6 =	vmin.f32 v23, v6;
	v5 =	vmin.f32 v5, v7  }
0x173: {  	v6 =	vmin.f32 v6, v9;
	v9 =	vld [tilespmem:s3+$0xFFFFFEE0];
	v7 =	vmin.f32 v22, v8;
	v5 =	vmin.f32 v5, v10  }
0x174: {  	v6 =	vmin.f32 v6, v12;
	v7 =	vmin.f32 v7, v11;
	v11 =	vld [tilespmem:s3+$0xFFFFFCF0];
	v5 =	vmin.f32 v5, v13  }
0x175: {  	v6 =	vmin.f32 v6, v15;
	v7 =	vmin.f32 v7, v14;
	v8 =	vmin.f32 v5, v52;
	v5 =	vld [tilespmem:s3+$0xFFFFFDF0]  }
0x176: {  	v10 =	vmin.f32 v6, v54;
	v6 =	vld [tilespmem:s3+$0xFFFFFEF0];
	v7 =	vmin.f32 v7, v53;
	v8 =	vmin.f32 v8, v55  }
0x177: {  	v10 =	vmin.f32 v10, v58;
	v12 =	vmin.f32 v7, v56;
	v7 =	vld [tilespmem:s3+$0xFFFFFD00];
	v8 =	vmin.f32 v8, v59  }
0x178: {  	s25 =	simm.s32 $0x18B40;
	v10 =	vmin.f32 v10, v61;
	v12 =	vmin.f32 v12, v60;
	v13 =	vmin.f32 v8, v62;
	v8 =	vld [tilespmem:s3+$0xFFFFFE00]  }
0x179: {  	s26 =	simm.s32 $0x31;
	s23 =	simm.s32 $0x38F0;
	[tilespmem:s25+$0x0] =	vst v20;
	v10 =	vmin.f32 v10, v9;
	v9 =	vld [tilespmem:s3+$0xFFFFFF00];
	v12 =	vmin.f32 v12, v63;
	v11 =	vmin.f32 v13, v11  }
.LBB2_4:
0x17a: {  	v13 =	vld [tilespmem:s23+$0xFFFFFF10];
	v5 =	vmin.f32 v12, v5  }
0x17b: {  	s26 =	sadd.s32 $0x4, s26;
	v12 =	vld [tilespmem:s23+$0xFFFFFF20];
	v6 =	vmin.f32 v10, v6  }
0x17c: {  	p0 =	slt.u32 s26, $0x5D;
	v10 =	vld [tilespmem:s23+$0xFFFFFF30];
	v7 =	vmin.f32 v11, v7  }
0x17d: {  	v11 =	vld [tilespmem:s23+$0xFFFFFF40];
	[tilespmem:s25+$0xFFFFFFD0] =	vst v7;
	v5 =	vmin.f32 v5, v8  }
0x17e: {  	v7 =	vld [tilespmem:s23+$0xFFFFFF50];
	[tilespmem:s25+$0xFFFFFFE0] =	vst v5;
	v5 =	vmin.f32 v6, v9  }
0x17f: {  	v6 =	vld [tilespmem:s23+$0xFFFFFF60];
	[tilespmem:s25+$0xFFFFFFF0] =	vst v5  }
0x180: {  	v5 =	vmin.f32 v13, v12;
	v8 =	vld [tilespmem:s23+$0xFFFFFF70]  }
0x181: {  	v5 =	vmin.f32 v5, v10;
	v9 =	vld [tilespmem:s23+$0xFFFFFF80]  }
0x182: {  	v5 =	vmin.f32 v5, v11;
	v10 =	vld [tilespmem:s23+$0xFFFFFF90]  }
0x183: {  	v5 =	vmin.f32 v5, v7;
	v7 =	vld [tilespmem:s23+$0xFFFFFFA0]  }
0x184: {  	v5 =	vmin.f32 v5, v6;
	v6 =	vld [tilespmem:s23+$0xFFFFFFB0]  }
0x185: {  	v5 =	vmin.f32 v5, v8;
	v8 =	vld [tilespmem:s23+$0xFFFFFFC0]  }
0x186: {  	v5 =	vmin.f32 v5, v9;
	v9 =	vld [tilespmem:s23+$0xFFFFFFD0]  }
0x187: {  	v5 =	vmin.f32 v5, v10;
	v10 =	vld [tilespmem:s23+$0xFFFFFFE0]  }
0x188: {  	v5 =	vmin.f32 v5, v7;
	v7 =	vld [tilespmem:s23+$0xFFFFFFF0]  }
0x189: {  	v5 =	vmin.f32 v5, v6;
	v6 =	vld [tilespmem:s23+$0x0]  }
0x18a: {  	v11 =	vld [tilespmem:s23+$0xFFFFFC20];
	v5 =	vmin.f32 v5, v8  }
0x18b: {  	v8 =	vld [tilespmem:s23+$0xFFFFFD10];
	v5 =	vmin.f32 v5, v9  }
0x18c: {  	v9 =	vld [tilespmem:s23+$0xFFFFFD20];
	v5 =	vmin.f32 v5, v10  }
0x18d: {  	v10 =	vld [tilespmem:s23+$0xFFFFFE10];
	v5 =	vmin.f32 v5, v7  }
0x18e: {  	s25 =	sadd.s32 $0x40, s25;
	v7 =	vld [tilespmem:s23+$0xFFFFFE20];
	v5 =	vmin.f32 v5, v6  }
0x18f: {  	v6 =	vld [tilespmem:s23+$0xFFFFFC10];
	[tilespmem:s25+$0x0] =	vst v5  }
0x190: {  	v5 =	vld [tilespmem:s23+$0xFFFFFC30]  }
0x191: {  	v8 =	vmin.f32 v8, v9;
	v9 =	vld [tilespmem:s23+$0xFFFFFD30]  }
0x192: {  	v12 =	vld [tilespmem:s23+$0xFFFFFE30]  }
0x193: {  	v13 =	vld [tilespmem:s23+$0xFFFFFC40];
	v7 =	vmin.f32 v10, v7  }
0x194: {  	v6 =	vmin.f32 v6, v11;
	v10 =	vld [tilespmem:s23+$0xFFFFFD40]  }
0x195: {  	v5 =	vmin.f32 v6, v5;
	v6 =	vld [tilespmem:s23+$0xFFFFFE40]  }
0x196: {  	v11 =	vld [tilespmem:s23+$0xFFFFFC50];
	v8 =	vmin.f32 v8, v9  }
0x197: {  	v9 =	vld [tilespmem:s23+$0xFFFFFD50];
	v7 =	vmin.f32 v7, v12  }
0x198: {  	v5 =	vmin.f32 v5, v13;
	v12 =	vld [tilespmem:s23+$0xFFFFFE50]  }
0x199: {  	v13 =	vld [tilespmem:s23+$0xFFFFFC60];
	v8 =	vmin.f32 v8, v10  }
0x19a: {  	v10 =	vld [tilespmem:s23+$0xFFFFFD60];
	v6 =	vmin.f32 v7, v6  }
0x19b: {  	v5 =	vmin.f32 v5, v11;
	v7 =	vld [tilespmem:s23+$0xFFFFFE60]  }
0x19c: {  	v11 =	vld [tilespmem:s23+$0xFFFFFC70];
	v8 =	vmin.f32 v8, v9  }
0x19d: {  	v9 =	vld [tilespmem:s23+$0xFFFFFD70];
	v6 =	vmin.f32 v6, v12  }
0x19e: {  	v5 =	vmin.f32 v5, v13;
	v12 =	vld [tilespmem:s23+$0xFFFFFE70]  }
0x19f: {  	v13 =	vld [tilespmem:s23+$0xFFFFFC80];
	v8 =	vmin.f32 v8, v10  }
0x1a0: {  	v10 =	vld [tilespmem:s23+$0xFFFFFD80];
	v6 =	vmin.f32 v6, v7  }
0x1a1: {  	v5 =	vmin.f32 v5, v11;
	v7 =	vld [tilespmem:s23+$0xFFFFFE80]  }
0x1a2: {  	v11 =	vld [tilespmem:s23+$0xFFFFFC90];
	v8 =	vmin.f32 v8, v9  }
0x1a3: {  	v9 =	vld [tilespmem:s23+$0xFFFFFD90];
	v6 =	vmin.f32 v6, v12  }
0x1a4: {  	v5 =	vmin.f32 v5, v13;
	v12 =	vld [tilespmem:s23+$0xFFFFFE90]  }
0x1a5: {  	v13 =	vld [tilespmem:s23+$0xFFFFFCA0];
	v8 =	vmin.f32 v8, v10  }
0x1a6: {  	v10 =	vld [tilespmem:s23+$0xFFFFFDA0];
	v6 =	vmin.f32 v6, v7  }
0x1a7: {  	v5 =	vmin.f32 v5, v11;
	v7 =	vld [tilespmem:s23+$0xFFFFFEA0]  }
0x1a8: {  	v11 =	vld [tilespmem:s23+$0xFFFFFCB0];
	v8 =	vmin.f32 v8, v9  }
0x1a9: {  	v9 =	vld [tilespmem:s23+$0xFFFFFDB0];
	v6 =	vmin.f32 v6, v12  }
0x1aa: {  	v5 =	vmin.f32 v5, v13;
	v12 =	vld [tilespmem:s23+$0xFFFFFEB0]  }
0x1ab: {  	v13 =	vld [tilespmem:s23+$0xFFFFFCC0];
	v8 =	vmin.f32 v8, v10  }
0x1ac: {  	v10 =	vld [tilespmem:s23+$0xFFFFFDC0];
	v6 =	vmin.f32 v6, v7  }
0x1ad: {  	v5 =	vmin.f32 v5, v11;
	v7 =	vld [tilespmem:s23+$0xFFFFFEC0]  }
0x1ae: {  	v11 =	vld [tilespmem:s23+$0xFFFFFCD0];
	v8 =	vmin.f32 v8, v9  }
0x1af: {  	v9 =	vld [tilespmem:s23+$0xFFFFFDD0];
	v6 =	vmin.f32 v6, v12  }
0x1b0: {  	v5 =	vmin.f32 v5, v13;
	v12 =	vld [tilespmem:s23+$0xFFFFFED0]  }
0x1b1: {  	v13 =	vld [tilespmem:s23+$0xFFFFFCE0];
	v8 =	vmin.f32 v8, v10  }
0x1b2: {  	v10 =	vld [tilespmem:s23+$0xFFFFFDE0];
	v6 =	vmin.f32 v6, v7  }
0x1b3: {  	v7 =	vmin.f32 v5, v11;
	v11 =	vld [tilespmem:s23+$0xFFFFFEE0]  }
0x1b4: {  	v14 =	vld [tilespmem:s23+$0xFFFFFCF0];
	v8 =	vmin.f32 v8, v9  }
.Ltmp3:
0x1b5: {  	v5 =	vld [tilespmem:s23+$0xFFFFFDF0];
	v9 =	vmin.f32 v6, v12;
	(pc) =	sbr.rel @p0 .LBB2_4-.Ltmp3, $4  }
0x1b6: {  	v13 =	vmin.f32 v7, v13;
	v6 =	vld [tilespmem:s23+$0xFFFFFEF0]  }
0x1b7: {  	v7 =	vld [tilespmem:s23+$0xFFFFFD00];
	v12 =	vmin.f32 v8, v10  }
0x1b8: {  	v8 =	vld [tilespmem:s23+$0xFFFFFE00];
	v10 =	vmin.f32 v9, v11  }
0x1b9: {  	v11 =	vmin.f32 v13, v14;
	v9 =	vld [tilespmem:s23+$0xFFFFFF00];
	s23 =	sadd.s32 $0x400, s23  }
0x1ba: {  	_ =	sdelay $0x1  }
0x1bb: {  	v5 =	vmin.f32 v12, v5;
	v7 =	vmin.f32 v11, v7  }
0x1bc: {  	v6 =	vmin.f32 v10, v6;
	[tilespmem:s25+$0xFFFFFFD0] =	vst v7;
	v5 =	vmin.f32 v5, v8  }
0x1bd: {  	[tilespmem:s25+$0xFFFFFFE0] =	vst v5;
	v5 =	vmin.f32 v6, v9  }
0x1be: {  	[tilespmem:s25+$0xFFFFFFF0] =	vst v5  }
0x1bf: {  	v5 =	vld [tilespmem:$0x6100]  }
0x1c0: {  	v6 =	vld [tilespmem:$0x6110]  }
0x1c1: {  	v7 =	vld [tilespmem:$0x6120]  }
0x1c2: {  	v8 =	vld [tilespmem:$0x6130]  }
0x1c3: {  	v9 =	vld [tilespmem:$0x6140]  }
0x1c4: {  	v10 =	vld [tilespmem:$0x6150]  }
0x1c5: {  	v5 =	vmin.f32 v5, v6;
	v6 =	vld [tilespmem:$0x6160]  }
0x1c6: {  	v5 =	vmin.f32 v5, v7;
	v7 =	vld [tilespmem:$0x6170]  }
0x1c7: {  	v5 =	vmin.f32 v5, v8;
	v8 =	vld [tilespmem:$0x6180]  }
0x1c8: {  	v5 =	vmin.f32 v5, v9;
	v9 =	vld [tilespmem:$0x6190]  }
0x1c9: {  	v5 =	vmin.f32 v5, v10;
	v10 =	vld [tilespmem:$0x61A0]  }
0x1ca: {  	v5 =	vmin.f32 v5, v6;
	v6 =	vld [tilespmem:$0x61B0]  }
0x1cb: {  	v5 =	vmin.f32 v5, v7;
	v7 =	vld [tilespmem:$0x61C0]  }
0x1cc: {  	v5 =	vmin.f32 v5, v8;
	v8 =	vld [tilespmem:$0x61D0]  }
0x1cd: {  	v5 =	vmin.f32 v5, v9;
	v9 =	vld [tilespmem:$0x61E0]  }
0x1ce: {  	v5 =	vmin.f32 v5, v10;
	v10 =	vld [tilespmem:$0x61F0]  }
0x1cf: {  	v5 =	vmin.f32 v5, v6  }
0x1d0: {  	v5 =	vmin.f32 v5, v7  }
0x1d1: {  	v5 =	vmin.f32 v5, v8  }
0x1d2: {  	v5 =	vmin.f32 v5, v9  }
0x1d3: {  	v5 =	vmin.f32 v5, v10  }
0x1d4: {  	[tilespmem:$0x18E10] =	vst v5  }
0x1d5: {  	_ =	swait.ge [sflag:s30], $0x3100  }
0x1d6: {  	[sflag:s30] =	ssyncset.done $0x0  }
0x1d7: {  	s3 =	simm.s32 $0x65F0;
	[sflag:s30] =	ssyncadd.s32 $0xFFFFCF00  }
0x1d8: {  	v5 =	vld [tilespmem:s3+$0xFFFFFF10]  }
0x1d9: {  	v6 =	vld [tilespmem:s3+$0xFFFFFF20]  }
0x1da: {  	v7 =	vld [tilespmem:s3+$0xFFFFFF30]  }
0x1db: {  	v8 =	vld [tilespmem:s3+$0xFFFFFF40]  }
0x1dc: {  	v9 =	vld [tilespmem:s3+$0xFFFFFF50]  }
0x1dd: {  	v10 =	vld [tilespmem:s3+$0xFFFFFF60]  }
0x1de: {  	v11 =	vld [tilespmem:s3+$0xFFFFFF70]  }
0x1df: {  	v12 =	vld [tilespmem:s3+$0xFFFFFF80]  }
0x1e0: {  	v13 =	vld [tilespmem:s3+$0xFFFFFF90]  }
0x1e1: {  	v14 =	vld [tilespmem:s3+$0xFFFFFFA0]  }
0x1e2: {  	v15 =	vld [tilespmem:s3+$0xFFFFFFB0]  }
0x1e3: {  	v16 =	vld [tilespmem:s3+$0xFFFFFFC0]  }
0x1e4: {  	v17 =	vld [tilespmem:s3+$0xFFFFFFD0]  }
0x1e5: {  	v18 =	vld [tilespmem:s3+$0xFFFFFFE0]  }
0x1e6: {  	v19 =	vld [tilespmem:s3+$0xFFFFFFF0]  }
0x1e7: {  	v20 =	vld [tilespmem:s3+$0x0]  }
0x1e8: {  	v21 =	vld [tilespmem:s3+$0xFFFFFC20]  }
0x1e9: {  	v22 =	vld [tilespmem:s3+$0xFFFFFD10]  }
0x1ea: {  	v23 =	vld [tilespmem:s3+$0xFFFFFD20]  }
0x1eb: {  	v24 =	vld [tilespmem:s3+$0xFFFFFE10]  }
0x1ec: {  	v25 =	vld [tilespmem:s3+$0xFFFFFE20]  }
0x1ed: {  	v26 =	vld [tilespmem:s3+$0xFFFFFC10]  }
0x1ee: {  	v27 =	vld [tilespmem:s3+$0xFFFFFC30]  }
0x1ef: {  	v28 =	vld [tilespmem:s3+$0xFFFFFD30]  }
0x1f0: {  	v29 =	vld [tilespmem:s3+$0xFFFFFE30]  }
0x1f1: {  	v30 =	vld [tilespmem:s3+$0xFFFFFC40]  }
0x1f2: {  	v31 =	vld [tilespmem:s3+$0xFFFFFD40]  }
0x1f3: {  	v32 =	vld [tilespmem:s3+$0xFFFFFE40]  }
0x1f4: {  	v33 =	vld [tilespmem:s3+$0xFFFFFC50]  }
0x1f5: {  	v34 =	vld [tilespmem:s3+$0xFFFFFD50]  }
0x1f6: {  	v35 =	vld [tilespmem:s3+$0xFFFFFE50]  }
0x1f7: {  	v36 =	vld [tilespmem:s3+$0xFFFFFC60]  }
0x1f8: {  	v37 =	vld [tilespmem:s3+$0xFFFFFD60]  }
0x1f9: {  	v38 =	vld [tilespmem:s3+$0xFFFFFE60]  }
0x1fa: {  	v39 =	vld [tilespmem:s3+$0xFFFFFC70]  }
0x1fb: {  	v40 =	vld [tilespmem:s3+$0xFFFFFD70]  }
0x1fc: {  	v52 =	vld [tilespmem:s3+$0xFFFFFCB0];
	v5 =	vmin.f32 v5, v6  }
0x1fd: {  	v53 =	vld [tilespmem:s3+$0xFFFFFDB0];
	v5 =	vmin.f32 v5, v7  }
0x1fe: {  	v54 =	vld [tilespmem:s3+$0xFFFFFEB0];
	v5 =	vmin.f32 v5, v8  }
0x1ff: {  	v55 =	vld [tilespmem:s3+$0xFFFFFCC0];
	v5 =	vmin.f32 v5, v9  }
0x200: {  	v56 =	vld [tilespmem:s3+$0xFFFFFDC0];
	v5 =	vmin.f32 v5, v10  }
0x201: {  	v58 =	vld [tilespmem:s3+$0xFFFFFEC0];
	v5 =	vmin.f32 v5, v11  }
0x202: {  	v59 =	vld [tilespmem:s3+$0xFFFFFCD0];
	v5 =	vmin.f32 v5, v12  }
0x203: {  	v60 =	vld [tilespmem:s3+$0xFFFFFDD0];
	v5 =	vmin.f32 v5, v13  }
0x204: {  	v61 =	vld [tilespmem:s3+$0xFFFFFED0];
	v5 =	vmin.f32 v5, v14  }
0x205: {  	v6 =	vld [tilespmem:s3+$0xFFFFFE70];
	v5 =	vmin.f32 v5, v15  }
0x206: {  	v7 =	vld [tilespmem:s3+$0xFFFFFC80];
	v5 =	vmin.f32 v5, v16  }
0x207: {  	v8 =	vld [tilespmem:s3+$0xFFFFFD80];
	v5 =	vmin.f32 v5, v17  }
0x208: {  	v9 =	vld [tilespmem:s3+$0xFFFFFE80];
	v5 =	vmin.f32 v5, v18  }
0x209: {  	v10 =	vld [tilespmem:s3+$0xFFFFFC90];
	v5 =	vmin.f32 v5, v19  }
0x20a: {  	v11 =	vld [tilespmem:s3+$0xFFFFFD90];
	v20 =	vmin.f32 v5, v20;
	v5 =	vmin.f32 v26, v21  }
0x20b: {  	v22 =	vmin.f32 v22, v23;
	v57 =	vmin.f32 v24, v25;
	v12 =	vld [tilespmem:s3+$0xFFFFFE90];
	v5 =	vmin.f32 v5, v27  }
0x20c: {  	v22 =	vmin.f32 v22, v28;
	v23 =	vmin.f32 v57, v29;
	v13 =	vld [tilespmem:s3+$0xFFFFFCA0];
	v5 =	vmin.f32 v5, v30  }
0x20d: {  	v22 =	vmin.f32 v22, v31;
	v23 =	vmin.f32 v23, v32;
	v14 =	vld [tilespmem:s3+$0xFFFFFDA0];
	v5 =	vmin.f32 v5, v33  }
0x20e: {  	v22 =	vmin.f32 v22, v34;
	v23 =	vmin.f32 v23, v35;
	v15 =	vld [tilespmem:s3+$0xFFFFFEA0];
	v5 =	vmin.f32 v5, v36  }
0x20f: {  	v62 =	vld [tilespmem:s3+$0xFFFFFCE0];
	v22 =	vmin.f32 v22, v37;
	v23 =	vmin.f32 v23, v38;
	v5 =	vmin.f32 v5, v39  }
0x210: {  	v63 =	vld [tilespmem:s3+$0xFFFFFDE0];
	v22 =	vmin.f32 v22, v40;
	v6 =	vmin.f32 v23, v6;
	v5 =	vmin.f32 v5, v7  }
0x211: {  	v6 =	vmin.f32 v6, v9;
	v9 =	vld [tilespmem:s3+$0xFFFFFEE0];
	v7 =	vmin.f32 v22, v8;
	v5 =	vmin.f32 v5, v10  }
0x212: {  	v6 =	vmin.f32 v6, v12;
	v7 =	vmin.f32 v7, v11;
	v11 =	vld [tilespmem:s3+$0xFFFFFCF0];
	v5 =	vmin.f32 v5, v13  }
0x213: {  	v6 =	vmin.f32 v6, v15;
	v7 =	vmin.f32 v7, v14;
	v8 =	vmin.f32 v5, v52;
	v5 =	vld [tilespmem:s3+$0xFFFFFDF0]  }
0x214: {  	v10 =	vmin.f32 v6, v54;
	v6 =	vld [tilespmem:s3+$0xFFFFFEF0];
	v7 =	vmin.f32 v7, v53;
	v8 =	vmin.f32 v8, v55  }
0x215: {  	v10 =	vmin.f32 v10, v58;
	v12 =	vmin.f32 v7, v56;
	v7 =	vld [tilespmem:s3+$0xFFFFFD00];
	v8 =	vmin.f32 v8, v59  }
0x216: {  	s25 =	simm.s32 $0x18E50;
	v10 =	vmin.f32 v10, v61;
	v12 =	vmin.f32 v12, v60;
	v13 =	vmin.f32 v8, v62;
	v8 =	vld [tilespmem:s3+$0xFFFFFE00]  }
0x217: {  	s26 =	simm.s32 $0x62;
	s23 =	simm.s32 $0x69F0;
	[tilespmem:s25+$0x0] =	vst v20;
	v10 =	vmin.f32 v10, v9;
	v9 =	vld [tilespmem:s3+$0xFFFFFF00];
	v12 =	vmin.f32 v12, v63;
	v11 =	vmin.f32 v13, v11  }
.LBB2_6:
0x218: {  	v13 =	vld [tilespmem:s23+$0xFFFFFF10];
	v5 =	vmin.f32 v12, v5  }
0x219: {  	s26 =	sadd.s32 $0x4, s26;
	v12 =	vld [tilespmem:s23+$0xFFFFFF20];
	v6 =	vmin.f32 v10, v6  }
0x21a: {  	p0 =	slt.u32 s26, $0x8E;
	v10 =	vld [tilespmem:s23+$0xFFFFFF30];
	v7 =	vmin.f32 v11, v7  }
0x21b: {  	v11 =	vld [tilespmem:s23+$0xFFFFFF40];
	[tilespmem:s25+$0xFFFFFFD0] =	vst v7;
	v5 =	vmin.f32 v5, v8  }
0x21c: {  	v7 =	vld [tilespmem:s23+$0xFFFFFF50];
	[tilespmem:s25+$0xFFFFFFE0] =	vst v5;
	v5 =	vmin.f32 v6, v9  }
0x21d: {  	v6 =	vld [tilespmem:s23+$0xFFFFFF60];
	[tilespmem:s25+$0xFFFFFFF0] =	vst v5  }
0x21e: {  	v5 =	vmin.f32 v13, v12;
	v8 =	vld [tilespmem:s23+$0xFFFFFF70]  }
0x21f: {  	v5 =	vmin.f32 v5, v10;
	v9 =	vld [tilespmem:s23+$0xFFFFFF80]  }
0x220: {  	v5 =	vmin.f32 v5, v11;
	v10 =	vld [tilespmem:s23+$0xFFFFFF90]  }
0x221: {  	v5 =	vmin.f32 v5, v7;
	v7 =	vld [tilespmem:s23+$0xFFFFFFA0]  }
0x222: {  	v5 =	vmin.f32 v5, v6;
	v6 =	vld [tilespmem:s23+$0xFFFFFFB0]  }
0x223: {  	v5 =	vmin.f32 v5, v8;
	v8 =	vld [tilespmem:s23+$0xFFFFFFC0]  }
0x224: {  	v5 =	vmin.f32 v5, v9;
	v9 =	vld [tilespmem:s23+$0xFFFFFFD0]  }
0x225: {  	v5 =	vmin.f32 v5, v10;
	v10 =	vld [tilespmem:s23+$0xFFFFFFE0]  }
0x226: {  	v5 =	vmin.f32 v5, v7;
	v7 =	vld [tilespmem:s23+$0xFFFFFFF0]  }
0x227: {  	v5 =	vmin.f32 v5, v6;
	v6 =	vld [tilespmem:s23+$0x0]  }
0x228: {  	v11 =	vld [tilespmem:s23+$0xFFFFFC20];
	v5 =	vmin.f32 v5, v8  }
0x229: {  	v8 =	vld [tilespmem:s23+$0xFFFFFD10];
	v5 =	vmin.f32 v5, v9  }
0x22a: {  	v9 =	vld [tilespmem:s23+$0xFFFFFD20];
	v5 =	vmin.f32 v5, v10  }
0x22b: {  	v10 =	vld [tilespmem:s23+$0xFFFFFE10];
	v5 =	vmin.f32 v5, v7  }
0x22c: {  	s25 =	sadd.s32 $0x40, s25;
	v7 =	vld [tilespmem:s23+$0xFFFFFE20];
	v5 =	vmin.f32 v5, v6  }
0x22d: {  	v6 =	vld [tilespmem:s23+$0xFFFFFC10];
	[tilespmem:s25+$0x0] =	vst v5  }
0x22e: {  	v5 =	vld [tilespmem:s23+$0xFFFFFC30]  }
0x22f: {  	v8 =	vmin.f32 v8, v9;
	v9 =	vld [tilespmem:s23+$0xFFFFFD30]  }
0x230: {  	v12 =	vld [tilespmem:s23+$0xFFFFFE30]  }
0x231: {  	v13 =	vld [tilespmem:s23+$0xFFFFFC40];
	v7 =	vmin.f32 v10, v7  }
0x232: {  	v6 =	vmin.f32 v6, v11;
	v10 =	vld [tilespmem:s23+$0xFFFFFD40]  }
0x233: {  	v5 =	vmin.f32 v6, v5;
	v6 =	vld [tilespmem:s23+$0xFFFFFE40]  }
0x234: {  	v11 =	vld [tilespmem:s23+$0xFFFFFC50];
	v8 =	vmin.f32 v8, v9  }
0x235: {  	v9 =	vld [tilespmem:s23+$0xFFFFFD50];
	v7 =	vmin.f32 v7, v12  }
0x236: {  	v5 =	vmin.f32 v5, v13;
	v12 =	vld [tilespmem:s23+$0xFFFFFE50]  }
0x237: {  	v13 =	vld [tilespmem:s23+$0xFFFFFC60];
	v8 =	vmin.f32 v8, v10  }
0x238: {  	v10 =	vld [tilespmem:s23+$0xFFFFFD60];
	v6 =	vmin.f32 v7, v6  }
0x239: {  	v5 =	vmin.f32 v5, v11;
	v7 =	vld [tilespmem:s23+$0xFFFFFE60]  }
0x23a: {  	v11 =	vld [tilespmem:s23+$0xFFFFFC70];
	v8 =	vmin.f32 v8, v9  }
0x23b: {  	v9 =	vld [tilespmem:s23+$0xFFFFFD70];
	v6 =	vmin.f32 v6, v12  }
0x23c: {  	v5 =	vmin.f32 v5, v13;
	v12 =	vld [tilespmem:s23+$0xFFFFFE70]  }
0x23d: {  	v13 =	vld [tilespmem:s23+$0xFFFFFC80];
	v8 =	vmin.f32 v8, v10  }
0x23e: {  	v10 =	vld [tilespmem:s23+$0xFFFFFD80];
	v6 =	vmin.f32 v6, v7  }
0x23f: {  	v5 =	vmin.f32 v5, v11;
	v7 =	vld [tilespmem:s23+$0xFFFFFE80]  }
0x240: {  	v11 =	vld [tilespmem:s23+$0xFFFFFC90];
	v8 =	vmin.f32 v8, v9  }
0x241: {  	v9 =	vld [tilespmem:s23+$0xFFFFFD90];
	v6 =	vmin.f32 v6, v12  }
0x242: {  	v5 =	vmin.f32 v5, v13;
	v12 =	vld [tilespmem:s23+$0xFFFFFE90]  }
0x243: {  	v13 =	vld [tilespmem:s23+$0xFFFFFCA0];
	v8 =	vmin.f32 v8, v10  }
0x244: {  	v10 =	vld [tilespmem:s23+$0xFFFFFDA0];
	v6 =	vmin.f32 v6, v7  }
0x245: {  	v5 =	vmin.f32 v5, v11;
	v7 =	vld [tilespmem:s23+$0xFFFFFEA0]  }
0x246: {  	v11 =	vld [tilespmem:s23+$0xFFFFFCB0];
	v8 =	vmin.f32 v8, v9  }
0x247: {  	v9 =	vld [tilespmem:s23+$0xFFFFFDB0];
	v6 =	vmin.f32 v6, v12  }
0x248: {  	v5 =	vmin.f32 v5, v13;
	v12 =	vld [tilespmem:s23+$0xFFFFFEB0]  }
0x249: {  	v13 =	vld [tilespmem:s23+$0xFFFFFCC0];
	v8 =	vmin.f32 v8, v10  }
0x24a: {  	v10 =	vld [tilespmem:s23+$0xFFFFFDC0];
	v6 =	vmin.f32 v6, v7  }
0x24b: {  	v5 =	vmin.f32 v5, v11;
	v7 =	vld [tilespmem:s23+$0xFFFFFEC0]  }
0x24c: {  	v11 =	vld [tilespmem:s23+$0xFFFFFCD0];
	v8 =	vmin.f32 v8, v9  }
0x24d: {  	v9 =	vld [tilespmem:s23+$0xFFFFFDD0];
	v6 =	vmin.f32 v6, v12  }
0x24e: {  	v5 =	vmin.f32 v5, v13;
	v12 =	vld [tilespmem:s23+$0xFFFFFED0]  }
0x24f: {  	v13 =	vld [tilespmem:s23+$0xFFFFFCE0];
	v8 =	vmin.f32 v8, v10  }
0x250: {  	v10 =	vld [tilespmem:s23+$0xFFFFFDE0];
	v6 =	vmin.f32 v6, v7  }
0x251: {  	v7 =	vmin.f32 v5, v11;
	v11 =	vld [tilespmem:s23+$0xFFFFFEE0]  }
0x252: {  	v14 =	vld [tilespmem:s23+$0xFFFFFCF0];
	v8 =	vmin.f32 v8, v9  }
.Ltmp4:
0x253: {  	v5 =	vld [tilespmem:s23+$0xFFFFFDF0];
	v9 =	vmin.f32 v6, v12;
	(pc) =	sbr.rel @p0 .LBB2_6-.Ltmp4, $4  }
0x254: {  	v13 =	vmin.f32 v7, v13;
	v6 =	vld [tilespmem:s23+$0xFFFFFEF0]  }
0x255: {  	v7 =	vld [tilespmem:s23+$0xFFFFFD00];
	v12 =	vmin.f32 v8, v10  }
0x256: {  	v8 =	vld [tilespmem:s23+$0xFFFFFE00];
	v10 =	vmin.f32 v9, v11  }
0x257: {  	v11 =	vmin.f32 v13, v14;
	v9 =	vld [tilespmem:s23+$0xFFFFFF00];
	s23 =	sadd.s32 $0x400, s23  }
0x258: {  	_ =	sdelay $0x1  }
0x259: {  	v5 =	vmin.f32 v12, v5;
	v7 =	vmin.f32 v11, v7  }
0x25a: {  	v6 =	vmin.f32 v10, v6;
	[tilespmem:s25+$0xFFFFFFD0] =	vst v7;
	v5 =	vmin.f32 v5, v8  }
0x25b: {  	[tilespmem:s25+$0xFFFFFFE0] =	vst v5;
	v5 =	vmin.f32 v6, v9  }
0x25c: {  	[tilespmem:s25+$0xFFFFFFF0] =	vst v5  }
0x25d: {  	v5 =	vld [tilespmem:$0x9200]  }
0x25e: {  	v6 =	vld [tilespmem:$0x9210]  }
0x25f: {  	v7 =	vld [tilespmem:$0x9220]  }
0x260: {  	v8 =	vld [tilespmem:$0x9230]  }
0x261: {  	v9 =	vld [tilespmem:$0x9240]  }
0x262: {  	v10 =	vld [tilespmem:$0x9250]  }
0x263: {  	v5 =	vmin.f32 v5, v6;
	v6 =	vld [tilespmem:$0x9260]  }
0x264: {  	v5 =	vmin.f32 v5, v7;
	v7 =	vld [tilespmem:$0x9270]  }
0x265: {  	v5 =	vmin.f32 v5, v8;
	v8 =	vld [tilespmem:$0x9280]  }
0x266: {  	v5 =	vmin.f32 v5, v9;
	v9 =	vld [tilespmem:$0x9290]  }
0x267: {  	v5 =	vmin.f32 v5, v10;
	v10 =	vld [tilespmem:$0x92A0]  }
0x268: {  	v5 =	vmin.f32 v5, v6;
	v6 =	vld [tilespmem:$0x92B0]  }
0x269: {  	v5 =	vmin.f32 v5, v7;
	v7 =	vld [tilespmem:$0x92C0]  }
0x26a: {  	v5 =	vmin.f32 v5, v8;
	v8 =	vld [tilespmem:$0x92D0]  }
0x26b: {  	v5 =	vmin.f32 v5, v9;
	v9 =	vld [tilespmem:$0x92E0]  }
0x26c: {  	v5 =	vmin.f32 v5, v10;
	v10 =	vld [tilespmem:$0x92F0]  }
0x26d: {  	v5 =	vmin.f32 v5, v6  }
0x26e: {  	v5 =	vmin.f32 v5, v7  }
0x26f: {  	v5 =	vmin.f32 v5, v8  }
0x270: {  	v5 =	vmin.f32 v5, v9  }
0x271: {  	v5 =	vmin.f32 v5, v10  }
0x272: {  	[tilespmem:$0x19120] =	vst v5  }
0x273: {  	_ =	swait.ge [sflag:s31], $0x3100  }
0x274: {  	[sflag:s31] =	ssyncset.done $0x0  }
0x275: {  	s3 =	simm.s32 $0x96F0;
	[sflag:s31] =	ssyncadd.s32 $0xFFFFCF00  }
0x276: {  	v5 =	vld [tilespmem:s3+$0xFFFFFF10]  }
0x277: {  	v6 =	vld [tilespmem:s3+$0xFFFFFF20]  }
0x278: {  	v7 =	vld [tilespmem:s3+$0xFFFFFF30]  }
0x279: {  	v8 =	vld [tilespmem:s3+$0xFFFFFF40]  }
0x27a: {  	v9 =	vld [tilespmem:s3+$0xFFFFFF50]  }
0x27b: {  	v10 =	vld [tilespmem:s3+$0xFFFFFF60]  }
0x27c: {  	v11 =	vld [tilespmem:s3+$0xFFFFFF70]  }
0x27d: {  	v12 =	vld [tilespmem:s3+$0xFFFFFF80]  }
0x27e: {  	v13 =	vld [tilespmem:s3+$0xFFFFFF90]  }
0x27f: {  	v14 =	vld [tilespmem:s3+$0xFFFFFFA0]  }
0x280: {  	v15 =	vld [tilespmem:s3+$0xFFFFFFB0]  }
0x281: {  	v16 =	vld [tilespmem:s3+$0xFFFFFFC0]  }
0x282: {  	v17 =	vld [tilespmem:s3+$0xFFFFFFD0]  }
0x283: {  	v18 =	vld [tilespmem:s3+$0xFFFFFFE0]  }
0x284: {  	v19 =	vld [tilespmem:s3+$0xFFFFFFF0]  }
0x285: {  	v20 =	vld [tilespmem:s3+$0x0]  }
0x286: {  	v21 =	vld [tilespmem:s3+$0xFFFFFC20]  }
0x287: {  	v22 =	vld [tilespmem:s3+$0xFFFFFD10]  }
0x288: {  	v23 =	vld [tilespmem:s3+$0xFFFFFD20]  }
0x289: {  	v24 =	vld [tilespmem:s3+$0xFFFFFE10]  }
0x28a: {  	v25 =	vld [tilespmem:s3+$0xFFFFFE20]  }
0x28b: {  	v26 =	vld [tilespmem:s3+$0xFFFFFC10]  }
0x28c: {  	v27 =	vld [tilespmem:s3+$0xFFFFFC30]  }
0x28d: {  	v28 =	vld [tilespmem:s3+$0xFFFFFD30]  }
0x28e: {  	v29 =	vld [tilespmem:s3+$0xFFFFFE30]  }
0x28f: {  	v30 =	vld [tilespmem:s3+$0xFFFFFC40]  }
0x290: {  	v31 =	vld [tilespmem:s3+$0xFFFFFD40]  }
0x291: {  	v32 =	vld [tilespmem:s3+$0xFFFFFE40]  }
0x292: {  	v33 =	vld [tilespmem:s3+$0xFFFFFC50]  }
0x293: {  	v34 =	vld [tilespmem:s3+$0xFFFFFD50]  }
0x294: {  	v35 =	vld [tilespmem:s3+$0xFFFFFE50]  }
0x295: {  	v36 =	vld [tilespmem:s3+$0xFFFFFC60]  }
0x296: {  	v37 =	vld [tilespmem:s3+$0xFFFFFD60]  }
0x297: {  	v38 =	vld [tilespmem:s3+$0xFFFFFE60]  }
0x298: {  	v39 =	vld [tilespmem:s3+$0xFFFFFC70]  }
0x299: {  	v40 =	vld [tilespmem:s3+$0xFFFFFD70]  }
0x29a: {  	v52 =	vld [tilespmem:s3+$0xFFFFFCB0];
	v5 =	vmin.f32 v5, v6  }
0x29b: {  	v53 =	vld [tilespmem:s3+$0xFFFFFDB0];
	v5 =	vmin.f32 v5, v7  }
0x29c: {  	v54 =	vld [tilespmem:s3+$0xFFFFFEB0];
	v5 =	vmin.f32 v5, v8  }
0x29d: {  	v55 =	vld [tilespmem:s3+$0xFFFFFCC0];
	v5 =	vmin.f32 v5, v9  }
0x29e: {  	v56 =	vld [tilespmem:s3+$0xFFFFFDC0];
	v5 =	vmin.f32 v5, v10  }
0x29f: {  	v58 =	vld [tilespmem:s3+$0xFFFFFEC0];
	v5 =	vmin.f32 v5, v11  }
0x2a0: {  	v59 =	vld [tilespmem:s3+$0xFFFFFCD0];
	v5 =	vmin.f32 v5, v12  }
0x2a1: {  	v60 =	vld [tilespmem:s3+$0xFFFFFDD0];
	v5 =	vmin.f32 v5, v13  }
0x2a2: {  	v61 =	vld [tilespmem:s3+$0xFFFFFED0];
	v5 =	vmin.f32 v5, v14  }
0x2a3: {  	v6 =	vld [tilespmem:s3+$0xFFFFFE70];
	v5 =	vmin.f32 v5, v15  }
0x2a4: {  	v7 =	vld [tilespmem:s3+$0xFFFFFC80];
	v5 =	vmin.f32 v5, v16  }
0x2a5: {  	v8 =	vld [tilespmem:s3+$0xFFFFFD80];
	v5 =	vmin.f32 v5, v17  }
0x2a6: {  	v9 =	vld [tilespmem:s3+$0xFFFFFE80];
	v5 =	vmin.f32 v5, v18  }
0x2a7: {  	v10 =	vld [tilespmem:s3+$0xFFFFFC90];
	v5 =	vmin.f32 v5, v19  }
0x2a8: {  	v11 =	vld [tilespmem:s3+$0xFFFFFD90];
	v20 =	vmin.f32 v5, v20;
	v5 =	vmin.f32 v26, v21  }
0x2a9: {  	v22 =	vmin.f32 v22, v23;
	v57 =	vmin.f32 v24, v25;
	v12 =	vld [tilespmem:s3+$0xFFFFFE90];
	v5 =	vmin.f32 v5, v27  }
0x2aa: {  	v22 =	vmin.f32 v22, v28;
	v23 =	vmin.f32 v57, v29;
	v13 =	vld [tilespmem:s3+$0xFFFFFCA0];
	v5 =	vmin.f32 v5, v30  }
0x2ab: {  	v22 =	vmin.f32 v22, v31;
	v23 =	vmin.f32 v23, v32;
	v14 =	vld [tilespmem:s3+$0xFFFFFDA0];
	v5 =	vmin.f32 v5, v33  }
0x2ac: {  	v22 =	vmin.f32 v22, v34;
	v23 =	vmin.f32 v23, v35;
	v15 =	vld [tilespmem:s3+$0xFFFFFEA0];
	v5 =	vmin.f32 v5, v36  }
0x2ad: {  	v62 =	vld [tilespmem:s3+$0xFFFFFCE0];
	v22 =	vmin.f32 v22, v37;
	v23 =	vmin.f32 v23, v38;
	v5 =	vmin.f32 v5, v39  }
0x2ae: {  	v63 =	vld [tilespmem:s3+$0xFFFFFDE0];
	v22 =	vmin.f32 v22, v40;
	v6 =	vmin.f32 v23, v6;
	v5 =	vmin.f32 v5, v7  }
0x2af: {  	v6 =	vmin.f32 v6, v9;
	v9 =	vld [tilespmem:s3+$0xFFFFFEE0];
	v7 =	vmin.f32 v22, v8;
	v5 =	vmin.f32 v5, v10  }
0x2b0: {  	v6 =	vmin.f32 v6, v12;
	v7 =	vmin.f32 v7, v11;
	v11 =	vld [tilespmem:s3+$0xFFFFFCF0];
	v5 =	vmin.f32 v5, v13  }
0x2b1: {  	v6 =	vmin.f32 v6, v15;
	v7 =	vmin.f32 v7, v14;
	v8 =	vmin.f32 v5, v52;
	v5 =	vld [tilespmem:s3+$0xFFFFFDF0]  }
0x2b2: {  	v10 =	vmin.f32 v6, v54;
	v6 =	vld [tilespmem:s3+$0xFFFFFEF0];
	v7 =	vmin.f32 v7, v53;
	v8 =	vmin.f32 v8, v55  }
0x2b3: {  	v10 =	vmin.f32 v10, v58;
	v12 =	vmin.f32 v7, v56;
	v7 =	vld [tilespmem:s3+$0xFFFFFD00];
	v8 =	vmin.f32 v8, v59  }
0x2b4: {  	s25 =	simm.s32 $0x19160;
	v10 =	vmin.f32 v10, v61;
	v12 =	vmin.f32 v12, v60;
	v13 =	vmin.f32 v8, v62;
	v8 =	vld [tilespmem:s3+$0xFFFFFE00]  }
0x2b5: {  	s26 =	simm.s32 $0x93;
	s23 =	simm.s32 $0x9AF0;
	[tilespmem:s25+$0x0] =	vst v20;
	v10 =	vmin.f32 v10, v9;
	v9 =	vld [tilespmem:s3+$0xFFFFFF00];
	v12 =	vmin.f32 v12, v63;
	v11 =	vmin.f32 v13, v11  }
.LBB2_8:
0x2b6: {  	v13 =	vld [tilespmem:s23+$0xFFFFFF10];
	v5 =	vmin.f32 v12, v5  }
0x2b7: {  	s26 =	sadd.s32 $0x4, s26;
	v12 =	vld [tilespmem:s23+$0xFFFFFF20];
	v6 =	vmin.f32 v10, v6  }
0x2b8: {  	p0 =	slt.u32 s26, $0xBF;
	v10 =	vld [tilespmem:s23+$0xFFFFFF30];
	v7 =	vmin.f32 v11, v7  }
0x2b9: {  	v11 =	vld [tilespmem:s23+$0xFFFFFF40];
	[tilespmem:s25+$0xFFFFFFD0] =	vst v7;
	v5 =	vmin.f32 v5, v8  }
0x2ba: {  	v7 =	vld [tilespmem:s23+$0xFFFFFF50];
	[tilespmem:s25+$0xFFFFFFE0] =	vst v5;
	v5 =	vmin.f32 v6, v9  }
0x2bb: {  	v6 =	vld [tilespmem:s23+$0xFFFFFF60];
	[tilespmem:s25+$0xFFFFFFF0] =	vst v5  }
0x2bc: {  	v5 =	vmin.f32 v13, v12;
	v8 =	vld [tilespmem:s23+$0xFFFFFF70]  }
0x2bd: {  	v5 =	vmin.f32 v5, v10;
	v9 =	vld [tilespmem:s23+$0xFFFFFF80]  }
0x2be: {  	v5 =	vmin.f32 v5, v11;
	v10 =	vld [tilespmem:s23+$0xFFFFFF90]  }
0x2bf: {  	v5 =	vmin.f32 v5, v7;
	v7 =	vld [tilespmem:s23+$0xFFFFFFA0]  }
0x2c0: {  	v5 =	vmin.f32 v5, v6;
	v6 =	vld [tilespmem:s23+$0xFFFFFFB0]  }
0x2c1: {  	v5 =	vmin.f32 v5, v8;
	v8 =	vld [tilespmem:s23+$0xFFFFFFC0]  }
0x2c2: {  	v5 =	vmin.f32 v5, v9;
	v9 =	vld [tilespmem:s23+$0xFFFFFFD0]  }
0x2c3: {  	v5 =	vmin.f32 v5, v10;
	v10 =	vld [tilespmem:s23+$0xFFFFFFE0]  }
0x2c4: {  	v5 =	vmin.f32 v5, v7;
	v7 =	vld [tilespmem:s23+$0xFFFFFFF0]  }
0x2c5: {  	v5 =	vmin.f32 v5, v6;
	v6 =	vld [tilespmem:s23+$0x0]  }
0x2c6: {  	v11 =	vld [tilespmem:s23+$0xFFFFFC20];
	v5 =	vmin.f32 v5, v8  }
0x2c7: {  	v8 =	vld [tilespmem:s23+$0xFFFFFD10];
	v5 =	vmin.f32 v5, v9  }
0x2c8: {  	v9 =	vld [tilespmem:s23+$0xFFFFFD20];
	v5 =	vmin.f32 v5, v10  }
0x2c9: {  	v10 =	vld [tilespmem:s23+$0xFFFFFE10];
	v5 =	vmin.f32 v5, v7  }
0x2ca: {  	s25 =	sadd.s32 $0x40, s25;
	v7 =	vld [tilespmem:s23+$0xFFFFFE20];
	v5 =	vmin.f32 v5, v6  }
0x2cb: {  	v6 =	vld [tilespmem:s23+$0xFFFFFC10];
	[tilespmem:s25+$0x0] =	vst v5  }
0x2cc: {  	v5 =	vld [tilespmem:s23+$0xFFFFFC30]  }
0x2cd: {  	v8 =	vmin.f32 v8, v9;
	v9 =	vld [tilespmem:s23+$0xFFFFFD30]  }
0x2ce: {  	v12 =	vld [tilespmem:s23+$0xFFFFFE30]  }
0x2cf: {  	v13 =	vld [tilespmem:s23+$0xFFFFFC40];
	v7 =	vmin.f32 v10, v7  }
0x2d0: {  	v6 =	vmin.f32 v6, v11;
	v10 =	vld [tilespmem:s23+$0xFFFFFD40]  }
0x2d1: {  	v5 =	vmin.f32 v6, v5;
	v6 =	vld [tilespmem:s23+$0xFFFFFE40]  }
0x2d2: {  	v11 =	vld [tilespmem:s23+$0xFFFFFC50];
	v8 =	vmin.f32 v8, v9  }
0x2d3: {  	v9 =	vld [tilespmem:s23+$0xFFFFFD50];
	v7 =	vmin.f32 v7, v12  }
0x2d4: {  	v5 =	vmin.f32 v5, v13;
	v12 =	vld [tilespmem:s23+$0xFFFFFE50]  }
0x2d5: {  	v13 =	vld [tilespmem:s23+$0xFFFFFC60];
	v8 =	vmin.f32 v8, v10  }
0x2d6: {  	v10 =	vld [tilespmem:s23+$0xFFFFFD60];
	v6 =	vmin.f32 v7, v6  }
0x2d7: {  	v5 =	vmin.f32 v5, v11;
	v7 =	vld [tilespmem:s23+$0xFFFFFE60]  }
0x2d8: {  	v11 =	vld [tilespmem:s23+$0xFFFFFC70];
	v8 =	vmin.f32 v8, v9  }
0x2d9: {  	v9 =	vld [tilespmem:s23+$0xFFFFFD70];
	v6 =	vmin.f32 v6, v12  }
0x2da: {  	v5 =	vmin.f32 v5, v13;
	v12 =	vld [tilespmem:s23+$0xFFFFFE70]  }
0x2db: {  	v13 =	vld [tilespmem:s23+$0xFFFFFC80];
	v8 =	vmin.f32 v8, v10  }
0x2dc: {  	v10 =	vld [tilespmem:s23+$0xFFFFFD80];
	v6 =	vmin.f32 v6, v7  }
0x2dd: {  	v5 =	vmin.f32 v5, v11;
	v7 =	vld [tilespmem:s23+$0xFFFFFE80]  }
0x2de: {  	v11 =	vld [tilespmem:s23+$0xFFFFFC90];
	v8 =	vmin.f32 v8, v9  }
0x2df: {  	v9 =	vld [tilespmem:s23+$0xFFFFFD90];
	v6 =	vmin.f32 v6, v12  }
0x2e0: {  	v5 =	vmin.f32 v5, v13;
	v12 =	vld [tilespmem:s23+$0xFFFFFE90]  }
0x2e1: {  	v13 =	vld [tilespmem:s23+$0xFFFFFCA0];
	v8 =	vmin.f32 v8, v10  }
0x2e2: {  	v10 =	vld [tilespmem:s23+$0xFFFFFDA0];
	v6 =	vmin.f32 v6, v7  }
0x2e3: {  	v5 =	vmin.f32 v5, v11;
	v7 =	vld [tilespmem:s23+$0xFFFFFEA0]  }
0x2e4: {  	v11 =	vld [tilespmem:s23+$0xFFFFFCB0];
	v8 =	vmin.f32 v8, v9  }
0x2e5: {  	v9 =	vld [tilespmem:s23+$0xFFFFFDB0];
	v6 =	vmin.f32 v6, v12  }
0x2e6: {  	v5 =	vmin.f32 v5, v13;
	v12 =	vld [tilespmem:s23+$0xFFFFFEB0]  }
0x2e7: {  	v13 =	vld [tilespmem:s23+$0xFFFFFCC0];
	v8 =	vmin.f32 v8, v10  }
0x2e8: {  	v10 =	vld [tilespmem:s23+$0xFFFFFDC0];
	v6 =	vmin.f32 v6, v7  }
0x2e9: {  	v5 =	vmin.f32 v5, v11;
	v7 =	vld [tilespmem:s23+$0xFFFFFEC0]  }
0x2ea: {  	v11 =	vld [tilespmem:s23+$0xFFFFFCD0];
	v8 =	vmin.f32 v8, v9  }
0x2eb: {  	v9 =	vld [tilespmem:s23+$0xFFFFFDD0];
	v6 =	vmin.f32 v6, v12  }
0x2ec: {  	v5 =	vmin.f32 v5, v13;
	v12 =	vld [tilespmem:s23+$0xFFFFFED0]  }
0x2ed: {  	v13 =	vld [tilespmem:s23+$0xFFFFFCE0];
	v8 =	vmin.f32 v8, v10  }
0x2ee: {  	v10 =	vld [tilespmem:s23+$0xFFFFFDE0];
	v6 =	vmin.f32 v6, v7  }
0x2ef: {  	v7 =	vmin.f32 v5, v11;
	v11 =	vld [tilespmem:s23+$0xFFFFFEE0]  }
0x2f0: {  	v14 =	vld [tilespmem:s23+$0xFFFFFCF0];
	v8 =	vmin.f32 v8, v9  }
.Ltmp5:
0x2f1: {  	v5 =	vld [tilespmem:s23+$0xFFFFFDF0];
	v9 =	vmin.f32 v6, v12;
	(pc) =	sbr.rel @p0 .LBB2_8-.Ltmp5, $4  }
0x2f2: {  	v13 =	vmin.f32 v7, v13;
	v6 =	vld [tilespmem:s23+$0xFFFFFEF0]  }
0x2f3: {  	v7 =	vld [tilespmem:s23+$0xFFFFFD00];
	v12 =	vmin.f32 v8, v10  }
0x2f4: {  	v8 =	vld [tilespmem:s23+$0xFFFFFE00];
	v10 =	vmin.f32 v9, v11  }
0x2f5: {  	v11 =	vmin.f32 v13, v14;
	v9 =	vld [tilespmem:s23+$0xFFFFFF00];
	s23 =	sadd.s32 $0x400, s23  }
0x2f6: {  	_ =	sdelay $0x1  }
0x2f7: {  	v5 =	vmin.f32 v12, v5;
	v7 =	vmin.f32 v11, v7  }
0x2f8: {  	v6 =	vmin.f32 v10, v6;
	[tilespmem:s25+$0xFFFFFFD0] =	vst v7;
	v5 =	vmin.f32 v5, v8  }
0x2f9: {  	[tilespmem:s25+$0xFFFFFFE0] =	vst v5;
	v5 =	vmin.f32 v6, v9  }
0x2fa: {  	[tilespmem:s25+$0xFFFFFFF0] =	vst v5  }
0x2fb: {  	v5 =	vld [tilespmem:$0xC300]  }
0x2fc: {  	v6 =	vld [tilespmem:$0xC310]  }
0x2fd: {  	v7 =	vld [tilespmem:$0xC320]  }
0x2fe: {  	v8 =	vld [tilespmem:$0xC330]  }
0x2ff: {  	v9 =	vld [tilespmem:$0xC340]  }
0x300: {  	v10 =	vld [tilespmem:$0xC350]  }
0x301: {  	v5 =	vmin.f32 v5, v6;
	v6 =	vld [tilespmem:$0xC360]  }
0x302: {  	v5 =	vmin.f32 v5, v7;
	v7 =	vld [tilespmem:$0xC370]  }
0x303: {  	v5 =	vmin.f32 v5, v8;
	v8 =	vld [tilespmem:$0xC380]  }
0x304: {  	v5 =	vmin.f32 v5, v9;
	v9 =	vld [tilespmem:$0xC390]  }
0x305: {  	v5 =	vmin.f32 v5, v10;
	v10 =	vld [tilespmem:$0xC3A0]  }
0x306: {  	v5 =	vmin.f32 v5, v6;
	v6 =	vld [tilespmem:$0xC3B0]  }
0x307: {  	v5 =	vmin.f32 v5, v7;
	v7 =	vld [tilespmem:$0xC3C0]  }
0x308: {  	v5 =	vmin.f32 v5, v8;
	v8 =	vld [tilespmem:$0xC3D0]  }
0x309: {  	v5 =	vmin.f32 v5, v9;
	v9 =	vld [tilespmem:$0xC3E0]  }
0x30a: {  	v5 =	vmin.f32 v5, v10;
	v10 =	vld [tilespmem:$0xC3F0]  }
0x30b: {  	v5 =	vmin.f32 v5, v6  }
0x30c: {  	v5 =	vmin.f32 v5, v7  }
0x30d: {  	v5 =	vmin.f32 v5, v8  }
0x30e: {  	v5 =	vmin.f32 v5, v9  }
0x30f: {  	v5 =	vmin.f32 v5, v10  }
0x310: {  	[tilespmem:$0x19430] =	vst v5  }
0x311: {  	_ =	swait.ge [sflag:s1], $0x3100  }
0x312: {  	[sflag:s1] =	ssyncset.done $0x0  }
0x313: {  	s3 =	simm.s32 $0xC7F0;
	[sflag:s1] =	ssyncadd.s32 $0xFFFFCF00  }
0x314: {  	v5 =	vld [tilespmem:s3+$0xFFFFFF10]  }
0x315: {  	v6 =	vld [tilespmem:s3+$0xFFFFFF20]  }
0x316: {  	v7 =	vld [tilespmem:s3+$0xFFFFFF30]  }
0x317: {  	v8 =	vld [tilespmem:s3+$0xFFFFFF40]  }
0x318: {  	v9 =	vld [tilespmem:s3+$0xFFFFFF50]  }
0x319: {  	v10 =	vld [tilespmem:s3+$0xFFFFFF60]  }
0x31a: {  	v11 =	vld [tilespmem:s3+$0xFFFFFF70]  }
0x31b: {  	v12 =	vld [tilespmem:s3+$0xFFFFFF80]  }
0x31c: {  	v13 =	vld [tilespmem:s3+$0xFFFFFF90]  }
0x31d: {  	v14 =	vld [tilespmem:s3+$0xFFFFFFA0]  }
0x31e: {  	v15 =	vld [tilespmem:s3+$0xFFFFFFB0]  }
0x31f: {  	v16 =	vld [tilespmem:s3+$0xFFFFFFC0]  }
0x320: {  	v17 =	vld [tilespmem:s3+$0xFFFFFFD0]  }
0x321: {  	v18 =	vld [tilespmem:s3+$0xFFFFFFE0]  }
0x322: {  	v19 =	vld [tilespmem:s3+$0xFFFFFFF0]  }
0x323: {  	v20 =	vld [tilespmem:s3+$0x0]  }
0x324: {  	v21 =	vld [tilespmem:s3+$0xFFFFFC20]  }
0x325: {  	v22 =	vld [tilespmem:s3+$0xFFFFFD10]  }
0x326: {  	v23 =	vld [tilespmem:s3+$0xFFFFFD20]  }
0x327: {  	v24 =	vld [tilespmem:s3+$0xFFFFFE10]  }
0x328: {  	v25 =	vld [tilespmem:s3+$0xFFFFFE20]  }
0x329: {  	v26 =	vld [tilespmem:s3+$0xFFFFFC10]  }
0x32a: {  	v27 =	vld [tilespmem:s3+$0xFFFFFC30]  }
0x32b: {  	v28 =	vld [tilespmem:s3+$0xFFFFFD30]  }
0x32c: {  	v29 =	vld [tilespmem:s3+$0xFFFFFE30]  }
0x32d: {  	v30 =	vld [tilespmem:s3+$0xFFFFFC40]  }
0x32e: {  	v31 =	vld [tilespmem:s3+$0xFFFFFD40]  }
0x32f: {  	v32 =	vld [tilespmem:s3+$0xFFFFFE40]  }
0x330: {  	v33 =	vld [tilespmem:s3+$0xFFFFFC50]  }
0x331: {  	v34 =	vld [tilespmem:s3+$0xFFFFFD50]  }
0x332: {  	v35 =	vld [tilespmem:s3+$0xFFFFFE50]  }
0x333: {  	v36 =	vld [tilespmem:s3+$0xFFFFFC60]  }
0x334: {  	v37 =	vld [tilespmem:s3+$0xFFFFFD60]  }
0x335: {  	v38 =	vld [tilespmem:s3+$0xFFFFFE60]  }
0x336: {  	v39 =	vld [tilespmem:s3+$0xFFFFFC70]  }
0x337: {  	v40 =	vld [tilespmem:s3+$0xFFFFFD70]  }
0x338: {  	v52 =	vld [tilespmem:s3+$0xFFFFFCB0];
	v5 =	vmin.f32 v5, v6  }
0x339: {  	v53 =	vld [tilespmem:s3+$0xFFFFFDB0];
	v5 =	vmin.f32 v5, v7  }
0x33a: {  	v54 =	vld [tilespmem:s3+$0xFFFFFEB0];
	v5 =	vmin.f32 v5, v8  }
0x33b: {  	v55 =	vld [tilespmem:s3+$0xFFFFFCC0];
	v5 =	vmin.f32 v5, v9  }
0x33c: {  	v56 =	vld [tilespmem:s3+$0xFFFFFDC0];
	v5 =	vmin.f32 v5, v10  }
0x33d: {  	v58 =	vld [tilespmem:s3+$0xFFFFFEC0];
	v5 =	vmin.f32 v5, v11  }
0x33e: {  	v59 =	vld [tilespmem:s3+$0xFFFFFCD0];
	v5 =	vmin.f32 v5, v12  }
0x33f: {  	v60 =	vld [tilespmem:s3+$0xFFFFFDD0];
	v5 =	vmin.f32 v5, v13  }
0x340: {  	v61 =	vld [tilespmem:s3+$0xFFFFFED0];
	v5 =	vmin.f32 v5, v14  }
0x341: {  	v6 =	vld [tilespmem:s3+$0xFFFFFE70];
	v5 =	vmin.f32 v5, v15  }
0x342: {  	v7 =	vld [tilespmem:s3+$0xFFFFFC80];
	v5 =	vmin.f32 v5, v16  }
0x343: {  	v8 =	vld [tilespmem:s3+$0xFFFFFD80];
	v5 =	vmin.f32 v5, v17  }
0x344: {  	v9 =	vld [tilespmem:s3+$0xFFFFFE80];
	v5 =	vmin.f32 v5, v18  }
0x345: {  	v10 =	vld [tilespmem:s3+$0xFFFFFC90];
	v5 =	vmin.f32 v5, v19  }
0x346: {  	v11 =	vld [tilespmem:s3+$0xFFFFFD90];
	v20 =	vmin.f32 v5, v20;
	v5 =	vmin.f32 v26, v21  }
0x347: {  	v22 =	vmin.f32 v22, v23;
	v57 =	vmin.f32 v24, v25;
	v12 =	vld [tilespmem:s3+$0xFFFFFE90];
	v5 =	vmin.f32 v5, v27  }
0x348: {  	v22 =	vmin.f32 v22, v28;
	v23 =	vmin.f32 v57, v29;
	v13 =	vld [tilespmem:s3+$0xFFFFFCA0];
	v5 =	vmin.f32 v5, v30  }
0x349: {  	v22 =	vmin.f32 v22, v31;
	v23 =	vmin.f32 v23, v32;
	v14 =	vld [tilespmem:s3+$0xFFFFFDA0];
	v5 =	vmin.f32 v5, v33  }
0x34a: {  	v22 =	vmin.f32 v22, v34;
	v23 =	vmin.f32 v23, v35;
	v15 =	vld [tilespmem:s3+$0xFFFFFEA0];
	v5 =	vmin.f32 v5, v36  }
0x34b: {  	v62 =	vld [tilespmem:s3+$0xFFFFFCE0];
	v22 =	vmin.f32 v22, v37;
	v23 =	vmin.f32 v23, v38;
	v5 =	vmin.f32 v5, v39  }
0x34c: {  	v63 =	vld [tilespmem:s3+$0xFFFFFDE0];
	v22 =	vmin.f32 v22, v40;
	v6 =	vmin.f32 v23, v6;
	v5 =	vmin.f32 v5, v7  }
0x34d: {  	v6 =	vmin.f32 v6, v9;
	v9 =	vld [tilespmem:s3+$0xFFFFFEE0];
	v7 =	vmin.f32 v22, v8;
	v5 =	vmin.f32 v5, v10  }
0x34e: {  	v6 =	vmin.f32 v6, v12;
	v7 =	vmin.f32 v7, v11;
	v11 =	vld [tilespmem:s3+$0xFFFFFCF0];
	v5 =	vmin.f32 v5, v13  }
0x34f: {  	v6 =	vmin.f32 v6, v15;
	v7 =	vmin.f32 v7, v14;
	v8 =	vmin.f32 v5, v52;
	v5 =	vld [tilespmem:s3+$0xFFFFFDF0]  }
0x350: {  	v10 =	vmin.f32 v6, v54;
	v6 =	vld [tilespmem:s3+$0xFFFFFEF0];
	v7 =	vmin.f32 v7, v53;
	v8 =	vmin.f32 v8, v55  }
0x351: {  	v10 =	vmin.f32 v10, v58;
	v12 =	vmin.f32 v7, v56;
	v7 =	vld [tilespmem:s3+$0xFFFFFD00];
	v8 =	vmin.f32 v8, v59  }
0x352: {  	s25 =	simm.s32 $0x19470;
	v10 =	vmin.f32 v10, v61;
	v12 =	vmin.f32 v12, v60;
	v13 =	vmin.f32 v8, v62;
	v8 =	vld [tilespmem:s3+$0xFFFFFE00]  }
0x353: {  	s26 =	simm.s32 $0xC4;
	s23 =	simm.s32 $0xCBF0;
	[tilespmem:s25+$0x0] =	vst v20;
	v10 =	vmin.f32 v10, v9;
	v9 =	vld [tilespmem:s3+$0xFFFFFF00];
	v12 =	vmin.f32 v12, v63;
	v11 =	vmin.f32 v13, v11  }
.LBB2_10:
0x354: {  	v13 =	vld [tilespmem:s23+$0xFFFFFF10];
	v5 =	vmin.f32 v12, v5  }
0x355: {  	s26 =	sadd.s32 $0x4, s26;
	v12 =	vld [tilespmem:s23+$0xFFFFFF20];
	v6 =	vmin.f32 v10, v6  }
0x356: {  	p0 =	slt.u32 s26, $0xF0;
	v10 =	vld [tilespmem:s23+$0xFFFFFF30];
	v7 =	vmin.f32 v11, v7  }
0x357: {  	v11 =	vld [tilespmem:s23+$0xFFFFFF40];
	[tilespmem:s25+$0xFFFFFFD0] =	vst v7;
	v5 =	vmin.f32 v5, v8  }
0x358: {  	v7 =	vld [tilespmem:s23+$0xFFFFFF50];
	[tilespmem:s25+$0xFFFFFFE0] =	vst v5;
	v5 =	vmin.f32 v6, v9  }
0x359: {  	v6 =	vld [tilespmem:s23+$0xFFFFFF60];
	[tilespmem:s25+$0xFFFFFFF0] =	vst v5  }
0x35a: {  	v5 =	vmin.f32 v13, v12;
	v8 =	vld [tilespmem:s23+$0xFFFFFF70]  }
0x35b: {  	v5 =	vmin.f32 v5, v10;
	v9 =	vld [tilespmem:s23+$0xFFFFFF80]  }
0x35c: {  	v5 =	vmin.f32 v5, v11;
	v10 =	vld [tilespmem:s23+$0xFFFFFF90]  }
0x35d: {  	v5 =	vmin.f32 v5, v7;
	v7 =	vld [tilespmem:s23+$0xFFFFFFA0]  }
0x35e: {  	v5 =	vmin.f32 v5, v6;
	v6 =	vld [tilespmem:s23+$0xFFFFFFB0]  }
0x35f: {  	v5 =	vmin.f32 v5, v8;
	v8 =	vld [tilespmem:s23+$0xFFFFFFC0]  }
0x360: {  	v5 =	vmin.f32 v5, v9;
	v9 =	vld [tilespmem:s23+$0xFFFFFFD0]  }
0x361: {  	v5 =	vmin.f32 v5, v10;
	v10 =	vld [tilespmem:s23+$0xFFFFFFE0]  }
0x362: {  	v5 =	vmin.f32 v5, v7;
	v7 =	vld [tilespmem:s23+$0xFFFFFFF0]  }
0x363: {  	v5 =	vmin.f32 v5, v6;
	v6 =	vld [tilespmem:s23+$0x0]  }
0x364: {  	v11 =	vld [tilespmem:s23+$0xFFFFFC20];
	v5 =	vmin.f32 v5, v8  }
0x365: {  	v8 =	vld [tilespmem:s23+$0xFFFFFD10];
	v5 =	vmin.f32 v5, v9  }
0x366: {  	v9 =	vld [tilespmem:s23+$0xFFFFFD20];
	v5 =	vmin.f32 v5, v10  }
0x367: {  	v10 =	vld [tilespmem:s23+$0xFFFFFE10];
	v5 =	vmin.f32 v5, v7  }
0x368: {  	s25 =	sadd.s32 $0x40, s25;
	v7 =	vld [tilespmem:s23+$0xFFFFFE20];
	v5 =	vmin.f32 v5, v6  }
0x369: {  	v6 =	vld [tilespmem:s23+$0xFFFFFC10];
	[tilespmem:s25+$0x0] =	vst v5  }
0x36a: {  	v5 =	vld [tilespmem:s23+$0xFFFFFC30]  }
0x36b: {  	v8 =	vmin.f32 v8, v9;
	v9 =	vld [tilespmem:s23+$0xFFFFFD30]  }
0x36c: {  	v12 =	vld [tilespmem:s23+$0xFFFFFE30]  }
0x36d: {  	v13 =	vld [tilespmem:s23+$0xFFFFFC40];
	v7 =	vmin.f32 v10, v7  }
0x36e: {  	v6 =	vmin.f32 v6, v11;
	v10 =	vld [tilespmem:s23+$0xFFFFFD40]  }
0x36f: {  	v5 =	vmin.f32 v6, v5;
	v6 =	vld [tilespmem:s23+$0xFFFFFE40]  }
0x370: {  	v11 =	vld [tilespmem:s23+$0xFFFFFC50];
	v8 =	vmin.f32 v8, v9  }
0x371: {  	v9 =	vld [tilespmem:s23+$0xFFFFFD50];
	v7 =	vmin.f32 v7, v12  }
0x372: {  	v5 =	vmin.f32 v5, v13;
	v12 =	vld [tilespmem:s23+$0xFFFFFE50]  }
0x373: {  	v13 =	vld [tilespmem:s23+$0xFFFFFC60];
	v8 =	vmin.f32 v8, v10  }
0x374: {  	v10 =	vld [tilespmem:s23+$0xFFFFFD60];
	v6 =	vmin.f32 v7, v6  }
0x375: {  	v5 =	vmin.f32 v5, v11;
	v7 =	vld [tilespmem:s23+$0xFFFFFE60]  }
0x376: {  	v11 =	vld [tilespmem:s23+$0xFFFFFC70];
	v8 =	vmin.f32 v8, v9  }
0x377: {  	v9 =	vld [tilespmem:s23+$0xFFFFFD70];
	v6 =	vmin.f32 v6, v12  }
0x378: {  	v5 =	vmin.f32 v5, v13;
	v12 =	vld [tilespmem:s23+$0xFFFFFE70]  }
0x379: {  	v13 =	vld [tilespmem:s23+$0xFFFFFC80];
	v8 =	vmin.f32 v8, v10  }
0x37a: {  	v10 =	vld [tilespmem:s23+$0xFFFFFD80];
	v6 =	vmin.f32 v6, v7  }
0x37b: {  	v5 =	vmin.f32 v5, v11;
	v7 =	vld [tilespmem:s23+$0xFFFFFE80]  }
0x37c: {  	v11 =	vld [tilespmem:s23+$0xFFFFFC90];
	v8 =	vmin.f32 v8, v9  }
0x37d: {  	v9 =	vld [tilespmem:s23+$0xFFFFFD90];
	v6 =	vmin.f32 v6, v12  }
0x37e: {  	v5 =	vmin.f32 v5, v13;
	v12 =	vld [tilespmem:s23+$0xFFFFFE90]  }
0x37f: {  	v13 =	vld [tilespmem:s23+$0xFFFFFCA0];
	v8 =	vmin.f32 v8, v10  }
0x380: {  	v10 =	vld [tilespmem:s23+$0xFFFFFDA0];
	v6 =	vmin.f32 v6, v7  }
0x381: {  	v5 =	vmin.f32 v5, v11;
	v7 =	vld [tilespmem:s23+$0xFFFFFEA0]  }
0x382: {  	v11 =	vld [tilespmem:s23+$0xFFFFFCB0];
	v8 =	vmin.f32 v8, v9  }
0x383: {  	v9 =	vld [tilespmem:s23+$0xFFFFFDB0];
	v6 =	vmin.f32 v6, v12  }
0x384: {  	v5 =	vmin.f32 v5, v13;
	v12 =	vld [tilespmem:s23+$0xFFFFFEB0]  }
0x385: {  	v13 =	vld [tilespmem:s23+$0xFFFFFCC0];
	v8 =	vmin.f32 v8, v10  }
0x386: {  	v10 =	vld [tilespmem:s23+$0xFFFFFDC0];
	v6 =	vmin.f32 v6, v7  }
0x387: {  	v5 =	vmin.f32 v5, v11;
	v7 =	vld [tilespmem:s23+$0xFFFFFEC0]  }
0x388: {  	v11 =	vld [tilespmem:s23+$0xFFFFFCD0];
	v8 =	vmin.f32 v8, v9  }
0x389: {  	v9 =	vld [tilespmem:s23+$0xFFFFFDD0];
	v6 =	vmin.f32 v6, v12  }
0x38a: {  	v5 =	vmin.f32 v5, v13;
	v12 =	vld [tilespmem:s23+$0xFFFFFED0]  }
0x38b: {  	v13 =	vld [tilespmem:s23+$0xFFFFFCE0];
	v8 =	vmin.f32 v8, v10  }
0x38c: {  	v10 =	vld [tilespmem:s23+$0xFFFFFDE0];
	v6 =	vmin.f32 v6, v7  }
0x38d: {  	v7 =	vmin.f32 v5, v11;
	v11 =	vld [tilespmem:s23+$0xFFFFFEE0]  }
0x38e: {  	v14 =	vld [tilespmem:s23+$0xFFFFFCF0];
	v8 =	vmin.f32 v8, v9  }
.Ltmp6:
0x38f: {  	v5 =	vld [tilespmem:s23+$0xFFFFFDF0];
	v9 =	vmin.f32 v6, v12;
	(pc) =	sbr.rel @p0 .LBB2_10-.Ltmp6, $4  }
0x390: {  	v13 =	vmin.f32 v7, v13;
	v6 =	vld [tilespmem:s23+$0xFFFFFEF0]  }
0x391: {  	v7 =	vld [tilespmem:s23+$0xFFFFFD00];
	v12 =	vmin.f32 v8, v10  }
0x392: {  	v8 =	vld [tilespmem:s23+$0xFFFFFE00];
	v10 =	vmin.f32 v9, v11  }
0x393: {  	v11 =	vmin.f32 v13, v14;
	v9 =	vld [tilespmem:s23+$0xFFFFFF00];
	s23 =	sadd.s32 $0x400, s23  }
0x394: {  	_ =	sdelay $0x1  }
0x395: {  	v5 =	vmin.f32 v12, v5;
	v7 =	vmin.f32 v11, v7  }
0x396: {  	v6 =	vmin.f32 v10, v6;
	[tilespmem:s25+$0xFFFFFFD0] =	vst v7;
	v5 =	vmin.f32 v5, v8  }
0x397: {  	[tilespmem:s25+$0xFFFFFFE0] =	vst v5;
	v5 =	vmin.f32 v6, v9  }
0x398: {  	[tilespmem:s25+$0xFFFFFFF0] =	vst v5  }
0x399: {  	v5 =	vld [tilespmem:$0xF400]  }
0x39a: {  	v6 =	vld [tilespmem:$0xF410]  }
0x39b: {  	v7 =	vld [tilespmem:$0xF420]  }
0x39c: {  	v8 =	vld [tilespmem:$0xF430]  }
0x39d: {  	v9 =	vld [tilespmem:$0xF440]  }
0x39e: {  	v10 =	vld [tilespmem:$0xF450]  }
0x39f: {  	v5 =	vmin.f32 v5, v6;
	v6 =	vld [tilespmem:$0xF460]  }
0x3a0: {  	v5 =	vmin.f32 v5, v7;
	v7 =	vld [tilespmem:$0xF470]  }
0x3a1: {  	v5 =	vmin.f32 v5, v8;
	v8 =	vld [tilespmem:$0xF480]  }
0x3a2: {  	v5 =	vmin.f32 v5, v9;
	v9 =	vld [tilespmem:$0xF490]  }
0x3a3: {  	v5 =	vmin.f32 v5, v10;
	v10 =	vld [tilespmem:$0xF4A0]  }
0x3a4: {  	v5 =	vmin.f32 v5, v6;
	v6 =	vld [tilespmem:$0xF4B0]  }
0x3a5: {  	v5 =	vmin.f32 v5, v7;
	v7 =	vld [tilespmem:$0xF4C0]  }
0x3a6: {  	v5 =	vmin.f32 v5, v8;
	v8 =	vld [tilespmem:$0xF4D0]  }
0x3a7: {  	v5 =	vmin.f32 v5, v9;
	v9 =	vld [tilespmem:$0xF4E0]  }
0x3a8: {  	v5 =	vmin.f32 v5, v10;
	v10 =	vld [tilespmem:$0xF4F0]  }
0x3a9: {  	v5 =	vmin.f32 v5, v6  }
0x3aa: {  	v5 =	vmin.f32 v5, v7  }
0x3ab: {  	v5 =	vmin.f32 v5, v8  }
0x3ac: {  	v5 =	vmin.f32 v5, v9  }
0x3ad: {  	v5 =	vmin.f32 v5, v10  }
0x3ae: {  	[tilespmem:$0x19740] =	vst v5  }
0x3af: {  	_ =	swait.ge [sflag:s0], $0x3100  }
0x3b0: {  	[sflag:s0] =	ssyncset.done $0x0  }
0x3b1: {  	s3 =	simm.s32 $0xF8F0;
	[sflag:s0] =	ssyncadd.s32 $0xFFFFCF00  }
0x3b2: {  	v5 =	vld [tilespmem:s3+$0xFFFFFF10]  }
0x3b3: {  	v6 =	vld [tilespmem:s3+$0xFFFFFF20]  }
0x3b4: {  	v7 =	vld [tilespmem:s3+$0xFFFFFF30]  }
0x3b5: {  	v8 =	vld [tilespmem:s3+$0xFFFFFF40]  }
0x3b6: {  	v9 =	vld [tilespmem:s3+$0xFFFFFF50]  }
0x3b7: {  	v10 =	vld [tilespmem:s3+$0xFFFFFF60]  }
0x3b8: {  	v11 =	vld [tilespmem:s3+$0xFFFFFF70]  }
0x3b9: {  	v12 =	vld [tilespmem:s3+$0xFFFFFF80]  }
0x3ba: {  	v13 =	vld [tilespmem:s3+$0xFFFFFF90]  }
0x3bb: {  	v14 =	vld [tilespmem:s3+$0xFFFFFFA0]  }
0x3bc: {  	v15 =	vld [tilespmem:s3+$0xFFFFFFB0]  }
0x3bd: {  	v16 =	vld [tilespmem:s3+$0xFFFFFFC0]  }
0x3be: {  	v17 =	vld [tilespmem:s3+$0xFFFFFFD0]  }
0x3bf: {  	v18 =	vld [tilespmem:s3+$0xFFFFFFE0]  }
0x3c0: {  	v19 =	vld [tilespmem:s3+$0xFFFFFFF0]  }
0x3c1: {  	v20 =	vld [tilespmem:s3+$0x0]  }
0x3c2: {  	v21 =	vld [tilespmem:s3+$0xFFFFFC20]  }
0x3c3: {  	v22 =	vld [tilespmem:s3+$0xFFFFFD10]  }
0x3c4: {  	v23 =	vld [tilespmem:s3+$0xFFFFFD20]  }
0x3c5: {  	v24 =	vld [tilespmem:s3+$0xFFFFFE10]  }
0x3c6: {  	v25 =	vld [tilespmem:s3+$0xFFFFFE20]  }
0x3c7: {  	v26 =	vld [tilespmem:s3+$0xFFFFFC10]  }
0x3c8: {  	v27 =	vld [tilespmem:s3+$0xFFFFFC30]  }
0x3c9: {  	v28 =	vld [tilespmem:s3+$0xFFFFFD30]  }
0x3ca: {  	v29 =	vld [tilespmem:s3+$0xFFFFFE30]  }
0x3cb: {  	v30 =	vld [tilespmem:s3+$0xFFFFFC40]  }
0x3cc: {  	v31 =	vld [tilespmem:s3+$0xFFFFFD40]  }
0x3cd: {  	v32 =	vld [tilespmem:s3+$0xFFFFFE40]  }
0x3ce: {  	v33 =	vld [tilespmem:s3+$0xFFFFFC50]  }
0x3cf: {  	v34 =	vld [tilespmem:s3+$0xFFFFFD50]  }
0x3d0: {  	v35 =	vld [tilespmem:s3+$0xFFFFFE50]  }
0x3d1: {  	v36 =	vld [tilespmem:s3+$0xFFFFFC60]  }
0x3d2: {  	v37 =	vld [tilespmem:s3+$0xFFFFFD60]  }
0x3d3: {  	v38 =	vld [tilespmem:s3+$0xFFFFFE60]  }
0x3d4: {  	v39 =	vld [tilespmem:s3+$0xFFFFFC70]  }
0x3d5: {  	v40 =	vld [tilespmem:s3+$0xFFFFFD70]  }
0x3d6: {  	v52 =	vld [tilespmem:s3+$0xFFFFFCB0];
	v5 =	vmin.f32 v5, v6  }
0x3d7: {  	v53 =	vld [tilespmem:s3+$0xFFFFFDB0];
	v5 =	vmin.f32 v5, v7  }
0x3d8: {  	v54 =	vld [tilespmem:s3+$0xFFFFFEB0];
	v5 =	vmin.f32 v5, v8  }
0x3d9: {  	v55 =	vld [tilespmem:s3+$0xFFFFFCC0];
	v5 =	vmin.f32 v5, v9  }
0x3da: {  	v56 =	vld [tilespmem:s3+$0xFFFFFDC0];
	v5 =	vmin.f32 v5, v10  }
0x3db: {  	v58 =	vld [tilespmem:s3+$0xFFFFFEC0];
	v5 =	vmin.f32 v5, v11  }
0x3dc: {  	v59 =	vld [tilespmem:s3+$0xFFFFFCD0];
	v5 =	vmin.f32 v5, v12  }
0x3dd: {  	v60 =	vld [tilespmem:s3+$0xFFFFFDD0];
	v5 =	vmin.f32 v5, v13  }
0x3de: {  	v61 =	vld [tilespmem:s3+$0xFFFFFED0];
	v5 =	vmin.f32 v5, v14  }
0x3df: {  	v6 =	vld [tilespmem:s3+$0xFFFFFE70];
	v5 =	vmin.f32 v5, v15  }
0x3e0: {  	v7 =	vld [tilespmem:s3+$0xFFFFFC80];
	v5 =	vmin.f32 v5, v16  }
0x3e1: {  	v8 =	vld [tilespmem:s3+$0xFFFFFD80];
	v5 =	vmin.f32 v5, v17  }
0x3e2: {  	v9 =	vld [tilespmem:s3+$0xFFFFFE80];
	v5 =	vmin.f32 v5, v18  }
0x3e3: {  	v10 =	vld [tilespmem:s3+$0xFFFFFC90];
	v5 =	vmin.f32 v5, v19  }
0x3e4: {  	v11 =	vld [tilespmem:s3+$0xFFFFFD90];
	v20 =	vmin.f32 v5, v20;
	v5 =	vmin.f32 v26, v21  }
0x3e5: {  	v22 =	vmin.f32 v22, v23;
	v57 =	vmin.f32 v24, v25;
	v12 =	vld [tilespmem:s3+$0xFFFFFE90];
	v5 =	vmin.f32 v5, v27  }
0x3e6: {  	v22 =	vmin.f32 v22, v28;
	v23 =	vmin.f32 v57, v29;
	v13 =	vld [tilespmem:s3+$0xFFFFFCA0];
	v5 =	vmin.f32 v5, v30  }
0x3e7: {  	v22 =	vmin.f32 v22, v31;
	v23 =	vmin.f32 v23, v32;
	v14 =	vld [tilespmem:s3+$0xFFFFFDA0];
	v5 =	vmin.f32 v5, v33  }
0x3e8: {  	v22 =	vmin.f32 v22, v34;
	v23 =	vmin.f32 v23, v35;
	v15 =	vld [tilespmem:s3+$0xFFFFFEA0];
	v5 =	vmin.f32 v5, v36  }
0x3e9: {  	v62 =	vld [tilespmem:s3+$0xFFFFFCE0];
	v22 =	vmin.f32 v22, v37;
	v23 =	vmin.f32 v23, v38;
	v5 =	vmin.f32 v5, v39  }
0x3ea: {  	v63 =	vld [tilespmem:s3+$0xFFFFFDE0];
	v22 =	vmin.f32 v22, v40;
	v6 =	vmin.f32 v23, v6;
	v5 =	vmin.f32 v5, v7  }
0x3eb: {  	v6 =	vmin.f32 v6, v9;
	v9 =	vld [tilespmem:s3+$0xFFFFFEE0];
	v7 =	vmin.f32 v22, v8;
	v5 =	vmin.f32 v5, v10  }
0x3ec: {  	v6 =	vmin.f32 v6, v12;
	v7 =	vmin.f32 v7, v11;
	v11 =	vld [tilespmem:s3+$0xFFFFFCF0];
	v5 =	vmin.f32 v5, v13  }
0x3ed: {  	v6 =	vmin.f32 v6, v15;
	v7 =	vmin.f32 v7, v14;
	v8 =	vmin.f32 v5, v52;
	v5 =	vld [tilespmem:s3+$0xFFFFFDF0]  }
0x3ee: {  	v10 =	vmin.f32 v6, v54;
	v6 =	vld [tilespmem:s3+$0xFFFFFEF0];
	v7 =	vmin.f32 v7, v53;
	v8 =	vmin.f32 v8, v55  }
0x3ef: {  	v10 =	vmin.f32 v10, v58;
	v12 =	vmin.f32 v7, v56;
	v7 =	vld [tilespmem:s3+$0xFFFFFD00];
	v8 =	vmin.f32 v8, v59  }
0x3f0: {  	s25 =	simm.s32 $0x19780;
	v10 =	vmin.f32 v10, v61;
	v12 =	vmin.f32 v12, v60;
	v13 =	vmin.f32 v8, v62;
	v8 =	vld [tilespmem:s3+$0xFFFFFE00]  }
0x3f1: {  	s26 =	simm.s32 $0xF5;
	s23 =	simm.s32 $0xFCF0;
	[tilespmem:s25+$0x0] =	vst v20;
	v10 =	vmin.f32 v10, v9;
	v9 =	vld [tilespmem:s3+$0xFFFFFF00];
	v12 =	vmin.f32 v12, v63;
	v11 =	vmin.f32 v13, v11  }
.LBB2_12:
0x3f2: {  	v13 =	vld [tilespmem:s23+$0xFFFFFF10];
	v5 =	vmin.f32 v12, v5  }
0x3f3: {  	s26 =	sadd.s32 $0x4, s26;
	v12 =	vld [tilespmem:s23+$0xFFFFFF20];
	v6 =	vmin.f32 v10, v6  }
0x3f4: {  	p0 =	slt.u32 s26, $0x121;
	v10 =	vld [tilespmem:s23+$0xFFFFFF30];
	v7 =	vmin.f32 v11, v7  }
0x3f5: {  	v11 =	vld [tilespmem:s23+$0xFFFFFF40];
	[tilespmem:s25+$0xFFFFFFD0] =	vst v7;
	v5 =	vmin.f32 v5, v8  }
0x3f6: {  	v7 =	vld [tilespmem:s23+$0xFFFFFF50];
	[tilespmem:s25+$0xFFFFFFE0] =	vst v5;
	v5 =	vmin.f32 v6, v9  }
0x3f7: {  	v6 =	vld [tilespmem:s23+$0xFFFFFF60];
	[tilespmem:s25+$0xFFFFFFF0] =	vst v5  }
0x3f8: {  	v5 =	vmin.f32 v13, v12;
	v8 =	vld [tilespmem:s23+$0xFFFFFF70]  }
0x3f9: {  	v5 =	vmin.f32 v5, v10;
	v9 =	vld [tilespmem:s23+$0xFFFFFF80]  }
0x3fa: {  	v5 =	vmin.f32 v5, v11;
	v10 =	vld [tilespmem:s23+$0xFFFFFF90]  }
0x3fb: {  	v5 =	vmin.f32 v5, v7;
	v7 =	vld [tilespmem:s23+$0xFFFFFFA0]  }
0x3fc: {  	v5 =	vmin.f32 v5, v6;
	v6 =	vld [tilespmem:s23+$0xFFFFFFB0]  }
0x3fd: {  	v5 =	vmin.f32 v5, v8;
	v8 =	vld [tilespmem:s23+$0xFFFFFFC0]  }
0x3fe: {  	v5 =	vmin.f32 v5, v9;
	v9 =	vld [tilespmem:s23+$0xFFFFFFD0]  }
0x3ff: {  	v5 =	vmin.f32 v5, v10;
	v10 =	vld [tilespmem:s23+$0xFFFFFFE0]  }
0x400: {  	v5 =	vmin.f32 v5, v7;
	v7 =	vld [tilespmem:s23+$0xFFFFFFF0]  }
0x401: {  	v5 =	vmin.f32 v5, v6;
	v6 =	vld [tilespmem:s23+$0x0]  }
0x402: {  	v11 =	vld [tilespmem:s23+$0xFFFFFC20];
	v5 =	vmin.f32 v5, v8  }
0x403: {  	v8 =	vld [tilespmem:s23+$0xFFFFFD10];
	v5 =	vmin.f32 v5, v9  }
0x404: {  	v9 =	vld [tilespmem:s23+$0xFFFFFD20];
	v5 =	vmin.f32 v5, v10  }
0x405: {  	v10 =	vld [tilespmem:s23+$0xFFFFFE10];
	v5 =	vmin.f32 v5, v7  }
0x406: {  	s25 =	sadd.s32 $0x40, s25;
	v7 =	vld [tilespmem:s23+$0xFFFFFE20];
	v5 =	vmin.f32 v5, v6  }
0x407: {  	v6 =	vld [tilespmem:s23+$0xFFFFFC10];
	[tilespmem:s25+$0x0] =	vst v5  }
0x408: {  	v5 =	vld [tilespmem:s23+$0xFFFFFC30]  }
0x409: {  	v8 =	vmin.f32 v8, v9;
	v9 =	vld [tilespmem:s23+$0xFFFFFD30]  }
0x40a: {  	v12 =	vld [tilespmem:s23+$0xFFFFFE30]  }
0x40b: {  	v13 =	vld [tilespmem:s23+$0xFFFFFC40];
	v7 =	vmin.f32 v10, v7  }
0x40c: {  	v6 =	vmin.f32 v6, v11;
	v10 =	vld [tilespmem:s23+$0xFFFFFD40]  }
0x40d: {  	v5 =	vmin.f32 v6, v5;
	v6 =	vld [tilespmem:s23+$0xFFFFFE40]  }
0x40e: {  	v11 =	vld [tilespmem:s23+$0xFFFFFC50];
	v8 =	vmin.f32 v8, v9  }
0x40f: {  	v9 =	vld [tilespmem:s23+$0xFFFFFD50];
	v7 =	vmin.f32 v7, v12  }
0x410: {  	v5 =	vmin.f32 v5, v13;
	v12 =	vld [tilespmem:s23+$0xFFFFFE50]  }
0x411: {  	v13 =	vld [tilespmem:s23+$0xFFFFFC60];
	v8 =	vmin.f32 v8, v10  }
0x412: {  	v10 =	vld [tilespmem:s23+$0xFFFFFD60];
	v6 =	vmin.f32 v7, v6  }
0x413: {  	v5 =	vmin.f32 v5, v11;
	v7 =	vld [tilespmem:s23+$0xFFFFFE60]  }
0x414: {  	v11 =	vld [tilespmem:s23+$0xFFFFFC70];
	v8 =	vmin.f32 v8, v9  }
0x415: {  	v9 =	vld [tilespmem:s23+$0xFFFFFD70];
	v6 =	vmin.f32 v6, v12  }
0x416: {  	v5 =	vmin.f32 v5, v13;
	v12 =	vld [tilespmem:s23+$0xFFFFFE70]  }
0x417: {  	v13 =	vld [tilespmem:s23+$0xFFFFFC80];
	v8 =	vmin.f32 v8, v10  }
0x418: {  	v10 =	vld [tilespmem:s23+$0xFFFFFD80];
	v6 =	vmin.f32 v6, v7  }
0x419: {  	v5 =	vmin.f32 v5, v11;
	v7 =	vld [tilespmem:s23+$0xFFFFFE80]  }
0x41a: {  	v11 =	vld [tilespmem:s23+$0xFFFFFC90];
	v8 =	vmin.f32 v8, v9  }
0x41b: {  	v9 =	vld [tilespmem:s23+$0xFFFFFD90];
	v6 =	vmin.f32 v6, v12  }
0x41c: {  	v5 =	vmin.f32 v5, v13;
	v12 =	vld [tilespmem:s23+$0xFFFFFE90]  }
0x41d: {  	v13 =	vld [tilespmem:s23+$0xFFFFFCA0];
	v8 =	vmin.f32 v8, v10  }
0x41e: {  	v10 =	vld [tilespmem:s23+$0xFFFFFDA0];
	v6 =	vmin.f32 v6, v7  }
0x41f: {  	v5 =	vmin.f32 v5, v11;
	v7 =	vld [tilespmem:s23+$0xFFFFFEA0]  }
0x420: {  	v11 =	vld [tilespmem:s23+$0xFFFFFCB0];
	v8 =	vmin.f32 v8, v9  }
0x421: {  	v9 =	vld [tilespmem:s23+$0xFFFFFDB0];
	v6 =	vmin.f32 v6, v12  }
0x422: {  	v5 =	vmin.f32 v5, v13;
	v12 =	vld [tilespmem:s23+$0xFFFFFEB0]  }
0x423: {  	v13 =	vld [tilespmem:s23+$0xFFFFFCC0];
	v8 =	vmin.f32 v8, v10  }
0x424: {  	v10 =	vld [tilespmem:s23+$0xFFFFFDC0];
	v6 =	vmin.f32 v6, v7  }
0x425: {  	v5 =	vmin.f32 v5, v11;
	v7 =	vld [tilespmem:s23+$0xFFFFFEC0]  }
0x426: {  	v11 =	vld [tilespmem:s23+$0xFFFFFCD0];
	v8 =	vmin.f32 v8, v9  }
0x427: {  	v9 =	vld [tilespmem:s23+$0xFFFFFDD0];
	v6 =	vmin.f32 v6, v12  }
0x428: {  	v5 =	vmin.f32 v5, v13;
	v12 =	vld [tilespmem:s23+$0xFFFFFED0]  }
0x429: {  	v13 =	vld [tilespmem:s23+$0xFFFFFCE0];
	v8 =	vmin.f32 v8, v10  }
0x42a: {  	v10 =	vld [tilespmem:s23+$0xFFFFFDE0];
	v6 =	vmin.f32 v6, v7  }
0x42b: {  	v7 =	vmin.f32 v5, v11;
	v11 =	vld [tilespmem:s23+$0xFFFFFEE0]  }
0x42c: {  	v14 =	vld [tilespmem:s23+$0xFFFFFCF0];
	v8 =	vmin.f32 v8, v9  }
.Ltmp7:
0x42d: {  	v5 =	vld [tilespmem:s23+$0xFFFFFDF0];
	v9 =	vmin.f32 v6, v12;
	(pc) =	sbr.rel @p0 .LBB2_12-.Ltmp7, $4  }
0x42e: {  	v13 =	vmin.f32 v7, v13;
	v6 =	vld [tilespmem:s23+$0xFFFFFEF0]  }
0x42f: {  	v7 =	vld [tilespmem:s23+$0xFFFFFD00];
	v12 =	vmin.f32 v8, v10  }
0x430: {  	v8 =	vld [tilespmem:s23+$0xFFFFFE00];
	v10 =	vmin.f32 v9, v11  }
0x431: {  	v11 =	vmin.f32 v13, v14;
	v9 =	vld [tilespmem:s23+$0xFFFFFF00];
	s23 =	sadd.s32 $0x400, s23  }
0x432: {  	_ =	sdelay $0x1  }
0x433: {  	v5 =	vmin.f32 v12, v5;
	v7 =	vmin.f32 v11, v7  }
0x434: {  	v6 =	vmin.f32 v10, v6;
	[tilespmem:s25+$0xFFFFFFD0] =	vst v7;
	v5 =	vmin.f32 v5, v8  }
0x435: {  	[tilespmem:s25+$0xFFFFFFE0] =	vst v5;
	v5 =	vmin.f32 v6, v9  }
0x436: {  	[tilespmem:s25+$0xFFFFFFF0] =	vst v5  }
0x437: {  	v5 =	vld [tilespmem:$0x12500]  }
0x438: {  	v6 =	vld [tilespmem:$0x12510]  }
0x439: {  	v7 =	vld [tilespmem:$0x12520]  }
0x43a: {  	v8 =	vld [tilespmem:$0x12530]  }
0x43b: {  	v9 =	vld [tilespmem:$0x12540]  }
0x43c: {  	v10 =	vld [tilespmem:$0x12550]  }
0x43d: {  	v5 =	vmin.f32 v5, v6;
	v6 =	vld [tilespmem:$0x12560]  }
0x43e: {  	v5 =	vmin.f32 v5, v7;
	v7 =	vld [tilespmem:$0x12570]  }
0x43f: {  	v5 =	vmin.f32 v5, v8;
	v8 =	vld [tilespmem:$0x12580]  }
0x440: {  	v5 =	vmin.f32 v5, v9;
	v9 =	vld [tilespmem:$0x12590]  }
0x441: {  	v5 =	vmin.f32 v5, v10;
	v10 =	vld [tilespmem:$0x125A0]  }
0x442: {  	v5 =	vmin.f32 v5, v6;
	v6 =	vld [tilespmem:$0x125B0]  }
0x443: {  	v5 =	vmin.f32 v5, v7;
	v7 =	vld [tilespmem:$0x125C0]  }
0x444: {  	v5 =	vmin.f32 v5, v8;
	v8 =	vld [tilespmem:$0x125D0]  }
0x445: {  	v5 =	vmin.f32 v5, v9;
	v9 =	vld [tilespmem:$0x125E0]  }
0x446: {  	v5 =	vmin.f32 v5, v10;
	v10 =	vld [tilespmem:$0x125F0]  }
0x447: {  	v5 =	vmin.f32 v5, v6  }
0x448: {  	v5 =	vmin.f32 v5, v7  }
0x449: {  	v5 =	vmin.f32 v5, v8  }
0x44a: {  	v5 =	vmin.f32 v5, v9  }
0x44b: {  	v5 =	vmin.f32 v5, v10  }
0x44c: {  	[tilespmem:$0x19A50] =	vst v5  }
0x44d: {  	_ =	swait.ge [sflag:s16], $0x3100  }
0x44e: {  	[sflag:s16] =	ssyncset.done $0x0  }
0x44f: {  	s3 =	simm.s32 $0x129F0;
	[sflag:s16] =	ssyncadd.s32 $0xFFFFCF00  }
0x450: {  	v5 =	vld [tilespmem:s3+$0xFFFFFF10]  }
0x451: {  	v6 =	vld [tilespmem:s3+$0xFFFFFF20]  }
0x452: {  	v7 =	vld [tilespmem:s3+$0xFFFFFF30]  }
0x453: {  	v8 =	vld [tilespmem:s3+$0xFFFFFF40]  }
0x454: {  	v9 =	vld [tilespmem:s3+$0xFFFFFF50]  }
0x455: {  	v10 =	vld [tilespmem:s3+$0xFFFFFF60]  }
0x456: {  	v11 =	vld [tilespmem:s3+$0xFFFFFF70]  }
0x457: {  	v12 =	vld [tilespmem:s3+$0xFFFFFF80]  }
0x458: {  	v13 =	vld [tilespmem:s3+$0xFFFFFF90]  }
0x459: {  	v14 =	vld [tilespmem:s3+$0xFFFFFFA0]  }
0x45a: {  	v15 =	vld [tilespmem:s3+$0xFFFFFFB0]  }
0x45b: {  	v16 =	vld [tilespmem:s3+$0xFFFFFFC0]  }
0x45c: {  	v17 =	vld [tilespmem:s3+$0xFFFFFFD0]  }
0x45d: {  	v18 =	vld [tilespmem:s3+$0xFFFFFFE0]  }
0x45e: {  	v19 =	vld [tilespmem:s3+$0xFFFFFFF0]  }
0x45f: {  	v20 =	vld [tilespmem:s3+$0x0]  }
0x460: {  	v21 =	vld [tilespmem:s3+$0xFFFFFC20]  }
0x461: {  	v22 =	vld [tilespmem:s3+$0xFFFFFD10]  }
0x462: {  	v23 =	vld [tilespmem:s3+$0xFFFFFD20]  }
0x463: {  	v24 =	vld [tilespmem:s3+$0xFFFFFE10]  }
0x464: {  	v25 =	vld [tilespmem:s3+$0xFFFFFE20]  }
0x465: {  	v26 =	vld [tilespmem:s3+$0xFFFFFC10]  }
0x466: {  	v27 =	vld [tilespmem:s3+$0xFFFFFC30]  }
0x467: {  	v28 =	vld [tilespmem:s3+$0xFFFFFD30]  }
0x468: {  	v29 =	vld [tilespmem:s3+$0xFFFFFE30]  }
0x469: {  	v30 =	vld [tilespmem:s3+$0xFFFFFC40]  }
0x46a: {  	v31 =	vld [tilespmem:s3+$0xFFFFFD40]  }
0x46b: {  	v32 =	vld [tilespmem:s3+$0xFFFFFE40]  }
0x46c: {  	v33 =	vld [tilespmem:s3+$0xFFFFFC50]  }
0x46d: {  	v34 =	vld [tilespmem:s3+$0xFFFFFD50]  }
0x46e: {  	v35 =	vld [tilespmem:s3+$0xFFFFFE50]  }
0x46f: {  	v36 =	vld [tilespmem:s3+$0xFFFFFC60]  }
0x470: {  	v37 =	vld [tilespmem:s3+$0xFFFFFD60]  }
0x471: {  	v38 =	vld [tilespmem:s3+$0xFFFFFE60]  }
0x472: {  	v39 =	vld [tilespmem:s3+$0xFFFFFC70]  }
0x473: {  	v40 =	vld [tilespmem:s3+$0xFFFFFD70]  }
0x474: {  	v52 =	vld [tilespmem:s3+$0xFFFFFCB0];
	v5 =	vmin.f32 v5, v6  }
0x475: {  	v53 =	vld [tilespmem:s3+$0xFFFFFDB0];
	v5 =	vmin.f32 v5, v7  }
0x476: {  	v54 =	vld [tilespmem:s3+$0xFFFFFEB0];
	v5 =	vmin.f32 v5, v8  }
0x477: {  	v55 =	vld [tilespmem:s3+$0xFFFFFCC0];
	v5 =	vmin.f32 v5, v9  }
0x478: {  	v56 =	vld [tilespmem:s3+$0xFFFFFDC0];
	v5 =	vmin.f32 v5, v10  }
0x479: {  	v58 =	vld [tilespmem:s3+$0xFFFFFEC0];
	v5 =	vmin.f32 v5, v11  }
0x47a: {  	v59 =	vld [tilespmem:s3+$0xFFFFFCD0];
	v5 =	vmin.f32 v5, v12  }
0x47b: {  	v60 =	vld [tilespmem:s3+$0xFFFFFDD0];
	v5 =	vmin.f32 v5, v13  }
0x47c: {  	v61 =	vld [tilespmem:s3+$0xFFFFFED0];
	v5 =	vmin.f32 v5, v14  }
0x47d: {  	v6 =	vld [tilespmem:s3+$0xFFFFFE70];
	v5 =	vmin.f32 v5, v15  }
0x47e: {  	v7 =	vld [tilespmem:s3+$0xFFFFFC80];
	v5 =	vmin.f32 v5, v16  }
0x47f: {  	v8 =	vld [tilespmem:s3+$0xFFFFFD80];
	v5 =	vmin.f32 v5, v17  }
0x480: {  	v9 =	vld [tilespmem:s3+$0xFFFFFE80];
	v5 =	vmin.f32 v5, v18  }
0x481: {  	v10 =	vld [tilespmem:s3+$0xFFFFFC90];
	v5 =	vmin.f32 v5, v19  }
0x482: {  	v11 =	vld [tilespmem:s3+$0xFFFFFD90];
	v20 =	vmin.f32 v5, v20;
	v5 =	vmin.f32 v26, v21  }
0x483: {  	v22 =	vmin.f32 v22, v23;
	v57 =	vmin.f32 v24, v25;
	v12 =	vld [tilespmem:s3+$0xFFFFFE90];
	v5 =	vmin.f32 v5, v27  }
0x484: {  	v22 =	vmin.f32 v22, v28;
	v23 =	vmin.f32 v57, v29;
	v13 =	vld [tilespmem:s3+$0xFFFFFCA0];
	v5 =	vmin.f32 v5, v30  }
0x485: {  	v22 =	vmin.f32 v22, v31;
	v23 =	vmin.f32 v23, v32;
	v14 =	vld [tilespmem:s3+$0xFFFFFDA0];
	v5 =	vmin.f32 v5, v33  }
0x486: {  	v22 =	vmin.f32 v22, v34;
	v23 =	vmin.f32 v23, v35;
	v15 =	vld [tilespmem:s3+$0xFFFFFEA0];
	v5 =	vmin.f32 v5, v36  }
0x487: {  	v62 =	vld [tilespmem:s3+$0xFFFFFCE0];
	v22 =	vmin.f32 v22, v37;
	v23 =	vmin.f32 v23, v38;
	v5 =	vmin.f32 v5, v39  }
0x488: {  	v63 =	vld [tilespmem:s3+$0xFFFFFDE0];
	v22 =	vmin.f32 v22, v40;
	v6 =	vmin.f32 v23, v6;
	v5 =	vmin.f32 v5, v7  }
0x489: {  	v6 =	vmin.f32 v6, v9;
	v9 =	vld [tilespmem:s3+$0xFFFFFEE0];
	v7 =	vmin.f32 v22, v8;
	v5 =	vmin.f32 v5, v10  }
0x48a: {  	v6 =	vmin.f32 v6, v12;
	v7 =	vmin.f32 v7, v11;
	v11 =	vld [tilespmem:s3+$0xFFFFFCF0];
	v5 =	vmin.f32 v5, v13  }
0x48b: {  	v6 =	vmin.f32 v6, v15;
	v7 =	vmin.f32 v7, v14;
	v8 =	vmin.f32 v5, v52;
	v5 =	vld [tilespmem:s3+$0xFFFFFDF0]  }
0x48c: {  	v10 =	vmin.f32 v6, v54;
	v6 =	vld [tilespmem:s3+$0xFFFFFEF0];
	v7 =	vmin.f32 v7, v53;
	v8 =	vmin.f32 v8, v55  }
0x48d: {  	v10 =	vmin.f32 v10, v58;
	v12 =	vmin.f32 v7, v56;
	v7 =	vld [tilespmem:s3+$0xFFFFFD00];
	v8 =	vmin.f32 v8, v59  }
0x48e: {  	s25 =	simm.s32 $0x19A90;
	v10 =	vmin.f32 v10, v61;
	v12 =	vmin.f32 v12, v60;
	v13 =	vmin.f32 v8, v62;
	v8 =	vld [tilespmem:s3+$0xFFFFFE00]  }
0x48f: {  	s26 =	simm.s32 $0x126;
	s23 =	simm.s32 $0x12DF0;
	[tilespmem:s25+$0x0] =	vst v20;
	v10 =	vmin.f32 v10, v9;
	v9 =	vld [tilespmem:s3+$0xFFFFFF00];
	v12 =	vmin.f32 v12, v63;
	v11 =	vmin.f32 v13, v11  }
.LBB2_14:
0x490: {  	v13 =	vld [tilespmem:s23+$0xFFFFFF10];
	v5 =	vmin.f32 v12, v5  }
0x491: {  	s26 =	sadd.s32 $0x4, s26;
	v12 =	vld [tilespmem:s23+$0xFFFFFF20];
	v6 =	vmin.f32 v10, v6  }
0x492: {  	p0 =	slt.u32 s26, $0x152;
	v10 =	vld [tilespmem:s23+$0xFFFFFF30];
	v7 =	vmin.f32 v11, v7  }
0x493: {  	v11 =	vld [tilespmem:s23+$0xFFFFFF40];
	[tilespmem:s25+$0xFFFFFFD0] =	vst v7;
	v5 =	vmin.f32 v5, v8  }
0x494: {  	v7 =	vld [tilespmem:s23+$0xFFFFFF50];
	[tilespmem:s25+$0xFFFFFFE0] =	vst v5;
	v5 =	vmin.f32 v6, v9  }
0x495: {  	v6 =	vld [tilespmem:s23+$0xFFFFFF60];
	[tilespmem:s25+$0xFFFFFFF0] =	vst v5  }
0x496: {  	v5 =	vmin.f32 v13, v12;
	v8 =	vld [tilespmem:s23+$0xFFFFFF70]  }
0x497: {  	v5 =	vmin.f32 v5, v10;
	v9 =	vld [tilespmem:s23+$0xFFFFFF80]  }
0x498: {  	v5 =	vmin.f32 v5, v11;
	v10 =	vld [tilespmem:s23+$0xFFFFFF90]  }
0x499: {  	v5 =	vmin.f32 v5, v7;
	v7 =	vld [tilespmem:s23+$0xFFFFFFA0]  }
0x49a: {  	v5 =	vmin.f32 v5, v6;
	v6 =	vld [tilespmem:s23+$0xFFFFFFB0]  }
0x49b: {  	v5 =	vmin.f32 v5, v8;
	v8 =	vld [tilespmem:s23+$0xFFFFFFC0]  }
0x49c: {  	v5 =	vmin.f32 v5, v9;
	v9 =	vld [tilespmem:s23+$0xFFFFFFD0]  }
0x49d: {  	v5 =	vmin.f32 v5, v10;
	v10 =	vld [tilespmem:s23+$0xFFFFFFE0]  }
0x49e: {  	v5 =	vmin.f32 v5, v7;
	v7 =	vld [tilespmem:s23+$0xFFFFFFF0]  }
0x49f: {  	v5 =	vmin.f32 v5, v6;
	v6 =	vld [tilespmem:s23+$0x0]  }
0x4a0: {  	v11 =	vld [tilespmem:s23+$0xFFFFFC20];
	v5 =	vmin.f32 v5, v8  }
0x4a1: {  	v8 =	vld [tilespmem:s23+$0xFFFFFD10];
	v5 =	vmin.f32 v5, v9  }
0x4a2: {  	v9 =	vld [tilespmem:s23+$0xFFFFFD20];
	v5 =	vmin.f32 v5, v10  }
0x4a3: {  	v10 =	vld [tilespmem:s23+$0xFFFFFE10];
	v5 =	vmin.f32 v5, v7  }
0x4a4: {  	s25 =	sadd.s32 $0x40, s25;
	v7 =	vld [tilespmem:s23+$0xFFFFFE20];
	v5 =	vmin.f32 v5, v6  }
0x4a5: {  	v6 =	vld [tilespmem:s23+$0xFFFFFC10];
	[tilespmem:s25+$0x0] =	vst v5  }
0x4a6: {  	v5 =	vld [tilespmem:s23+$0xFFFFFC30]  }
0x4a7: {  	v8 =	vmin.f32 v8, v9;
	v9 =	vld [tilespmem:s23+$0xFFFFFD30]  }
0x4a8: {  	v12 =	vld [tilespmem:s23+$0xFFFFFE30]  }
0x4a9: {  	v13 =	vld [tilespmem:s23+$0xFFFFFC40];
	v7 =	vmin.f32 v10, v7  }
0x4aa: {  	v6 =	vmin.f32 v6, v11;
	v10 =	vld [tilespmem:s23+$0xFFFFFD40]  }
0x4ab: {  	v5 =	vmin.f32 v6, v5;
	v6 =	vld [tilespmem:s23+$0xFFFFFE40]  }
0x4ac: {  	v11 =	vld [tilespmem:s23+$0xFFFFFC50];
	v8 =	vmin.f32 v8, v9  }
0x4ad: {  	v9 =	vld [tilespmem:s23+$0xFFFFFD50];
	v7 =	vmin.f32 v7, v12  }
0x4ae: {  	v5 =	vmin.f32 v5, v13;
	v12 =	vld [tilespmem:s23+$0xFFFFFE50]  }
0x4af: {  	v13 =	vld [tilespmem:s23+$0xFFFFFC60];
	v8 =	vmin.f32 v8, v10  }
0x4b0: {  	v10 =	vld [tilespmem:s23+$0xFFFFFD60];
	v6 =	vmin.f32 v7, v6  }
0x4b1: {  	v5 =	vmin.f32 v5, v11;
	v7 =	vld [tilespmem:s23+$0xFFFFFE60]  }
0x4b2: {  	v11 =	vld [tilespmem:s23+$0xFFFFFC70];
	v8 =	vmin.f32 v8, v9  }
0x4b3: {  	v9 =	vld [tilespmem:s23+$0xFFFFFD70];
	v6 =	vmin.f32 v6, v12  }
0x4b4: {  	v5 =	vmin.f32 v5, v13;
	v12 =	vld [tilespmem:s23+$0xFFFFFE70]  }
0x4b5: {  	v13 =	vld [tilespmem:s23+$0xFFFFFC80];
	v8 =	vmin.f32 v8, v10  }
0x4b6: {  	v10 =	vld [tilespmem:s23+$0xFFFFFD80];
	v6 =	vmin.f32 v6, v7  }
0x4b7: {  	v5 =	vmin.f32 v5, v11;
	v7 =	vld [tilespmem:s23+$0xFFFFFE80]  }
0x4b8: {  	v11 =	vld [tilespmem:s23+$0xFFFFFC90];
	v8 =	vmin.f32 v8, v9  }
0x4b9: {  	v9 =	vld [tilespmem:s23+$0xFFFFFD90];
	v6 =	vmin.f32 v6, v12  }
0x4ba: {  	v5 =	vmin.f32 v5, v13;
	v12 =	vld [tilespmem:s23+$0xFFFFFE90]  }
0x4bb: {  	v13 =	vld [tilespmem:s23+$0xFFFFFCA0];
	v8 =	vmin.f32 v8, v10  }
0x4bc: {  	v10 =	vld [tilespmem:s23+$0xFFFFFDA0];
	v6 =	vmin.f32 v6, v7  }
0x4bd: {  	v5 =	vmin.f32 v5, v11;
	v7 =	vld [tilespmem:s23+$0xFFFFFEA0]  }
0x4be: {  	v11 =	vld [tilespmem:s23+$0xFFFFFCB0];
	v8 =	vmin.f32 v8, v9  }
0x4bf: {  	v9 =	vld [tilespmem:s23+$0xFFFFFDB0];
	v6 =	vmin.f32 v6, v12  }
0x4c0: {  	v5 =	vmin.f32 v5, v13;
	v12 =	vld [tilespmem:s23+$0xFFFFFEB0]  }
0x4c1: {  	v13 =	vld [tilespmem:s23+$0xFFFFFCC0];
	v8 =	vmin.f32 v8, v10  }
0x4c2: {  	v10 =	vld [tilespmem:s23+$0xFFFFFDC0];
	v6 =	vmin.f32 v6, v7  }
0x4c3: {  	v5 =	vmin.f32 v5, v11;
	v7 =	vld [tilespmem:s23+$0xFFFFFEC0]  }
0x4c4: {  	v11 =	vld [tilespmem:s23+$0xFFFFFCD0];
	v8 =	vmin.f32 v8, v9  }
0x4c5: {  	v9 =	vld [tilespmem:s23+$0xFFFFFDD0];
	v6 =	vmin.f32 v6, v12  }
0x4c6: {  	v5 =	vmin.f32 v5, v13;
	v12 =	vld [tilespmem:s23+$0xFFFFFED0]  }
0x4c7: {  	v13 =	vld [tilespmem:s23+$0xFFFFFCE0];
	v8 =	vmin.f32 v8, v10  }
0x4c8: {  	v10 =	vld [tilespmem:s23+$0xFFFFFDE0];
	v6 =	vmin.f32 v6, v7  }
0x4c9: {  	v7 =	vmin.f32 v5, v11;
	v11 =	vld [tilespmem:s23+$0xFFFFFEE0]  }
0x4ca: {  	v14 =	vld [tilespmem:s23+$0xFFFFFCF0];
	v8 =	vmin.f32 v8, v9  }
.Ltmp8:
0x4cb: {  	v5 =	vld [tilespmem:s23+$0xFFFFFDF0];
	v9 =	vmin.f32 v6, v12;
	(pc) =	sbr.rel @p0 .LBB2_14-.Ltmp8, $4  }
0x4cc: {  	v13 =	vmin.f32 v7, v13;
	v6 =	vld [tilespmem:s23+$0xFFFFFEF0]  }
0x4cd: {  	v7 =	vld [tilespmem:s23+$0xFFFFFD00];
	v12 =	vmin.f32 v8, v10  }
0x4ce: {  	v8 =	vld [tilespmem:s23+$0xFFFFFE00];
	v10 =	vmin.f32 v9, v11  }
0x4cf: {  	v11 =	vmin.f32 v13, v14;
	v9 =	vld [tilespmem:s23+$0xFFFFFF00];
	s23 =	sadd.s32 $0x400, s23  }
0x4d0: {  	_ =	sdelay $0x1  }
0x4d1: {  	v5 =	vmin.f32 v12, v5;
	v7 =	vmin.f32 v11, v7  }
0x4d2: {  	v6 =	vmin.f32 v10, v6;
	[tilespmem:s25+$0xFFFFFFD0] =	vst v7;
	v5 =	vmin.f32 v5, v8  }
0x4d3: {  	[tilespmem:s25+$0xFFFFFFE0] =	vst v5;
	v5 =	vmin.f32 v6, v9  }
0x4d4: {  	[tilespmem:s25+$0xFFFFFFF0] =	vst v5  }
0x4d5: {  	v5 =	vld [tilespmem:$0x15600]  }
0x4d6: {  	v6 =	vld [tilespmem:$0x15610]  }
0x4d7: {  	v7 =	vld [tilespmem:$0x15620]  }
0x4d8: {  	v8 =	vld [tilespmem:$0x15630]  }
0x4d9: {  	v9 =	vld [tilespmem:$0x15640]  }
0x4da: {  	v10 =	vld [tilespmem:$0x15650]  }
0x4db: {  	v5 =	vmin.f32 v5, v6;
	v6 =	vld [tilespmem:$0x15660]  }
0x4dc: {  	v5 =	vmin.f32 v5, v7;
	v7 =	vld [tilespmem:$0x15670]  }
0x4dd: {  	v5 =	vmin.f32 v5, v8;
	v8 =	vld [tilespmem:$0x15680]  }
0x4de: {  	v5 =	vmin.f32 v5, v9;
	v9 =	vld [tilespmem:$0x15690]  }
0x4df: {  	v5 =	vmin.f32 v5, v10;
	v10 =	vld [tilespmem:$0x156A0]  }
0x4e0: {  	v5 =	vmin.f32 v5, v6;
	v6 =	vld [tilespmem:$0x156B0]  }
0x4e1: {  	v5 =	vmin.f32 v5, v7;
	v7 =	vld [tilespmem:$0x156C0]  }
0x4e2: {  	v5 =	vmin.f32 v5, v8;
	v8 =	vld [tilespmem:$0x156D0]  }
0x4e3: {  	v5 =	vmin.f32 v5, v9;
	v9 =	vld [tilespmem:$0x156E0]  }
0x4e4: {  	v5 =	vmin.f32 v5, v10;
	v10 =	vld [tilespmem:$0x156F0]  }
0x4e5: {  	v5 =	vmin.f32 v5, v6  }
0x4e6: {  	v5 =	vmin.f32 v5, v7  }
0x4e7: {  	v5 =	vmin.f32 v5, v8  }
0x4e8: {  	v5 =	vmin.f32 v5, v9  }
0x4e9: {  	v5 =	vmin.f32 v5, v10  }
0x4ea: {  	[tilespmem:$0x19D60] =	vst v5  }
0x4eb: {  	_ =	swait.ge [sflag:s18], $0x3100  }
0x4ec: {  	[sflag:s18] =	ssyncset.done $0x0  }
0x4ed: {  	s3 =	simm.s32 $0x15AF0;
	[sflag:s18] =	ssyncadd.s32 $0xFFFFCF00  }
0x4ee: {  	v5 =	vld [tilespmem:s3+$0xFFFFFF10]  }
0x4ef: {  	v6 =	vld [tilespmem:s3+$0xFFFFFF20]  }
0x4f0: {  	v7 =	vld [tilespmem:s3+$0xFFFFFF30]  }
0x4f1: {  	v8 =	vld [tilespmem:s3+$0xFFFFFF40]  }
0x4f2: {  	v9 =	vld [tilespmem:s3+$0xFFFFFF50]  }
0x4f3: {  	v10 =	vld [tilespmem:s3+$0xFFFFFF60]  }
0x4f4: {  	v11 =	vld [tilespmem:s3+$0xFFFFFF70]  }
0x4f5: {  	v12 =	vld [tilespmem:s3+$0xFFFFFF80]  }
0x4f6: {  	v13 =	vld [tilespmem:s3+$0xFFFFFF90]  }
0x4f7: {  	v14 =	vld [tilespmem:s3+$0xFFFFFFA0]  }
0x4f8: {  	v15 =	vld [tilespmem:s3+$0xFFFFFFB0]  }
0x4f9: {  	v16 =	vld [tilespmem:s3+$0xFFFFFFC0]  }
0x4fa: {  	v17 =	vld [tilespmem:s3+$0xFFFFFFD0]  }
0x4fb: {  	v18 =	vld [tilespmem:s3+$0xFFFFFFE0]  }
0x4fc: {  	v19 =	vld [tilespmem:s3+$0xFFFFFFF0]  }
0x4fd: {  	v20 =	vld [tilespmem:s3+$0x0]  }
0x4fe: {  	v21 =	vld [tilespmem:s3+$0xFFFFFC20]  }
0x4ff: {  	v22 =	vld [tilespmem:s3+$0xFFFFFD10]  }
0x500: {  	v23 =	vld [tilespmem:s3+$0xFFFFFD20]  }
0x501: {  	v24 =	vld [tilespmem:s3+$0xFFFFFE10]  }
0x502: {  	v25 =	vld [tilespmem:s3+$0xFFFFFE20]  }
0x503: {  	v26 =	vld [tilespmem:s3+$0xFFFFFC10]  }
0x504: {  	v27 =	vld [tilespmem:s3+$0xFFFFFC30]  }
0x505: {  	v28 =	vld [tilespmem:s3+$0xFFFFFD30]  }
0x506: {  	v29 =	vld [tilespmem:s3+$0xFFFFFE30]  }
0x507: {  	v30 =	vld [tilespmem:s3+$0xFFFFFC40]  }
0x508: {  	v31 =	vld [tilespmem:s3+$0xFFFFFD40]  }
0x509: {  	v32 =	vld [tilespmem:s3+$0xFFFFFE40]  }
0x50a: {  	v33 =	vld [tilespmem:s3+$0xFFFFFC50]  }
0x50b: {  	v34 =	vld [tilespmem:s3+$0xFFFFFD50]  }
0x50c: {  	v35 =	vld [tilespmem:s3+$0xFFFFFE50]  }
0x50d: {  	v36 =	vld [tilespmem:s3+$0xFFFFFC60]  }
0x50e: {  	v37 =	vld [tilespmem:s3+$0xFFFFFD60]  }
0x50f: {  	v38 =	vld [tilespmem:s3+$0xFFFFFE60]  }
0x510: {  	v39 =	vld [tilespmem:s3+$0xFFFFFC70]  }
0x511: {  	v40 =	vld [tilespmem:s3+$0xFFFFFD70]  }
0x512: {  	v52 =	vld [tilespmem:s3+$0xFFFFFCB0];
	v5 =	vmin.f32 v5, v6  }
0x513: {  	v53 =	vld [tilespmem:s3+$0xFFFFFDB0];
	v5 =	vmin.f32 v5, v7  }
0x514: {  	v54 =	vld [tilespmem:s3+$0xFFFFFEB0];
	v5 =	vmin.f32 v5, v8  }
0x515: {  	v55 =	vld [tilespmem:s3+$0xFFFFFCC0];
	v5 =	vmin.f32 v5, v9  }
0x516: {  	v56 =	vld [tilespmem:s3+$0xFFFFFDC0];
	v5 =	vmin.f32 v5, v10  }
0x517: {  	v58 =	vld [tilespmem:s3+$0xFFFFFEC0];
	v5 =	vmin.f32 v5, v11  }
0x518: {  	v59 =	vld [tilespmem:s3+$0xFFFFFCD0];
	v5 =	vmin.f32 v5, v12  }
0x519: {  	v60 =	vld [tilespmem:s3+$0xFFFFFDD0];
	v5 =	vmin.f32 v5, v13  }
0x51a: {  	v61 =	vld [tilespmem:s3+$0xFFFFFED0];
	v5 =	vmin.f32 v5, v14  }
0x51b: {  	v6 =	vld [tilespmem:s3+$0xFFFFFE70];
	v5 =	vmin.f32 v5, v15  }
0x51c: {  	v7 =	vld [tilespmem:s3+$0xFFFFFC80];
	v5 =	vmin.f32 v5, v16  }
0x51d: {  	v8 =	vld [tilespmem:s3+$0xFFFFFD80];
	v5 =	vmin.f32 v5, v17  }
0x51e: {  	v9 =	vld [tilespmem:s3+$0xFFFFFE80];
	v5 =	vmin.f32 v5, v18  }
0x51f: {  	v10 =	vld [tilespmem:s3+$0xFFFFFC90];
	v5 =	vmin.f32 v5, v19  }
0x520: {  	v11 =	vld [tilespmem:s3+$0xFFFFFD90];
	v20 =	vmin.f32 v5, v20;
	v5 =	vmin.f32 v26, v21  }
0x521: {  	v22 =	vmin.f32 v22, v23;
	v57 =	vmin.f32 v24, v25;
	v12 =	vld [tilespmem:s3+$0xFFFFFE90];
	v5 =	vmin.f32 v5, v27  }
0x522: {  	v22 =	vmin.f32 v22, v28;
	v23 =	vmin.f32 v57, v29;
	v13 =	vld [tilespmem:s3+$0xFFFFFCA0];
	v5 =	vmin.f32 v5, v30  }
0x523: {  	v22 =	vmin.f32 v22, v31;
	v23 =	vmin.f32 v23, v32;
	v14 =	vld [tilespmem:s3+$0xFFFFFDA0];
	v5 =	vmin.f32 v5, v33  }
0x524: {  	v22 =	vmin.f32 v22, v34;
	v23 =	vmin.f32 v23, v35;
	v15 =	vld [tilespmem:s3+$0xFFFFFEA0];
	v5 =	vmin.f32 v5, v36  }
0x525: {  	v62 =	vld [tilespmem:s3+$0xFFFFFCE0];
	v22 =	vmin.f32 v22, v37;
	v23 =	vmin.f32 v23, v38;
	v5 =	vmin.f32 v5, v39  }
0x526: {  	v63 =	vld [tilespmem:s3+$0xFFFFFDE0];
	v22 =	vmin.f32 v22, v40;
	v6 =	vmin.f32 v23, v6;
	v5 =	vmin.f32 v5, v7  }
0x527: {  	v6 =	vmin.f32 v6, v9;
	v9 =	vld [tilespmem:s3+$0xFFFFFEE0];
	v7 =	vmin.f32 v22, v8;
	v5 =	vmin.f32 v5, v10  }
0x528: {  	v6 =	vmin.f32 v6, v12;
	v7 =	vmin.f32 v7, v11;
	v11 =	vld [tilespmem:s3+$0xFFFFFCF0];
	v5 =	vmin.f32 v5, v13  }
0x529: {  	v6 =	vmin.f32 v6, v15;
	v7 =	vmin.f32 v7, v14;
	v8 =	vmin.f32 v5, v52;
	v5 =	vld [tilespmem:s3+$0xFFFFFDF0]  }
0x52a: {  	v10 =	vmin.f32 v6, v54;
	v6 =	vld [tilespmem:s3+$0xFFFFFEF0];
	v7 =	vmin.f32 v7, v53;
	v8 =	vmin.f32 v8, v55  }
0x52b: {  	v10 =	vmin.f32 v10, v58;
	v12 =	vmin.f32 v7, v56;
	v7 =	vld [tilespmem:s3+$0xFFFFFD00];
	v8 =	vmin.f32 v8, v59  }
0x52c: {  	s25 =	simm.s32 $0x19DA0;
	v10 =	vmin.f32 v10, v61;
	v12 =	vmin.f32 v12, v60;
	v13 =	vmin.f32 v8, v62;
	v8 =	vld [tilespmem:s3+$0xFFFFFE00]  }
0x52d: {  	s26 =	simm.s32 $0x157;
	s23 =	simm.s32 $0x15EF0;
	[tilespmem:s25+$0x0] =	vst v20;
	v10 =	vmin.f32 v10, v9;
	v9 =	vld [tilespmem:s3+$0xFFFFFF00];
	v12 =	vmin.f32 v12, v63;
	v11 =	vmin.f32 v13, v11  }
.LBB2_16:
0x52e: {  	v13 =	vld [tilespmem:s23+$0xFFFFFF10];
	v5 =	vmin.f32 v12, v5  }
0x52f: {  	s26 =	sadd.s32 $0x4, s26;
	v12 =	vld [tilespmem:s23+$0xFFFFFF20];
	v6 =	vmin.f32 v10, v6  }
0x530: {  	p0 =	slt.u32 s26, $0x183;
	v10 =	vld [tilespmem:s23+$0xFFFFFF30];
	v7 =	vmin.f32 v11, v7  }
0x531: {  	v11 =	vld [tilespmem:s23+$0xFFFFFF40];
	[tilespmem:s25+$0xFFFFFFD0] =	vst v7;
	v5 =	vmin.f32 v5, v8  }
0x532: {  	v7 =	vld [tilespmem:s23+$0xFFFFFF50];
	[tilespmem:s25+$0xFFFFFFE0] =	vst v5;
	v5 =	vmin.f32 v6, v9  }
0x533: {  	v6 =	vld [tilespmem:s23+$0xFFFFFF60];
	[tilespmem:s25+$0xFFFFFFF0] =	vst v5  }
0x534: {  	v5 =	vmin.f32 v13, v12;
	v8 =	vld [tilespmem:s23+$0xFFFFFF70]  }
0x535: {  	v5 =	vmin.f32 v5, v10;
	v9 =	vld [tilespmem:s23+$0xFFFFFF80]  }
0x536: {  	v5 =	vmin.f32 v5, v11;
	v10 =	vld [tilespmem:s23+$0xFFFFFF90]  }
0x537: {  	v5 =	vmin.f32 v5, v7;
	v7 =	vld [tilespmem:s23+$0xFFFFFFA0]  }
0x538: {  	v5 =	vmin.f32 v5, v6;
	v6 =	vld [tilespmem:s23+$0xFFFFFFB0]  }
0x539: {  	v5 =	vmin.f32 v5, v8;
	v8 =	vld [tilespmem:s23+$0xFFFFFFC0]  }
0x53a: {  	v5 =	vmin.f32 v5, v9;
	v9 =	vld [tilespmem:s23+$0xFFFFFFD0]  }
0x53b: {  	v5 =	vmin.f32 v5, v10;
	v10 =	vld [tilespmem:s23+$0xFFFFFFE0]  }
0x53c: {  	v5 =	vmin.f32 v5, v7;
	v7 =	vld [tilespmem:s23+$0xFFFFFFF0]  }
0x53d: {  	v5 =	vmin.f32 v5, v6;
	v6 =	vld [tilespmem:s23+$0x0]  }
0x53e: {  	v11 =	vld [tilespmem:s23+$0xFFFFFC20];
	v5 =	vmin.f32 v5, v8  }
0x53f: {  	v8 =	vld [tilespmem:s23+$0xFFFFFD10];
	v5 =	vmin.f32 v5, v9  }
0x540: {  	v9 =	vld [tilespmem:s23+$0xFFFFFD20];
	v5 =	vmin.f32 v5, v10  }
0x541: {  	v10 =	vld [tilespmem:s23+$0xFFFFFE10];
	v5 =	vmin.f32 v5, v7  }
0x542: {  	s25 =	sadd.s32 $0x40, s25;
	v7 =	vld [tilespmem:s23+$0xFFFFFE20];
	v5 =	vmin.f32 v5, v6  }
0x543: {  	v6 =	vld [tilespmem:s23+$0xFFFFFC10];
	[tilespmem:s25+$0x0] =	vst v5  }
0x544: {  	v5 =	vld [tilespmem:s23+$0xFFFFFC30]  }
0x545: {  	v8 =	vmin.f32 v8, v9;
	v9 =	vld [tilespmem:s23+$0xFFFFFD30]  }
0x546: {  	v12 =	vld [tilespmem:s23+$0xFFFFFE30]  }
0x547: {  	v13 =	vld [tilespmem:s23+$0xFFFFFC40];
	v7 =	vmin.f32 v10, v7  }
0x548: {  	v6 =	vmin.f32 v6, v11;
	v10 =	vld [tilespmem:s23+$0xFFFFFD40]  }
0x549: {  	v5 =	vmin.f32 v6, v5;
	v6 =	vld [tilespmem:s23+$0xFFFFFE40]  }
0x54a: {  	v11 =	vld [tilespmem:s23+$0xFFFFFC50];
	v8 =	vmin.f32 v8, v9  }
0x54b: {  	v9 =	vld [tilespmem:s23+$0xFFFFFD50];
	v7 =	vmin.f32 v7, v12  }
0x54c: {  	v5 =	vmin.f32 v5, v13;
	v12 =	vld [tilespmem:s23+$0xFFFFFE50]  }
0x54d: {  	v13 =	vld [tilespmem:s23+$0xFFFFFC60];
	v8 =	vmin.f32 v8, v10  }
0x54e: {  	v10 =	vld [tilespmem:s23+$0xFFFFFD60];
	v6 =	vmin.f32 v7, v6  }
0x54f: {  	v5 =	vmin.f32 v5, v11;
	v7 =	vld [tilespmem:s23+$0xFFFFFE60]  }
0x550: {  	v11 =	vld [tilespmem:s23+$0xFFFFFC70];
	v8 =	vmin.f32 v8, v9  }
0x551: {  	v9 =	vld [tilespmem:s23+$0xFFFFFD70];
	v6 =	vmin.f32 v6, v12  }
0x552: {  	v5 =	vmin.f32 v5, v13;
	v12 =	vld [tilespmem:s23+$0xFFFFFE70]  }
0x553: {  	v13 =	vld [tilespmem:s23+$0xFFFFFC80];
	v8 =	vmin.f32 v8, v10  }
0x554: {  	v10 =	vld [tilespmem:s23+$0xFFFFFD80];
	v6 =	vmin.f32 v6, v7  }
0x555: {  	v5 =	vmin.f32 v5, v11;
	v7 =	vld [tilespmem:s23+$0xFFFFFE80]  }
0x556: {  	v11 =	vld [tilespmem:s23+$0xFFFFFC90];
	v8 =	vmin.f32 v8, v9  }
0x557: {  	v9 =	vld [tilespmem:s23+$0xFFFFFD90];
	v6 =	vmin.f32 v6, v12  }
0x558: {  	v5 =	vmin.f32 v5, v13;
	v12 =	vld [tilespmem:s23+$0xFFFFFE90]  }
0x559: {  	v13 =	vld [tilespmem:s23+$0xFFFFFCA0];
	v8 =	vmin.f32 v8, v10  }
0x55a: {  	v10 =	vld [tilespmem:s23+$0xFFFFFDA0];
	v6 =	vmin.f32 v6, v7  }
0x55b: {  	v5 =	vmin.f32 v5, v11;
	v7 =	vld [tilespmem:s23+$0xFFFFFEA0]  }
0x55c: {  	v11 =	vld [tilespmem:s23+$0xFFFFFCB0];
	v8 =	vmin.f32 v8, v9  }
0x55d: {  	v9 =	vld [tilespmem:s23+$0xFFFFFDB0];
	v6 =	vmin.f32 v6, v12  }
0x55e: {  	v5 =	vmin.f32 v5, v13;
	v12 =	vld [tilespmem:s23+$0xFFFFFEB0]  }
0x55f: {  	v13 =	vld [tilespmem:s23+$0xFFFFFCC0];
	v8 =	vmin.f32 v8, v10  }
0x560: {  	v10 =	vld [tilespmem:s23+$0xFFFFFDC0];
	v6 =	vmin.f32 v6, v7  }
0x561: {  	v5 =	vmin.f32 v5, v11;
	v7 =	vld [tilespmem:s23+$0xFFFFFEC0]  }
0x562: {  	v11 =	vld [tilespmem:s23+$0xFFFFFCD0];
	v8 =	vmin.f32 v8, v9  }
0x563: {  	v9 =	vld [tilespmem:s23+$0xFFFFFDD0];
	v6 =	vmin.f32 v6, v12  }
0x564: {  	v5 =	vmin.f32 v5, v13;
	v12 =	vld [tilespmem:s23+$0xFFFFFED0]  }
0x565: {  	v13 =	vld [tilespmem:s23+$0xFFFFFCE0];
	v8 =	vmin.f32 v8, v10  }
0x566: {  	v10 =	vld [tilespmem:s23+$0xFFFFFDE0];
	v6 =	vmin.f32 v6, v7  }
0x567: {  	v7 =	vmin.f32 v5, v11;
	v11 =	vld [tilespmem:s23+$0xFFFFFEE0]  }
0x568: {  	v14 =	vld [tilespmem:s23+$0xFFFFFCF0];
	v8 =	vmin.f32 v8, v9  }
.Ltmp9:
0x569: {  	v5 =	vld [tilespmem:s23+$0xFFFFFDF0];
	v9 =	vmin.f32 v6, v12;
	(pc) =	sbr.rel @p0 .LBB2_16-.Ltmp9, $4  }
0x56a: {  	v13 =	vmin.f32 v7, v13;
	v6 =	vld [tilespmem:s23+$0xFFFFFEF0]  }
0x56b: {  	v7 =	vld [tilespmem:s23+$0xFFFFFD00];
	v12 =	vmin.f32 v8, v10  }
0x56c: {  	v8 =	vld [tilespmem:s23+$0xFFFFFE00];
	v10 =	vmin.f32 v9, v11  }
0x56d: {  	v11 =	vmin.f32 v13, v14;
	v9 =	vld [tilespmem:s23+$0xFFFFFF00];
	s23 =	sadd.s32 $0x400, s23  }
0x56e: {  	_ =	sdelay $0x1  }
0x56f: {  	v5 =	vmin.f32 v12, v5;
	v7 =	vmin.f32 v11, v7  }
0x570: {  	v6 =	vmin.f32 v10, v6;
	[tilespmem:s25+$0xFFFFFFD0] =	vst v7;
	v5 =	vmin.f32 v5, v8  }
0x571: {  	[tilespmem:s25+$0xFFFFFFE0] =	vst v5;
	v5 =	vmin.f32 v6, v9  }
0x572: {  	[tilespmem:s25+$0xFFFFFFF0] =	vst v5  }
0x573: {  	v5 =	vld [tilespmem:$0x18700]  }
0x574: {  	v6 =	vld [tilespmem:$0x18710]  }
0x575: {  	v7 =	vld [tilespmem:$0x18720]  }
0x576: {  	v8 =	vld [tilespmem:$0x18730]  }
0x577: {  	v9 =	vld [tilespmem:$0x18740]  }
0x578: {  	v10 =	vld [tilespmem:$0x18750]  }
0x579: {  	v5 =	vmin.f32 v5, v6;
	v6 =	vld [tilespmem:$0x18760]  }
0x57a: {  	v5 =	vmin.f32 v5, v7;
	v7 =	vld [tilespmem:$0x18770]  }
0x57b: {  	v5 =	vmin.f32 v5, v8;
	v8 =	vld [tilespmem:$0x18780]  }
0x57c: {  	v5 =	vmin.f32 v5, v9;
	v9 =	vld [tilespmem:$0x18790]  }
0x57d: {  	v5 =	vmin.f32 v5, v10;
	v10 =	vld [tilespmem:$0x187A0]  }
0x57e: {  	v5 =	vmin.f32 v5, v6;
	v6 =	vld [tilespmem:$0x187B0]  }
0x57f: {  	v5 =	vmin.f32 v5, v7;
	v7 =	vld [tilespmem:$0x187C0]  }
0x580: {  	v5 =	vmin.f32 v5, v8;
	v8 =	vld [tilespmem:$0x187D0]  }
0x581: {  	v5 =	vmin.f32 v5, v9;
	v9 =	vld [tilespmem:$0x187E0]  }
0x582: {  	v5 =	vmin.f32 v5, v10;
	v10 =	vld [tilespmem:$0x187F0]  }
0x583: {  	v5 =	vmin.f32 v5, v6  }
0x584: {  	v5 =	vmin.f32 v5, v7  }
0x585: {  	v5 =	vmin.f32 v5, v8  }
0x586: {  	v5 =	vmin.f32 v5, v9  }
0x587: {  	v5 =	vmin.f32 v5, v10  }
0x588: {  	[tilespmem:$0x1A070] =	vst v5  }
0x589: {  	_ =	strace $0x90000048;
	[tilespmem:$0x1A080] =	vst v1  }
0x58a: {  	[tilespmem:$0x1A090] =	vst v1  }
0x58b: {  	[tilespmem:$0x1A0A0] =	vst v1  }
0x58c: {  	[tilespmem:$0x1A0B0] =	vst v1  }
0x58d: {  	[tilespmem:$0x1A0C0] =	vst v1  }
0x58e: {  	[tilespmem:$0x1A0D0] =	vst v1  }
0x58f: {  	[tilespmem:$0x1A0E0] =	vst v1  }
0x590: {  	s3 =	simm.s32 $0x18A00;
	[tilespmem:$0x1A0F0] =	vst v1  }
0x591: {  	v5 =	vld [tilespmem:s3+$0x100]  }
0x592: {  	v6 =	vld [tilespmem:s3+$0x110]  }
0x593: {  	v7 =	vld [tilespmem:s3+$0x120]  }
0x594: {  	v8 =	vld [tilespmem:s3+$0x130]  }
0x595: {  	v9 =	vld [tilespmem:s3+$0x140]  }
0x596: {  	v10 =	vld [tilespmem:s3+$0x150]  }
0x597: {  	v11 =	vld [tilespmem:s3+$0x160]  }
0x598: {  	v12 =	vld [tilespmem:s3+$0x170]  }
0x599: {  	v13 =	vld [tilespmem:s3+$0x180]  }
0x59a: {  	v14 =	vld [tilespmem:s3+$0x190]  }
0x59b: {  	v15 =	vld [tilespmem:s3+$0x1A0]  }
0x59c: {  	v16 =	vld [tilespmem:s3+$0x1B0]  }
0x59d: {  	v17 =	vld [tilespmem:s3+$0x1C0]  }
0x59e: {  	v18 =	vld [tilespmem:s3+$0x1D0]  }
0x59f: {  	v19 =	vld [tilespmem:s3+$0x1E0]  }
0x5a0: {  	v20 =	vld [tilespmem:s3+$0x1F0]  }
0x5a1: {  	v21 =	vld [tilespmem:s3+$0xFFFFFE10]  }
0x5a2: {  	v22 =	vld [tilespmem:s3+$0xFFFFFF00]  }
0x5a3: {  	v23 =	vld [tilespmem:s3+$0xFFFFFF10]  }
0x5a4: {  	v24 =	vld [tilespmem:s3+$0x0]  }
0x5a5: {  	v25 =	vld [tilespmem:s3+$0x10]  }
0x5a6: {  	v26 =	vld [tilespmem:s3+$0xFFFFFE00]  }
0x5a7: {  	v27 =	vld [tilespmem:s3+$0xFFFFFE20]  }
0x5a8: {  	v28 =	vld [tilespmem:s3+$0xFFFFFF20]  }
0x5a9: {  	v29 =	vld [tilespmem:s3+$0x20]  }
0x5aa: {  	v30 =	vld [tilespmem:s3+$0xFFFFFE30]  }
0x5ab: {  	v31 =	vld [tilespmem:s3+$0xFFFFFF30]  }
0x5ac: {  	v32 =	vld [tilespmem:s3+$0x30]  }
0x5ad: {  	v33 =	vld [tilespmem:s3+$0xFFFFFE40]  }
0x5ae: {  	v34 =	vld [tilespmem:s3+$0xFFFFFF40]  }
0x5af: {  	v35 =	vld [tilespmem:s3+$0x40]  }
0x5b0: {  	v36 =	vld [tilespmem:s3+$0xFFFFFE50]  }
0x5b1: {  	v37 =	vld [tilespmem:s3+$0xFFFFFF50]  }
0x5b2: {  	v38 =	vld [tilespmem:s3+$0x50]  }
0x5b3: {  	v39 =	vld [tilespmem:s3+$0xFFFFFE60]  }
0x5b4: {  	v40 =	vld [tilespmem:s3+$0xFFFFFF60]  }
0x5b5: {  	v52 =	vld [tilespmem:s3+$0xFFFFFEA0];
	v5 =	vmin.f32 v5, v6  }
0x5b6: {  	v53 =	vld [tilespmem:s3+$0xFFFFFFA0];
	v5 =	vmin.f32 v5, v7  }
0x5b7: {  	v54 =	vld [tilespmem:s3+$0xA0];
	v5 =	vmin.f32 v5, v8  }
0x5b8: {  	v55 =	vld [tilespmem:s3+$0xFFFFFEB0];
	v5 =	vmin.f32 v5, v9  }
0x5b9: {  	v56 =	vld [tilespmem:s3+$0xFFFFFFB0];
	v5 =	vmin.f32 v5, v10  }
0x5ba: {  	v58 =	vld [tilespmem:s3+$0xB0];
	v5 =	vmin.f32 v5, v11  }
0x5bb: {  	v59 =	vld [tilespmem:s3+$0xFFFFFEC0];
	v5 =	vmin.f32 v5, v12  }
0x5bc: {  	v60 =	vld [tilespmem:s3+$0xFFFFFFC0];
	v5 =	vmin.f32 v5, v13  }
0x5bd: {  	v61 =	vld [tilespmem:s3+$0xC0];
	v5 =	vmin.f32 v5, v14  }
0x5be: {  	v6 =	vld [tilespmem:s3+$0x60];
	v5 =	vmin.f32 v5, v15  }
0x5bf: {  	v7 =	vld [tilespmem:s3+$0xFFFFFE70];
	v5 =	vmin.f32 v5, v16  }
0x5c0: {  	v8 =	vld [tilespmem:s3+$0xFFFFFF70];
	v5 =	vmin.f32 v5, v17  }
0x5c1: {  	v9 =	vld [tilespmem:s3+$0x70];
	v5 =	vmin.f32 v5, v18  }
0x5c2: {  	v10 =	vld [tilespmem:s3+$0xFFFFFE80];
	v5 =	vmin.f32 v5, v19  }
0x5c3: {  	v11 =	vld [tilespmem:s3+$0xFFFFFF80];
	v20 =	vmin.f32 v5, v20;
	v5 =	vmin.f32 v26, v21  }
0x5c4: {  	v22 =	vmin.f32 v22, v23;
	v57 =	vmin.f32 v24, v25;
	v12 =	vld [tilespmem:s3+$0x80];
	v5 =	vmin.f32 v5, v27  }
0x5c5: {  	v22 =	vmin.f32 v22, v28;
	v23 =	vmin.f32 v57, v29;
	v13 =	vld [tilespmem:s3+$0xFFFFFE90];
	v5 =	vmin.f32 v5, v30  }
0x5c6: {  	v22 =	vmin.f32 v22, v31;
	v23 =	vmin.f32 v23, v32;
	v14 =	vld [tilespmem:s3+$0xFFFFFF90];
	v5 =	vmin.f32 v5, v33  }
0x5c7: {  	v22 =	vmin.f32 v22, v34;
	v23 =	vmin.f32 v23, v35;
	v15 =	vld [tilespmem:s3+$0x90];
	v5 =	vmin.f32 v5, v36  }
0x5c8: {  	v62 =	vld [tilespmem:s3+$0xFFFFFED0];
	v22 =	vmin.f32 v22, v37;
	v23 =	vmin.f32 v23, v38;
	v5 =	vmin.f32 v5, v39  }
0x5c9: {  	v63 =	vld [tilespmem:s3+$0xFFFFFFD0];
	v22 =	vmin.f32 v22, v40;
	v6 =	vmin.f32 v23, v6;
	v5 =	vmin.f32 v5, v7  }
0x5ca: {  	v6 =	vmin.f32 v6, v9;
	v9 =	vld [tilespmem:s3+$0xD0];
	v7 =	vmin.f32 v22, v8;
	v5 =	vmin.f32 v5, v10  }
0x5cb: {  	v6 =	vmin.f32 v6, v12;
	v7 =	vmin.f32 v7, v11;
	v11 =	vld [tilespmem:s3+$0xFFFFFEE0];
	v5 =	vmin.f32 v5, v13  }
0x5cc: {  	v6 =	vmin.f32 v6, v15;
	v7 =	vmin.f32 v7, v14;
	v8 =	vmin.f32 v5, v52;
	v5 =	vld [tilespmem:s3+$0xFFFFFFE0]  }
0x5cd: {  	v10 =	vmin.f32 v6, v54;
	v6 =	vld [tilespmem:s3+$0xE0];
	v7 =	vmin.f32 v7, v53;
	v8 =	vmin.f32 v8, v55  }
0x5ce: {  	v10 =	vmin.f32 v10, v58;
	v12 =	vmin.f32 v7, v56;
	v7 =	vld [tilespmem:s3+$0xFFFFFEF0];
	v8 =	vmin.f32 v8, v59  }
0x5cf: {  	s25 =	simm.s32 $0x1A120;
	v10 =	vmin.f32 v10, v61;
	v12 =	vmin.f32 v12, v60;
	v13 =	vmin.f32 v8, v62;
	v8 =	vld [tilespmem:s3+$0xFFFFFFF0]  }
0x5d0: {  	s26 =	simm.s32 $0x0;
	s23 =	simm.s32 $0x18E00;
	[tilespmem:s25+$0x10] =	vst v20;
	v10 =	vmin.f32 v10, v9;
	v9 =	vld [tilespmem:s3+$0xF0];
	v12 =	vmin.f32 v12, v63;
	v11 =	vmin.f32 v13, v11  }
.LBB2_18:
0x5d1: {  	v13 =	vld [tilespmem:s23+$0x100];
	v5 =	vmin.f32 v12, v5  }
0x5d2: {  	s26 =	sadd.s32 $0x4, s26;
	v12 =	vld [tilespmem:s23+$0x110];
	v6 =	vmin.f32 v10, v6  }
0x5d3: {  	p0 =	slt.u32 s26, $0x14;
	v10 =	vld [tilespmem:s23+$0x120];
	v7 =	vmin.f32 v11, v7  }
0x5d4: {  	v11 =	vld [tilespmem:s23+$0x130];
	[tilespmem:s25+$0xFFFFFFE0] =	vst v7;
	v5 =	vmin.f32 v5, v8  }
0x5d5: {  	v7 =	vld [tilespmem:s23+$0x140];
	[tilespmem:s25+$0xFFFFFFF0] =	vst v5;
	v5 =	vmin.f32 v6, v9  }
0x5d6: {  	v6 =	vld [tilespmem:s23+$0x150];
	[tilespmem:s25+$0x0] =	vst v5  }
0x5d7: {  	v5 =	vmin.f32 v13, v12;
	v8 =	vld [tilespmem:s23+$0x160]  }
0x5d8: {  	v5 =	vmin.f32 v5, v10;
	v9 =	vld [tilespmem:s23+$0x170]  }
0x5d9: {  	v5 =	vmin.f32 v5, v11;
	v10 =	vld [tilespmem:s23+$0x180]  }
0x5da: {  	v5 =	vmin.f32 v5, v7;
	v7 =	vld [tilespmem:s23+$0x190]  }
0x5db: {  	v5 =	vmin.f32 v5, v6;
	v6 =	vld [tilespmem:s23+$0x1A0]  }
0x5dc: {  	v5 =	vmin.f32 v5, v8;
	v8 =	vld [tilespmem:s23+$0x1B0]  }
0x5dd: {  	v5 =	vmin.f32 v5, v9;
	v9 =	vld [tilespmem:s23+$0x1C0]  }
0x5de: {  	v5 =	vmin.f32 v5, v10;
	v10 =	vld [tilespmem:s23+$0x1D0]  }
0x5df: {  	v5 =	vmin.f32 v5, v7;
	v7 =	vld [tilespmem:s23+$0x1E0]  }
0x5e0: {  	v5 =	vmin.f32 v5, v6;
	v6 =	vld [tilespmem:s23+$0x1F0]  }
0x5e1: {  	v11 =	vld [tilespmem:s23+$0xFFFFFE10];
	v5 =	vmin.f32 v5, v8  }
0x5e2: {  	v8 =	vld [tilespmem:s23+$0xFFFFFF00];
	v5 =	vmin.f32 v5, v9  }
0x5e3: {  	v9 =	vld [tilespmem:s23+$0xFFFFFF10];
	v5 =	vmin.f32 v5, v10  }
0x5e4: {  	v10 =	vld [tilespmem:s23+$0x0];
	v5 =	vmin.f32 v5, v7  }
0x5e5: {  	s25 =	sadd.s32 $0x40, s25;
	v7 =	vld [tilespmem:s23+$0x10];
	v5 =	vmin.f32 v5, v6  }
0x5e6: {  	v6 =	vld [tilespmem:s23+$0xFFFFFE00];
	[tilespmem:s25+$0x10] =	vst v5  }
0x5e7: {  	v5 =	vld [tilespmem:s23+$0xFFFFFE20]  }
0x5e8: {  	v8 =	vmin.f32 v8, v9;
	v9 =	vld [tilespmem:s23+$0xFFFFFF20]  }
0x5e9: {  	v12 =	vld [tilespmem:s23+$0x20]  }
0x5ea: {  	v13 =	vld [tilespmem:s23+$0xFFFFFE30];
	v7 =	vmin.f32 v10, v7  }
0x5eb: {  	v6 =	vmin.f32 v6, v11;
	v10 =	vld [tilespmem:s23+$0xFFFFFF30]  }
0x5ec: {  	v5 =	vmin.f32 v6, v5;
	v6 =	vld [tilespmem:s23+$0x30]  }
0x5ed: {  	v11 =	vld [tilespmem:s23+$0xFFFFFE40];
	v8 =	vmin.f32 v8, v9  }
0x5ee: {  	v9 =	vld [tilespmem:s23+$0xFFFFFF40];
	v7 =	vmin.f32 v7, v12  }
0x5ef: {  	v5 =	vmin.f32 v5, v13;
	v12 =	vld [tilespmem:s23+$0x40]  }
0x5f0: {  	v13 =	vld [tilespmem:s23+$0xFFFFFE50];
	v8 =	vmin.f32 v8, v10  }
0x5f1: {  	v10 =	vld [tilespmem:s23+$0xFFFFFF50];
	v6 =	vmin.f32 v7, v6  }
0x5f2: {  	v5 =	vmin.f32 v5, v11;
	v7 =	vld [tilespmem:s23+$0x50]  }
0x5f3: {  	v11 =	vld [tilespmem:s23+$0xFFFFFE60];
	v8 =	vmin.f32 v8, v9  }
0x5f4: {  	v9 =	vld [tilespmem:s23+$0xFFFFFF60];
	v6 =	vmin.f32 v6, v12  }
0x5f5: {  	v5 =	vmin.f32 v5, v13;
	v12 =	vld [tilespmem:s23+$0x60]  }
0x5f6: {  	v13 =	vld [tilespmem:s23+$0xFFFFFE70];
	v8 =	vmin.f32 v8, v10  }
0x5f7: {  	v10 =	vld [tilespmem:s23+$0xFFFFFF70];
	v6 =	vmin.f32 v6, v7  }
0x5f8: {  	v5 =	vmin.f32 v5, v11;
	v7 =	vld [tilespmem:s23+$0x70]  }
0x5f9: {  	v11 =	vld [tilespmem:s23+$0xFFFFFE80];
	v8 =	vmin.f32 v8, v9  }
0x5fa: {  	v9 =	vld [tilespmem:s23+$0xFFFFFF80];
	v6 =	vmin.f32 v6, v12  }
0x5fb: {  	v5 =	vmin.f32 v5, v13;
	v12 =	vld [tilespmem:s23+$0x80]  }
0x5fc: {  	v13 =	vld [tilespmem:s23+$0xFFFFFE90];
	v8 =	vmin.f32 v8, v10  }
0x5fd: {  	v10 =	vld [tilespmem:s23+$0xFFFFFF90];
	v6 =	vmin.f32 v6, v7  }
0x5fe: {  	v5 =	vmin.f32 v5, v11;
	v7 =	vld [tilespmem:s23+$0x90]  }
0x5ff: {  	v11 =	vld [tilespmem:s23+$0xFFFFFEA0];
	v8 =	vmin.f32 v8, v9  }
0x600: {  	v9 =	vld [tilespmem:s23+$0xFFFFFFA0];
	v6 =	vmin.f32 v6, v12  }
0x601: {  	v5 =	vmin.f32 v5, v13;
	v12 =	vld [tilespmem:s23+$0xA0]  }
0x602: {  	v13 =	vld [tilespmem:s23+$0xFFFFFEB0];
	v8 =	vmin.f32 v8, v10  }
0x603: {  	v10 =	vld [tilespmem:s23+$0xFFFFFFB0];
	v6 =	vmin.f32 v6, v7  }
0x604: {  	v5 =	vmin.f32 v5, v11;
	v7 =	vld [tilespmem:s23+$0xB0]  }
0x605: {  	v11 =	vld [tilespmem:s23+$0xFFFFFEC0];
	v8 =	vmin.f32 v8, v9  }
0x606: {  	v9 =	vld [tilespmem:s23+$0xFFFFFFC0];
	v6 =	vmin.f32 v6, v12  }
0x607: {  	v5 =	vmin.f32 v5, v13;
	v12 =	vld [tilespmem:s23+$0xC0]  }
0x608: {  	v13 =	vld [tilespmem:s23+$0xFFFFFED0];
	v8 =	vmin.f32 v8, v10  }
0x609: {  	v10 =	vld [tilespmem:s23+$0xFFFFFFD0];
	v6 =	vmin.f32 v6, v7  }
0x60a: {  	v7 =	vmin.f32 v5, v11;
	v11 =	vld [tilespmem:s23+$0xD0]  }
0x60b: {  	v14 =	vld [tilespmem:s23+$0xFFFFFEE0];
	v8 =	vmin.f32 v8, v9  }
.Ltmp10:
0x60c: {  	v5 =	vld [tilespmem:s23+$0xFFFFFFE0];
	v9 =	vmin.f32 v6, v12;
	(pc) =	sbr.rel @p0 .LBB2_18-.Ltmp10, $4  }
0x60d: {  	v13 =	vmin.f32 v7, v13;
	v6 =	vld [tilespmem:s23+$0xE0]  }
0x60e: {  	v7 =	vld [tilespmem:s23+$0xFFFFFEF0];
	v12 =	vmin.f32 v8, v10  }
0x60f: {  	v8 =	vld [tilespmem:s23+$0xFFFFFFF0];
	v10 =	vmin.f32 v9, v11  }
0x610: {  	v11 =	vmin.f32 v13, v14;
	v9 =	vld [tilespmem:s23+$0xF0];
	s23 =	sadd.s32 $0x400, s23  }
0x611: {  	_ =	sdelay $0x1  }
0x612: {  	v5 =	vmin.f32 v12, v5;
	v7 =	vmin.f32 v11, v7  }
0x613: {  	v6 =	vmin.f32 v10, v6;
	[tilespmem:s25+$0xFFFFFFE0] =	vst v7;
	v5 =	vmin.f32 v5, v8  }
0x614: {  	[tilespmem:s25+$0xFFFFFFF0] =	vst v5;
	v5 =	vmin.f32 v6, v9  }
0x615: {  	[tilespmem:s25+$0x0] =	vst v5  }
0x616: {  	v5 =	vld [tilespmem:$0x1A000]  }
0x617: {  	v39 =	vld [tilespmem:$0x1A010]  }
0x618: {  	v7 =	vld [tilespmem:$0x1A020]  }
0x619: {  	v40 =	vld [tilespmem:$0x1A030]  }
0x61a: {  	v41 =	vld [tilespmem:$0x1A040]  }
0x61b: {  	v42 =	vld [tilespmem:$0x1A050]  }
0x61c: {  	v43 =	vld [tilespmem:$0x1A060]  }
0x61d: {  	v44 =	vld [tilespmem:$0x1A070]  }
0x61e: {  	v13 =	vld [tilespmem:$0x1A080]  }
0x61f: {  	v14 =	vld [tilespmem:$0x1A090]  }
0x620: {  	v15 =	vld [tilespmem:$0x1A0A0]  }
0x621: {  	v16 =	vld [tilespmem:$0x1A0B0]  }
0x622: {  	v17 =	vld [tilespmem:$0x1A0C0]  }
0x623: {  	v18 =	vld [tilespmem:$0x1A0D0]  }
0x624: {  	v19 =	vld [tilespmem:$0x1A0E0]  }
0x625: {  	v20 =	vld [tilespmem:$0x1A0F0]  }
0x626: {  	v21 =	vld [tilespmem:$0x1A100]  }
0x627: {  	v22 =	vld [tilespmem:$0x1A110]  }
0x628: {  	v23 =	vld [tilespmem:$0x1A120]  }
0x629: {  	v24 =	vld [tilespmem:$0x1A130]  }
0x62a: {  	v25 =	vld [tilespmem:$0x1A140]  }
0x62b: {  	v26 =	vld [tilespmem:$0x1A150]  }
0x62c: {  	v45 =	vld [tilespmem:$0x1A160];
	v5 =	vmin.f32 v5, v39  }
0x62d: {  	v46 =	vld [tilespmem:$0x1A170];
	v5 =	vmin.f32 v5, v7  }
0x62e: {  	v47 =	vld [tilespmem:$0x1A180];
	v5 =	vmin.f32 v5, v40  }
0x62f: {  	(v2sf) =	vpush v4, $0x0;
	v48 =	vld [tilespmem:$0x1A190];
	v5 =	vmin.f32 v5, v41  }
0x630: {  	v49 =	vld [tilespmem:$0x1A1A0];
	v5 =	vmin.f32 v5, v42  }
0x631: {  	v50 =	vld [tilespmem:$0x1A1B0];
	v5 =	vmin.f32 v5, v43  }
0x632: {  	v51 =	vld [tilespmem:$0x1A1C0];
	v5 =	vmin.f32 v5, v44  }
0x633: {  	v54 =	vld [tilespmem:$0x1A200];
	v5 =	vmin.f32 v5, v13  }
0x634: {  	v55 =	vld [tilespmem:$0x1A210];
	v4 =	vmin.f32 v5, v14;
	v5 =	vmin.f32 v21, v22  }
0x635: {  	v56 =	vld [tilespmem:$0x1A220];
	v5 =	vmin.f32 v5, v23  }
0x636: {  	v57 =	vld [tilespmem:$0x1A230];
	v5 =	vmin.f32 v5, v24  }
0x637: {  	v58 =	vld [tilespmem:$0x1A240];
	v5 =	vmin.f32 v5, v25  }
0x638: {  	v59 =	vld [tilespmem:$0x1A250];
	v5 =	vmin.f32 v5, v26  }
0x639: {  	v61 =	vld [tilespmem:$0x1A260];
	v60 =	vmin.f32 v54, v55;
	v5 =	vmin.f32 v5, v45  }
0x63a: {  	[tilespmem:$0x1A290] =	vst v1;
	v62 =	vld [tilespmem:$0x1A270];
	v8 =	vmin.f32 v60, v56;
	v4 =	vmin.f32 v4, v15;
	v5 =	vmin.f32 v5, v46  }
0x63b: {  	v52 =	vld [tilespmem:$0x1A1D0];
	[tilespmem:$0x1A2A0] =	vst v1;
	v8 =	vmin.f32 v8, v57;
	v4 =	vmin.f32 v4, v16;
	v5 =	vmin.f32 v5, v47  }
0x63c: {  	v53 =	vld [tilespmem:$0x1A1E0];
	[tilespmem:$0x1A2B0] =	vst v1;
	v6 =	vmin.f32 v8, v58;
	v4 =	vmin.f32 v4, v17;
	v5 =	vmin.f32 v5, v48  }
0x63d: {  	v63 =	vld [tilespmem:$0x1A1F0];
	[tilespmem:$0x1A2C0] =	vst v1;
	v6 =	vmin.f32 v6, v59;
	v4 =	vmin.f32 v4, v18;
	v5 =	vmin.f32 v5, v49  }
0x63e: {  	[tilespmem:$0x1A2D0] =	vst v1;
	s26 =	spop (v2sf);
	v6 =	vmin.f32 v6, v61;
	v4 =	vmin.f32 v4, v19;
	v5 =	vmin.f32 v5, v50  }
0x63f: {  	[tilespmem:$0x1A2E0] =	vst v1;
	p0 =	slt.s32 s26, $0x1;
	v6 =	vmin.f32 v6, v62;
	v4 =	vmin.f32 v4, v20;
	v5 =	vmin.f32 v5, v51  }
.Ltmp11:
0x640: {  	[tilespmem:$0x1A280] =	vst v4;
	v4 =	vmin.f32 v6, v4;
	v5 =	vmin.f32 v5, v52;
	(pc) =	sbr.rel @p0 .LBB2_20-.Ltmp11, $4  }
0x641: {  	[tilespmem:$0x1A2F0] =	vst v1;
	v4 =	vmin.f32 v4, $3.000000010e+38;
	v5 =	vmin.f32 v5, v53  }
0x642: {  	[tilespmem:$0x1A310] =	vst v4;
	v5 =	vmin.f32 v5, v63  }
0x643: {  	[tilespmem:$0x1A300] =	vst v5  }
0x644: {  	_ =	strace $0x80000049  }
0x645: {  	s23 =	simm.s32 $0x0;
	s3 =	simm.s32 $0x1A3A0  }
.LBB2_22:
0x646: {  	v4 =	vld [tilespmem:$0x1A300]  }
0x647: {  	v5 =	vld [tilespmem:$0x1A310];
	_ =	sdelay $0x3  }
0x648: {  	(xrf0) =	vmin.scan.msk.f32 $0xffff, v4  }
0x649: {  	(xrf0) =	vmin.scan.msk.f32 $0xffff, v5;
	_ =	sdelay $0x4  }
0x64a: {  	v6, _, _ =	vpop (xrf0)  }
0x64b: {  	(v2sf) =	vpush v6, $0xF;
	v53, _, _ =	vpop (xrf0)  }
0x64c: {  	(v2sf) =	vpush v53, $0xF;
	_ =	sdelay $0xd  }
0x64d: {  	s4 =	spop (v2sf)  }
0x64e: {  	s5 =	spop (v2sf)  }
0x64f: {  	p1 =	sle.f32 s4, s5;
	_ =	sdelay $0x1  }
0x650: {  	s25 =	smin.f32 s4, s5;
	v4 =	vpsel p1, v4, v5  }
0x651: {  	vm0 =	veq.f32 v4, s25  }
0x652: {  	v4 =	vmctz.xlane vm0;
	_ =	sdelay $0x1  }
0x653: {  	(v2sf) =	vpush v4, $0x0;
	_ =	sdelay $0xd  }
0x654: {  	s5 =	simm.s32 $0x0  }
0x655: {  	s5 =	simm.s32 @!p1 $0x100;
	s4 =	spop (v2sf)  }
0x656: {  	s5 =	sadd.s32 s4, s5  }
0x657: {  	v4 =	vadd.s32 s5, v3;
	_ =	sdelay $0x4  }
0x658: {  	v4 =	vld.idx.msk [tilespmem:v4+s19+$0x0], $0xffff;
	_ =	sdelay $0x4  }
0x659: {  	vm8 =	veq.f32 v4, s25  }
0x65a: {  	v5 =	vmctz.xlane vm8;
	_ =	sdelay $0x1  }
0x65b: {  	(v2sf) =	vpush v5, $0x0;
	_ =	sdelay $0xe  }
0x65c: {  	s6 =	spop (v2sf)  }
0x65d: {  	s6 =	sshll.u32 s6, $0x4  }
0x65e: {  	s5 =	sadd.s32 s6, s5  }
0x65f: {  	s6 =	sshra.s32 s5, $0x1F  }
0x660: {  	s6 =	sshrl.u32 s6, $0x1C  }
0x661: {  	s6 =	sadd.s32 s6, s5  }
0x662: {  	s7 =	sand.u32 $0xFFFFFFF0, s6  }
0x663: {  	p2 =	slt.s32 s5, $0x1;
	p3 =	sne.s32 s5, s7  }
0x664: {  	p2 =	por !p2, !p3  }
0x665: {  	s7 =	simm.s32 $0x1;
	p2 =	por !p2, !p2  }
0x666: {  	s6 =	sshrl.u32 s6, $0x4;
	s7 =	simm.s32 @!p2 $0x0  }
0x667: {  	s6 =	ssub.s32 s6, s7  }
0x668: {  	s8 =	sand.u32 $0xF, s5;
	s6 =	sshll.u32 s6, $0x8  }
0x669: {  	s6 =	sor.u32 s8, s6  }
0x66a: {  	v54 =	vor.u32 s6, v3;
	_ =	sdelay $0x4  }
0x66b: {  	v6 =	vld.idx.msk [tilespmem:v54+s21+$0x0], $0xffff;
	_ =	sdelay $0x4  }
0x66c: {  	vm9 =	veq.f32 v6, s25  }
0x66d: {  	v7 =	vmctz.xlane vm9;
	_ =	sdelay $0x1  }
0x66e: {  	(v2sf) =	vpush v7, $0x0;
	_ =	sdelay $0xe  }
0x66f: {  	s9 =	spop (v2sf)  }
0x670: {  	s7 =	sshll.u32 s9, $0x4  }
0x671: {  	s6 =	sadd.s32 s7, s6  }
0x672: {  	s7 =	sshra.s32 s6, $0x1F  }
0x673: {  	s7 =	sshrl.u32 s7, $0x1C  }
0x674: {  	s7 =	sadd.s32 s7, s6  }
0x675: {  	s8 =	sand.u32 $0xFFFFFFF0, s7  }
0x676: {  	p3 =	slt.s32 s6, $0x1;
	p4 =	sne.s32 s6, s8  }
0x677: {  	p2 =	por !p3, !p4  }
0x678: {  	s8 =	simm.s32 $0x1;
	p2 =	por !p2, !p2  }
0x679: {  	s7 =	sshrl.u32 s7, $0x4;
	s8 =	simm.s32 @!p2 $0x0  }
0x67a: {  	s7 =	ssub.s32 s7, s8  }
0x67b: {  	s10 =	sand.u32 $0xF, s6;
	s7 =	sshll.u32 s7, $0x8  }
0x67c: {  	s7 =	sor.u32 s10, s7  }
0x67d: {  	v8 =	vmov s7  }
0x67e: {  	v8 =	vbroadcast v8, $0x0;
	_ =	sdelay $0x1  }
0x67f: {  	v9 =	vshra.s32 v8, $0x1F  }
0x680: {  	v8 =	vor.u32 v3, v8;
	v10 =	vshrl.u32 v9, $0x19  }
0x681: {  	vm10 =	vgt.s32 v8, $0x0;
	v10 =	vadd.s32 v10, v8  }
0x682: {  	v11 =	vsel vm10, $0x1, v2;
	v10 =	vshra.s32 v10, $0x7  }
0x683: {  	v9 =	vadd.s32 v11, v9;
	v55 =	vshll.u32 v10, $0x7  }
0x684: {  	vm11 =	vne.s32 v9, $0x1;
	vm1 =	vne.s32 v8, v55  }
0x685: {  	vm0 =	vmand vm1, vm11  }
0x686: {  	v56 =	vsel vm0, $0xFFFFFFFF, v2  }
0x687: {  	v9 =	vadd.s32 v56, v10  }
0x688: {  	v8 =	vand.u32 $0x7F, v8;
	v9 =	vshll.u32 v9, $0x7  }
0x689: {  	v8 =	vor.u32 v8, v9;
	_ =	sdelay $0x4  }
0x68a: {  	v8 =	vld.idx.msk [tilespmem:v8+s2+$0x0], $0xffff;
	_ =	sdelay $0x4  }
0x68b: {  	vm12 =	veq.f32 v8, s25  }
0x68c: {  	v57 =	vmctz.xlane vm12;
	_ =	sdelay $0x1  }
0x68d: {  	(v2sf) =	vpush v57, $0x0;
	_ =	sdelay $0x2  }
0x68e: {  	v9 =	vbroadcast v57, $0x0;
	_ =	sdelay $0x1  }
0x68f: {  	vm13 =	veq.s32 v9, v0  }
0x690: {  	v8 =	vsel vm13, $0x7F61B1E6, v8  }
0x691: {  	(xrf0) =	vmin.scan.msk.f32 $0xffff, v8;
	_ =	sdelay $0x5  }
0x692: {  	v7 =	vbroadcast v7, $0x0;
	v8, _, _ =	vpop (xrf0)  }
0x693: {  	v8 =	vbroadcast v8, $0xF  }
0x694: {  	vm14 =	veq.s32 v7, v0;
	s11 =	spop (v2sf)  }
0x695: {  	v6 =	vsel vm14, v8, v6;
	s8 =	sshll.u32 s11, $0x4  }
0x696: {  	(xrf0) =	vmin.scan.msk.f32 $0xffff, v6;
	s7 =	sadd.s32 s8, s7  }
0x697: {  	s8 =	sshra.s32 s7, $0x1F  }
0x698: {  	s8 =	sshrl.u32 s8, $0x19  }
0x699: {  	s8 =	sadd.s32 s8, s7  }
0x69a: {  	s9 =	sand.u32 $0xFFFFFF80, s8  }
0x69b: {  	p5 =	slt.s32 s7, $0x1;
	p6 =	sne.s32 s7, s9  }
0x69c: {  	v5 =	vbroadcast v5, $0x0;
	v6, _, _ =	vpop (xrf0);
	p2 =	por !p5, !p6  }
0x69d: {  	s10 =	simm.s32 $0x1;
	v6 =	vbroadcast v6, $0xF;
	p2 =	por !p2, !p2  }
0x69e: {  	vm15 =	veq.s32 v5, v0;
	s8 =	sshrl.u32 s8, $0x7;
	s9 =	ssub.s32 s7, s9;
	s10 =	simm.s32 @!p2 $0x0  }
0x69f: {  	v58 =	vmov s23;
	v5 =	vmov s9;
	v4 =	vsel vm15, v6, v4;
	s8 =	ssub.s32 s8, s10  }
0x6a0: {  	v5 =	vand.u32 $0x7F, v5;
	(xrf0) =	vmin.scan.msk.f32 $0xffff, v4;
	s8 =	sshll.u32 s8, $0x7  }
0x6a1: {  	s11 =	simm.s32 $0x0;
	v4 =	vor.u32 s8, v5;
	v5 =	vmov s25  }
0x6a2: {  	s23 =	sadd.s32 $0x1, s23;
	s11 =	simm.s32 @!p1 $0x10;
	v4 =	vbroadcast v4, $0x0;
	v5 =	vadd.f32 $0.0e+00, v5  }
0x6a3: {  	v60 =	vmov s7;
	s7 =	sshll.u32 s7, $0x4;
	s10 =	smul.f32 $0.0e+00, s25;
	s8 =	rddreg [dreg:$0x6]  }
0x6a4: {  	v59 =	vmov s6;
	p1 =	sne.s32 s26, s23;
	s9 =	rddreg [dreg:$0x7];
	s6 =	sand.u32 $0x1FFFFFF0, s7;
	[tilespmem:v58+s8+$0x0] =	vst.idx.msk $0x1, v60  }
0x6a5: {  	v61 =	vmov s5;
	s4 =	sadd.s32 s4, s11;
	s8 =	sadd.f32 $3.000000010e+38, s10;
	s10 =	sadd.s32 s9, s6;
	[tilespmem:v58+s22+$0x0] =	vst.idx.msk $0x1, v5  }
0x6a6: {  	v62 =	vmov s4;
	[tilespmem:s3], [sflag:$0x1] =	stream.linear.gather [hbm4b:s10+s2], $0x80, $0x200038;
	v5, _, _ =	vpop (xrf0);
	[tilespmem:$0x1C530] =	vst v63  }
.Ltmp12:
0x6a7: {  	v8 =	vadd.f32 $0.0e+00, v8;
	v63 =	vmov s8;
	v5 =	vadd.f32 $0.0e+00, v5;
	(pc) =	sbr.rel @p1 .LBB2_22-.Ltmp12, $4  }
0x6a8: {  	[tilespmem:v4+s2+$0x0] =	vst.idx.msk $0x1, v63;
	v4 =	vadd.f32 $0.0e+00, v6  }
0x6a9: {  	[tilespmem:v59+s21+$0x0] =	vst.idx.msk $0x1, v8;
	v5 =	vbroadcast v5, $0xF  }
0x6aa: {  	s11 =	rddreg [dreg:$0x8];
	[tilespmem:v61+s19+$0x0] =	vst.idx.msk $0x1, v4  }
0x6ab: {  	s3 =	sadd.s32 $0x80, s3;
	[tilespmem:v62+s11+$0x0] =	vst.idx.msk $0x1, v5  }
.Ltmp13:
0x6ac: {  	_ = 	snop;
	(pc) =	sbr.rel .LBB2_23-.Ltmp13, $1  }
0x6ad: {  	_ =	sdelay $0x3  }
.LBB2_20:
0x6ae: {  	s25 =	simm.f32 $0.0e+00  }
.LBB2_23:
0x6af: {  	_ =	strace $0x90000049  }
0x6b0: {  	v4 =	vld [tilespmem:$0x1A360]  }
0x6b1: {  	v5 =	vld [tilespmem:$0x1A370]  }
0x6b2: {  	v6 =	vld [tilespmem:$0x1A380]  }
0x6b3: {  	v7 =	vld [tilespmem:$0x1A390];
	_ =	sdelay $0x1  }
0x6b4: {  	v4 =	vsub.f32 s25, v4  }
0x6b5: {  	v5 =	vsub.f32 s25, v5  }
.Ltmp14:
0x6b6: {  	v6 =	vsub.f32 s25, v6;
	v4 =	vmax.f32 v4, $0.0e+00;
	(pc) =	sbr.rel @p0 .LBB2_34-.Ltmp14, $4  }
0x6b7: {  	[tilespmem:$0x1A360] =	vst v4;
	v4 =	vmax.f32 v5, $0.0e+00;
	v5 =	vsub.f32 s25, v7  }
0x6b8: {  	[tilespmem:$0x1A370] =	vst v4;
	v4 =	vmax.f32 v6, $0.0e+00  }
0x6b9: {  	[tilespmem:$0x1A380] =	vst v4;
	v4 =	vmax.f32 v5, $0.0e+00  }
0x6ba: {  	[tilespmem:$0x1A390] =	vst v4  }
0x6bb: {  	p0 =	seq.s32 s26, $0x1  }
.Ltmp15:
0x6bc: {  	_ = 	snop;
	(pc) =	sbr.rel @p0 .LBB2_26-.Ltmp15, $3  }
0x6bd: {  	_ =	sdelay $0x1  }
0x6be: {  	_ =	swait.ge [sflag:s20], $0x80  }
0x6bf: {  	s3 =	sadd.s32 $0xFFFFFFFF, s26;
	[sflag:s20] =	ssyncset.done $0x0  }
.LBB2_25:
0x6c0: {  	p0 =	seq.s32 s3, $0x1;
	s3 =	sadd.s32 $0xFFFFFFFF, s3;
	[sflag:s20] =	ssyncadd.s32 $0xFFFFFF80  }
.Ltmp16:
0x6c1: {  	(pc) =	sbr.rel @!p0 .LBB2_25-.Ltmp16, $3  }
0x6c2: {  	_ =	sdelay $0x1  }
0x6c3: {  	_ =	swait.ge [sflag:s20], $0x80  }
0x6c4: {  	[sflag:s20] =	ssyncset.done $0x0  }
.LBB2_26:
0x6c5: {  	s3 =	simm.s32 $0x0  }
0x6c6: {  	p1 =	sne.s32 s26, $0x1;
	v4 =	vmov s3  }
.Ltmp17:
0x6c7: {  	_ = 	snop;
	(pc) =	sbr.rel @!p1 .LBB2_27-.Ltmp17, $4  }
0x6c8: {  	[sflag:s20] =	ssyncadd.s32 $0xFFFFFF80  }
0x6c9: {  	_ =	strace $0x8000004A;
	s3 =	simm.s32 $0x1A3E0  }
0x6ca: {  	v11 =	vld [tilespmem:s3+$0x30]  }
0x6cb: {  	s4 =	simm.s32 $0x1;
	p0 =	por $0x0, $0x0;
	v10 =	vld.idx.msk [tilespmem:v4+s22+$0x0], $0xffff;
	v4 =	vimm.f32 $0.0e+00  }
0x6cc: {  	_ = 	snop  }
0x6cd: {  	v6 =	vld [tilespmem:s3+$0xFFFFFFC0]  }
0x6ce: {  	v7 =	vld [tilespmem:s3+$0xFFFFFFD0]  }
0x6cf: {  	v8 =	vld [tilespmem:s3+$0xFFFFFFE0];
	v9 =	vmov s4  }
0x6d0: {  	v12 =	vld [tilespmem:s3+$0xFFFFFFF0];
	v5 =	vbroadcast v10, $0x0  }
0x6d1: {  	p1 =	sne.s32 s26, $0x2  }
.Ltmp18:
0x6d2: {  	v16 =	vld [tilespmem:s3+$0x0];
	v10 =	vmul.f32 v11, v5;
	(pc) =	sbr.rel @!p1 .LBB2_29-.Ltmp18, $4  }
0x6d3: {  	v17 =	vld [tilespmem:s3+$0x10];
	v15 =	vimm.f32 $0.0e+00;
	v14 =	vimm.f32 $0.0e+00;
	v11 =	vmul.f32 v6, v5  }
0x6d4: {  	v13 =	vmul.f32 v7, v5;
	v19 =	vmul.f32 v8, v5;
	v6 =	vadd.f32 v10, v4;
	v10 =	vld.idx.msk [tilespmem:v9+s22+$0x0], $0xffff  }
0x6d5: {  	v18 =	vld [tilespmem:s3+$0x20];
	s3 =	simm.s32 $0x1A460;
	v20 =	vmul.f32 v12, v5;
	v12 =	vimm.f32 $0.0e+00;
	v7 =	vadd.f32 v11, v4  }
0x6d6: {  	s4 =	simm.s32 $0x2;
	p0 =	por $0x1, $0x1;
	v8 =	vadd.f32 v13, v4;
	v9 =	vimm.f32 $0.0e+00;
	v11 =	vld [tilespmem:s3+$0x30];
	v13 =	vimm.f32 $0.0e+00  }
.LBB2_30:
0x6d7: {  	v21 =	vmov s4;
	s4 =	sadd.s32 $0x1, s4;
	v22 =	vld [tilespmem:s3+$0xFFFFFFC0];
	v9 =	vadd.f32 v19, v9;
	v16 =	vmul.f32 v16, v5  }
0x6d8: {  	p1 =	sne.s32 s26, s4;
	v19 =	vld [tilespmem:s3+$0xFFFFFFD0];
	v12 =	vadd.f32 v20, v12  }
0x6d9: {  	v10 =	vbroadcast v10, $0x0;
	v20 =	vld [tilespmem:s3+$0xFFFFFFE0];
	v15 =	vadd.f32 v16, v15;
	v17 =	vmul.f32 v17, v5  }
0x6da: {  	v23 =	vld [tilespmem:s3+$0xFFFFFFF0];
	v18 =	vmul.f32 v18, v5  }
.Ltmp19:
0x6db: {  	v5 =	vmov v10;
	v16 =	vld [tilespmem:s3+$0x0];
	v11 =	vmul.f32 v11, v10;
	v14 =	vadd.f32 v17, v14;
	(pc) =	sbr.rel @p1 .LBB2_30-.Ltmp19, $4  }
0x6dc: {  	v10 =	vld.idx.msk [tilespmem:v21+s22+$0x0], $0xffff;
	v21 =	vmul.f32 v22, v5;
	v13 =	vadd.f32 v18, v13  }
0x6dd: {  	v22 =	vmul.f32 v19, v5;
	v17 =	vld [tilespmem:s3+$0x10];
	v6 =	vadd.f32 v11, v6  }
0x6de: {  	v7 =	vadd.f32 v21, v7;
	v19 =	vmul.f32 v20, v5;
	v18 =	vld [tilespmem:s3+$0x20];
	s3 =	sadd.s32 $0x80, s3  }
0x6df: {  	v11 =	vld [tilespmem:s3+$0x30];
	v8 =	vadd.f32 v22, v8;
	v20 =	vmul.f32 v23, v5  }
.LBB2_31:
0x6e0: {  	v21 =	vld [tilespmem:s3+$0xFFFFFFC0]  }
0x6e1: {  	v22 =	vld [tilespmem:s3+$0xFFFFFFD0]  }
0x6e2: {  	v57 =	vld [tilespmem:s3+$0x0]  }
0x6e3: {  	v16 =	vmul.f32 @p0 v16, v5;
	v9 =	vadd.f32 @p0 v19, v9;
	v61 =	vld [tilespmem:s3+$0x20]  }
0x6e4: {  	v23 =	vld [tilespmem:s3+$0xFFFFFFE0];
	v24 =	vbroadcast v10, $0x0;
	v12 =	vadd.f32 @p0 v20, v12;
	v17 =	vmul.f32 @p0 v17, v5  }
0x6e5: {  	v10 =	vld [tilespmem:s3+$0xFFFFFFF0];
	v15 =	vadd.f32 @p0 v16, v15;
	v9 =	vpsel p0, v9, v4;
	v5 =	vmul.f32 @p0 v18, v5  }
0x6e6: {  	v58 =	vld [tilespmem:s3+$0x10];
	v12 =	vpsel p0, v12, v4;
	v11 =	vmul.f32 v11, v24;
	v14 =	vadd.f32 @p0 v17, v14  }
0x6e7: {  	v15 =	vpsel p0, v15, v4;
	v59 =	vmul.f32 v21, v24;
	v60 =	vmul.f32 v22, v24  }
0x6e8: {  	v13 =	vadd.f32 @p0 v5, v13;
	v62 =	vmul.f32 v57, v24;
	v63 =	vmul.f32 v61, v24  }
.Ltmp20:
0x6e9: {  	v5 =	vadd.f32 v11, v6;
	v6 =	vmul.f32 v23, v24;
	v14 =	vpsel p0, v14, v4;
	(pc) =	sbr.rel .LBB2_32-.Ltmp20, $4  }
0x6ea: {  	v11 =	vadd.f32 v59, v7;
	v8 =	vadd.f32 v60, v8;
	v7 =	vmul.f32 v10, v24  }
0x6eb: {  	v4 =	vpsel p0, v13, v4;
	v10 =	vadd.f32 v6, v9;
	v6 =	vmul.f32 v58, v24  }
0x6ec: {  	v4 =	vadd.f32 v63, v4;
	v9 =	vadd.f32 v7, v12  }
0x6ed: {  	v7 =	vadd.f32 v62, v15;
	v6 =	vadd.f32 v6, v14  }
.LBB2_27:
.Ltmp21:
0x6ee: {  	(pc) =	sbr.rel .LBB2_31-.Ltmp21, $4  }
0x6ef: {  	_ = 	snop  }
0x6f0: {  	v9 =	vimm.f32 $0.0e+00;
	v12 =	vimm.f32 $0.0e+00  }
0x6f1: {  	v15 =	vimm.f32 $0.0e+00;
	v14 =	vimm.f32 $0.0e+00;
	v13 =	vimm.f32 $0.0e+00  }
0x6f2: {  	v6 =	vimm.f32 $0.0e+00;
	v7 =	vimm.f32 $0.0e+00;
	v8 =	vimm.f32 $0.0e+00  }
.LBB2_29:
.Ltmp22:
0x6f3: {  	(pc) =	sbr.rel .LBB2_31-.Ltmp22, $3  }
0x6f4: {  	_ =	sdelay $0x1  }
0x6f5: {  	v9 =	vimm.f32 $0.0e+00;
	v12 =	vimm.f32 $0.0e+00  }
0x6f6: {  	v15 =	vimm.f32 $0.0e+00;
	v14 =	vimm.f32 $0.0e+00;
	v13 =	vimm.f32 $0.0e+00  }
.LBB2_33:
0x6f7: {  	_ =	sfence.sel $0x180000  }
0x6f8: {  	[bflag:$0x0] =	sbarrier.arrive $0xFFFF  }
0x6f9: {  	_ =	strace $0x90000047  }
0x6fa: {  	s0 =	stileid.u32;
	[bflag:$0x2] =	sbarrier.arrive $0xFFFF  }
0x6fb: {  	p0 =	sne.s32 s0, $0x0;
	s0 =	rddreg [dreg:$0x5]  }
0x6fc: {  	s0 =	sadd.s32 @!p0 $0x100000, s0  }
0x6fd: {  	[sflag:s0] =	ssyncadd.tile.s32 @!p0 $0x1;
	_ =	shalt  }
.Lfunc_end2:
_tile_overlayer_lowered:
.L_overlay_start_2:
0x6fe: {  	(tag) =	ssettag $0x2  }
0x6ff: {  	s0 =	rddreg [dreg:$0x0];
	s2 =	stileid.u32  }
0x700: {  	s1 =	rddreg [dreg:$0x1];
	p0 =	sne.s32 s2, $0x0  }
0x701: {  	s3 =	rddreg [dreg:$0x2];
	[bflag:$0x3] =	sbarrier.arrive $0xFFFF;
	s2 =	simm.s32 @!p0 $0x1C0A  }
0x702: {  	[timem:s3], [sflag:s2] =	dma.local @!p0 [hbm:s0], s1  }
0x703: {  	s0 =	simm.s32 @!p0 $0xA  }
0x704: {  	_ =	swait.ge @!p0 [sflag:s0], s1  }
0x705: {  	s1 =	ssub.s32 @!p0 $0x0, s1;
	[sflag:s0] =	ssyncset.done @!p0 $0x0  }
0x706: {  	[sflag:s0] =	ssyncadd.s32 @!p0 s1  }
0x707: {  	[bflag:$0x3] =	sbarrier.arrive $0xFFFF  }
0x708: {  	_ =	shalt  }

</sc_bundles>
